<compile_context>
chip_gen: v7x
topology: tpu7x:2x2x1
jax: 0.10.2.dev20260603
libtpu: 0.0.44.dev20260713+nightly
codegen_flags: <defaults>
</compile_context>

<pallas_src>
import functools
import jax
import jax.numpy as jnp
from jax import lax
from jax.experimental import pallas as pl
from jax.experimental.pallas import tpu as pltpu
from jax.experimental.pallas import tpu_sc as plsc

_CH = 1024


def _sc_body(x_hbm, w_hbm, b_hbm, o_hbm, xbuf, obuf, wbuf, bbuf):
    pltpu.sync_copy(w_hbm, wbuf)
    pltpu.sync_copy(b_hbm, bbuf)
    cid = lax.axis_index("c")
    sid = lax.axis_index("s")
    wid = sid * 2 + cid
    bidx = wid // 4
    base = (wid % 4) * 65536

    bv = bbuf[pl.ds(0, 16)]
    bs = [bv[o] for o in range(16)]
    ws = []
    for o in range(16):
        w0 = wbuf[o, pl.ds(0, 16)]
        w1 = wbuf[o, pl.ds(16, 16)]
        ws.append([w0[c] for c in range(16)] + [w1[c] for c in range(16)])

    def chunk(i, carry):
        n0 = base + i * _CH
        pltpu.sync_copy(x_hbm.at[bidx, :, pl.ds(n0, _CH)], xbuf)

        def grp(g, c2):
            s = pl.ds(g * 16, 16)
            xs = [xbuf[c, s] for c in range(32)]
            for o in range(16):
                acc = jnp.full((16,), bs[o], jnp.float32)
                for c in range(32):
                    acc = acc + ws[o][c] * xs[c]
                obuf[o, s] = acc
            return c2

        lax.fori_loop(0, _CH // 16, grp, 0)
        pltpu.sync_copy(obuf, o_hbm.at[bidx, :, pl.ds(n0, _CH)])
        return carry

    lax.fori_loop(0, 64, chunk, 0)


def kernel(x, W, b):
    B, C, H, Wd = x.shape
    O = W.shape[0]
    N = H * Wd
    xf = x.reshape(B, C, N)
    mesh = plsc.VectorSubcoreMesh(core_axis_name="c", subcore_axis_name="s")
    run = functools.partial(
        pl.kernel,
        mesh=mesh,
        out_type=jax.ShapeDtypeStruct((B, O, N), jnp.float32),
        scratch_types=[
            pltpu.VMEM((C, _CH), jnp.float32),
            pltpu.VMEM((O, _CH), jnp.float32),
            pltpu.VMEM((O, C), jnp.float32),
            pltpu.VMEM((O,), jnp.float32),
        ],
    )(_sc_body)
    out = run(xf, W, b)
    return out.reshape(B, O, H, Wd)

# --- scband reference (transcript-rebuilt; emitter-appended) ---
"""Pipeline reference for scband-grouping-classifier-37074157699691 (READ-ONLY COPY).

The authoritative reference and input builder live on the scoring server;
editing this copy changes nothing except your own understanding.
"""

import jax, jax.numpy as jnp
import numpy as np


def setup_inputs(seed: int = 0) -> dict:
    key = jax.random.key(seed)
    k1, k2, k3 = jax.random.split(key, 3)
    # forward input: per-pixel mask channel scores
    x = jax.random.normal(k1, (8, 32, 512, 512), dtype=jnp.float32)
    # learned parameters of nn.Conv2d(in_channels=32, out_channels=16, kernel_size=1)
    # a 1x1 conv is just a per-pixel linear map: weight [C_out, C_in], bias [C_out]
    fan_in = 32
    bound = 1.0 / np.sqrt(fan_in)
    W = jax.random.uniform(k2, (16, 32), dtype=jnp.float32, minval=-bound, maxval=bound)
    b = jax.random.uniform(k3, (16,), dtype=jnp.float32, minval=-bound, maxval=bound)
    return {"x": x, "W": W, "b": b}


def reference(x, W, b):
    # GroupingClassifier.classifier: Conv2d(num_masks -> num_gaussians, kernel_size=1)
    # 1x1 conv == channel-mixing einsum per pixel, plus bias broadcast
    out = jnp.einsum('bchw,oc->bohw', x, W) + b[None, :, None, None]
    return out

if __name__ == "__main__":
    import jax
    _d = setup_inputs()
    print(jax.jit(kernel)(*tuple(_d.values())))

</pallas_src>

<mosaic_0001>
#map = affine_map<(d0, d1) -> (0, 0, 0)>
#map1 = affine_map<(d0, d1) -> (0, 0)>
#map2 = affine_map<(d0, d1) -> (0)>
module attributes {stable_mosaic.version = 14 : i64} {
  func.func @_sc_body(%arg0: i32, %arg1: i32, %arg2: memref<8x32x262144xf32, #tpu.memory_space<hbm>>, %arg3: memref<16x32xf32, #tpu.memory_space<hbm>>, %arg4: memref<16xf32, #tpu.memory_space<hbm>>, %arg5: memref<8x16x262144xf32, #tpu.memory_space<hbm>>, %arg6: memref<32x1024xf32, #tpu.memory_space<vmem>>, %arg7: memref<16x1024xf32, #tpu.memory_space<vmem>>, %arg8: memref<16x32xf32, #tpu.memory_space<vmem>>, %arg9: memref<16xf32, #tpu.memory_space<vmem>>) attributes {dimension_semantics = [#tpu.dimension_semantics<core_parallel>, #tpu.dimension_semantics<subcore_parallel>], iteration_bounds = array<i64: 2, 16>, scalar_prefetch = 0 : i64, scratch_operands = 4 : i64, tpu.core_type = #tpu.core_type<sc_vector_subcore>, window_params = [{transform_indices = #map}, {transform_indices = #map1}, {transform_indices = #map2}, {transform_indices = #map}]} {
    "tpu.region"() ({
      %run_scoped3A = tpu.sem_alloc : memref<!tpu.dma_semaphore, #tpu.memory_space<semaphore_mem>>
      tpu.enqueue_dma source(%arg3 : memref<16x32xf32, #tpu.memory_space<hbm>>) target(%arg8 : memref<16x32xf32, #tpu.memory_space<vmem>>) target_semaphore(%run_scoped3A : memref<!tpu.dma_semaphore, #tpu.memory_space<semaphore_mem>>)
      tpu.wait_dma2 semaphore(%run_scoped3A : memref<!tpu.dma_semaphore, #tpu.memory_space<semaphore_mem>>) src(%arg3 : memref<16x32xf32, #tpu.memory_space<hbm>>) dst(%arg8 : memref<16x32xf32, #tpu.memory_space<vmem>>)
      tpu.yield
    }) : () -> ()
    "tpu.region"() ({
      %run_scoped3A = tpu.sem_alloc : memref<!tpu.dma_semaphore, #tpu.memory_space<semaphore_mem>>
      tpu.enqueue_dma source(%arg4 : memref<16xf32, #tpu.memory_space<hbm>>) target(%arg9 : memref<16xf32, #tpu.memory_space<vmem>>) target_semaphore(%run_scoped3A : memref<!tpu.dma_semaphore, #tpu.memory_space<semaphore_mem>>)
      tpu.wait_dma2 semaphore(%run_scoped3A : memref<!tpu.dma_semaphore, #tpu.memory_space<semaphore_mem>>) src(%arg4 : memref<16xf32, #tpu.memory_space<hbm>>) dst(%arg9 : memref<16xf32, #tpu.memory_space<vmem>>)
      tpu.yield
    }) : () -> ()
    %mul3A = arith.constant 2 : i32
    %mul3A_0 = arith.muli %arg1, %mul3A : i32
    %add3A = arith.addi %mul3A_0, %arg0 : i32
    %jit3A = arith.constant 4 : i32
    %div3A = arith.divsi %add3A, %jit3A : i32
    %sign3A = arith.constant 0 : i32
    %sign3A_1 = arith.cmpi sgt, %add3A, %sign3A : i32
    %sign3A_2 = arith.extui %sign3A_1 : i1 to i32
    %sign3A_3 = arith.constant 0 : i32
    %sign3A_4 = arith.cmpi slt, %add3A, %sign3A_3 : i32
    %sign3A_5 = arith.extui %sign3A_4 : i1 to i32
    %sign3A_6 = arith.subi %sign3A_2, %sign3A_5 : i32
    %sign3A_7 = arith.constant 0 : i32
    %sign3A_8 = arith.cmpi sgt, %jit3A, %sign3A_7 : i32
    %sign3A_9 = arith.extui %sign3A_8 : i1 to i32
    %sign3A_10 = arith.constant 0 : i32
    %sign3A_11 = arith.cmpi slt, %jit3A, %sign3A_10 : i32
    %sign3A_12 = arith.extui %sign3A_11 : i1 to i32
    %sign3A_13 = arith.subi %sign3A_9, %sign3A_12 : i32
    %ne3A = arith.cmpi ne, %sign3A_6, %sign3A_13 : i32
    %rem3A = arith.remsi %add3A, %jit3A : i32
    %ne3A_14 = arith.constant 0 : i32
    %ne3A_15 = arith.cmpi ne, %rem3A, %ne3A_14 : i32
    %and3A = arith.andi %ne3A, %ne3A_15 : i1
    %sub3A = arith.constant 1 : i32
    %sub3A_16 = arith.subi %div3A, %sub3A : i32
    %select_n3A = arith.select %and3A, %sub3A_16, %div3A : i32
    %jit3A_17 = arith.constant 4 : i32
    %eq3A = arith.constant 0 : i32
    %eq3A_18 = arith.cmpi eq, %jit3A_17, %eq3A : i32
    %jit3A_19 = arith.constant 1 : i32
    %select_n3A_20 = arith.select %eq3A_18, %jit3A_19, %jit3A_17 : i32
    %rem3A_21 = arith.remsi %add3A, %select_n3A_20 : i32
    %ne3A_22 = arith.constant 0 : i32
    %ne3A_23 = arith.cmpi ne, %rem3A_21, %ne3A_22 : i32
    %lt3A = arith.constant 0 : i32
    %lt3A_24 = arith.cmpi slt, %rem3A_21, %lt3A : i32
    %lt3A_25 = arith.constant 0 : i32
    %lt3A_26 = arith.cmpi slt, %select_n3A_20, %lt3A_25 : i32
    %ne3A_27 = arith.xori %lt3A_24, %lt3A_26 : i1
    %and3A_28 = arith.andi %ne3A_27, %ne3A_23 : i1
    %add3A_29 = arith.addi %rem3A_21, %select_n3A_20 : i32
    %select_n3A_30 = arith.select %and3A_28, %add3A_29, %rem3A_21 : i32
    %mul3A_31 = arith.constant 65536 : i32
    %mul3A_32 = arith.muli %select_n3A_30, %mul3A_31 : i32
    %get3A = arith.constant 0 : index
    %get3A_33 = tpu.vector_load %arg9[%get3A] {strides = array<i32>} : memref<16xf32, #tpu.memory_space<vmem>>, vector<16xf32>,
    %get3A_34 = vector.shape_cast %get3A_33 : vector<16xf32> to vector<16xf32>
    %slice3A = vector.extract_strided_slice %get3A_34 {offsets = [0], sizes = [1], strides = [1]} : vector<16xf32> to vector<1xf32>
    %squeeze3A = vector.extract %slice3A[0] : f32 from vector<1xf32>
    %slice3A_35 = vector.extract_strided_slice %get3A_34 {offsets = [1], sizes = [1], strides = [1]} : vector<16xf32> to vector<1xf32>
    %squeeze3A_36 = vector.extract %slice3A_35[0] : f32 from vector<1xf32>
    %slice3A_37 = vector.extract_strided_slice %get3A_34 {offsets = [2], sizes = [1], strides = [1]} : vector<16xf32> to vector<1xf32>
    %squeeze3A_38 = vector.extract %slice3A_37[0] : f32 from vector<1xf32>
    %slice3A_39 = vector.extract_strided_slice %get3A_34 {offsets = [3], sizes = [1], strides = [1]} : vector<16xf32> to vector<1xf32>
    %squeeze3A_40 = vector.extract %slice3A_39[0] : f32 from vector<1xf32>
    %slice3A_41 = vector.extract_strided_slice %get3A_34 {offsets = [4], sizes = [1], strides = [1]} : vector<16xf32> to vector<1xf32>
    %squeeze3A_42 = vector.extract %slice3A_41[0] : f32 from vector<1xf32>
    %slice3A_43 = vector.extract_strided_slice %get3A_34 {offsets = [5], sizes = [1], strides = [1]} : vector<16xf32> to vector<1xf32>
    %squeeze3A_44 = vector.extract %slice3A_43[0] : f32 from vector<1xf32>
    %slice3A_45 = vector.extract_strided_slice %get3A_34 {offsets = [6], sizes = [1], strides = [1]} : vector<16xf32> to vector<1xf32>
    %squeeze3A_46 = vector.extract %slice3A_45[0] : f32 from vector<1xf32>
    %slice3A_47 = vector.extract_strided_slice %get3A_34 {offsets = [7], sizes = [1], strides = [1]} : vector<16xf32> to vector<1xf32>
    %squeeze3A_48 = vector.extract %slice3A_47[0] : f32 from vector<1xf32>
    %slice3A_49 = vector.extract_strided_slice %get3A_34 {offsets = [8], sizes = [1], strides = [1]} : vector<16xf32> to vector<1xf32>
    %squeeze3A_50 = vector.extract %slice3A_49[0] : f32 from vector<1xf32>
    %slice3A_51 = vector.extract_strided_slice %get3A_34 {offsets = [9], sizes = [1], strides = [1]} : vector<16xf32> to vector<1xf32>
    %squeeze3A_52 = vector.extract %slice3A_51[0] : f32 from vector<1xf32>
    %slice3A_53 = vector.extract_strided_slice %get3A_34 {offsets = [10], sizes = [1], strides = [1]} : vector<16xf32> to vector<1xf32>
    %squeeze3A_54 = vector.extract %slice3A_53[0] : f32 from vector<1xf32>
    %slice3A_55 = vector.extract_strided_slice %get3A_34 {offsets = [11], sizes = [1], strides = [1]} : vector<16xf32> to vector<1xf32>
    %squeeze3A_56 = vector.extract %slice3A_55[0] : f32 from vector<1xf32>
    %slice3A_57 = vector.extract_strided_slice %get3A_34 {offsets = [12], sizes = [1], strides = [1]} : vector<16xf32> to vector<1xf32>
    %squeeze3A_58 = vector.extract %slice3A_57[0] : f32 from vector<1xf32>
    %slice3A_59 = vector.extract_strided_slice %get3A_34 {offsets = [13], sizes = [1], strides = [1]} : vector<16xf32> to vector<1xf32>
    %squeeze3A_60 = vector.extract %slice3A_59[0] : f32 from vector<1xf32>
    %slice3A_61 = vector.extract_strided_slice %get3A_34 {offsets = [14], sizes = [1], strides = [1]} : vector<16xf32> to vector<1xf32>
    %squeeze3A_62 = vector.extract %slice3A_61[0] : f32 from vector<1xf32>
    %slice3A_63 = vector.extract_strided_slice %get3A_34 {offsets = [15], sizes = [1], strides = [1]} : vector<16xf32> to vector<1xf32>
    %squeeze3A_64 = vector.extract %slice3A_63[0] : f32 from vector<1xf32>
    %get3A_65 = arith.constant 0 : i32
    %get3A_66 = arith.index_cast %get3A_65 : i32 to index
    %get3A_67 = arith.constant 0 : index
    %get3A_68 = tpu.vector_load %arg8[%get3A_66, %get3A_67] {strides = array<i32>} : memref<16x32xf32, #tpu.memory_space<vmem>>, vector<1x16xf32>,
    %get3A_69 = vector.shape_cast %get3A_68 : vector<1x16xf32> to vector<16xf32>
    %get3A_70 = arith.constant 0 : i32
    %get3A_71 = arith.index_cast %get3A_70 : i32 to index
    %get3A_72 = arith.constant 16 : index
    %get3A_73 = tpu.vector_load %arg8[%get3A_71, %get3A_72] {strides = array<i32>} : memref<16x32xf32, #tpu.memory_space<vmem>>, vector<1x16xf32>,
    %get3A_74 = vector.shape_cast %get3A_73 : vector<1x16xf32> to vector<16xf32>
    %slice3A_75 = vector.extract_strided_slice %get3A_69 {offsets = [0], sizes = [1], strides = [1]} : vector<16xf32> to vector<1xf32>
    %squeeze3A_76 = vector.extract %slice3A_75[0] : f32 from vector<1xf32>
    %slice3A_77 = vector.extract_strided_slice %get3A_69 {offsets = [1], sizes = [1], strides = [1]} : vector<16xf32> to vector<1xf32>
    %squeeze3A_78 = vector.extract %slice3A_77[0] : f32 from vector<1xf32>
    %slice3A_79 = vector.extract_strided_slice %get3A_69 {offsets = [2], sizes = [1], strides = [1]} : vector<16xf32> to vector<1xf32>
    %squeeze3A_80 = vector.extract %slice3A_79[0] : f32 from vector<1xf32>
    %slice3A_81 = vector.extract_strided_slice %get3A_69 {offsets = [3], sizes = [1], strides = [1]} : vector<16xf32> to vector<1xf32>
    %squeeze3A_82 = vector.extract %slice3A_81[0] : f32 from vector<1xf32>
    %slice3A_83 = vector.extract_strided_slice %get3A_69 {offsets = [4], sizes = [1], strides = [1]} : vector<16xf32> to vector<1xf32>
    %squeeze3A_84 = vector.extract %slice3A_83[0] : f32 from vector<1xf32>
    %slice3A_85 = vector.extract_strided_slice %get3A_69 {offsets = [5], sizes = [1], strides = [1]} : vector<16xf32> to vector<1xf32>
    %squeeze3A_86 = vector.extract %slice3A_85[0] : f32 from vector<1xf32>
    %slice3A_87 = vector.extract_strided_slice %get3A_69 {offsets = [6], sizes = [1], strides = [1]} : vector<16xf32> to vector<1xf32>
    %squeeze3A_88 = vector.extract %slice3A_87[0] : f32 from vector<1xf32>
    %slice3A_89 = vector.extract_strided_slice %get3A_69 {offsets = [7], sizes = [1], strides = [1]} : vector<16xf32> to vector<1xf32>
    %squeeze3A_90 = vector.extract %slice3A_89[0] : f32 from vector<1xf32>
    %slice3A_91 = vector.extract_strided_slice %get3A_69 {offsets = [8], sizes = [1], strides = [1]} : vector<16xf32> to vector<1xf32>
    %squeeze3A_92 = vector.extract %slice3A_91[0] : f32 from vector<1xf32>
    %slice3A_93 = vector.extract_strided_slice %get3A_69 {offsets = [9], sizes = [1], strides = [1]} : vector<16xf32> to vector<1xf32>
    %squeeze3A_94 = vector.extract %slice3A_93[0] : f32 from vector<1xf32>
    %slice3A_95 = vector.extract_strided_slice %get3A_69 {offsets = [10], sizes = [1], strides = [1]} : vector<16xf32> to vector<1xf32>
    %squeeze3A_96 = vector.extract %slice3A_95[0] : f32 from vector<1xf32>
    %slice3A_97 = vector.extract_strided_slice %get3A_69 {offsets = [11], sizes = [1], strides = [1]} : vector<16xf32> to vector<1xf32>
    %squeeze3A_98 = vector.extract %slice3A_97[0] : f32 from vector<1xf32>
    %slice3A_99 = vector.extract_strided_slice %get3A_69 {offsets = [12], sizes = [1], strides = [1]} : vector<16xf32> to vector<1xf32>
    %squeeze3A_100 = vector.extract %slice3A_99[0] : f32 from vector<1xf32>
    %slice3A_101 = vector.extract_strided_slice %get3A_69 {offsets = [13], sizes = [1], strides = [1]} : vector<16xf32> to vector<1xf32>
    %squeeze3A_102 = vector.extract %slice3A_101[0] : f32 from vector<1xf32>
    %slice3A_103 = vector.extract_strided_slice %get3A_69 {offsets = [14], sizes = [1], strides = [1]} : vector<16xf32> to vector<1xf32>
    %squeeze3A_104 = vector.extract %slice3A_103[0] : f32 from vector<1xf32>
    %slice3A_105 = vector.extract_strided_slice %get3A_69 {offsets = [15], sizes = [1], strides = [1]} : vector<16xf32> to vector<1xf32>
    %squeeze3A_106 = vector.extract %slice3A_105[0] : f32 from vector<1xf32>
    %slice3A_107 = vector.extract_strided_slice %get3A_74 {offsets = [0], sizes = [1], strides = [1]} : vector<16xf32> to vector<1xf32>
    %squeeze3A_108 = vector.extract %slice3A_107[0] : f32 from vector<1xf32>
    %slice3A_109 = vector.extract_strided_slice %get3A_74 {offsets = [1], sizes = [1], strides = [1]} : vector<16xf32> to vector<1xf32>
    %squeeze3A_110 = vector.extract %slice3A_109[0] : f32 from vector<1xf32>
    %slice3A_111 = vector.extract_strided_slice %get3A_74 {offsets = [2], sizes = [1], strides = [1]} : vector<16xf32> to vector<1xf32>
    %squeeze3A_112 = vector.extract %slice3A_111[0] : f32 from vector<1xf32>
    %slice3A_113 = vector.extract_strided_slice %get3A_74 {offsets = [3], sizes = [1], strides = [1]} : vector<16xf32> to vector<1xf32>
    %squeeze3A_114 = vector.extract %slice3A_113[0] : f32 from vector<1xf32>
    %slice3A_115 = vector.extract_strided_slice %get3A_74 {offsets = [4], sizes = [1], strides = [1]} : vector<16xf32> to vector<1xf32>
    %squeeze3A_116 = vector.extract %slice3A_115[0] : f32 from vector<1xf32>
    %slice3A_117 = vector.extract_strided_slice %get3A_74 {offsets = [5], sizes = [1], strides = [1]} : vector<16xf32> to vector<1xf32>
    %squeeze3A_118 = vector.extract %slice3A_117[0] : f32 from vector<1xf32>
    %slice3A_119 = vector.extract_strided_slice %get3A_74 {offsets = [6], sizes = [1], strides = [1]} : vector<16xf32> to vector<1xf32>
    %squeeze3A_120 = vector.extract %slice3A_119[0] : f32 from vector<1xf32>
    %slice3A_121 = vector.extract_strided_slice %get3A_74 {offsets = [7], sizes = [1], strides = [1]} : vector<16xf32> to vector<1xf32>
    %squeeze3A_122 = vector.extract %slice3A_121[0] : f32 from vector<1xf32>
    %slice3A_123 = vector.extract_strided_slice %get3A_74 {offsets = [8], sizes = [1], strides = [1]} : vector<16xf32> to vector<1xf32>
    %squeeze3A_124 = vector.extract %slice3A_123[0] : f32 from vector<1xf32>
    %slice3A_125 = vector.extract_strided_slice %get3A_74 {offsets = [9], sizes = [1], strides = [1]} : vector<16xf32> to vector<1xf32>
    %squeeze3A_126 = vector.extract %slice3A_125[0] : f32 from vector<1xf32>
    %slice3A_127 = vector.extract_strided_slice %get3A_74 {offsets = [10], sizes = [1], strides = [1]} : vector<16xf32> to vector<1xf32>
    %squeeze3A_128 = vector.extract %slice3A_127[0] : f32 from vector<1xf32>
    %slice3A_129 = vector.extract_strided_slice %get3A_74 {offsets = [11], sizes = [1], strides = [1]} : vector<16xf32> to vector<1xf32>
    %squeeze3A_130 = vector.extract %slice3A_129[0] : f32 from vector<1xf32>
    %slice3A_131 = vector.extract_strided_slice %get3A_74 {offsets = [12], sizes = [1], strides = [1]} : vector<16xf32> to vector<1xf32>
    %squeeze3A_132 = vector.extract %slice3A_131[0] : f32 from vector<1xf32>
    %slice3A_133 = vector.extract_strided_slice %get3A_74 {offsets = [13], sizes = [1], strides = [1]} : vector<16xf32> to vector<1xf32>
    %squeeze3A_134 = vector.extract %slice3A_133[0] : f32 from vector<1xf32>
    %slice3A_135 = vector.extract_strided_slice %get3A_74 {offsets = [14], sizes = [1], strides = [1]} : vector<16xf32> to vector<1xf32>
    %squeeze3A_136 = vector.extract %slice3A_135[0] : f32 from vector<1xf32>
    %slice3A_137 = vector.extract_strided_slice %get3A_74 {offsets = [15], sizes = [1], strides = [1]} : vector<16xf32> to vector<1xf32>
    %squeeze3A_138 = vector.extract %slice3A_137[0] : f32 from vector<1xf32>
    %get3A_139 = arith.constant 1 : i32
    %get3A_140 = arith.index_cast %get3A_139 : i32 to index
    %get3A_141 = arith.constant 0 : index
    %get3A_142 = tpu.vector_load %arg8[%get3A_140, %get3A_141] {strides = array<i32>} : memref<16x32xf32, #tpu.memory_space<vmem>>, vector<1x16xf32>,
    %get3A_143 = vector.shape_cast %get3A_142 : vector<1x16xf32> to vector<16xf32>
    %get3A_144 = arith.constant 1 : i32
    %get3A_145 = arith.index_cast %get3A_144 : i32 to index
    %get3A_146 = arith.constant 16 : index
    %get3A_147 = tpu.vector_load %arg8[%get3A_145, %get3A_146] {strides = array<i32>} : memref<16x32xf32, #tpu.memory_space<vmem>>, vector<1x16xf32>,
    %get3A_148 = vector.shape_cast %get3A_147 : vector<1x16xf32> to vector<16xf32>
    %slice3A_149 = vector.extract_strided_slice %get3A_143 {offsets = [0], sizes = [1], strides = [1]} : vector<16xf32> to vector<1xf32>
    %squeeze3A_150 = vector.extract %slice3A_149[0] : f32 from vector<1xf32>
    %slice3A_151 = vector.extract_strided_slice %get3A_143 {offsets = [1], sizes = [1], strides = [1]} : vector<16xf32> to vector<1xf32>
    %squeeze3A_152 = vector.extract %slice3A_151[0] : f32 from vector<1xf32>
    %slice3A_153 = vector.extract_strided_slice %get3A_143 {offsets = [2], sizes = [1], strides = [1]} : vector<16xf32> to vector<1xf32>
    %squeeze3A_154 = vector.extract %slice3A_153[0] : f32 from vector<1xf32>
    %slice3A_155 = vector.extract_strided_slice %get3A_143 {offsets = [3], sizes = [1], strides = [1]} : vector<16xf32> to vector<1xf32>
    %squeeze3A_156 = vector.extract %slice3A_155[0] : f32 from vector<1xf32>
    %slice3A_157 = vector.extract_strided_slice %get3A_143 {offsets = [4], sizes = [1], strides = [1]} : vector<16xf32> to vector<1xf32>
    %squeeze3A_158 = vector.extract %slice3A_157[0] : f32 from vector<1xf32>
    %slice3A_159 = vector.extract_strided_slice %get3A_143 {offsets = [5], sizes = [1], strides = [1]} : vector<16xf32> to vector<1xf32>
    %squeeze3A_160 = vector.extract %slice3A_159[0] : f32 from vector<1xf32>
    %slice3A_161 = vector.extract_strided_slice %get3A_143 {offsets = [6], sizes = [1], strides = [1]} : vector<16xf32> to vector<1xf32>
    %squeeze3A_162 = vector.extract %slice3A_161[0] : f32 from vector<1xf32>
    %slice3A_163 = vector.extract_strided_slice %get3A_143 {offsets = [7], sizes = [1], strides = [1]} : vector<16xf32> to vector<1xf32>
    %squeeze3A_164 = vector.extract %slice3A_163[0] : f32 from vector<1xf32>
    %slice3A_165 = vector.extract_strided_slice %get3A_143 {offsets = [8], sizes = [1], strides = [1]} : vector<16xf32> to vector<1xf32>
    %squeeze3A_166 = vector.extract %slice3A_165[0] : f32 from vector<1xf32>
    %slice3A_167 = vector.extract_strided_slice %get3A_143 {offsets = [9], sizes = [1], strides = [1]} : vector<16xf32> to vector<1xf32>
    %squeeze3A_168 = vector.extract %slice3A_167[0] : f32 from vector<1xf32>
    %slice3A_169 = vector.extract_strided_slice %get3A_143 {offsets = [10], sizes = [1], strides = [1]} : vector<16xf32> to vector<1xf32>
    %squeeze3A_170 = vector.extract %slice3A_169[0] : f32 from vector<1xf32>
    %slice3A_171 = vector.extract_strided_slice %get3A_143 {offsets = [11], sizes = [1], strides = [1]} : vector<16xf32> to vector<1xf32>
    %squeeze3A_172 = vector.extract %slice3A_171[0] : f32 from vector<1xf32>
    %slice3A_173 = vector.extract_strided_slice %get3A_143 {offsets = [12], sizes = [1], strides = [1]} : vector<16xf32> to vector<1xf32>
    %squeeze3A_174 = vector.extract %slice3A_173[0] : f32 from vector<1xf32>
    %slice3A_175 = vector.extract_strided_slice %get3A_143 {offsets = [13], sizes = [1], strides = [1]} : vector<16xf32> to vector<1xf32>
    %squeeze3A_176 = vector.extract %slice3A_175[0] : f32 from vector<1xf32>
    %slice3A_177 = vector.extract_strided_slice %get3A_143 {offsets = [14], sizes = [1], strides = [1]} : vector<16xf32> to vector<1xf32>
    %squeeze3A_178 = vector.extract %slice3A_177[0] : f32 from vector<1xf32>
    %slice3A_179 = vector.extract_strided_slice %get3A_143 {offsets = [15], sizes = [1], strides = [1]} : vector<16xf32> to vector<1xf32>
    %squeeze3A_180 = vector.extract %slice3A_179[0] : f32 from vector<1xf32>
    %slice3A_181 = vector.extract_strided_slice %get3A_148 {offsets = [0], sizes = [1], strides = [1]} : vector<16xf32> to vector<1xf32>
    %squeeze3A_182 = vector.extract %slice3A_181[0] : f32 from vector<1xf32>
    %slice3A_183 = vector.extract_strided_slice %get3A_148 {offsets = [1], sizes = [1], strides = [1]} : vector<16xf32> to vector<1xf32>
    %squeeze3A_184 = vector.extract %slice3A_183[0] : f32 from vector<1xf32>
    %slice3A_185 = vector.extract_strided_slice %get3A_148 {offsets = [2], sizes = [1], strides = [1]} : vector<16xf32> to vector<1xf32>
    %squeeze3A_186 = vector.extract %slice3A_185[0] : f32 from vector<1xf32>
    %slice3A_187 = vector.extract_strided_slice %get3A_148 {offsets = [3], sizes = [1], strides = [1]} : vector<16xf32> to vector<1xf32>
    %squeeze3A_188 = vector.extract %slice3A_187[0] : f32 from vector<1xf32>
    %slice3A_189 = vector.extract_strided_slice %get3A_148 {offsets = [4], sizes = [1], strides = [1]} : vector<16xf32> to vector<1xf32>
    %squeeze3A_190 = vector.extract %slice3A_189[0] : f32 from vector<1xf32>
    %slice3A_191 = vector.extract_strided_slice %get3A_148 {offsets = [5], sizes = [1], strides = [1]} : vector<16xf32> to vector<1xf32>
    %squeeze3A_192 = vector.extract %slice3A_191[0] : f32 from vector<1xf32>
    %slice3A_193 = vector.extract_strided_slice %get3A_148 {offsets = [6], sizes = [1], strides = [1]} : vector<16xf32> to vector<1xf32>
    %squeeze3A_194 = vector.extract %slice3A_193[0] : f32 from vector<1xf32>
    %slice3A_195 = vector.extract_strided_slice %get3A_148 {offsets = [7], sizes = [1], strides = [1]} : vector<16xf32> to vector<1xf32>
    %squeeze3A_196 = vector.extract %slice3A_195[0] : f32 from vector<1xf32>
    %slice3A_197 = vector.extract_strided_slice %get3A_148 {offsets = [8], sizes = [1], strides = [1]} : vector<16xf32> to vector<1xf32>
    %squeeze3A_198 = vector.extract %slice3A_197[0] : f32 from vector<1xf32>
    %slice3A_199 = vector.extract_strided_slice %get3A_148 {offsets = [9], sizes = [1], strides = [1]} : vector<16xf32> to vector<1xf32>
    %squeeze3A_200 = vector.extract %slice3A_199[0] : f32 from vector<1xf32>
    %slice3A_201 = vector.extract_strided_slice %get3A_148 {offsets = [10], sizes = [1], strides = [1]} : vector<16xf32> to vector<1xf32>
    %squeeze3A_202 = vector.extract %slice3A_201[0] : f32 from vector<1xf32>
    %slice3A_203 = vector.extract_strided_slice %get3A_148 {offsets = [11], sizes = [1], strides = [1]} : vector<16xf32> to vector<1xf32>
    %squeeze3A_204 = vector.extract %slice3A_203[0] : f32 from vector<1xf32>
    %slice3A_205 = vector.extract_strided_slice %get3A_148 {offsets = [12], sizes = [1], strides = [1]} : vector<16xf32> to vector<1xf32>
    %squeeze3A_206 = vector.extract %slice3A_205[0] : f32 from vector<1xf32>
    %slice3A_207 = vector.extract_strided_slice %get3A_148 {offsets = [13], sizes = [1], strides = [1]} : vector<16xf32> to vector<1xf32>
    %squeeze3A_208 = vector.extract %slice3A_207[0] : f32 from vector<1xf32>
    %slice3A_209 = vector.extract_strided_slice %get3A_148 {offsets = [14], sizes = [1], strides = [1]} : vector<16xf32> to vector<1xf32>
    %squeeze3A_210 = vector.extract %slice3A_209[0] : f32 from vector<1xf32>
    %slice3A_211 = vector.extract_strided_slice %get3A_148 {offsets = [15], sizes = [1], strides = [1]} : vector<16xf32> to vector<1xf32>
    %squeeze3A_212 = vector.extract %slice3A_211[0] : f32 from vector<1xf32>
    %get3A_213 = arith.constant 2 : i32
    %get3A_214 = arith.index_cast %get3A_213 : i32 to index
    %get3A_215 = arith.constant 0 : index
    %get3A_216 = tpu.vector_load %arg8[%get3A_214, %get3A_215] {strides = array<i32>} : memref<16x32xf32, #tpu.memory_space<vmem>>, vector<1x16xf32>,
    %get3A_217 = vector.shape_cast %get3A_216 : vector<1x16xf32> to vector<16xf32>
    %get3A_218 = arith.constant 2 : i32
    %get3A_219 = arith.index_cast %get3A_218 : i32 to index
    %get3A_220 = arith.constant 16 : index
    %get3A_221 = tpu.vector_load %arg8[%get3A_219, %get3A_220] {strides = array<i32>} : memref<16x32xf32, #tpu.memory_space<vmem>>, vector<1x16xf32>,
    %get3A_222 = vector.shape_cast %get3A_221 : vector<1x16xf32> to vector<16xf32>
    %slice3A_223 = vector.extract_strided_slice %get3A_217 {offsets = [0], sizes = [1], strides = [1]} : vector<16xf32> to vector<1xf32>
    %squeeze3A_224 = vector.extract %slice3A_223[0] : f32 from vector<1xf32>
    %slice3A_225 = vector.extract_strided_slice %get3A_217 {offsets = [1], sizes = [1], strides = [1]} : vector<16xf32> to vector<1xf32>
    %squeeze3A_226 = vector.extract %slice3A_225[0] : f32 from vector<1xf32>
    %slice3A_227 = vector.extract_strided_slice %get3A_217 {offsets = [2], sizes = [1], strides = [1]} : vector<16xf32> to vector<1xf32>
    %squeeze3A_228 = vector.extract %slice3A_227[0] : f32 from vector<1xf32>
    %slice3A_229 = vector.extract_strided_slice %get3A_217 {offsets = [3], sizes = [1], strides = [1]} : vector<16xf32> to vector<1xf32>
    %squeeze3A_230 = vector.extract %slice3A_229[0] : f32 from vector<1xf32>
    %slice3A_231 = vector.extract_strided_slice %get3A_217 {offsets = [4], sizes = [1], strides = [1]} : vector<16xf32> to vector<1xf32>
    %squeeze3A_232 = vector.extract %slice3A_231[0] : f32 from vector<1xf32>
    %slice3A_233 = vector.extract_strided_slice %get3A_217 {offsets = [5], sizes = [1], strides = [1]} : vector<16xf32> to vector<1xf32>
    %squeeze3A_234 = vector.extract %slice3A_233[0] : f32 from vector<1xf32>
    %slice3A_235 = vector.extract_strided_slice %get3A_217 {offsets = [6], sizes = [1], strides = [1]} : vector<16xf32> to vector<1xf32>
    %squeeze3A_236 = vector.extract %slice3A_235[0] : f32 from vector<1xf32>
    %slice3A_237 = vector.extract_strided_slice %get3A_217 {offsets = [7], sizes = [1], strides = [1]} : vector<16xf32> to vector<1xf32>
    %squeeze3A_238 = vector.extract %slice3A_237[0] : f32 from vector<1xf32>
    %slice3A_239 = vector.extract_strided_slice %get3A_217 {offsets = [8], sizes = [1], strides = [1]} : vector<16xf32> to vector<1xf32>
    %squeeze3A_240 = vector.extract %slice3A_239[0] : f32 from vector<1xf32>
    %slice3A_241 = vector.extract_strided_slice %get3A_217 {offsets = [9], sizes = [1], strides = [1]} : vector<16xf32> to vector<1xf32>
    %squeeze3A_242 = vector.extract %slice3A_241[0] : f32 from vector<1xf32>
    %slice3A_243 = vector.extract_strided_slice %get3A_217 {offsets = [10], sizes = [1], strides = [1]} : vector<16xf32> to vector<1xf32>
    %squeeze3A_244 = vector.extract %slice3A_243[0] : f32 from vector<1xf32>
    %slice3A_245 = vector.extract_strided_slice %get3A_217 {offsets = [11], sizes = [1], strides = [1]} : vector<16xf32> to vector<1xf32>
    %squeeze3A_246 = vector.extract %slice3A_245[0] : f32 from vector<1xf32>
    %slice3A_247 = vector.extract_strided_slice %get3A_217 {offsets = [12], sizes = [1], strides = [1]} : vector<16xf32> to vector<1xf32>
    %squeeze3A_248 = vector.extract %slice3A_247[0] : f32 from vector<1xf32>
    %slice3A_249 = vector.extract_strided_slice %get3A_217 {offsets = [13], sizes = [1], strides = [1]} : vector<16xf32> to vector<1xf32>
    %squeeze3A_250 = vector.extract %slice3A_249[0] : f32 from vector<1xf32>
    %slice3A_251 = vector.extract_strided_slice %get3A_217 {offsets = [14], sizes = [1], strides = [1]} : vector<16xf32> to vector<1xf32>
    %squeeze3A_252 = vector.extract %slice3A_251[0] : f32 from vector<1xf32>
    %slice3A_253 = vector.extract_strided_slice %get3A_217 {offsets = [15], sizes = [1], strides = [1]} : vector<16xf32> to vector<1xf32>
    %squeeze3A_254 = vector.extract %slice3A_253[0] : f32 from vector<1xf32>
    %slice3A_255 = vector.extract_strided_slice %get3A_222 {offsets = [0], sizes = [1], strides = [1]} : vector<16xf32> to vector<1xf32>
    %squeeze3A_256 = vector.extract %slice3A_255[0] : f32 from vector<1xf32>
    %slice3A_257 = vector.extract_strided_slice %get3A_222 {offsets = [1], sizes = [1], strides = [1]} : vector<16xf32> to vector<1xf32>
    %squeeze3A_258 = vector.extract %slice3A_257[0] : f32 from vector<1xf32>
    %slice3A_259 = vector.extract_strided_slice %get3A_222 {offsets = [2], sizes = [1], strides = [1]} : vector<16xf32> to vector<1xf32>
    %squeeze3A_260 = vector.extract %slice3A_259[0] : f32 from vector<1xf32>
    %slice3A_261 = vector.extract_strided_slice %get3A_222 {offsets = [3], sizes = [1], strides = [1]} : vector<16xf32> to vector<1xf32>
    %squeeze3A_262 = vector.extract %slice3A_261[0] : f32 from vector<1xf32>
    %slice3A_263 = vector.extract_strided_slice %get3A_222 {offsets = [4], sizes = [1], strides = [1]} : vector<16xf32> to vector<1xf32>
    %squeeze3A_264 = vector.extract %slice3A_263[0] : f32 from vector<1xf32>
    %slice3A_265 = vector.extract_strided_slice %get3A_222 {offsets = [5], sizes = [1], strides = [1]} : vector<16xf32> to vector<1xf32>
    %squeeze3A_266 = vector.extract %slice3A_265[0] : f32 from vector<1xf32>
    %slice3A_267 = vector.extract_strided_slice %get3A_222 {offsets = [6], sizes = [1], strides = [1]} : vector<16xf32> to vector<1xf32>
    %squeeze3A_268 = vector.extract %slice3A_267[0] : f32 from vector<1xf32>
    %slice3A_269 = vector.extract_strided_slice %get3A_222 {offsets = [7], sizes = [1], strides = [1]} : vector<16xf32> to vector<1xf32>
    %squeeze3A_270 = vector.extract %slice3A_269[0] : f32 from vector<1xf32>
    %slice3A_271 = vector.extract_strided_slice %get3A_222 {offsets = [8], sizes = [1], strides = [1]} : vector<16xf32> to vector<1xf32>
    %squeeze3A_272 = vector.extract %slice3A_271[0] : f32 from vector<1xf32>
    %slice3A_273 = vector.extract_strided_slice %get3A_222 {offsets = [9], sizes = [1], strides = [1]} : vector<16xf32> to vector<1xf32>
    %squeeze3A_274 = vector.extract %slice3A_273[0] : f32 from vector<1xf32>
    %slice3A_275 = vector.extract_strided_slice %get3A_222 {offsets = [10], sizes = [1], strides = [1]} : vector<16xf32> to vector<1xf32>
    %squeeze3A_276 = vector.extract %slice3A_275[0] : f32 from vector<1xf32>
    %slice3A_277 = vector.extract_strided_slice %get3A_222 {offsets = [11], sizes = [1], strides = [1]} : vector<16xf32> to vector<1xf32>
    %squeeze3A_278 = vector.extract %slice3A_277[0] : f32 from vector<1xf32>
    %slice3A_279 = vector.extract_strided_slice %get3A_222 {offsets = [12], sizes = [1], strides = [1]} : vector<16xf32> to vector<1xf32>
    %squeeze3A_280 = vector.extract %slice3A_279[0] : f32 from vector<1xf32>
    %slice3A_281 = vector.extract_strided_slice %get3A_222 {offsets = [13], sizes = [1], strides = [1]} : vector<16xf32> to vector<1xf32>
    %squeeze3A_282 = vector.extract %slice3A_281[0] : f32 from vector<1xf32>
    %slice3A_283 = vector.extract_strided_slice %get3A_222 {offsets = [14], sizes = [1], strides = [1]} : vector<16xf32> to vector<1xf32>
    %squeeze3A_284 = vector.extract %slice3A_283[0] : f32 from vector<1xf32>
    %slice3A_285 = vector.extract_strided_slice %get3A_222 {offsets = [15], sizes = [1], strides = [1]} : vector<16xf32> to vector<1xf32>
    %squeeze3A_286 = vector.extract %slice3A_285[0] : f32 from vector<1xf32>
    %get3A_287 = arith.constant 3 : i32
    %get3A_288 = arith.index_cast %get3A_287 : i32 to index
    %get3A_289 = arith.constant 0 : index
    %get3A_290 = tpu.vector_load %arg8[%get3A_288, %get3A_289] {strides = array<i32>} : memref<16x32xf32, #tpu.memory_space<vmem>>, vector<1x16xf32>,
    %get3A_291 = vector.shape_cast %get3A_290 : vector<1x16xf32> to vector<16xf32>
    %get3A_292 = arith.constant 3 : i32
    %get3A_293 = arith.index_cast %get3A_292 : i32 to index
    %get3A_294 = arith.constant 16 : index
    %get3A_295 = tpu.vector_load %arg8[%get3A_293, %get3A_294] {strides = array<i32>} : memref<16x32xf32, #tpu.memory_space<vmem>>, vector<1x16xf32>,
    %get3A_296 = vector.shape_cast %get3A_295 : vector<1x16xf32> to vector<16xf32>
    %slice3A_297 = vector.extract_strided_slice %get3A_291 {offsets = [0], sizes = [1], strides = [1]} : vector<16xf32> to vector<1xf32>
    %squeeze3A_298 = vector.extract %slice3A_297[0] : f32 from vector<1xf32>
    %slice3A_299 = vector.extract_strided_slice %get3A_291 {offsets = [1], sizes = [1], strides = [1]} : vector<16xf32> to vector<1xf32>
    %squeeze3A_300 = vector.extract %slice3A_299[0] : f32 from vector<1xf32>
    %slice3A_301 = vector.extract_strided_slice %get3A_291 {offsets = [2], sizes = [1], strides = [1]} : vector<16xf32> to vector<1xf32>
    %squeeze3A_302 = vector.extract %slice3A_301[0] : f32 from vector<1xf32>
    %slice3A_303 = vector.extract_strided_slice %get3A_291 {offsets = [3], sizes = [1], strides = [1]} : vector<16xf32> to vector<1xf32>
    %squeeze3A_304 = vector.extract %slice3A_303[0] : f32 from vector<1xf32>
    %slice3A_305 = vector.extract_strided_slice %get3A_291 {offsets = [4], sizes = [1], strides = [1]} : vector<16xf32> to vector<1xf32>
    %squeeze3A_306 = vector.extract %slice3A_305[0] : f32 from vector<1xf32>
    %slice3A_307 = vector.extract_strided_slice %get3A_291 {offsets = [5], sizes = [1], strides = [1]} : vector<16xf32> to vector<1xf32>
    %squeeze3A_308 = vector.extract %slice3A_307[0] : f32 from vector<1xf32>
    %slice3A_309 = vector.extract_strided_slice %get3A_291 {offsets = [6], sizes = [1], strides = [1]} : vector<16xf32> to vector<1xf32>
    %squeeze3A_310 = vector.extract %slice3A_309[0] : f32 from vector<1xf32>
    %slice3A_311 = vector.extract_strided_slice %get3A_291 {offsets = [7], sizes = [1], strides = [1]} : vector<16xf32> to vector<1xf32>
    %squeeze3A_312 = vector.extract %slice3A_311[0] : f32 from vector<1xf32>
    %slice3A_313 = vector.extract_strided_slice %get3A_291 {offsets = [8], sizes = [1], strides = [1]} : vector<16xf32> to vector<1xf32>
    %squeeze3A_314 = vector.extract %slice3A_313[0] : f32 from vector<1xf32>
    %slice3A_315 = vector.extract_strided_slice %get3A_291 {offsets = [9], sizes = [1], strides = [1]} : vector<16xf32> to vector<1xf32>
    %squeeze3A_316 = vector.extract %slice3A_315[0] : f32 from vector<1xf32>
    %slice3A_317 = vector.extract_strided_slice %get3A_291 {offsets = [10], sizes = [1], strides = [1]} : vector<16xf32> to vector<1xf32>
    %squeeze3A_318 = vector.extract %slice3A_317[0] : f32 from vector<1xf32>
    %slice3A_319 = vector.extract_strided_slice %get3A_291 {offsets = [11], sizes = [1], strides = [1]} : vector<16xf32> to vector<1xf32>
    %squeeze3A_320 = vector.extract %slice3A_319[0] : f32 from vector<1xf32>
    %slice3A_321 = vector.extract_strided_slice %get3A_291 {offsets = [12], sizes = [1], strides = [1]} : vector<16xf32> to vector<1xf32>
    %squeeze3A_322 = vector.extract %slice3A_321[0] : f32 from vector<1xf32>
    %slice3A_323 = vector.extract_strided_slice %get3A_291 {offsets = [13], sizes = [1], strides = [1]} : vector<16xf32> to vector<1xf32>
    %squeeze3A_324 = vector.extract %slice3A_323[0] : f32 from vector<1xf32>
    %slice3A_325 = vector.extract_strided_slice %get3A_291 {offsets = [14], sizes = [1], strides = [1]} : vector<16xf32> to vector<1xf32>
    %squeeze3A_326 = vector.extract %slice3A_325[0] : f32 from vector<1xf32>
    %slice3A_327 = vector.extract_strided_slice %get3A_291 {offsets = [15], sizes = [1], strides = [1]} : vector<16xf32> to vector<1xf32>
    %squeeze3A_328 = vector.extract %slice3A_327[0] : f32 from vector<1xf32>
    %slice3A_329 = vector.extract_strided_slice %get3A_296 {offsets = [0], sizes = [1], strides = [1]} : vector<16xf32> to vector<1xf32>
    %squeeze3A_330 = vector.extract %slice3A_329[0] : f32 from vector<1xf32>
    %slice3A_331 = vector.extract_strided_slice %get3A_296 {offsets = [1], sizes = [1], strides = [1]} : vector<16xf32> to vector<1xf32>
    %squeeze3A_332 = vector.extract %slice3A_331[0] : f32 from vector<1xf32>
    %slice3A_333 = vector.extract_strided_slice %get3A_296 {offsets = [2], sizes = [1], strides = [1]} : vector<16xf32> to vector<1xf32>
    %squeeze3A_334 = vector.extract %slice3A_333[0] : f32 from vector<1xf32>
    %slice3A_335 = vector.extract_strided_slice %get3A_296 {offsets = [3], sizes = [1], strides = [1]} : vector<16xf32> to vector<1xf32>
    %squeeze3A_336 = vector.extract %slice3A_335[0] : f32 from vector<1xf32>
    %slice3A_337 = vector.extract_strided_slice %get3A_296 {offsets = [4], sizes = [1], strides = [1]} : vector<16xf32> to vector<1xf32>
    %squeeze3A_338 = vector.extract %slice3A_337[0] : f32 from vector<1xf32>
    %slice3A_339 = vector.extract_strided_slice %get3A_296 {offsets = [5], sizes = [1], strides = [1]} : vector<16xf32> to vector<1xf32>
    %squeeze3A_340 = vector.extract %slice3A_339[0] : f32 from vector<1xf32>
    %slice3A_341 = vector.extract_strided_slice %get3A_296 {offsets = [6], sizes = [1], strides = [1]} : vector<16xf32> to vector<1xf32>
    %squeeze3A_342 = vector.extract %slice3A_341[0] : f32 from vector<1xf32>
    %slice3A_343 = vector.extract_strided_slice %get3A_296 {offsets = [7], sizes = [1], strides = [1]} : vector<16xf32> to vector<1xf32>
    %squeeze3A_344 = vector.extract %slice3A_343[0] : f32 from vector<1xf32>
    %slice3A_345 = vector.extract_strided_slice %get3A_296 {offsets = [8], sizes = [1], strides = [1]} : vector<16xf32> to vector<1xf32>
    %squeeze3A_346 = vector.extract %slice3A_345[0] : f32 from vector<1xf32>
    %slice3A_347 = vector.extract_strided_slice %get3A_296 {offsets = [9], sizes = [1], strides = [1]} : vector<16xf32> to vector<1xf32>
    %squeeze3A_348 = vector.extract %slice3A_347[0] : f32 from vector<1xf32>
    %slice3A_349 = vector.extract_strided_slice %get3A_296 {offsets = [10], sizes = [1], strides = [1]} : vector<16xf32> to vector<1xf32>
    %squeeze3A_350 = vector.extract %slice3A_349[0] : f32 from vector<1xf32>
    %slice3A_351 = vector.extract_strided_slice %get3A_296 {offsets = [11], sizes = [1], strides = [1]} : vector<16xf32> to vector<1xf32>
    %squeeze3A_352 = vector.extract %slice3A_351[0] : f32 from vector<1xf32>
    %slice3A_353 = vector.extract_strided_slice %get3A_296 {offsets = [12], sizes = [1], strides = [1]} : vector<16xf32> to vector<1xf32>
    %squeeze3A_354 = vector.extract %slice3A_353[0] : f32 from vector<1xf32>
    %slice3A_355 = vector.extract_strided_slice %get3A_296 {offsets = [13], sizes = [1], strides = [1]} : vector<16xf32> to vector<1xf32>
    %squeeze3A_356 = vector.extract %slice3A_355[0] : f32 from vector<1xf32>
    %slice3A_357 = vector.extract_strided_slice %get3A_296 {offsets = [14], sizes = [1], strides = [1]} : vector<16xf32> to vector<1xf32>
    %squeeze3A_358 = vector.extract %slice3A_357[0] : f32 from vector<1xf32>
    %slice3A_359 = vector.extract_strided_slice %get3A_296 {offsets = [15], sizes = [1], strides = [1]} : vector<16xf32> to vector<1xf32>
    %squeeze3A_360 = vector.extract %slice3A_359[0] : f32 from vector<1xf32>
    %get3A_361 = arith.constant 4 : i32
    %get3A_362 = arith.index_cast %get3A_361 : i32 to index
    %get3A_363 = arith.constant 0 : index
    %get3A_364 = tpu.vector_load %arg8[%get3A_362, %get3A_363] {strides = array<i32>} : memref<16x32xf32, #tpu.memory_space<vmem>>, vector<1x16xf32>,
    %get3A_365 = vector.shape_cast %get3A_364 : vector<1x16xf32> to vector<16xf32>
    %get3A_366 = arith.constant 4 : i32
    %get3A_367 = arith.index_cast %get3A_366 : i32 to index
    %get3A_368 = arith.constant 16 : index
    %get3A_369 = tpu.vector_load %arg8[%get3A_367, %get3A_368] {strides = array<i32>} : memref<16x32xf32, #tpu.memory_space<vmem>>, vector<1x16xf32>,
    %get3A_370 = vector.shape_cast %get3A_369 : vector<1x16xf32> to vector<16xf32>
    %slice3A_371 = vector.extract_strided_slice %get3A_365 {offsets = [0], sizes = [1], strides = [1]} : vector<16xf32> to vector<1xf32>
    %squeeze3A_372 = vector.extract %slice3A_371[0] : f32 from vector<1xf32>
    %slice3A_373 = vector.extract_strided_slice %get3A_365 {offsets = [1], sizes = [1], strides = [1]} : vector<16xf32> to vector<1xf32>
    %squeeze3A_374 = vector.extract %slice3A_373[0] : f32 from vector<1xf32>
    %slice3A_375 = vector.extract_strided_slice %get3A_365 {offsets = [2], sizes = [1], strides = [1]} : vector<16xf32> to vector<1xf32>
    %squeeze3A_376 = vector.extract %slice3A_375[0] : f32 from vector<1xf32>
    %slice3A_377 = vector.extract_strided_slice %get3A_365 {offsets = [3], sizes = [1], strides = [1]} : vector<16xf32> to vector<1xf32>
    %squeeze3A_378 = vector.extract %slice3A_377[0] : f32 from vector<1xf32>
    %slice3A_379 = vector.extract_strided_slice %get3A_365 {offsets = [4], sizes = [1], strides = [1]} : vector<16xf32> to vector<1xf32>
    %squeeze3A_380 = vector.extract %slice3A_379[0] : f32 from vector<1xf32>
    %slice3A_381 = vector.extract_strided_slice %get3A_365 {offsets = [5], sizes = [1], strides = [1]} : vector<16xf32> to vector<1xf32>
    %squeeze3A_382 = vector.extract %slice3A_381[0] : f32 from vector<1xf32>
    %slice3A_383 = vector.extract_strided_slice %get3A_365 {offsets = [6], sizes = [1], strides = [1]} : vector<16xf32> to vector<1xf32>
    %squeeze3A_384 = vector.extract %slice3A_383[0] : f32 from vector<1xf32>
    %slice3A_385 = vector.extract_strided_slice %get3A_365 {offsets = [7], sizes = [1], strides = [1]} : vector<16xf32> to vector<1xf32>
    %squeeze3A_386 = vector.extract %slice3A_385[0] : f32 from vector<1xf32>
    %slice3A_387 = vector.extract_strided_slice %get3A_365 {offsets = [8], sizes = [1], strides = [1]} : vector<16xf32> to vector<1xf32>
    %squeeze3A_388 = vector.extract %slice3A_387[0] : f32 from vector<1xf32>
    %slice3A_389 = vector.extract_strided_slice %get3A_365 {offsets = [9], sizes = [1], strides = [1]} : vector<16xf32> to vector<1xf32>
    %squeeze3A_390 = vector.extract %slice3A_389[0] : f32 from vector<1xf32>
    %slice3A_391 = vector.extract_strided_slice %get3A_365 {offsets = [10], sizes = [1], strides = [1]} : vector<16xf32> to vector<1xf32>
    %squeeze3A_392 = vector.extract %slice3A_391[0] : f32 from vector<1xf32>
    %slice3A_393 = vector.extract_strided_slice %get3A_365 {offsets = [11], sizes = [1], strides = [1]} : vector<16xf32> to vector<1xf32>
    %squeeze3A_394 = vector.extract %slice3A_393[0] : f32 from vector<1xf32>
    %slice3A_395 = vector.extract_strided_slice %get3A_365 {offsets = [12], sizes = [1], strides = [1]} : vector<16xf32> to vector<1xf32>
    %squeeze3A_396 = vector.extract %slice3A_395[0] : f32 from vector<1xf32>
    %slice3A_397 = vector.extract_strided_slice %get3A_365 {offsets = [13], sizes = [1], strides = [1]} : vector<16xf32> to vector<1xf32>
    %squeeze3A_398 = vector.extract %slice3A_397[0] : f32 from vector<1xf32>
    %slice3A_399 = vector.extract_strided_slice %get3A_365 {offsets = [14], sizes = [1], strides = [1]} : vector<16xf32> to vector<1xf32>
    %squeeze3A_400 = vector.extract %slice3A_399[0] : f32 from vector<1xf32>
    %slice3A_401 = vector.extract_strided_slice %get3A_365 {offsets = [15], sizes = [1], strides = [1]} : vector<16xf32> to vector<1xf32>
    %squeeze3A_402 = vector.extract %slice3A_401[0] : f32 from vector<1xf32>
    %slice3A_403 = vector.extract_strided_slice %get3A_370 {offsets = [0], sizes = [1], strides = [1]} : vector<16xf32> to vector<1xf32>
    %squeeze3A_404 = vector.extract %slice3A_403[0] : f32 from vector<1xf32>
    %slice3A_405 = vector.extract_strided_slice %get3A_370 {offsets = [1], sizes = [1], strides = [1]} : vector<16xf32> to vector<1xf32>
    %squeeze3A_406 = vector.extract %slice3A_405[0] : f32 from vector<1xf32>
    %slice3A_407 = vector.extract_strided_slice %get3A_370 {offsets = [2], sizes = [1], strides = [1]} : vector<16xf32> to vector<1xf32>
    %squeeze3A_408 = vector.extract %slice3A_407[0] : f32 from vector<1xf32>
    %slice3A_409 = vector.extract_strided_slice %get3A_370 {offsets = [3], sizes = [1], strides = [1]} : vector<16xf32> to vector<1xf32>
    %squeeze3A_410 = vector.extract %slice3A_409[0] : f32 from vector<1xf32>
    %slice3A_411 = vector.extract_strided_slice %get3A_370 {offsets = [4], sizes = [1], strides = [1]} : vector<16xf32> to vector<1xf32>
    %squeeze3A_412 = vector.extract %slice3A_411[0] : f32 from vector<1xf32>
    %slice3A_413 = vector.extract_strided_slice %get3A_370 {offsets = [5], sizes = [1], strides = [1]} : vector<16xf32> to vector<1xf32>
    %squeeze3A_414 = vector.extract %slice3A_413[0] : f32 from vector<1xf32>
    %slice3A_415 = vector.extract_strided_slice %get3A_370 {offsets = [6], sizes = [1], strides = [1]} : vector<16xf32> to vector<1xf32>
    %squeeze3A_416 = vector.extract %slice3A_415[0] : f32 from vector<1xf32>
    %slice3A_417 = vector.extract_strided_slice %get3A_370 {offsets = [7], sizes = [1], strides = [1]} : vector<16xf32> to vector<1xf32>
    %squeeze3A_418 = vector.extract %slice3A_417[0] : f32 from vector<1xf32>
    %slice3A_419 = vector.extract_strided_slice %get3A_370 {offsets = [8], sizes = [1], strides = [1]} : vector<16xf32> to vector<1xf32>
    %squeeze3A_420 = vector.extract %slice3A_419[0] : f32 from vector<1xf32>
    %slice3A_421 = vector.extract_strided_slice %get3A_370 {offsets = [9], sizes = [1], strides = [1]} : vector<16xf32> to vector<1xf32>
    %squeeze3A_422 = vector.extract %slice3A_421[0] : f32 from vector<1xf32>
    %slice3A_423 = vector.extract_strided_slice %get3A_370 {offsets = [10], sizes = [1], strides = [1]} : vector<16xf32> to vector<1xf32>
    %squeeze3A_424 = vector.extract %slice3A_423[0] : f32 from vector<1xf32>
    %slice3A_425 = vector.extract_strided_slice %get3A_370 {offsets = [11], sizes = [1], strides = [1]} : vector<16xf32> to vector<1xf32>
    %squeeze3A_426 = vector.extract %slice3A_425[0] : f32 from vector<1xf32>
    %slice3A_427 = vector.extract_strided_slice %get3A_370 {offsets = [12], sizes = [1], strides = [1]} : vector<16xf32> to vector<1xf32>
    %squeeze3A_428 = vector.extract %slice3A_427[0] : f32 from vector<1xf32>
    %slice3A_429 = vector.extract_strided_slice %get3A_370 {offsets = [13], sizes = [1], strides = [1]} : vector<16xf32> to vector<1xf32>
    %squeeze3A_430 = vector.extract %slice3A_429[0] : f32 from vector<1xf32>
    %slice3A_431 = vector.extract_strided_slice %get3A_370 {offsets = [14], sizes = [1], strides = [1]} : vector<16xf32> to vector<1xf32>
    %squeeze3A_432 = vector.extract %slice3A_431[0] : f32 from vector<1xf32>
    %slice3A_433 = vector.extract_strided_slice %get3A_370 {offsets = [15], sizes = [1], strides = [1]} : vector<16xf32> to vector<1xf32>
    %squeeze3A_434 = vector.extract %slice3A_433[0] : f32 from vector<1xf32>
    %get3A_435 = arith.constant 5 : i32
    %get3A_436 = arith.index_cast %get3A_435 : i32 to index
    %get3A_437 = arith.constant 0 : index
    %get3A_438 = tpu.vector_load %arg8[%get3A_436, %get3A_437] {strides = array<i32>} : memref<16x32xf32, #tpu.memory_space<vmem>>, vector<1x16xf32>,
    %get3A_439 = vector.shape_cast %get3A_438 : vector<1x16xf32> to vector<16xf32>
    %get3A_440 = arith.constant 5 : i32
    %get3A_441 = arith.index_cast %get3A_440 : i32 to index
    %get3A_442 = arith.constant 16 : index
    %get3A_443 = tpu.vector_load %arg8[%get3A_441, %get3A_442] {strides = array<i32>} : memref<16x32xf32, #tpu.memory_space<vmem>>, vector<1x16xf32>,
    %get3A_444 = vector.shape_cast %get3A_443 : vector<1x16xf32> to vector<16xf32>
    %slice3A_445 = vector.extract_strided_slice %get3A_439 {offsets = [0], sizes = [1], strides = [1]} : vector<16xf32> to vector<1xf32>
    %squeeze3A_446 = vector.extract %slice3A_445[0] : f32 from vector<1xf32>
    %slice3A_447 = vector.extract_strided_slice %get3A_439 {offsets = [1], sizes = [1], strides = [1]} : vector<16xf32> to vector<1xf32>
    %squeeze3A_448 = vector.extract %slice3A_447[0] : f32 from vector<1xf32>
    %slice3A_449 = vector.extract_strided_slice %get3A_439 {offsets = [2], sizes = [1], strides = [1]} : vector<16xf32> to vector<1xf32>
    %squeeze3A_450 = vector.extract %slice3A_449[0] : f32 from vector<1xf32>
    %slice3A_451 = vector.extract_strided_slice %get3A_439 {offsets = [3], sizes = [1], strides = [1]} : vector<16xf32> to vector<1xf32>
    %squeeze3A_452 = vector.extract %slice3A_451[0] : f32 from vector<1xf32>
    %slice3A_453 = vector.extract_strided_slice %get3A_439 {offsets = [4], sizes = [1], strides = [1]} : vector<16xf32> to vector<1xf32>
    %squeeze3A_454 = vector.extract %slice3A_453[0] : f32 from vector<1xf32>
    %slice3A_455 = vector.extract_strided_slice %get3A_439 {offsets = [5], sizes = [1], strides = [1]} : vector<16xf32> to vector<1xf32>
    %squeeze3A_456 = vector.extract %slice3A_455[0] : f32 from vector<1xf32>
    %slice3A_457 = vector.extract_strided_slice %get3A_439 {offsets = [6], sizes = [1], strides = [1]} : vector<16xf32> to vector<1xf32>
    %squeeze3A_458 = vector.extract %slice3A_457[0] : f32 from vector<1xf32>
    %slice3A_459 = vector.extract_strided_slice %get3A_439 {offsets = [7], sizes = [1], strides = [1]} : vector<16xf32> to vector<1xf32>
    %squeeze3A_460 = vector.extract %slice3A_459[0] : f32 from vector<1xf32>
    %slice3A_461 = vector.extract_strided_slice %get3A_439 {offsets = [8], sizes = [1], strides = [1]} : vector<16xf32> to vector<1xf32>
    %squeeze3A_462 = vector.extract %slice3A_461[0] : f32 from vector<1xf32>
    %slice3A_463 = vector.extract_strided_slice %get3A_439 {offsets = [9], sizes = [1], strides = [1]} : vector<16xf32> to vector<1xf32>
    %squeeze3A_464 = vector.extract %slice3A_463[0] : f32 from vector<1xf32>
    %slice3A_465 = vector.extract_strided_slice %get3A_439 {offsets = [10], sizes = [1], strides = [1]} : vector<16xf32> to vector<1xf32>
    %squeeze3A_466 = vector.extract %slice3A_465[0] : f32 from vector<1xf32>
    %slice3A_467 = vector.extract_strided_slice %get3A_439 {offsets = [11], sizes = [1], strides = [1]} : vector<16xf32> to vector<1xf32>
    %squeeze3A_468 = vector.extract %slice3A_467[0] : f32 from vector<1xf32>
    %slice3A_469 = vector.extract_strided_slice %get3A_439 {offsets = [12], sizes = [1], strides = [1]} : vector<16xf32> to vector<1xf32>
    %squeeze3A_470 = vector.extract %slice3A_469[0] : f32 from vector<1xf32>
    %slice3A_471 = vector.extract_strided_slice %get3A_439 {offsets = [13], sizes = [1], strides = [1]} : vector<16xf32> to vector<1xf32>
    %squeeze3A_472 = vector.extract %slice3A_471[0] : f32 from vector<1xf32>
    %slice3A_473 = vector.extract_strided_slice %get3A_439 {offsets = [14], sizes = [1], strides = [1]} : vector<16xf32> to vector<1xf32>
    %squeeze3A_474 = vector.extract %slice3A_473[0] : f32 from vector<1xf32>
    %slice3A_475 = vector.extract_strided_slice %get3A_439 {offsets = [15], sizes = [1], strides = [1]} : vector<16xf32> to vector<1xf32>
    %squeeze3A_476 = vector.extract %slice3A_475[0] : f32 from vector<1xf32>
    %slice3A_477 = vector.extract_strided_slice %get3A_444 {offsets = [0], sizes = [1], strides = [1]} : vector<16xf32> to vector<1xf32>
    %squeeze3A_478 = vector.extract %slice3A_477[0] : f32 from vector<1xf32>
    %slice3A_479 = vector.extract_strided_slice %get3A_444 {offsets = [1], sizes = [1], strides = [1]} : vector<16xf32> to vector<1xf32>
    %squeeze3A_480 = vector.extract %slice3A_479[0] : f32 from vector<1xf32>
    %slice3A_481 = vector.extract_strided_slice %get3A_444 {offsets = [2], sizes = [1], strides = [1]} : vector<16xf32> to vector<1xf32>
    %squeeze3A_482 = vector.extract %slice3A_481[0] : f32 from vector<1xf32>
    %slice3A_483 = vector.extract_strided_slice %get3A_444 {offsets = [3], sizes = [1], strides = [1]} : vector<16xf32> to vector<1xf32>
    %squeeze3A_484 = vector.extract %slice3A_483[0] : f32 from vector<1xf32>
    %slice3A_485 = vector.extract_strided_slice %get3A_444 {offsets = [4], sizes = [1], strides = [1]} : vector<16xf32> to vector<1xf32>
    %squeeze3A_486 = vector.extract %slice3A_485[0] : f32 from vector<1xf32>
    %slice3A_487 = vector.extract_strided_slice %get3A_444 {offsets = [5], sizes = [1], strides = [1]} : vector<16xf32> to vector<1xf32>
    %squeeze3A_488 = vector.extract %slice3A_487[0] : f32 from vector<1xf32>
    %slice3A_489 = vector.extract_strided_slice %get3A_444 {offsets = [6], sizes = [1], strides = [1]} : vector<16xf32> to vector<1xf32>
    %squeeze3A_490 = vector.extract %slice3A_489[0] : f32 from vector<1xf32>
    %slice3A_491 = vector.extract_strided_slice %get3A_444 {offsets = [7], sizes = [1], strides = [1]} : vector<16xf32> to vector<1xf32>
    %squeeze3A_492 = vector.extract %slice3A_491[0] : f32 from vector<1xf32>
    %slice3A_493 = vector.extract_strided_slice %get3A_444 {offsets = [8], sizes = [1], strides = [1]} : vector<16xf32> to vector<1xf32>
    %squeeze3A_494 = vector.extract %slice3A_493[0] : f32 from vector<1xf32>
    %slice3A_495 = vector.extract_strided_slice %get3A_444 {offsets = [9], sizes = [1], strides = [1]} : vector<16xf32> to vector<1xf32>
    %squeeze3A_496 = vector.extract %slice3A_495[0] : f32 from vector<1xf32>
    %slice3A_497 = vector.extract_strided_slice %get3A_444 {offsets = [10], sizes = [1], strides = [1]} : vector<16xf32> to vector<1xf32>
    %squeeze3A_498 = vector.extract %slice3A_497[0] : f32 from vector<1xf32>
    %slice3A_499 = vector.extract_strided_slice %get3A_444 {offsets = [11], sizes = [1], strides = [1]} : vector<16xf32> to vector<1xf32>
    %squeeze3A_500 = vector.extract %slice3A_499[0] : f32 from vector<1xf32>
    %slice3A_501 = vector.extract_strided_slice %get3A_444 {offsets = [12], sizes = [1], strides = [1]} : vector<16xf32> to vector<1xf32>
    %squeeze3A_502 = vector.extract %slice3A_501[0] : f32 from vector<1xf32>
    %slice3A_503 = vector.extract_strided_slice %get3A_444 {offsets = [13], sizes = [1], strides = [1]} : vector<16xf32> to vector<1xf32>
    %squeeze3A_504 = vector.extract %slice3A_503[0] : f32 from vector<1xf32>
    %slice3A_505 = vector.extract_strided_slice %get3A_444 {offsets = [14], sizes = [1], strides = [1]} : vector<16xf32> to vector<1xf32>
    %squeeze3A_506 = vector.extract %slice3A_505[0] : f32 from vector<1xf32>
    %slice3A_507 = vector.extract_strided_slice %get3A_444 {offsets = [15], sizes = [1], strides = [1]} : vector<16xf32> to vector<1xf32>
    %squeeze3A_508 = vector.extract %slice3A_507[0] : f32 from vector<1xf32>
    %get3A_509 = arith.constant 6 : i32
    %get3A_510 = arith.index_cast %get3A_509 : i32 to index
    %get3A_511 = arith.constant 0 : index
    %get3A_512 = tpu.vector_load %arg8[%get3A_510, %get3A_511] {strides = array<i32>} : memref<16x32xf32, #tpu.memory_space<vmem>>, vector<1x16xf32>,
    %get3A_513 = vector.shape_cast %get3A_512 : vector<1x16xf32> to vector<16xf32>
    %get3A_514 = arith.constant 6 : i32
    %get3A_515 = arith.index_cast %get3A_514 : i32 to index
    %get3A_516 = arith.constant 16 : index
    %get3A_517 = tpu.vector_load %arg8[%get3A_515, %get3A_516] {strides = array<i32>} : memref<16x32xf32, #tpu.memory_space<vmem>>, vector<1x16xf32>,
    %get3A_518 = vector.shape_cast %get3A_517 : vector<1x16xf32> to vector<16xf32>
    %slice3A_519 = vector.extract_strided_slice %get3A_513 {offsets = [0], sizes = [1], strides = [1]} : vector<16xf32> to vector<1xf32>
    %squeeze3A_520 = vector.extract %slice3A_519[0] : f32 from vector<1xf32>
    %slice3A_521 = vector.extract_strided_slice %get3A_513 {offsets = [1], sizes = [1], strides = [1]} : vector<16xf32> to vector<1xf32>
    %squeeze3A_522 = vector.extract %slice3A_521[0] : f32 from vector<1xf32>
    %slice3A_523 = vector.extract_strided_slice %get3A_513 {offsets = [2], sizes = [1], strides = [1]} : vector<16xf32> to vector<1xf32>
    %squeeze3A_524 = vector.extract %slice3A_523[0] : f32 from vector<1xf32>
    %slice3A_525 = vector.extract_strided_slice %get3A_513 {offsets = [3], sizes = [1], strides = [1]} : vector<16xf32> to vector<1xf32>
    %squeeze3A_526 = vector.extract %slice3A_525[0] : f32 from vector<1xf32>
    %slice3A_527 = vector.extract_strided_slice %get3A_513 {offsets = [4], sizes = [1], strides = [1]} : vector<16xf32> to vector<1xf32>
    %squeeze3A_528 = vector.extract %slice3A_527[0] : f32 from vector<1xf32>
    %slice3A_529 = vector.extract_strided_slice %get3A_513 {offsets = [5], sizes = [1], strides = [1]} : vector<16xf32> to vector<1xf32>
    %squeeze3A_530 = vector.extract %slice3A_529[0] : f32 from vector<1xf32>
    %slice3A_531 = vector.extract_strided_slice %get3A_513 {offsets = [6], sizes = [1], strides = [1]} : vector<16xf32> to vector<1xf32>
    %squeeze3A_532 = vector.extract %slice3A_531[0] : f32 from vector<1xf32>
    %slice3A_533 = vector.extract_strided_slice %get3A_513 {offsets = [7], sizes = [1], strides = [1]} : vector<16xf32> to vector<1xf32>
    %squeeze3A_534 = vector.extract %slice3A_533[0] : f32 from vector<1xf32>
    %slice3A_535 = vector.extract_strided_slice %get3A_513 {offsets = [8], sizes = [1], strides = [1]} : vector<16xf32> to vector<1xf32>
    %squeeze3A_536 = vector.extract %slice3A_535[0] : f32 from vector<1xf32>
    %slice3A_537 = vector.extract_strided_slice %get3A_513 {offsets = [9], sizes = [1], strides = [1]} : vector<16xf32> to vector<1xf32>
    %squeeze3A_538 = vector.extract %slice3A_537[0] : f32 from vector<1xf32>
    %slice3A_539 = vector.extract_strided_slice %get3A_513 {offsets = [10], sizes = [1], strides = [1]} : vector<16xf32> to vector<1xf32>
    %squeeze3A_540 = vector.extract %slice3A_539[0] : f32 from vector<1xf32>
    %slice3A_541 = vector.extract_strided_slice %get3A_513 {offsets = [11], sizes = [1], strides = [1]} : vector<16xf32> to vector<1xf32>
    %squeeze3A_542 = vector.extract %slice3A_541[0] : f32 from vector<1xf32>
    %slice3A_543 = vector.extract_strided_slice %get3A_513 {offsets = [12], sizes = [1], strides = [1]} : vector<16xf32> to vector<1xf32>
    %squeeze3A_544 = vector.extract %slice3A_543[0] : f32 from vector<1xf32>
    %slice3A_545 = vector.extract_strided_slice %get3A_513 {offsets = [13], sizes = [1], strides = [1]} : vector<16xf32> to vector<1xf32>
    %squeeze3A_546 = vector.extract %slice3A_545[0] : f32 from vector<1xf32>
    %slice3A_547 = vector.extract_strided_slice %get3A_513 {offsets = [14], sizes = [1], strides = [1]} : vector<16xf32> to vector<1xf32>
    %squeeze3A_548 = vector.extract %slice3A_547[0] : f32 from vector<1xf32>
    %slice3A_549 = vector.extract_strided_slice %get3A_513 {offsets = [15], sizes = [1], strides = [1]} : vector<16xf32> to vector<1xf32>
    %squeeze3A_550 = vector.extract %slice3A_549[0] : f32 from vector<1xf32>
    %slice3A_551 = vector.extract_strided_slice %get3A_518 {offsets = [0], sizes = [1], strides = [1]} : vector<16xf32> to vector<1xf32>
    %squeeze3A_552 = vector.extract %slice3A_551[0] : f32 from vector<1xf32>
    %slice3A_553 = vector.extract_strided_slice %get3A_518 {offsets = [1], sizes = [1], strides = [1]} : vector<16xf32> to vector<1xf32>
    %squeeze3A_554 = vector.extract %slice3A_553[0] : f32 from vector<1xf32>
    %slice3A_555 = vector.extract_strided_slice %get3A_518 {offsets = [2], sizes = [1], strides = [1]} : vector<16xf32> to vector<1xf32>
    %squeeze3A_556 = vector.extract %slice3A_555[0] : f32 from vector<1xf32>
    %slice3A_557 = vector.extract_strided_slice %get3A_518 {offsets = [3], sizes = [1], strides = [1]} : vector<16xf32> to vector<1xf32>
    %squeeze3A_558 = vector.extract %slice3A_557[0] : f32 from vector<1xf32>
    %slice3A_559 = vector.extract_strided_slice %get3A_518 {offsets = [4], sizes = [1], strides = [1]} : vector<16xf32> to vector<1xf32>
    %squeeze3A_560 = vector.extract %slice3A_559[0] : f32 from vector<1xf32>
    %slice3A_561 = vector.extract_strided_slice %get3A_518 {offsets = [5], sizes = [1], strides = [1]} : vector<16xf32> to vector<1xf32>
    %squeeze3A_562 = vector.extract %slice3A_561[0] : f32 from vector<1xf32>
    %slice3A_563 = vector.extract_strided_slice %get3A_518 {offsets = [6], sizes = [1], strides = [1]} : vector<16xf32> to vector<1xf32>
    %squeeze3A_564 = vector.extract %slice3A_563[0] : f32 from vector<1xf32>
    %slice3A_565 = vector.extract_strided_slice %get3A_518 {offsets = [7], sizes = [1], strides = [1]} : vector<16xf32> to vector<1xf32>
    %squeeze3A_566 = vector.extract %slice3A_565[0] : f32 from vector<1xf32>
    %slice3A_567 = vector.extract_strided_slice %get3A_518 {offsets = [8], sizes = [1], strides = [1]} : vector<16xf32> to vector<1xf32>
    %squeeze3A_568 = vector.extract %slice3A_567[0] : f32 from vector<1xf32>
    %slice3A_569 = vector.extract_strided_slice %get3A_518 {offsets = [9], sizes = [1], strides = [1]} : vector<16xf32> to vector<1xf32>
    %squeeze3A_570 = vector.extract %slice3A_569[0] : f32 from vector<1xf32>
    %slice3A_571 = vector.extract_strided_slice %get3A_518 {offsets = [10], sizes = [1], strides = [1]} : vector<16xf32> to vector<1xf32>
    %squeeze3A_572 = vector.extract %slice3A_571[0] : f32 from vector<1xf32>
    %slice3A_573 = vector.extract_strided_slice %get3A_518 {offsets = [11], sizes = [1], strides = [1]} : vector<16xf32> to vector<1xf32>
    %squeeze3A_574 = vector.extract %slice3A_573[0] : f32 from vector<1xf32>
    %slice3A_575 = vector.extract_strided_slice %get3A_518 {offsets = [12], sizes = [1], strides = [1]} : vector<16xf32> to vector<1xf32>
    %squeeze3A_576 = vector.extract %slice3A_575[0] : f32 from vector<1xf32>
    %slice3A_577 = vector.extract_strided_slice %get3A_518 {offsets = [13], sizes = [1], strides = [1]} : vector<16xf32> to vector<1xf32>
    %squeeze3A_578 = vector.extract %slice3A_577[0] : f32 from vector<1xf32>
    %slice3A_579 = vector.extract_strided_slice %get3A_518 {offsets = [14], sizes = [1], strides = [1]} : vector<16xf32> to vector<1xf32>
    %squeeze3A_580 = vector.extract %slice3A_579[0] : f32 from vector<1xf32>
    %slice3A_581 = vector.extract_strided_slice %get3A_518 {offsets = [15], sizes = [1], strides = [1]} : vector<16xf32> to vector<1xf32>
    %squeeze3A_582 = vector.extract %slice3A_581[0] : f32 from vector<1xf32>
    %get3A_583 = arith.constant 7 : i32
    %get3A_584 = arith.index_cast %get3A_583 : i32 to index
    %get3A_585 = arith.constant 0 : index
    %get3A_586 = tpu.vector_load %arg8[%get3A_584, %get3A_585] {strides = array<i32>} : memref<16x32xf32, #tpu.memory_space<vmem>>, vector<1x16xf32>,
    %get3A_587 = vector.shape_cast %get3A_586 : vector<1x16xf32> to vector<16xf32>
    %get3A_588 = arith.constant 7 : i32
    %get3A_589 = arith.index_cast %get3A_588 : i32 to index
    %get3A_590 = arith.constant 16 : index
    %get3A_591 = tpu.vector_load %arg8[%get3A_589, %get3A_590] {strides = array<i32>} : memref<16x32xf32, #tpu.memory_space<vmem>>, vector<1x16xf32>,
    %get3A_592 = vector.shape_cast %get3A_591 : vector<1x16xf32> to vector<16xf32>
    %slice3A_593 = vector.extract_strided_slice %get3A_587 {offsets = [0], sizes = [1], strides = [1]} : vector<16xf32> to vector<1xf32>
    %squeeze3A_594 = vector.extract %slice3A_593[0] : f32 from vector<1xf32>
    %slice3A_595 = vector.extract_strided_slice %get3A_587 {offsets = [1], sizes = [1], strides = [1]} : vector<16xf32> to vector<1xf32>
    %squeeze3A_596 = vector.extract %slice3A_595[0] : f32 from vector<1xf32>
    %slice3A_597 = vector.extract_strided_slice %get3A_587 {offsets = [2], sizes = [1], strides = [1]} : vector<16xf32> to vector<1xf32>
    %squeeze3A_598 = vector.extract %slice3A_597[0] : f32 from vector<1xf32>
    %slice3A_599 = vector.extract_strided_slice %get3A_587 {offsets = [3], sizes = [1], strides = [1]} : vector<16xf32> to vector<1xf32>
    %squeeze3A_600 = vector.extract %slice3A_599[0] : f32 from vector<1xf32>
    %slice3A_601 = vector.extract_strided_slice %get3A_587 {offsets = [4], sizes = [1], strides = [1]} : vector<16xf32> to vector<1xf32>
    %squeeze3A_602 = vector.extract %slice3A_601[0] : f32 from vector<1xf32>
    %slice3A_603 = vector.extract_strided_slice %get3A_587 {offsets = [5], sizes = [1], strides = [1]} : vector<16xf32> to vector<1xf32>
    %squeeze3A_604 = vector.extract %slice3A_603[0] : f32 from vector<1xf32>
    %slice3A_605 = vector.extract_strided_slice %get3A_587 {offsets = [6], sizes = [1], strides = [1]} : vector<16xf32> to vector<1xf32>
    %squeeze3A_606 = vector.extract %slice3A_605[0] : f32 from vector<1xf32>
    %slice3A_607 = vector.extract_strided_slice %get3A_587 {offsets = [7], sizes = [1], strides = [1]} : vector<16xf32> to vector<1xf32>
    %squeeze3A_608 = vector.extract %slice3A_607[0] : f32 from vector<1xf32>
    %slice3A_609 = vector.extract_strided_slice %get3A_587 {offsets = [8], sizes = [1], strides = [1]} : vector<16xf32> to vector<1xf32>
    %squeeze3A_610 = vector.extract %slice3A_609[0] : f32 from vector<1xf32>
    %slice3A_611 = vector.extract_strided_slice %get3A_587 {offsets = [9], sizes = [1], strides = [1]} : vector<16xf32> to vector<1xf32>
    %squeeze3A_612 = vector.extract %slice3A_611[0] : f32 from vector<1xf32>
    %slice3A_613 = vector.extract_strided_slice %get3A_587 {offsets = [10], sizes = [1], strides = [1]} : vector<16xf32> to vector<1xf32>
    %squeeze3A_614 = vector.extract %slice3A_613[0] : f32 from vector<1xf32>
    %slice3A_615 = vector.extract_strided_slice %get3A_587 {offsets = [11], sizes = [1], strides = [1]} : vector<16xf32> to vector<1xf32>
    %squeeze3A_616 = vector.extract %slice3A_615[0] : f32 from vector<1xf32>
    %slice3A_617 = vector.extract_strided_slice %get3A_587 {offsets = [12], sizes = [1], strides = [1]} : vector<16xf32> to vector<1xf32>
    %squeeze3A_618 = vector.extract %slice3A_617[0] : f32 from vector<1xf32>
    %slice3A_619 = vector.extract_strided_slice %get3A_587 {offsets = [13], sizes = [1], strides = [1]} : vector<16xf32> to vector<1xf32>
    %squeeze3A_620 = vector.extract %slice3A_619[0] : f32 from vector<1xf32>
    %slice3A_621 = vector.extract_strided_slice %get3A_587 {offsets = [14], sizes = [1], strides = [1]} : vector<16xf32> to vector<1xf32>
    %squeeze3A_622 = vector.extract %slice3A_621[0] : f32 from vector<1xf32>
    %slice3A_623 = vector.extract_strided_slice %get3A_587 {offsets = [15], sizes = [1], strides = [1]} : vector<16xf32> to vector<1xf32>
    %squeeze3A_624 = vector.extract %slice3A_623[0] : f32 from vector<1xf32>
    %slice3A_625 = vector.extract_strided_slice %get3A_592 {offsets = [0], sizes = [1], strides = [1]} : vector<16xf32> to vector<1xf32>
    %squeeze3A_626 = vector.extract %slice3A_625[0] : f32 from vector<1xf32>
    %slice3A_627 = vector.extract_strided_slice %get3A_592 {offsets = [1], sizes = [1], strides = [1]} : vector<16xf32> to vector<1xf32>
    %squeeze3A_628 = vector.extract %slice3A_627[0] : f32 from vector<1xf32>
    %slice3A_629 = vector.extract_strided_slice %get3A_592 {offsets = [2], sizes = [1], strides = [1]} : vector<16xf32> to vector<1xf32>
    %squeeze3A_630 = vector.extract %slice3A_629[0] : f32 from vector<1xf32>
    %slice3A_631 = vector.extract_strided_slice %get3A_592 {offsets = [3], sizes = [1], strides = [1]} : vector<16xf32> to vector<1xf32>
    %squeeze3A_632 = vector.extract %slice3A_631[0] : f32 from vector<1xf32>
    %slice3A_633 = vector.extract_strided_slice %get3A_592 {offsets = [4], sizes = [1], strides = [1]} : vector<16xf32> to vector<1xf32>
    %squeeze3A_634 = vector.extract %slice3A_633[0] : f32 from vector<1xf32>
    %slice3A_635 = vector.extract_strided_slice %get3A_592 {offsets = [5], sizes = [1], strides = [1]} : vector<16xf32> to vector<1xf32>
    %squeeze3A_636 = vector.extract %slice3A_635[0] : f32 from vector<1xf32>
    %slice3A_637 = vector.extract_strided_slice %get3A_592 {offsets = [6], sizes = [1], strides = [1]} : vector<16xf32> to vector<1xf32>
    %squeeze3A_638 = vector.extract %slice3A_637[0] : f32 from vector<1xf32>
    %slice3A_639 = vector.extract_strided_slice %get3A_592 {offsets = [7], sizes = [1], strides = [1]} : vector<16xf32> to vector<1xf32>
    %squeeze3A_640 = vector.extract %slice3A_639[0] : f32 from vector<1xf32>
    %slice3A_641 = vector.extract_strided_slice %get3A_592 {offsets = [8], sizes = [1], strides = [1]} : vector<16xf32> to vector<1xf32>
    %squeeze3A_642 = vector.extract %slice3A_641[0] : f32 from vector<1xf32>
    %slice3A_643 = vector.extract_strided_slice %get3A_592 {offsets = [9], sizes = [1], strides = [1]} : vector<16xf32> to vector<1xf32>
    %squeeze3A_644 = vector.extract %slice3A_643[0] : f32 from vector<1xf32>
    %slice3A_645 = vector.extract_strided_slice %get3A_592 {offsets = [10], sizes = [1], strides = [1]} : vector<16xf32> to vector<1xf32>
    %squeeze3A_646 = vector.extract %slice3A_645[0] : f32 from vector<1xf32>
    %slice3A_647 = vector.extract_strided_slice %get3A_592 {offsets = [11], sizes = [1], strides = [1]} : vector<16xf32> to vector<1xf32>
    %squeeze3A_648 = vector.extract %slice3A_647[0] : f32 from vector<1xf32>
    %slice3A_649 = vector.extract_strided_slice %get3A_592 {offsets = [12], sizes = [1], strides = [1]} : vector<16xf32> to vector<1xf32>
    %squeeze3A_650 = vector.extract %slice3A_649[0] : f32 from vector<1xf32>
    %slice3A_651 = vector.extract_strided_slice %get3A_592 {offsets = [13], sizes = [1], strides = [1]} : vector<16xf32> to vector<1xf32>
    %squeeze3A_652 = vector.extract %slice3A_651[0] : f32 from vector<1xf32>
    %slice3A_653 = vector.extract_strided_slice %get3A_592 {offsets = [14], sizes = [1], strides = [1]} : vector<16xf32> to vector<1xf32>
    %squeeze3A_654 = vector.extract %slice3A_653[0] : f32 from vector<1xf32>
    %slice3A_655 = vector.extract_strided_slice %get3A_592 {offsets = [15], sizes = [1], strides = [1]} : vector<16xf32> to vector<1xf32>
    %squeeze3A_656 = vector.extract %slice3A_655[0] : f32 from vector<1xf32>
    %get3A_657 = arith.constant 8 : i32
    %get3A_658 = arith.index_cast %get3A_657 : i32 to index
    %get3A_659 = arith.constant 0 : index
    %get3A_660 = tpu.vector_load %arg8[%get3A_658, %get3A_659] {strides = array<i32>} : memref<16x32xf32, #tpu.memory_space<vmem>>, vector<1x16xf32>,
    %get3A_661 = vector.shape_cast %get3A_660 : vector<1x16xf32> to vector<16xf32>
    %get3A_662 = arith.constant 8 : i32
    %get3A_663 = arith.index_cast %get3A_662 : i32 to index
    %get3A_664 = arith.constant 16 : index
    %get3A_665 = tpu.vector_load %arg8[%get3A_663, %get3A_664] {strides = array<i32>} : memref<16x32xf32, #tpu.memory_space<vmem>>, vector<1x16xf32>,
    %get3A_666 = vector.shape_cast %get3A_665 : vector<1x16xf32> to vector<16xf32>
    %slice3A_667 = vector.extract_strided_slice %get3A_661 {offsets = [0], sizes = [1], strides = [1]} : vector<16xf32> to vector<1xf32>
    %squeeze3A_668 = vector.extract %slice3A_667[0] : f32 from vector<1xf32>
    %slice3A_669 = vector.extract_strided_slice %get3A_661 {offsets = [1], sizes = [1], strides = [1]} : vector<16xf32> to vector<1xf32>
    %squeeze3A_670 = vector.extract %slice3A_669[0] : f32 from vector<1xf32>
    %slice3A_671 = vector.extract_strided_slice %get3A_661 {offsets = [2], sizes = [1], strides = [1]} : vector<16xf32> to vector<1xf32>
    %squeeze3A_672 = vector.extract %slice3A_671[0] : f32 from vector<1xf32>
    %slice3A_673 = vector.extract_strided_slice %get3A_661 {offsets = [3], sizes = [1], strides = [1]} : vector<16xf32> to vector<1xf32>
    %squeeze3A_674 = vector.extract %slice3A_673[0] : f32 from vector<1xf32>
    %slice3A_675 = vector.extract_strided_slice %get3A_661 {offsets = [4], sizes = [1], strides = [1]} : vector<16xf32> to vector<1xf32>
    %squeeze3A_676 = vector.extract %slice3A_675[0] : f32 from vector<1xf32>
    %slice3A_677 = vector.extract_strided_slice %get3A_661 {offsets = [5], sizes = [1], strides = [1]} : vector<16xf32> to vector<1xf32>
    %squeeze3A_678 = vector.extract %slice3A_677[0] : f32 from vector<1xf32>
    %slice3A_679 = vector.extract_strided_slice %get3A_661 {offsets = [6], sizes = [1], strides = [1]} : vector<16xf32> to vector<1xf32>
    %squeeze3A_680 = vector.extract %slice3A_679[0] : f32 from vector<1xf32>
    %slice3A_681 = vector.extract_strided_slice %get3A_661 {offsets = [7], sizes = [1], strides = [1]} : vector<16xf32> to vector<1xf32>
    %squeeze3A_682 = vector.extract %slice3A_681[0] : f32 from vector<1xf32>
    %slice3A_683 = vector.extract_strided_slice %get3A_661 {offsets = [8], sizes = [1], strides = [1]} : vector<16xf32> to vector<1xf32>
    %squeeze3A_684 = vector.extract %slice3A_683[0] : f32 from vector<1xf32>
    %slice3A_685 = vector.extract_strided_slice %get3A_661 {offsets = [9], sizes = [1], strides = [1]} : vector<16xf32> to vector<1xf32>
    %squeeze3A_686 = vector.extract %slice3A_685[0] : f32 from vector<1xf32>
    %slice3A_687 = vector.extract_strided_slice %get3A_661 {offsets = [10], sizes = [1], strides = [1]} : vector<16xf32> to vector<1xf32>
    %squeeze3A_688 = vector.extract %slice3A_687[0] : f32 from vector<1xf32>
    %slice3A_689 = vector.extract_strided_slice %get3A_661 {offsets = [11], sizes = [1], strides = [1]} : vector<16xf32> to vector<1xf32>
    %squeeze3A_690 = vector.extract %slice3A_689[0] : f32 from vector<1xf32>
    %slice3A_691 = vector.extract_strided_slice %get3A_661 {offsets = [12], sizes = [1], strides = [1]} : vector<16xf32> to vector<1xf32>
    %squeeze3A_692 = vector.extract %slice3A_691[0] : f32 from vector<1xf32>
    %slice3A_693 = vector.extract_strided_slice %get3A_661 {offsets = [13], sizes = [1], strides = [1]} : vector<16xf32> to vector<1xf32>
    %squeeze3A_694 = vector.extract %slice3A_693[0] : f32 from vector<1xf32>
    %slice3A_695 = vector.extract_strided_slice %get3A_661 {offsets = [14], sizes = [1], strides = [1]} : vector<16xf32> to vector<1xf32>
    %squeeze3A_696 = vector.extract %slice3A_695[0] : f32 from vector<1xf32>
    %slice3A_697 = vector.extract_strided_slice %get3A_661 {offsets = [15], sizes = [1], strides = [1]} : vector<16xf32> to vector<1xf32>
    %squeeze3A_698 = vector.extract %slice3A_697[0] : f32 from vector<1xf32>
    %slice3A_699 = vector.extract_strided_slice %get3A_666 {offsets = [0], sizes = [1], strides = [1]} : vector<16xf32> to vector<1xf32>
    %squeeze3A_700 = vector.extract %slice3A_699[0] : f32 from vector<1xf32>
    %slice3A_701 = vector.extract_strided_slice %get3A_666 {offsets = [1], sizes = [1], strides = [1]} : vector<16xf32> to vector<1xf32>
    %squeeze3A_702 = vector.extract %slice3A_701[0] : f32 from vector<1xf32>
    %slice3A_703 = vector.extract_strided_slice %get3A_666 {offsets = [2], sizes = [1], strides = [1]} : vector<16xf32> to vector<1xf32>
    %squeeze3A_704 = vector.extract %slice3A_703[0] : f32 from vector<1xf32>
    %slice3A_705 = vector.extract_strided_slice %get3A_666 {offsets = [3], sizes = [1], strides = [1]} : vector<16xf32> to vector<1xf32>
    %squeeze3A_706 = vector.extract %slice3A_705[0] : f32 from vector<1xf32>
    %slice3A_707 = vector.extract_strided_slice %get3A_666 {offsets = [4], sizes = [1], strides = [1]} : vector<16xf32> to vector<1xf32>
    %squeeze3A_708 = vector.extract %slice3A_707[0] : f32 from vector<1xf32>
    %slice3A_709 = vector.extract_strided_slice %get3A_666 {offsets = [5], sizes = [1], strides = [1]} : vector<16xf32> to vector<1xf32>
    %squeeze3A_710 = vector.extract %slice3A_709[0] : f32 from vector<1xf32>
    %slice3A_711 = vector.extract_strided_slice %get3A_666 {offsets = [6], sizes = [1], strides = [1]} : vector<16xf32> to vector<1xf32>
    %squeeze3A_712 = vector.extract %slice3A_711[0] : f32 from vector<1xf32>
    %slice3A_713 = vector.extract_strided_slice %get3A_666 {offsets = [7], sizes = [1], strides = [1]} : vector<16xf32> to vector<1xf32>
    %squeeze3A_714 = vector.extract %slice3A_713[0] : f32 from vector<1xf32>
    %slice3A_715 = vector.extract_strided_slice %get3A_666 {offsets = [8], sizes = [1], strides = [1]} : vector<16xf32> to vector<1xf32>
    %squeeze3A_716 = vector.extract %slice3A_715[0] : f32 from vector<1xf32>
    %slice3A_717 = vector.extract_strided_slice %get3A_666 {offsets = [9], sizes = [1], strides = [1]} : vector<16xf32> to vector<1xf32>
    %squeeze3A_718 = vector.extract %slice3A_717[0] : f32 from vector<1xf32>
    %slice3A_719 = vector.extract_strided_slice %get3A_666 {offsets = [10], sizes = [1], strides = [1]} : vector<16xf32> to vector<1xf32>
    %squeeze3A_720 = vector.extract %slice3A_719[0] : f32 from vector<1xf32>
    %slice3A_721 = vector.extract_strided_slice %get3A_666 {offsets = [11], sizes = [1], strides = [1]} : vector<16xf32> to vector<1xf32>
    %squeeze3A_722 = vector.extract %slice3A_721[0] : f32 from vector<1xf32>
    %slice3A_723 = vector.extract_strided_slice %get3A_666 {offsets = [12], sizes = [1], strides = [1]} : vector<16xf32> to vector<1xf32>
    %squeeze3A_724 = vector.extract %slice3A_723[0] : f32 from vector<1xf32>
    %slice3A_725 = vector.extract_strided_slice %get3A_666 {offsets = [13], sizes = [1], strides = [1]} : vector<16xf32> to vector<1xf32>
    %squeeze3A_726 = vector.extract %slice3A_725[0] : f32 from vector<1xf32>
    %slice3A_727 = vector.extract_strided_slice %get3A_666 {offsets = [14], sizes = [1], strides = [1]} : vector<16xf32> to vector<1xf32>
    %squeeze3A_728 = vector.extract %slice3A_727[0] : f32 from vector<1xf32>
    %slice3A_729 = vector.extract_strided_slice %get3A_666 {offsets = [15], sizes = [1], strides = [1]} : vector<16xf32> to vector<1xf32>
    %squeeze3A_730 = vector.extract %slice3A_729[0] : f32 from vector<1xf32>
    %get3A_731 = arith.constant 9 : i32
    %get3A_732 = arith.index_cast %get3A_731 : i32 to index
    %get3A_733 = arith.constant 0 : index
    %get3A_734 = tpu.vector_load %arg8[%get3A_732, %get3A_733] {strides = array<i32>} : memref<16x32xf32, #tpu.memory_space<vmem>>, vector<1x16xf32>,
    %get3A_735 = vector.shape_cast %get3A_734 : vector<1x16xf32> to vector<16xf32>
    %get3A_736 = arith.constant 9 : i32
    %get3A_737 = arith.index_cast %get3A_736 : i32 to index
    %get3A_738 = arith.constant 16 : index
    %get3A_739 = tpu.vector_load %arg8[%get3A_737, %get3A_738] {strides = array<i32>} : memref<16x32xf32, #tpu.memory_space<vmem>>, vector<1x16xf32>,
    %get3A_740 = vector.shape_cast %get3A_739 : vector<1x16xf32> to vector<16xf32>
    %slice3A_741 = vector.extract_strided_slice %get3A_735 {offsets = [0], sizes = [1], strides = [1]} : vector<16xf32> to vector<1xf32>
    %squeeze3A_742 = vector.extract %slice3A_741[0] : f32 from vector<1xf32>
    %slice3A_743 = vector.extract_strided_slice %get3A_735 {offsets = [1], sizes = [1], strides = [1]} : vector<16xf32> to vector<1xf32>
    %squeeze3A_744 = vector.extract %slice3A_743[0] : f32 from vector<1xf32>
    %slice3A_745 = vector.extract_strided_slice %get3A_735 {offsets = [2], sizes = [1], strides = [1]} : vector<16xf32> to vector<1xf32>
    %squeeze3A_746 = vector.extract %slice3A_745[0] : f32 from vector<1xf32>
    %slice3A_747 = vector.extract_strided_slice %get3A_735 {offsets = [3], sizes = [1], strides = [1]} : vector<16xf32> to vector<1xf32>
    %squeeze3A_748 = vector.extract %slice3A_747[0] : f32 from vector<1xf32>
    %slice3A_749 = vector.extract_strided_slice %get3A_735 {offsets = [4], sizes = [1], strides = [1]} : vector<16xf32> to vector<1xf32>
    %squeeze3A_750 = vector.extract %slice3A_749[0] : f32 from vector<1xf32>
    %slice3A_751 = vector.extract_strided_slice %get3A_735 {offsets = [5], sizes = [1], strides = [1]} : vector<16xf32> to vector<1xf32>
    %squeeze3A_752 = vector.extract %slice3A_751[0] : f32 from vector<1xf32>
    %slice3A_753 = vector.extract_strided_slice %get3A_735 {offsets = [6], sizes = [1], strides = [1]} : vector<16xf32> to vector<1xf32>
    %squeeze3A_754 = vector.extract %slice3A_753[0] : f32 from vector<1xf32>
    %slice3A_755 = vector.extract_strided_slice %get3A_735 {offsets = [7], sizes = [1], strides = [1]} : vector<16xf32> to vector<1xf32>
    %squeeze3A_756 = vector.extract %slice3A_755[0] : f32 from vector<1xf32>
    %slice3A_757 = vector.extract_strided_slice %get3A_735 {offsets = [8], sizes = [1], strides = [1]} : vector<16xf32> to vector<1xf32>
    %squeeze3A_758 = vector.extract %slice3A_757[0] : f32 from vector<1xf32>
    %slice3A_759 = vector.extract_strided_slice %get3A_735 {offsets = [9], sizes = [1], strides = [1]} : vector<16xf32> to vector<1xf32>
    %squeeze3A_760 = vector.extract %slice3A_759[0] : f32 from vector<1xf32>
    %slice3A_761 = vector.extract_strided_slice %get3A_735 {offsets = [10], sizes = [1], strides = [1]} : vector<16xf32> to vector<1xf32>
    %squeeze3A_762 = vector.extract %slice3A_761[0] : f32 from vector<1xf32>
    %slice3A_763 = vector.extract_strided_slice %get3A_735 {offsets = [11], sizes = [1], strides = [1]} : vector<16xf32> to vector<1xf32>
    %squeeze3A_764 = vector.extract %slice3A_763[0] : f32 from vector<1xf32>
    %slice3A_765 = vector.extract_strided_slice %get3A_735 {offsets = [12], sizes = [1], strides = [1]} : vector<16xf32> to vector<1xf32>
    %squeeze3A_766 = vector.extract %slice3A_765[0] : f32 from vector<1xf32>
    %slice3A_767 = vector.extract_strided_slice %get3A_735 {offsets = [13], sizes = [1], strides = [1]} : vector<16xf32> to vector<1xf32>
    %squeeze3A_768 = vector.extract %slice3A_767[0] : f32 from vector<1xf32>
    %slice3A_769 = vector.extract_strided_slice %get3A_735 {offsets = [14], sizes = [1], strides = [1]} : vector<16xf32> to vector<1xf32>
    %squeeze3A_770 = vector.extract %slice3A_769[0] : f32 from vector<1xf32>
    %slice3A_771 = vector.extract_strided_slice %get3A_735 {offsets = [15], sizes = [1], strides = [1]} : vector<16xf32> to vector<1xf32>
    %squeeze3A_772 = vector.extract %slice3A_771[0] : f32 from vector<1xf32>
    %slice3A_773 = vector.extract_strided_slice %get3A_740 {offsets = [0], sizes = [1], strides = [1]} : vector<16xf32> to vector<1xf32>
    %squeeze3A_774 = vector.extract %slice3A_773[0] : f32 from vector<1xf32>
    %slice3A_775 = vector.extract_strided_slice %get3A_740 {offsets = [1], sizes = [1], strides = [1]} : vector<16xf32> to vector<1xf32>
    %squeeze3A_776 = vector.extract %slice3A_775[0] : f32 from vector<1xf32>
    %slice3A_777 = vector.extract_strided_slice %get3A_740 {offsets = [2], sizes = [1], strides = [1]} : vector<16xf32> to vector<1xf32>
    %squeeze3A_778 = vector.extract %slice3A_777[0] : f32 from vector<1xf32>
    %slice3A_779 = vector.extract_strided_slice %get3A_740 {offsets = [3], sizes = [1], strides = [1]} : vector<16xf32> to vector<1xf32>
    %squeeze3A_780 = vector.extract %slice3A_779[0] : f32 from vector<1xf32>
    %slice3A_781 = vector.extract_strided_slice %get3A_740 {offsets = [4], sizes = [1], strides = [1]} : vector<16xf32> to vector<1xf32>
    %squeeze3A_782 = vector.extract %slice3A_781[0] : f32 from vector<1xf32>
    %slice3A_783 = vector.extract_strided_slice %get3A_740 {offsets = [5], sizes = [1], strides = [1]} : vector<16xf32> to vector<1xf32>
    %squeeze3A_784 = vector.extract %slice3A_783[0] : f32 from vector<1xf32>
    %slice3A_785 = vector.extract_strided_slice %get3A_740 {offsets = [6], sizes = [1], strides = [1]} : vector<16xf32> to vector<1xf32>
    %squeeze3A_786 = vector.extract %slice3A_785[0] : f32 from vector<1xf32>
    %slice3A_787 = vector.extract_strided_slice %get3A_740 {offsets = [7], sizes = [1], strides = [1]} : vector<16xf32> to vector<1xf32>
    %squeeze3A_788 = vector.extract %slice3A_787[0] : f32 from vector<1xf32>
    %slice3A_789 = vector.extract_strided_slice %get3A_740 {offsets = [8], sizes = [1], strides = [1]} : vector<16xf32> to vector<1xf32>
    %squeeze3A_790 = vector.extract %slice3A_789[0] : f32 from vector<1xf32>
    %slice3A_791 = vector.extract_strided_slice %get3A_740 {offsets = [9], sizes = [1], strides = [1]} : vector<16xf32> to vector<1xf32>
    %squeeze3A_792 = vector.extract %slice3A_791[0] : f32 from vector<1xf32>
    %slice3A_793 = vector.extract_strided_slice %get3A_740 {offsets = [10], sizes = [1], strides = [1]} : vector<16xf32> to vector<1xf32>
    %squeeze3A_794 = vector.extract %slice3A_793[0] : f32 from vector<1xf32>
    %slice3A_795 = vector.extract_strided_slice %get3A_740 {offsets = [11], sizes = [1], strides = [1]} : vector<16xf32> to vector<1xf32>
    %squeeze3A_796 = vector.extract %slice3A_795[0] : f32 from vector<1xf32>
    %slice3A_797 = vector.extract_strided_slice %get3A_740 {offsets = [12], sizes = [1], strides = [1]} : vector<16xf32> to vector<1xf32>
    %squeeze3A_798 = vector.extract %slice3A_797[0] : f32 from vector<1xf32>
    %slice3A_799 = vector.extract_strided_slice %get3A_740 {offsets = [13], sizes = [1], strides = [1]} : vector<16xf32> to vector<1xf32>
    %squeeze3A_800 = vector.extract %slice3A_799[0] : f32 from vector<1xf32>
    %slice3A_801 = vector.extract_strided_slice %get3A_740 {offsets = [14], sizes = [1], strides = [1]} : vector<16xf32> to vector<1xf32>
    %squeeze3A_802 = vector.extract %slice3A_801[0] : f32 from vector<1xf32>
    %slice3A_803 = vector.extract_strided_slice %get3A_740 {offsets = [15], sizes = [1], strides = [1]} : vector<16xf32> to vector<1xf32>
    %squeeze3A_804 = vector.extract %slice3A_803[0] : f32 from vector<1xf32>
    %get3A_805 = arith.constant 10 : i32
    %get3A_806 = arith.index_cast %get3A_805 : i32 to index
    %get3A_807 = arith.constant 0 : index
    %get3A_808 = tpu.vector_load %arg8[%get3A_806, %get3A_807] {strides = array<i32>} : memref<16x32xf32, #tpu.memory_space<vmem>>, vector<1x16xf32>,
    %get3A_809 = vector.shape_cast %get3A_808 : vector<1x16xf32> to vector<16xf32>
    %get3A_810 = arith.constant 10 : i32
    %get3A_811 = arith.index_cast %get3A_810 : i32 to index
    %get3A_812 = arith.constant 16 : index
    %get3A_813 = tpu.vector_load %arg8[%get3A_811, %get3A_812] {strides = array<i32>} : memref<16x32xf32, #tpu.memory_space<vmem>>, vector<1x16xf32>,
    %get3A_814 = vector.shape_cast %get3A_813 : vector<1x16xf32> to vector<16xf32>
    %slice3A_815 = vector.extract_strided_slice %get3A_809 {offsets = [0], sizes = [1], strides = [1]} : vector<16xf32> to vector<1xf32>
    %squeeze3A_816 = vector.extract %slice3A_815[0] : f32 from vector<1xf32>
    %slice3A_817 = vector.extract_strided_slice %get3A_809 {offsets = [1], sizes = [1], strides = [1]} : vector<16xf32> to vector<1xf32>
    %squeeze3A_818 = vector.extract %slice3A_817[0] : f32 from vector<1xf32>
    %slice3A_819 = vector.extract_strided_slice %get3A_809 {offsets = [2], sizes = [1], strides = [1]} : vector<16xf32> to vector<1xf32>
    %squeeze3A_820 = vector.extract %slice3A_819[0] : f32 from vector<1xf32>
    %slice3A_821 = vector.extract_strided_slice %get3A_809 {offsets = [3], sizes = [1], strides = [1]} : vector<16xf32> to vector<1xf32>
    %squeeze3A_822 = vector.extract %slice3A_821[0] : f32 from vector<1xf32>
    %slice3A_823 = vector.extract_strided_slice %get3A_809 {offsets = [4], sizes = [1], strides = [1]} : vector<16xf32> to vector<1xf32>
    %squeeze3A_824 = vector.extract %slice3A_823[0] : f32 from vector<1xf32>
    %slice3A_825 = vector.extract_strided_slice %get3A_809 {offsets = [5], sizes = [1], strides = [1]} : vector<16xf32> to vector<1xf32>
    %squeeze3A_826 = vector.extract %slice3A_825[0] : f32 from vector<1xf32>
    %slice3A_827 = vector.extract_strided_slice %get3A_809 {offsets = [6], sizes = [1], strides = [1]} : vector<16xf32> to vector<1xf32>
    %squeeze3A_828 = vector.extract %slice3A_827[0] : f32 from vector<1xf32>
    %slice3A_829 = vector.extract_strided_slice %get3A_809 {offsets = [7], sizes = [1], strides = [1]} : vector<16xf32> to vector<1xf32>
    %squeeze3A_830 = vector.extract %slice3A_829[0] : f32 from vector<1xf32>
    %slice3A_831 = vector.extract_strided_slice %get3A_809 {offsets = [8], sizes = [1], strides = [1]} : vector<16xf32> to vector<1xf32>
    %squeeze3A_832 = vector.extract %slice3A_831[0] : f32 from vector<1xf32>
    %slice3A_833 = vector.extract_strided_slice %get3A_809 {offsets = [9], sizes = [1], strides = [1]} : vector<16xf32> to vector<1xf32>
    %squeeze3A_834 = vector.extract %slice3A_833[0] : f32 from vector<1xf32>
    %slice3A_835 = vector.extract_strided_slice %get3A_809 {offsets = [10], sizes = [1], strides = [1]} : vector<16xf32> to vector<1xf32>
    %squeeze3A_836 = vector.extract %slice3A_835[0] : f32 from vector<1xf32>
    %slice3A_837 = vector.extract_strided_slice %get3A_809 {offsets = [11], sizes = [1], strides = [1]} : vector<16xf32> to vector<1xf32>
    %squeeze3A_838 = vector.extract %slice3A_837[0] : f32 from vector<1xf32>
    %slice3A_839 = vector.extract_strided_slice %get3A_809 {offsets = [12], sizes = [1], strides = [1]} : vector<16xf32> to vector<1xf32>
    %squeeze3A_840 = vector.extract %slice3A_839[0] : f32 from vector<1xf32>
    %slice3A_841 = vector.extract_strided_slice %get3A_809 {offsets = [13], sizes = [1], strides = [1]} : vector<16xf32> to vector<1xf32>
    %squeeze3A_842 = vector.extract %slice3A_841[0] : f32 from vector<1xf32>
    %slice3A_843 = vector.extract_strided_slice %get3A_809 {offsets = [14], sizes = [1], strides = [1]} : vector<16xf32> to vector<1xf32>
    %squeeze3A_844 = vector.extract %slice3A_843[0] : f32 from vector<1xf32>
    %slice3A_845 = vector.extract_strided_slice %get3A_809 {offsets = [15], sizes = [1], strides = [1]} : vector<16xf32> to vector<1xf32>
    %squeeze3A_846 = vector.extract %slice3A_845[0] : f32 from vector<1xf32>
    %slice3A_847 = vector.extract_strided_slice %get3A_814 {offsets = [0], sizes = [1], strides = [1]} : vector<16xf32> to vector<1xf32>
    %squeeze3A_848 = vector.extract %slice3A_847[0] : f32 from vector<1xf32>
    %slice3A_849 = vector.extract_strided_slice %get3A_814 {offsets = [1], sizes = [1], strides = [1]} : vector<16xf32> to vector<1xf32>
    %squeeze3A_850 = vector.extract %slice3A_849[0] : f32 from vector<1xf32>
    %slice3A_851 = vector.extract_strided_slice %get3A_814 {offsets = [2], sizes = [1], strides = [1]} : vector<16xf32> to vector<1xf32>
    %squeeze3A_852 = vector.extract %slice3A_851[0] : f32 from vector<1xf32>
    %slice3A_853 = vector.extract_strided_slice %get3A_814 {offsets = [3], sizes = [1], strides = [1]} : vector<16xf32> to vector<1xf32>
    %squeeze3A_854 = vector.extract %slice3A_853[0] : f32 from vector<1xf32>
    %slice3A_855 = vector.extract_strided_slice %get3A_814 {offsets = [4], sizes = [1], strides = [1]} : vector<16xf32> to vector<1xf32>
    %squeeze3A_856 = vector.extract %slice3A_855[0] : f32 from vector<1xf32>
    %slice3A_857 = vector.extract_strided_slice %get3A_814 {offsets = [5], sizes = [1], strides = [1]} : vector<16xf32> to vector<1xf32>
    %squeeze3A_858 = vector.extract %slice3A_857[0] : f32 from vector<1xf32>
    %slice3A_859 = vector.extract_strided_slice %get3A_814 {offsets = [6], sizes = [1], strides = [1]} : vector<16xf32> to vector<1xf32>
    %squeeze3A_860 = vector.extract %slice3A_859[0] : f32 from vector<1xf32>
    %slice3A_861 = vector.extract_strided_slice %get3A_814 {offsets = [7], sizes = [1], strides = [1]} : vector<16xf32> to vector<1xf32>
    %squeeze3A_862 = vector.extract %slice3A_861[0] : f32 from vector<1xf32>
    %slice3A_863 = vector.extract_strided_slice %get3A_814 {offsets = [8], sizes = [1], strides = [1]} : vector<16xf32> to vector<1xf32>
    %squeeze3A_864 = vector.extract %slice3A_863[0] : f32 from vector<1xf32>
    %slice3A_865 = vector.extract_strided_slice %get3A_814 {offsets = [9], sizes = [1], strides = [1]} : vector<16xf32> to vector<1xf32>
    %squeeze3A_866 = vector.extract %slice3A_865[0] : f32 from vector<1xf32>
    %slice3A_867 = vector.extract_strided_slice %get3A_814 {offsets = [10], sizes = [1], strides = [1]} : vector<16xf32> to vector<1xf32>
    %squeeze3A_868 = vector.extract %slice3A_867[0] : f32 from vector<1xf32>
    %slice3A_869 = vector.extract_strided_slice %get3A_814 {offsets = [11], sizes = [1], strides = [1]} : vector<16xf32> to vector<1xf32>
    %squeeze3A_870 = vector.extract %slice3A_869[0] : f32 from vector<1xf32>
    %slice3A_871 = vector.extract_strided_slice %get3A_814 {offsets = [12], sizes = [1], strides = [1]} : vector<16xf32> to vector<1xf32>
    %squeeze3A_872 = vector.extract %slice3A_871[0] : f32 from vector<1xf32>
    %slice3A_873 = vector.extract_strided_slice %get3A_814 {offsets = [13], sizes = [1], strides = [1]} : vector<16xf32> to vector<1xf32>
    %squeeze3A_874 = vector.extract %slice3A_873[0] : f32 from vector<1xf32>
    %slice3A_875 = vector.extract_strided_slice %get3A_814 {offsets = [14], sizes = [1], strides = [1]} : vector<16xf32> to vector<1xf32>
    %squeeze3A_876 = vector.extract %slice3A_875[0] : f32 from vector<1xf32>
    %slice3A_877 = vector.extract_strided_slice %get3A_814 {offsets = [15], sizes = [1], strides = [1]} : vector<16xf32> to vector<1xf32>
    %squeeze3A_878 = vector.extract %slice3A_877[0] : f32 from vector<1xf32>
    %get3A_879 = arith.constant 11 : i32
    %get3A_880 = arith.index_cast %get3A_879 : i32 to index
    %get3A_881 = arith.constant 0 : index
    %get3A_882 = tpu.vector_load %arg8[%get3A_880, %get3A_881] {strides = array<i32>} : memref<16x32xf32, #tpu.memory_space<vmem>>, vector<1x16xf32>,
    %get3A_883 = vector.shape_cast %get3A_882 : vector<1x16xf32> to vector<16xf32>
    %get3A_884 = arith.constant 11 : i32
    %get3A_885 = arith.index_cast %get3A_884 : i32 to index
    %get3A_886 = arith.constant 16 : index
    %get3A_887 = tpu.vector_load %arg8[%get3A_885, %get3A_886] {strides = array<i32>} : memref<16x32xf32, #tpu.memory_space<vmem>>, vector<1x16xf32>,
    %get3A_888 = vector.shape_cast %get3A_887 : vector<1x16xf32> to vector<16xf32>
    %slice3A_889 = vector.extract_strided_slice %get3A_883 {offsets = [0], sizes = [1], strides = [1]} : vector<16xf32> to vector<1xf32>
    %squeeze3A_890 = vector.extract %slice3A_889[0] : f32 from vector<1xf32>
    %slice3A_891 = vector.extract_strided_slice %get3A_883 {offsets = [1], sizes = [1], strides = [1]} : vector<16xf32> to vector<1xf32>
    %squeeze3A_892 = vector.extract %slice3A_891[0] : f32 from vector<1xf32>
    %slice3A_893 = vector.extract_strided_slice %get3A_883 {offsets = [2], sizes = [1], strides = [1]} : vector<16xf32> to vector<1xf32>
    %squeeze3A_894 = vector.extract %slice3A_893[0] : f32 from vector<1xf32>
    %slice3A_895 = vector.extract_strided_slice %get3A_883 {offsets = [3], sizes = [1], strides = [1]} : vector<16xf32> to vector<1xf32>
    %squeeze3A_896 = vector.extract %slice3A_895[0] : f32 from vector<1xf32>
    %slice3A_897 = vector.extract_strided_slice %get3A_883 {offsets = [4], sizes = [1], strides = [1]} : vector<16xf32> to vector<1xf32>
    %squeeze3A_898 = vector.extract %slice3A_897[0] : f32 from vector<1xf32>
    %slice3A_899 = vector.extract_strided_slice %get3A_883 {offsets = [5], sizes = [1], strides = [1]} : vector<16xf32> to vector<1xf32>
    %squeeze3A_900 = vector.extract %slice3A_899[0] : f32 from vector<1xf32>
    %slice3A_901 = vector.extract_strided_slice %get3A_883 {offsets = [6], sizes = [1], strides = [1]} : vector<16xf32> to vector<1xf32>
    %squeeze3A_902 = vector.extract %slice3A_901[0] : f32 from vector<1xf32>
    %slice3A_903 = vector.extract_strided_slice %get3A_883 {offsets = [7], sizes = [1], strides = [1]} : vector<16xf32> to vector<1xf32>
    %squeeze3A_904 = vector.extract %slice3A_903[0] : f32 from vector<1xf32>
    %slice3A_905 = vector.extract_strided_slice %get3A_883 {offsets = [8], sizes = [1], strides = [1]} : vector<16xf32> to vector<1xf32>
    %squeeze3A_906 = vector.extract %slice3A_905[0] : f32 from vector<1xf32>
    %slice3A_907 = vector.extract_strided_slice %get3A_883 {offsets = [9], sizes = [1], strides = [1]} : vector<16xf32> to vector<1xf32>
    %squeeze3A_908 = vector.extract %slice3A_907[0] : f32 from vector<1xf32>
    %slice3A_909 = vector.extract_strided_slice %get3A_883 {offsets = [10], sizes = [1], strides = [1]} : vector<16xf32> to vector<1xf32>
    %squeeze3A_910 = vector.extract %slice3A_909[0] : f32 from vector<1xf32>
    %slice3A_911 = vector.extract_strided_slice %get3A_883 {offsets = [11], sizes = [1], strides = [1]} : vector<16xf32> to vector<1xf32>
    %squeeze3A_912 = vector.extract %slice3A_911[0] : f32 from vector<1xf32>
    %slice3A_913 = vector.extract_strided_slice %get3A_883 {offsets = [12], sizes = [1], strides = [1]} : vector<16xf32> to vector<1xf32>
    %squeeze3A_914 = vector.extract %slice3A_913[0] : f32 from vector<1xf32>
    %slice3A_915 = vector.extract_strided_slice %get3A_883 {offsets = [13], sizes = [1], strides = [1]} : vector<16xf32> to vector<1xf32>
    %squeeze3A_916 = vector.extract %slice3A_915[0] : f32 from vector<1xf32>
    %slice3A_917 = vector.extract_strided_slice %get3A_883 {offsets = [14], sizes = [1], strides = [1]} : vector<16xf32> to vector<1xf32>
    %squeeze3A_918 = vector.extract %slice3A_917[0] : f32 from vector<1xf32>
    %slice3A_919 = vector.extract_strided_slice %get3A_883 {offsets = [15], sizes = [1], strides = [1]} : vector<16xf32> to vector<1xf32>
    %squeeze3A_920 = vector.extract %slice3A_919[0] : f32 from vector<1xf32>
    %slice3A_921 = vector.extract_strided_slice %get3A_888 {offsets = [0], sizes = [1], strides = [1]} : vector<16xf32> to vector<1xf32>
    %squeeze3A_922 = vector.extract %slice3A_921[0] : f32 from vector<1xf32>
    %slice3A_923 = vector.extract_strided_slice %get3A_888 {offsets = [1], sizes = [1], strides = [1]} : vector<16xf32> to vector<1xf32>
    %squeeze3A_924 = vector.extract %slice3A_923[0] : f32 from vector<1xf32>
    %slice3A_925 = vector.extract_strided_slice %get3A_888 {offsets = [2], sizes = [1], strides = [1]} : vector<16xf32> to vector<1xf32>
    %squeeze3A_926 = vector.extract %slice3A_925[0] : f32 from vector<1xf32>
    %slice3A_927 = vector.extract_strided_slice %get3A_888 {offsets = [3], sizes = [1], strides = [1]} : vector<16xf32> to vector<1xf32>
    %squeeze3A_928 = vector.extract %slice3A_927[0] : f32 from vector<1xf32>
    %slice3A_929 = vector.extract_strided_slice %get3A_888 {offsets = [4], sizes = [1], strides = [1]} : vector<16xf32> to vector<1xf32>
    %squeeze3A_930 = vector.extract %slice3A_929[0] : f32 from vector<1xf32>
    %slice3A_931 = vector.extract_strided_slice %get3A_888 {offsets = [5], sizes = [1], strides = [1]} : vector<16xf32> to vector<1xf32>
    %squeeze3A_932 = vector.extract %slice3A_931[0] : f32 from vector<1xf32>
    %slice3A_933 = vector.extract_strided_slice %get3A_888 {offsets = [6], sizes = [1], strides = [1]} : vector<16xf32> to vector<1xf32>
    %squeeze3A_934 = vector.extract %slice3A_933[0] : f32 from vector<1xf32>
    %slice3A_935 = vector.extract_strided_slice %get3A_888 {offsets = [7], sizes = [1], strides = [1]} : vector<16xf32> to vector<1xf32>
    %squeeze3A_936 = vector.extract %slice3A_935[0] : f32 from vector<1xf32>
    %slice3A_937 = vector.extract_strided_slice %get3A_888 {offsets = [8], sizes = [1], strides = [1]} : vector<16xf32> to vector<1xf32>
    %squeeze3A_938 = vector.extract %slice3A_937[0] : f32 from vector<1xf32>
    %slice3A_939 = vector.extract_strided_slice %get3A_888 {offsets = [9], sizes = [1], strides = [1]} : vector<16xf32> to vector<1xf32>
    %squeeze3A_940 = vector.extract %slice3A_939[0] : f32 from vector<1xf32>
    %slice3A_941 = vector.extract_strided_slice %get3A_888 {offsets = [10], sizes = [1], strides = [1]} : vector<16xf32> to vector<1xf32>
    %squeeze3A_942 = vector.extract %slice3A_941[0] : f32 from vector<1xf32>
    %slice3A_943 = vector.extract_strided_slice %get3A_888 {offsets = [11], sizes = [1], strides = [1]} : vector<16xf32> to vector<1xf32>
    %squeeze3A_944 = vector.extract %slice3A_943[0] : f32 from vector<1xf32>
    %slice3A_945 = vector.extract_strided_slice %get3A_888 {offsets = [12], sizes = [1], strides = [1]} : vector<16xf32> to vector<1xf32>
    %squeeze3A_946 = vector.extract %slice3A_945[0] : f32 from vector<1xf32>
    %slice3A_947 = vector.extract_strided_slice %get3A_888 {offsets = [13], sizes = [1], strides = [1]} : vector<16xf32> to vector<1xf32>
    %squeeze3A_948 = vector.extract %slice3A_947[0] : f32 from vector<1xf32>
    %slice3A_949 = vector.extract_strided_slice %get3A_888 {offsets = [14], sizes = [1], strides = [1]} : vector<16xf32> to vector<1xf32>
    %squeeze3A_950 = vector.extract %slice3A_949[0] : f32 from vector<1xf32>
    %slice3A_951 = vector.extract_strided_slice %get3A_888 {offsets = [15], sizes = [1], strides = [1]} : vector<16xf32> to vector<1xf32>
    %squeeze3A_952 = vector.extract %slice3A_951[0] : f32 from vector<1xf32>
    %get3A_953 = arith.constant 12 : i32
    %get3A_954 = arith.index_cast %get3A_953 : i32 to index
    %get3A_955 = arith.constant 0 : index
    %get3A_956 = tpu.vector_load %arg8[%get3A_954, %get3A_955] {strides = array<i32>} : memref<16x32xf32, #tpu.memory_space<vmem>>, vector<1x16xf32>,
    %get3A_957 = vector.shape_cast %get3A_956 : vector<1x16xf32> to vector<16xf32>
    %get3A_958 = arith.constant 12 : i32
    %get3A_959 = arith.index_cast %get3A_958 : i32 to index
    %get3A_960 = arith.constant 16 : index
    %get3A_961 = tpu.vector_load %arg8[%get3A_959, %get3A_960] {strides = array<i32>} : memref<16x32xf32, #tpu.memory_space<vmem>>, vector<1x16xf32>,
    %get3A_962 = vector.shape_cast %get3A_961 : vector<1x16xf32> to vector<16xf32>
    %slice3A_963 = vector.extract_strided_slice %get3A_957 {offsets = [0], sizes = [1], strides = [1]} : vector<16xf32> to vector<1xf32>
    %squeeze3A_964 = vector.extract %slice3A_963[0] : f32 from vector<1xf32>
    %slice3A_965 = vector.extract_strided_slice %get3A_957 {offsets = [1], sizes = [1], strides = [1]} : vector<16xf32> to vector<1xf32>
    %squeeze3A_966 = vector.extract %slice3A_965[0] : f32 from vector<1xf32>
    %slice3A_967 = vector.extract_strided_slice %get3A_957 {offsets = [2], sizes = [1], strides = [1]} : vector<16xf32> to vector<1xf32>
    %squeeze3A_968 = vector.extract %slice3A_967[0] : f32 from vector<1xf32>
    %slice3A_969 = vector.extract_strided_slice %get3A_957 {offsets = [3], sizes = [1], strides = [1]} : vector<16xf32> to vector<1xf32>
    %squeeze3A_970 = vector.extract %slice3A_969[0] : f32 from vector<1xf32>
    %slice3A_971 = vector.extract_strided_slice %get3A_957 {offsets = [4], sizes = [1], strides = [1]} : vector<16xf32> to vector<1xf32>
    %squeeze3A_972 = vector.extract %slice3A_971[0] : f32 from vector<1xf32>
    %slice3A_973 = vector.extract_strided_slice %get3A_957 {offsets = [5], sizes = [1], strides = [1]} : vector<16xf32> to vector<1xf32>
    %squeeze3A_974 = vector.extract %slice3A_973[0] : f32 from vector<1xf32>
    %slice3A_975 = vector.extract_strided_slice %get3A_957 {offsets = [6], sizes = [1], strides = [1]} : vector<16xf32> to vector<1xf32>
    %squeeze3A_976 = vector.extract %slice3A_975[0] : f32 from vector<1xf32>
    %slice3A_977 = vector.extract_strided_slice %get3A_957 {offsets = [7], sizes = [1], strides = [1]} : vector<16xf32> to vector<1xf32>
    %squeeze3A_978 = vector.extract %slice3A_977[0] : f32 from vector<1xf32>
    %slice3A_979 = vector.extract_strided_slice %get3A_957 {offsets = [8], sizes = [1], strides = [1]} : vector<16xf32> to vector<1xf32>
    %squeeze3A_980 = vector.extract %slice3A_979[0] : f32 from vector<1xf32>
    %slice3A_981 = vector.extract_strided_slice %get3A_957 {offsets = [9], sizes = [1], strides = [1]} : vector<16xf32> to vector<1xf32>
    %squeeze3A_982 = vector.extract %slice3A_981[0] : f32 from vector<1xf32>
    %slice3A_983 = vector.extract_strided_slice %get3A_957 {offsets = [10], sizes = [1], strides = [1]} : vector<16xf32> to vector<1xf32>
    %squeeze3A_984 = vector.extract %slice3A_983[0] : f32 from vector<1xf32>
    %slice3A_985 = vector.extract_strided_slice %get3A_957 {offsets = [11], sizes = [1], strides = [1]} : vector<16xf32> to vector<1xf32>
    %squeeze3A_986 = vector.extract %slice3A_985[0] : f32 from vector<1xf32>
    %slice3A_987 = vector.extract_strided_slice %get3A_957 {offsets = [12], sizes = [1], strides = [1]} : vector<16xf32> to vector<1xf32>
    %squeeze3A_988 = vector.extract %slice3A_987[0] : f32 from vector<1xf32>
    %slice3A_989 = vector.extract_strided_slice %get3A_957 {offsets = [13], sizes = [1], strides = [1]} : vector<16xf32> to vector<1xf32>
    %squeeze3A_990 = vector.extract %slice3A_989[0] : f32 from vector<1xf32>
    %slice3A_991 = vector.extract_strided_slice %get3A_957 {offsets = [14], sizes = [1], strides = [1]} : vector<16xf32> to vector<1xf32>
    %squeeze3A_992 = vector.extract %slice3A_991[0] : f32 from vector<1xf32>
    %slice3A_993 = vector.extract_strided_slice %get3A_957 {offsets = [15], sizes = [1], strides = [1]} : vector<16xf32> to vector<1xf32>
    %squeeze3A_994 = vector.extract %slice3A_993[0] : f32 from vector<1xf32>
    %slice3A_995 = vector.extract_strided_slice %get3A_962 {offsets = [0], sizes = [1], strides = [1]} : vector<16xf32> to vector<1xf32>
    %squeeze3A_996 = vector.extract %slice3A_995[0] : f32 from vector<1xf32>
    %slice3A_997 = vector.extract_strided_slice %get3A_962 {offsets = [1], sizes = [1], strides = [1]} : vector<16xf32> to vector<1xf32>
    %squeeze3A_998 = vector.extract %slice3A_997[0] : f32 from vector<1xf32>
    %slice3A_999 = vector.extract_strided_slice %get3A_962 {offsets = [2], sizes = [1], strides = [1]} : vector<16xf32> to vector<1xf32>
    %squeeze3A_1000 = vector.extract %slice3A_999[0] : f32 from vector<1xf32>
    %slice3A_1001 = vector.extract_strided_slice %get3A_962 {offsets = [3], sizes = [1], strides = [1]} : vector<16xf32> to vector<1xf32>
    %squeeze3A_1002 = vector.extract %slice3A_1001[0] : f32 from vector<1xf32>
    %slice3A_1003 = vector.extract_strided_slice %get3A_962 {offsets = [4], sizes = [1], strides = [1]} : vector<16xf32> to vector<1xf32>
    %squeeze3A_1004 = vector.extract %slice3A_1003[0] : f32 from vector<1xf32>
    %slice3A_1005 = vector.extract_strided_slice %get3A_962 {offsets = [5], sizes = [1], strides = [1]} : vector<16xf32> to vector<1xf32>
    %squeeze3A_1006 = vector.extract %slice3A_1005[0] : f32 from vector<1xf32>
    %slice3A_1007 = vector.extract_strided_slice %get3A_962 {offsets = [6], sizes = [1], strides = [1]} : vector<16xf32> to vector<1xf32>
    %squeeze3A_1008 = vector.extract %slice3A_1007[0] : f32 from vector<1xf32>
    %slice3A_1009 = vector.extract_strided_slice %get3A_962 {offsets = [7], sizes = [1], strides = [1]} : vector<16xf32> to vector<1xf32>
    %squeeze3A_1010 = vector.extract %slice3A_1009[0] : f32 from vector<1xf32>
    %slice3A_1011 = vector.extract_strided_slice %get3A_962 {offsets = [8], sizes = [1], strides = [1]} : vector<16xf32> to vector<1xf32>
    %squeeze3A_1012 = vector.extract %slice3A_1011[0] : f32 from vector<1xf32>
    %slice3A_1013 = vector.extract_strided_slice %get3A_962 {offsets = [9], sizes = [1], strides = [1]} : vector<16xf32> to vector<1xf32>
    %squeeze3A_1014 = vector.extract %slice3A_1013[0] : f32 from vector<1xf32>
    %slice3A_1015 = vector.extract_strided_slice %get3A_962 {offsets = [10], sizes = [1], strides = [1]} : vector<16xf32> to vector<1xf32>
    %squeeze3A_1016 = vector.extract %slice3A_1015[0] : f32 from vector<1xf32>
    %slice3A_1017 = vector.extract_strided_slice %get3A_962 {offsets = [11], sizes = [1], strides = [1]} : vector<16xf32> to vector<1xf32>
    %squeeze3A_1018 = vector.extract %slice3A_1017[0] : f32 from vector<1xf32>
    %slice3A_1019 = vector.extract_strided_slice %get3A_962 {offsets = [12], sizes = [1], strides = [1]} : vector<16xf32> to vector<1xf32>
    %squeeze3A_1020 = vector.extract %slice3A_1019[0] : f32 from vector<1xf32>
    %slice3A_1021 = vector.extract_strided_slice %get3A_962 {offsets = [13], sizes = [1], strides = [1]} : vector<16xf32> to vector<1xf32>
    %squeeze3A_1022 = vector.extract %slice3A_1021[0] : f32 from vector<1xf32>
    %slice3A_1023 = vector.extract_strided_slice %get3A_962 {offsets = [14], sizes = [1], strides = [1]} : vector<16xf32> to vector<1xf32>
    %squeeze3A_1024 = vector.extract %slice3A_1023[0] : f32 from vector<1xf32>
    %slice3A_1025 = vector.extract_strided_slice %get3A_962 {offsets = [15], sizes = [1], strides = [1]} : vector<16xf32> to vector<1xf32>
    %squeeze3A_1026 = vector.extract %slice3A_1025[0] : f32 from vector<1xf32>
    %get3A_1027 = arith.constant 13 : i32
    %get3A_1028 = arith.index_cast %get3A_1027 : i32 to index
    %get3A_1029 = arith.constant 0 : index
    %get3A_1030 = tpu.vector_load %arg8[%get3A_1028, %get3A_1029] {strides = array<i32>} : memref<16x32xf32, #tpu.memory_space<vmem>>, vector<1x16xf32>,
    %get3A_1031 = vector.shape_cast %get3A_1030 : vector<1x16xf32> to vector<16xf32>
    %get3A_1032 = arith.constant 13 : i32
    %get3A_1033 = arith.index_cast %get3A_1032 : i32 to index
    %get3A_1034 = arith.constant 16 : index
    %get3A_1035 = tpu.vector_load %arg8[%get3A_1033, %get3A_1034] {strides = array<i32>} : memref<16x32xf32, #tpu.memory_space<vmem>>, vector<1x16xf32>,
    %get3A_1036 = vector.shape_cast %get3A_1035 : vector<1x16xf32> to vector<16xf32>
    %slice3A_1037 = vector.extract_strided_slice %get3A_1031 {offsets = [0], sizes = [1], strides = [1]} : vector<16xf32> to vector<1xf32>
    %squeeze3A_1038 = vector.extract %slice3A_1037[0] : f32 from vector<1xf32>
    %slice3A_1039 = vector.extract_strided_slice %get3A_1031 {offsets = [1], sizes = [1], strides = [1]} : vector<16xf32> to vector<1xf32>
    %squeeze3A_1040 = vector.extract %slice3A_1039[0] : f32 from vector<1xf32>
    %slice3A_1041 = vector.extract_strided_slice %get3A_1031 {offsets = [2], sizes = [1], strides = [1]} : vector<16xf32> to vector<1xf32>
    %squeeze3A_1042 = vector.extract %slice3A_1041[0] : f32 from vector<1xf32>
    %slice3A_1043 = vector.extract_strided_slice %get3A_1031 {offsets = [3], sizes = [1], strides = [1]} : vector<16xf32> to vector<1xf32>
    %squeeze3A_1044 = vector.extract %slice3A_1043[0] : f32 from vector<1xf32>
    %slice3A_1045 = vector.extract_strided_slice %get3A_1031 {offsets = [4], sizes = [1], strides = [1]} : vector<16xf32> to vector<1xf32>
    %squeeze3A_1046 = vector.extract %slice3A_1045[0] : f32 from vector<1xf32>
    %slice3A_1047 = vector.extract_strided_slice %get3A_1031 {offsets = [5], sizes = [1], strides = [1]} : vector<16xf32> to vector<1xf32>
    %squeeze3A_1048 = vector.extract %slice3A_1047[0] : f32 from vector<1xf32>
    %slice3A_1049 = vector.extract_strided_slice %get3A_1031 {offsets = [6], sizes = [1], strides = [1]} : vector<16xf32> to vector<1xf32>
    %squeeze3A_1050 = vector.extract %slice3A_1049[0] : f32 from vector<1xf32>
    %slice3A_1051 = vector.extract_strided_slice %get3A_1031 {offsets = [7], sizes = [1], strides = [1]} : vector<16xf32> to vector<1xf32>
    %squeeze3A_1052 = vector.extract %slice3A_1051[0] : f32 from vector<1xf32>
    %slice3A_1053 = vector.extract_strided_slice %get3A_1031 {offsets = [8], sizes = [1], strides = [1]} : vector<16xf32> to vector<1xf32>
    %squeeze3A_1054 = vector.extract %slice3A_1053[0] : f32 from vector<1xf32>
    %slice3A_1055 = vector.extract_strided_slice %get3A_1031 {offsets = [9], sizes = [1], strides = [1]} : vector<16xf32> to vector<1xf32>
    %squeeze3A_1056 = vector.extract %slice3A_1055[0] : f32 from vector<1xf32>
    %slice3A_1057 = vector.extract_strided_slice %get3A_1031 {offsets = [10], sizes = [1], strides = [1]} : vector<16xf32> to vector<1xf32>
    %squeeze3A_1058 = vector.extract %slice3A_1057[0] : f32 from vector<1xf32>
    %slice3A_1059 = vector.extract_strided_slice %get3A_1031 {offsets = [11], sizes = [1], strides = [1]} : vector<16xf32> to vector<1xf32>
    %squeeze3A_1060 = vector.extract %slice3A_1059[0] : f32 from vector<1xf32>
    %slice3A_1061 = vector.extract_strided_slice %get3A_1031 {offsets = [12], sizes = [1], strides = [1]} : vector<16xf32> to vector<1xf32>
    %squeeze3A_1062 = vector.extract %slice3A_1061[0] : f32 from vector<1xf32>
    %slice3A_1063 = vector.extract_strided_slice %get3A_1031 {offsets = [13], sizes = [1], strides = [1]} : vector<16xf32> to vector<1xf32>
    %squeeze3A_1064 = vector.extract %slice3A_1063[0] : f32 from vector<1xf32>
    %slice3A_1065 = vector.extract_strided_slice %get3A_1031 {offsets = [14], sizes = [1], strides = [1]} : vector<16xf32> to vector<1xf32>
    %squeeze3A_1066 = vector.extract %slice3A_1065[0] : f32 from vector<1xf32>
    %slice3A_1067 = vector.extract_strided_slice %get3A_1031 {offsets = [15], sizes = [1], strides = [1]} : vector<16xf32> to vector<1xf32>
    %squeeze3A_1068 = vector.extract %slice3A_1067[0] : f32 from vector<1xf32>
    %slice3A_1069 = vector.extract_strided_slice %get3A_1036 {offsets = [0], sizes = [1], strides = [1]} : vector<16xf32> to vector<1xf32>
    %squeeze3A_1070 = vector.extract %slice3A_1069[0] : f32 from vector<1xf32>
    %slice3A_1071 = vector.extract_strided_slice %get3A_1036 {offsets = [1], sizes = [1], strides = [1]} : vector<16xf32> to vector<1xf32>
    %squeeze3A_1072 = vector.extract %slice3A_1071[0] : f32 from vector<1xf32>
    %slice3A_1073 = vector.extract_strided_slice %get3A_1036 {offsets = [2], sizes = [1], strides = [1]} : vector<16xf32> to vector<1xf32>
    %squeeze3A_1074 = vector.extract %slice3A_1073[0] : f32 from vector<1xf32>
    %slice3A_1075 = vector.extract_strided_slice %get3A_1036 {offsets = [3], sizes = [1], strides = [1]} : vector<16xf32> to vector<1xf32>
    %squeeze3A_1076 = vector.extract %slice3A_1075[0] : f32 from vector<1xf32>
    %slice3A_1077 = vector.extract_strided_slice %get3A_1036 {offsets = [4], sizes = [1], strides = [1]} : vector<16xf32> to vector<1xf32>
    %squeeze3A_1078 = vector.extract %slice3A_1077[0] : f32 from vector<1xf32>
    %slice3A_1079 = vector.extract_strided_slice %get3A_1036 {offsets = [5], sizes = [1], strides = [1]} : vector<16xf32> to vector<1xf32>
    %squeeze3A_1080 = vector.extract %slice3A_1079[0] : f32 from vector<1xf32>
    %slice3A_1081 = vector.extract_strided_slice %get3A_1036 {offsets = [6], sizes = [1], strides = [1]} : vector<16xf32> to vector<1xf32>
    %squeeze3A_1082 = vector.extract %slice3A_1081[0] : f32 from vector<1xf32>
    %slice3A_1083 = vector.extract_strided_slice %get3A_1036 {offsets = [7], sizes = [1], strides = [1]} : vector<16xf32> to vector<1xf32>
    %squeeze3A_1084 = vector.extract %slice3A_1083[0] : f32 from vector<1xf32>
    %slice3A_1085 = vector.extract_strided_slice %get3A_1036 {offsets = [8], sizes = [1], strides = [1]} : vector<16xf32> to vector<1xf32>
    %squeeze3A_1086 = vector.extract %slice3A_1085[0] : f32 from vector<1xf32>
    %slice3A_1087 = vector.extract_strided_slice %get3A_1036 {offsets = [9], sizes = [1], strides = [1]} : vector<16xf32> to vector<1xf32>
    %squeeze3A_1088 = vector.extract %slice3A_1087[0] : f32 from vector<1xf32>
    %slice3A_1089 = vector.extract_strided_slice %get3A_1036 {offsets = [10], sizes = [1], strides = [1]} : vector<16xf32> to vector<1xf32>
    %squeeze3A_1090 = vector.extract %slice3A_1089[0] : f32 from vector<1xf32>
    %slice3A_1091 = vector.extract_strided_slice %get3A_1036 {offsets = [11], sizes = [1], strides = [1]} : vector<16xf32> to vector<1xf32>
    %squeeze3A_1092 = vector.extract %slice3A_1091[0] : f32 from vector<1xf32>
    %slice3A_1093 = vector.extract_strided_slice %get3A_1036 {offsets = [12], sizes = [1], strides = [1]} : vector<16xf32> to vector<1xf32>
    %squeeze3A_1094 = vector.extract %slice3A_1093[0] : f32 from vector<1xf32>
    %slice3A_1095 = vector.extract_strided_slice %get3A_1036 {offsets = [13], sizes = [1], strides = [1]} : vector<16xf32> to vector<1xf32>
    %squeeze3A_1096 = vector.extract %slice3A_1095[0] : f32 from vector<1xf32>
    %slice3A_1097 = vector.extract_strided_slice %get3A_1036 {offsets = [14], sizes = [1], strides = [1]} : vector<16xf32> to vector<1xf32>
    %squeeze3A_1098 = vector.extract %slice3A_1097[0] : f32 from vector<1xf32>
    %slice3A_1099 = vector.extract_strided_slice %get3A_1036 {offsets = [15], sizes = [1], strides = [1]} : vector<16xf32> to vector<1xf32>
    %squeeze3A_1100 = vector.extract %slice3A_1099[0] : f32 from vector<1xf32>
    %get3A_1101 = arith.constant 14 : i32
    %get3A_1102 = arith.index_cast %get3A_1101 : i32 to index
    %get3A_1103 = arith.constant 0 : index
    %get3A_1104 = tpu.vector_load %arg8[%get3A_1102, %get3A_1103] {strides = array<i32>} : memref<16x32xf32, #tpu.memory_space<vmem>>, vector<1x16xf32>,
    %get3A_1105 = vector.shape_cast %get3A_1104 : vector<1x16xf32> to vector<16xf32>
    %get3A_1106 = arith.constant 14 : i32
    %get3A_1107 = arith.index_cast %get3A_1106 : i32 to index
    %get3A_1108 = arith.constant 16 : index
    %get3A_1109 = tpu.vector_load %arg8[%get3A_1107, %get3A_1108] {strides = array<i32>} : memref<16x32xf32, #tpu.memory_space<vmem>>, vector<1x16xf32>,
    %get3A_1110 = vector.shape_cast %get3A_1109 : vector<1x16xf32> to vector<16xf32>
    %slice3A_1111 = vector.extract_strided_slice %get3A_1105 {offsets = [0], sizes = [1], strides = [1]} : vector<16xf32> to vector<1xf32>
    %squeeze3A_1112 = vector.extract %slice3A_1111[0] : f32 from vector<1xf32>
    %slice3A_1113 = vector.extract_strided_slice %get3A_1105 {offsets = [1], sizes = [1], strides = [1]} : vector<16xf32> to vector<1xf32>
    %squeeze3A_1114 = vector.extract %slice3A_1113[0] : f32 from vector<1xf32>
    %slice3A_1115 = vector.extract_strided_slice %get3A_1105 {offsets = [2], sizes = [1], strides = [1]} : vector<16xf32> to vector<1xf32>
    %squeeze3A_1116 = vector.extract %slice3A_1115[0] : f32 from vector<1xf32>
    %slice3A_1117 = vector.extract_strided_slice %get3A_1105 {offsets = [3], sizes = [1], strides = [1]} : vector<16xf32> to vector<1xf32>
    %squeeze3A_1118 = vector.extract %slice3A_1117[0] : f32 from vector<1xf32>
    %slice3A_1119 = vector.extract_strided_slice %get3A_1105 {offsets = [4], sizes = [1], strides = [1]} : vector<16xf32> to vector<1xf32>
    %squeeze3A_1120 = vector.extract %slice3A_1119[0] : f32 from vector<1xf32>
    %slice3A_1121 = vector.extract_strided_slice %get3A_1105 {offsets = [5], sizes = [1], strides = [1]} : vector<16xf32> to vector<1xf32>
    %squeeze3A_1122 = vector.extract %slice3A_1121[0] : f32 from vector<1xf32>
    %slice3A_1123 = vector.extract_strided_slice %get3A_1105 {offsets = [6], sizes = [1], strides = [1]} : vector<16xf32> to vector<1xf32>
    %squeeze3A_1124 = vector.extract %slice3A_1123[0] : f32 from vector<1xf32>
    %slice3A_1125 = vector.extract_strided_slice %get3A_1105 {offsets = [7], sizes = [1], strides = [1]} : vector<16xf32> to vector<1xf32>
    %squeeze3A_1126 = vector.extract %slice3A_1125[0] : f32 from vector<1xf32>
    %slice3A_1127 = vector.extract_strided_slice %get3A_1105 {offsets = [8], sizes = [1], strides = [1]} : vector<16xf32> to vector<1xf32>
    %squeeze3A_1128 = vector.extract %slice3A_1127[0] : f32 from vector<1xf32>
    %slice3A_1129 = vector.extract_strided_slice %get3A_1105 {offsets = [9], sizes = [1], strides = [1]} : vector<16xf32> to vector<1xf32>
    %squeeze3A_1130 = vector.extract %slice3A_1129[0] : f32 from vector<1xf32>
    %slice3A_1131 = vector.extract_strided_slice %get3A_1105 {offsets = [10], sizes = [1], strides = [1]} : vector<16xf32> to vector<1xf32>
    %squeeze3A_1132 = vector.extract %slice3A_1131[0] : f32 from vector<1xf32>
    %slice3A_1133 = vector.extract_strided_slice %get3A_1105 {offsets = [11], sizes = [1], strides = [1]} : vector<16xf32> to vector<1xf32>
    %squeeze3A_1134 = vector.extract %slice3A_1133[0] : f32 from vector<1xf32>
    %slice3A_1135 = vector.extract_strided_slice %get3A_1105 {offsets = [12], sizes = [1], strides = [1]} : vector<16xf32> to vector<1xf32>
    %squeeze3A_1136 = vector.extract %slice3A_1135[0] : f32 from vector<1xf32>
    %slice3A_1137 = vector.extract_strided_slice %get3A_1105 {offsets = [13], sizes = [1], strides = [1]} : vector<16xf32> to vector<1xf32>
    %squeeze3A_1138 = vector.extract %slice3A_1137[0] : f32 from vector<1xf32>
    %slice3A_1139 = vector.extract_strided_slice %get3A_1105 {offsets = [14], sizes = [1], strides = [1]} : vector<16xf32> to vector<1xf32>
    %squeeze3A_1140 = vector.extract %slice3A_1139[0] : f32 from vector<1xf32>
    %slice3A_1141 = vector.extract_strided_slice %get3A_1105 {offsets = [15], sizes = [1], strides = [1]} : vector<16xf32> to vector<1xf32>
    %squeeze3A_1142 = vector.extract %slice3A_1141[0] : f32 from vector<1xf32>
    %slice3A_1143 = vector.extract_strided_slice %get3A_1110 {offsets = [0], sizes = [1], strides = [1]} : vector<16xf32> to vector<1xf32>
    %squeeze3A_1144 = vector.extract %slice3A_1143[0] : f32 from vector<1xf32>
    %slice3A_1145 = vector.extract_strided_slice %get3A_1110 {offsets = [1], sizes = [1], strides = [1]} : vector<16xf32> to vector<1xf32>
    %squeeze3A_1146 = vector.extract %slice3A_1145[0] : f32 from vector<1xf32>
    %slice3A_1147 = vector.extract_strided_slice %get3A_1110 {offsets = [2], sizes = [1], strides = [1]} : vector<16xf32> to vector<1xf32>
    %squeeze3A_1148 = vector.extract %slice3A_1147[0] : f32 from vector<1xf32>
    %slice3A_1149 = vector.extract_strided_slice %get3A_1110 {offsets = [3], sizes = [1], strides = [1]} : vector<16xf32> to vector<1xf32>
    %squeeze3A_1150 = vector.extract %slice3A_1149[0] : f32 from vector<1xf32>
    %slice3A_1151 = vector.extract_strided_slice %get3A_1110 {offsets = [4], sizes = [1], strides = [1]} : vector<16xf32> to vector<1xf32>
    %squeeze3A_1152 = vector.extract %slice3A_1151[0] : f32 from vector<1xf32>
    %slice3A_1153 = vector.extract_strided_slice %get3A_1110 {offsets = [5], sizes = [1], strides = [1]} : vector<16xf32> to vector<1xf32>
    %squeeze3A_1154 = vector.extract %slice3A_1153[0] : f32 from vector<1xf32>
    %slice3A_1155 = vector.extract_strided_slice %get3A_1110 {offsets = [6], sizes = [1], strides = [1]} : vector<16xf32> to vector<1xf32>
    %squeeze3A_1156 = vector.extract %slice3A_1155[0] : f32 from vector<1xf32>
    %slice3A_1157 = vector.extract_strided_slice %get3A_1110 {offsets = [7], sizes = [1], strides = [1]} : vector<16xf32> to vector<1xf32>
    %squeeze3A_1158 = vector.extract %slice3A_1157[0] : f32 from vector<1xf32>
    %slice3A_1159 = vector.extract_strided_slice %get3A_1110 {offsets = [8], sizes = [1], strides = [1]} : vector<16xf32> to vector<1xf32>
    %squeeze3A_1160 = vector.extract %slice3A_1159[0] : f32 from vector<1xf32>
    %slice3A_1161 = vector.extract_strided_slice %get3A_1110 {offsets = [9], sizes = [1], strides = [1]} : vector<16xf32> to vector<1xf32>
    %squeeze3A_1162 = vector.extract %slice3A_1161[0] : f32 from vector<1xf32>
    %slice3A_1163 = vector.extract_strided_slice %get3A_1110 {offsets = [10], sizes = [1], strides = [1]} : vector<16xf32> to vector<1xf32>
    %squeeze3A_1164 = vector.extract %slice3A_1163[0] : f32 from vector<1xf32>
    %slice3A_1165 = vector.extract_strided_slice %get3A_1110 {offsets = [11], sizes = [1], strides = [1]} : vector<16xf32> to vector<1xf32>
    %squeeze3A_1166 = vector.extract %slice3A_1165[0] : f32 from vector<1xf32>
    %slice3A_1167 = vector.extract_strided_slice %get3A_1110 {offsets = [12], sizes = [1], strides = [1]} : vector<16xf32> to vector<1xf32>
    %squeeze3A_1168 = vector.extract %slice3A_1167[0] : f32 from vector<1xf32>
    %slice3A_1169 = vector.extract_strided_slice %get3A_1110 {offsets = [13], sizes = [1], strides = [1]} : vector<16xf32> to vector<1xf32>
    %squeeze3A_1170 = vector.extract %slice3A_1169[0] : f32 from vector<1xf32>
    %slice3A_1171 = vector.extract_strided_slice %get3A_1110 {offsets = [14], sizes = [1], strides = [1]} : vector<16xf32> to vector<1xf32>
    %squeeze3A_1172 = vector.extract %slice3A_1171[0] : f32 from vector<1xf32>
    %slice3A_1173 = vector.extract_strided_slice %get3A_1110 {offsets = [15], sizes = [1], strides = [1]} : vector<16xf32> to vector<1xf32>
    %squeeze3A_1174 = vector.extract %slice3A_1173[0] : f32 from vector<1xf32>
    %get3A_1175 = arith.constant 15 : i32
    %get3A_1176 = arith.index_cast %get3A_1175 : i32 to index
    %get3A_1177 = arith.constant 0 : index
    %get3A_1178 = tpu.vector_load %arg8[%get3A_1176, %get3A_1177] {strides = array<i32>} : memref<16x32xf32, #tpu.memory_space<vmem>>, vector<1x16xf32>,
    %get3A_1179 = vector.shape_cast %get3A_1178 : vector<1x16xf32> to vector<16xf32>
    %get3A_1180 = arith.constant 15 : i32
    %get3A_1181 = arith.index_cast %get3A_1180 : i32 to index
    %get3A_1182 = arith.constant 16 : index
    %get3A_1183 = tpu.vector_load %arg8[%get3A_1181, %get3A_1182] {strides = array<i32>} : memref<16x32xf32, #tpu.memory_space<vmem>>, vector<1x16xf32>,
    %get3A_1184 = vector.shape_cast %get3A_1183 : vector<1x16xf32> to vector<16xf32>
    %slice3A_1185 = vector.extract_strided_slice %get3A_1179 {offsets = [0], sizes = [1], strides = [1]} : vector<16xf32> to vector<1xf32>
    %squeeze3A_1186 = vector.extract %slice3A_1185[0] : f32 from vector<1xf32>
    %slice3A_1187 = vector.extract_strided_slice %get3A_1179 {offsets = [1], sizes = [1], strides = [1]} : vector<16xf32> to vector<1xf32>
    %squeeze3A_1188 = vector.extract %slice3A_1187[0] : f32 from vector<1xf32>
    %slice3A_1189 = vector.extract_strided_slice %get3A_1179 {offsets = [2], sizes = [1], strides = [1]} : vector<16xf32> to vector<1xf32>
    %squeeze3A_1190 = vector.extract %slice3A_1189[0] : f32 from vector<1xf32>
    %slice3A_1191 = vector.extract_strided_slice %get3A_1179 {offsets = [3], sizes = [1], strides = [1]} : vector<16xf32> to vector<1xf32>
    %squeeze3A_1192 = vector.extract %slice3A_1191[0] : f32 from vector<1xf32>
    %slice3A_1193 = vector.extract_strided_slice %get3A_1179 {offsets = [4], sizes = [1], strides = [1]} : vector<16xf32> to vector<1xf32>
    %squeeze3A_1194 = vector.extract %slice3A_1193[0] : f32 from vector<1xf32>
    %slice3A_1195 = vector.extract_strided_slice %get3A_1179 {offsets = [5], sizes = [1], strides = [1]} : vector<16xf32> to vector<1xf32>
    %squeeze3A_1196 = vector.extract %slice3A_1195[0] : f32 from vector<1xf32>
    %slice3A_1197 = vector.extract_strided_slice %get3A_1179 {offsets = [6], sizes = [1], strides = [1]} : vector<16xf32> to vector<1xf32>
    %squeeze3A_1198 = vector.extract %slice3A_1197[0] : f32 from vector<1xf32>
    %slice3A_1199 = vector.extract_strided_slice %get3A_1179 {offsets = [7], sizes = [1], strides = [1]} : vector<16xf32> to vector<1xf32>
    %squeeze3A_1200 = vector.extract %slice3A_1199[0] : f32 from vector<1xf32>
    %slice3A_1201 = vector.extract_strided_slice %get3A_1179 {offsets = [8], sizes = [1], strides = [1]} : vector<16xf32> to vector<1xf32>
    %squeeze3A_1202 = vector.extract %slice3A_1201[0] : f32 from vector<1xf32>
    %slice3A_1203 = vector.extract_strided_slice %get3A_1179 {offsets = [9], sizes = [1], strides = [1]} : vector<16xf32> to vector<1xf32>
    %squeeze3A_1204 = vector.extract %slice3A_1203[0] : f32 from vector<1xf32>
    %slice3A_1205 = vector.extract_strided_slice %get3A_1179 {offsets = [10], sizes = [1], strides = [1]} : vector<16xf32> to vector<1xf32>
    %squeeze3A_1206 = vector.extract %slice3A_1205[0] : f32 from vector<1xf32>
    %slice3A_1207 = vector.extract_strided_slice %get3A_1179 {offsets = [11], sizes = [1], strides = [1]} : vector<16xf32> to vector<1xf32>
    %squeeze3A_1208 = vector.extract %slice3A_1207[0] : f32 from vector<1xf32>
    %slice3A_1209 = vector.extract_strided_slice %get3A_1179 {offsets = [12], sizes = [1], strides = [1]} : vector<16xf32> to vector<1xf32>
    %squeeze3A_1210 = vector.extract %slice3A_1209[0] : f32 from vector<1xf32>
    %slice3A_1211 = vector.extract_strided_slice %get3A_1179 {offsets = [13], sizes = [1], strides = [1]} : vector<16xf32> to vector<1xf32>
    %squeeze3A_1212 = vector.extract %slice3A_1211[0] : f32 from vector<1xf32>
    %slice3A_1213 = vector.extract_strided_slice %get3A_1179 {offsets = [14], sizes = [1], strides = [1]} : vector<16xf32> to vector<1xf32>
    %squeeze3A_1214 = vector.extract %slice3A_1213[0] : f32 from vector<1xf32>
    %slice3A_1215 = vector.extract_strided_slice %get3A_1179 {offsets = [15], sizes = [1], strides = [1]} : vector<16xf32> to vector<1xf32>
    %squeeze3A_1216 = vector.extract %slice3A_1215[0] : f32 from vector<1xf32>
    %slice3A_1217 = vector.extract_strided_slice %get3A_1184 {offsets = [0], sizes = [1], strides = [1]} : vector<16xf32> to vector<1xf32>
    %squeeze3A_1218 = vector.extract %slice3A_1217[0] : f32 from vector<1xf32>
    %slice3A_1219 = vector.extract_strided_slice %get3A_1184 {offsets = [1], sizes = [1], strides = [1]} : vector<16xf32> to vector<1xf32>
    %squeeze3A_1220 = vector.extract %slice3A_1219[0] : f32 from vector<1xf32>
    %slice3A_1221 = vector.extract_strided_slice %get3A_1184 {offsets = [2], sizes = [1], strides = [1]} : vector<16xf32> to vector<1xf32>
    %squeeze3A_1222 = vector.extract %slice3A_1221[0] : f32 from vector<1xf32>
    %slice3A_1223 = vector.extract_strided_slice %get3A_1184 {offsets = [3], sizes = [1], strides = [1]} : vector<16xf32> to vector<1xf32>
    %squeeze3A_1224 = vector.extract %slice3A_1223[0] : f32 from vector<1xf32>
    %slice3A_1225 = vector.extract_strided_slice %get3A_1184 {offsets = [4], sizes = [1], strides = [1]} : vector<16xf32> to vector<1xf32>
    %squeeze3A_1226 = vector.extract %slice3A_1225[0] : f32 from vector<1xf32>
    %slice3A_1227 = vector.extract_strided_slice %get3A_1184 {offsets = [5], sizes = [1], strides = [1]} : vector<16xf32> to vector<1xf32>
    %squeeze3A_1228 = vector.extract %slice3A_1227[0] : f32 from vector<1xf32>
    %slice3A_1229 = vector.extract_strided_slice %get3A_1184 {offsets = [6], sizes = [1], strides = [1]} : vector<16xf32> to vector<1xf32>
    %squeeze3A_1230 = vector.extract %slice3A_1229[0] : f32 from vector<1xf32>
    %slice3A_1231 = vector.extract_strided_slice %get3A_1184 {offsets = [7], sizes = [1], strides = [1]} : vector<16xf32> to vector<1xf32>
    %squeeze3A_1232 = vector.extract %slice3A_1231[0] : f32 from vector<1xf32>
    %slice3A_1233 = vector.extract_strided_slice %get3A_1184 {offsets = [8], sizes = [1], strides = [1]} : vector<16xf32> to vector<1xf32>
    %squeeze3A_1234 = vector.extract %slice3A_1233[0] : f32 from vector<1xf32>
    %slice3A_1235 = vector.extract_strided_slice %get3A_1184 {offsets = [9], sizes = [1], strides = [1]} : vector<16xf32> to vector<1xf32>
    %squeeze3A_1236 = vector.extract %slice3A_1235[0] : f32 from vector<1xf32>
    %slice3A_1237 = vector.extract_strided_slice %get3A_1184 {offsets = [10], sizes = [1], strides = [1]} : vector<16xf32> to vector<1xf32>
    %squeeze3A_1238 = vector.extract %slice3A_1237[0] : f32 from vector<1xf32>
    %slice3A_1239 = vector.extract_strided_slice %get3A_1184 {offsets = [11], sizes = [1], strides = [1]} : vector<16xf32> to vector<1xf32>
    %squeeze3A_1240 = vector.extract %slice3A_1239[0] : f32 from vector<1xf32>
    %slice3A_1241 = vector.extract_strided_slice %get3A_1184 {offsets = [12], sizes = [1], strides = [1]} : vector<16xf32> to vector<1xf32>
    %squeeze3A_1242 = vector.extract %slice3A_1241[0] : f32 from vector<1xf32>
    %slice3A_1243 = vector.extract_strided_slice %get3A_1184 {offsets = [13], sizes = [1], strides = [1]} : vector<16xf32> to vector<1xf32>
    %squeeze3A_1244 = vector.extract %slice3A_1243[0] : f32 from vector<1xf32>
    %slice3A_1245 = vector.extract_strided_slice %get3A_1184 {offsets = [14], sizes = [1], strides = [1]} : vector<16xf32> to vector<1xf32>
    %squeeze3A_1246 = vector.extract %slice3A_1245[0] : f32 from vector<1xf32>
    %slice3A_1247 = vector.extract_strided_slice %get3A_1184 {offsets = [15], sizes = [1], strides = [1]} : vector<16xf32> to vector<1xf32>
    %squeeze3A_1248 = vector.extract %slice3A_1247[0] : f32 from vector<1xf32>
    %scan3A = arith.constant 0 : i32
    %scan3A_1249 = arith.constant 0 : i32
    %scan3A_1250 = arith.constant 64 : i32
    %scan3A_1251 = arith.addi %scan3A_1249, %scan3A_1250 : i32
    %scan3A_1252 = arith.constant 1 : i32
    scf.for %scan3A_1254 = %scan3A_1249 to %scan3A_1251 step %scan3A_1252  : i32 {
      %mul3A_1255 = arith.constant 1024 : i32
      %mul3A_1256 = arith.muli %scan3A_1254, %mul3A_1255 : i32
      %add3A_1257 = arith.addi %mul3A_32, %mul3A_1256 : i32
      "tpu.region"() ({
        %run_scoped3A = tpu.sem_alloc : memref<!tpu.dma_semaphore, #tpu.memory_space<semaphore_mem>>
        %dma_start3A = arith.constant 0 : i32
        %dma_start3A_1264 = tpu.memref_slice %arg2[%select_n3A, %dma_start3A, %add3A_1257] : memref<8x32x262144xf32, #tpu.memory_space<hbm>> -> memref<1x32x1024xf32, #tpu.memory_space<hbm>>
        %dma_start3A_1265 = tpu.memref_squeeze %dma_start3A_1264 : memref<1x32x1024xf32, #tpu.memory_space<hbm>> -> memref<32x1024xf32, #tpu.memory_space<hbm>>
        %dma_start3A_1266 = arith.constant 0 : i32
        %dma_start3A_1267 = tpu.memref_slice %arg2[%select_n3A, %dma_start3A_1266, %add3A_1257] : memref<8x32x262144xf32, #tpu.memory_space<hbm>> -> memref<1x32x1024xf32, #tpu.memory_space<hbm>>
        %dma_start3A_1268 = tpu.memref_squeeze %dma_start3A_1267 : memref<1x32x1024xf32, #tpu.memory_space<hbm>> -> memref<32x1024xf32, #tpu.memory_space<hbm>>
        tpu.enqueue_dma source(%dma_start3A_1268 : memref<32x1024xf32, #tpu.memory_space<hbm>>) target(%arg6 : memref<32x1024xf32, #tpu.memory_space<vmem>>) target_semaphore(%run_scoped3A : memref<!tpu.dma_semaphore, #tpu.memory_space<semaphore_mem>>)
        %dma_wait3A = arith.constant 0 : i32
        %dma_wait3A_1269 = tpu.memref_slice %arg2[%select_n3A, %dma_wait3A, %add3A_1257] : memref<8x32x262144xf32, #tpu.memory_space<hbm>> -> memref<1x32x1024xf32, #tpu.memory_space<hbm>>
        %dma_wait3A_1270 = tpu.memref_squeeze %dma_wait3A_1269 : memref<1x32x1024xf32, #tpu.memory_space<hbm>> -> memref<32x1024xf32, #tpu.memory_space<hbm>>
        %dma_wait3A_1271 = arith.constant 0 : i32
        %dma_wait3A_1272 = tpu.memref_slice %arg2[%select_n3A, %dma_wait3A_1271, %add3A_1257] : memref<8x32x262144xf32, #tpu.memory_space<hbm>> -> memref<1x32x1024xf32, #tpu.memory_space<hbm>>
        %dma_wait3A_1273 = tpu.memref_squeeze %dma_wait3A_1272 : memref<1x32x1024xf32, #tpu.memory_space<hbm>> -> memref<32x1024xf32, #tpu.memory_space<hbm>>
        tpu.wait_dma2 semaphore(%run_scoped3A : memref<!tpu.dma_semaphore, #tpu.memory_space<semaphore_mem>>) src(%dma_wait3A_1273 : memref<32x1024xf32, #tpu.memory_space<hbm>>) dst(%arg6 : memref<32x1024xf32, #tpu.memory_space<vmem>>)
        tpu.yield
      }) : () -> ()
      %scan3A_1258 = arith.constant 0 : i32
      %scan3A_1259 = arith.constant 0 : i32
      %scan3A_1260 = arith.constant 64 : i32
      %scan3A_1261 = arith.addi %scan3A_1259, %scan3A_1260 : i32
      %scan3A_1262 = arith.constant 1 : i32
      scf.for %scan3A_1264 = %scan3A_1259 to %scan3A_1261 step %scan3A_1262  : i32 {
        %mul3A_1265 = arith.constant 16 : i32
        %mul3A_1266 = arith.muli %scan3A_1264, %mul3A_1265 : i32
        %get3A_1267 = arith.constant 0 : i32
        %get3A_1268 = arith.index_cast %get3A_1267 : i32 to index
        %get3A_1269 = arith.index_cast %mul3A_1266 : i32 to index
        %get3A_1270 = tpu.vector_load %arg6[%get3A_1268, %get3A_1269] {strides = array<i32>} : memref<32x1024xf32, #tpu.memory_space<vmem>>, vector<1x16xf32>,
        %get3A_1271 = vector.shape_cast %get3A_1270 : vector<1x16xf32> to vector<16xf32>
        %get3A_1272 = arith.constant 1 : i32
        %get3A_1273 = arith.index_cast %get3A_1272 : i32 to index
        %get3A_1274 = arith.index_cast %mul3A_1266 : i32 to index
        %get3A_1275 = tpu.vector_load %arg6[%get3A_1273, %get3A_1274] {strides = array<i32>} : memref<32x1024xf32, #tpu.memory_space<vmem>>, vector<1x16xf32>,
        %get3A_1276 = vector.shape_cast %get3A_1275 : vector<1x16xf32> to vector<16xf32>
        %get3A_1277 = arith.constant 2 : i32
        %get3A_1278 = arith.index_cast %get3A_1277 : i32 to index
        %get3A_1279 = arith.index_cast %mul3A_1266 : i32 to index
        %get3A_1280 = tpu.vector_load %arg6[%get3A_1278, %get3A_1279] {strides = array<i32>} : memref<32x1024xf32, #tpu.memory_space<vmem>>, vector<1x16xf32>,
        %get3A_1281 = vector.shape_cast %get3A_1280 : vector<1x16xf32> to vector<16xf32>
        %get3A_1282 = arith.constant 3 : i32
        %get3A_1283 = arith.index_cast %get3A_1282 : i32 to index
        %get3A_1284 = arith.index_cast %mul3A_1266 : i32 to index
        %get3A_1285 = tpu.vector_load %arg6[%get3A_1283, %get3A_1284] {strides = array<i32>} : memref<32x1024xf32, #tpu.memory_space<vmem>>, vector<1x16xf32>,
        %get3A_1286 = vector.shape_cast %get3A_1285 : vector<1x16xf32> to vector<16xf32>
        %get3A_1287 = arith.constant 4 : i32
        %get3A_1288 = arith.index_cast %get3A_1287 : i32 to index
        %get3A_1289 = arith.index_cast %mul3A_1266 : i32 to index
        %get3A_1290 = tpu.vector_load %arg6[%get3A_1288, %get3A_1289] {strides = array<i32>} : memref<32x1024xf32, #tpu.memory_space<vmem>>, vector<1x16xf32>,
        %get3A_1291 = vector.shape_cast %get3A_1290 : vector<1x16xf32> to vector<16xf32>
        %get3A_1292 = arith.constant 5 : i32
        %get3A_1293 = arith.index_cast %get3A_1292 : i32 to index
        %get3A_1294 = arith.index_cast %mul3A_1266 : i32 to index
        %get3A_1295 = tpu.vector_load %arg6[%get3A_1293, %get3A_1294] {strides = array<i32>} : memref<32x1024xf32, #tpu.memory_space<vmem>>, vector<1x16xf32>,
        %get3A_1296 = vector.shape_cast %get3A_1295 : vector<1x16xf32> to vector<16xf32>
        %get3A_1297 = arith.constant 6 : i32
        %get3A_1298 = arith.index_cast %get3A_1297 : i32 to index
        %get3A_1299 = arith.index_cast %mul3A_1266 : i32 to index
        %get3A_1300 = tpu.vector_load %arg6[%get3A_1298, %get3A_1299] {strides = array<i32>} : memref<32x1024xf32, #tpu.memory_space<vmem>>, vector<1x16xf32>,
        %get3A_1301 = vector.shape_cast %get3A_1300 : vector<1x16xf32> to vector<16xf32>
        %get3A_1302 = arith.constant 7 : i32
        %get3A_1303 = arith.index_cast %get3A_1302 : i32 to index
        %get3A_1304 = arith.index_cast %mul3A_1266 : i32 to index
        %get3A_1305 = tpu.vector_load %arg6[%get3A_1303, %get3A_1304] {strides = array<i32>} : memref<32x1024xf32, #tpu.memory_space<vmem>>, vector<1x16xf32>,
        %get3A_1306 = vector.shape_cast %get3A_1305 : vector<1x16xf32> to vector<16xf32>
        %get3A_1307 = arith.constant 8 : i32
        %get3A_1308 = arith.index_cast %get3A_1307 : i32 to index
        %get3A_1309 = arith.index_cast %mul3A_1266 : i32 to index
        %get3A_1310 = tpu.vector_load %arg6[%get3A_1308, %get3A_1309] {strides = array<i32>} : memref<32x1024xf32, #tpu.memory_space<vmem>>, vector<1x16xf32>,
        %get3A_1311 = vector.shape_cast %get3A_1310 : vector<1x16xf32> to vector<16xf32>
        %get3A_1312 = arith.constant 9 : i32
        %get3A_1313 = arith.index_cast %get3A_1312 : i32 to index
        %get3A_1314 = arith.index_cast %mul3A_1266 : i32 to index
        %get3A_1315 = tpu.vector_load %arg6[%get3A_1313, %get3A_1314] {strides = array<i32>} : memref<32x1024xf32, #tpu.memory_space<vmem>>, vector<1x16xf32>,
        %get3A_1316 = vector.shape_cast %get3A_1315 : vector<1x16xf32> to vector<16xf32>
        %get3A_1317 = arith.constant 10 : i32
        %get3A_1318 = arith.index_cast %get3A_1317 : i32 to index
        %get3A_1319 = arith.index_cast %mul3A_1266 : i32 to index
        %get3A_1320 = tpu.vector_load %arg6[%get3A_1318, %get3A_1319] {strides = array<i32>} : memref<32x1024xf32, #tpu.memory_space<vmem>>, vector<1x16xf32>,
        %get3A_1321 = vector.shape_cast %get3A_1320 : vector<1x16xf32> to vector<16xf32>
        %get3A_1322 = arith.constant 11 : i32
        %get3A_1323 = arith.index_cast %get3A_1322 : i32 to index
        %get3A_1324 = arith.index_cast %mul3A_1266 : i32 to index
        %get3A_1325 = tpu.vector_load %arg6[%get3A_1323, %get3A_1324] {strides = array<i32>} : memref<32x1024xf32, #tpu.memory_space<vmem>>, vector<1x16xf32>,
        %get3A_1326 = vector.shape_cast %get3A_1325 : vector<1x16xf32> to vector<16xf32>
        %get3A_1327 = arith.constant 12 : i32
        %get3A_1328 = arith.index_cast %get3A_1327 : i32 to index
        %get3A_1329 = arith.index_cast %mul3A_1266 : i32 to index
        %get3A_1330 = tpu.vector_load %arg6[%get3A_1328, %get3A_1329] {strides = array<i32>} : memref<32x1024xf32, #tpu.memory_space<vmem>>, vector<1x16xf32>,
        %get3A_1331 = vector.shape_cast %get3A_1330 : vector<1x16xf32> to vector<16xf32>
        %get3A_1332 = arith.constant 13 : i32
        %get3A_1333 = arith.index_cast %get3A_1332 : i32 to index
        %get3A_1334 = arith.index_cast %mul3A_1266 : i32 to index
        %get3A_1335 = tpu.vector_load %arg6[%get3A_1333, %get3A_1334] {strides = array<i32>} : memref<32x1024xf32, #tpu.memory_space<vmem>>, vector<1x16xf32>,
        %get3A_1336 = vector.shape_cast %get3A_1335 : vector<1x16xf32> to vector<16xf32>
        %get3A_1337 = arith.constant 14 : i32
        %get3A_1338 = arith.index_cast %get3A_1337 : i32 to index
        %get3A_1339 = arith.index_cast %mul3A_1266 : i32 to index
        %get3A_1340 = tpu.vector_load %arg6[%get3A_1338, %get3A_1339] {strides = array<i32>} : memref<32x1024xf32, #tpu.memory_space<vmem>>, vector<1x16xf32>,
        %get3A_1341 = vector.shape_cast %get3A_1340 : vector<1x16xf32> to vector<16xf32>
        %get3A_1342 = arith.constant 15 : i32
        %get3A_1343 = arith.index_cast %get3A_1342 : i32 to index
        %get3A_1344 = arith.index_cast %mul3A_1266 : i32 to index
        %get3A_1345 = tpu.vector_load %arg6[%get3A_1343, %get3A_1344] {strides = array<i32>} : memref<32x1024xf32, #tpu.memory_space<vmem>>, vector<1x16xf32>,
        %get3A_1346 = vector.shape_cast %get3A_1345 : vector<1x16xf32> to vector<16xf32>
        %get3A_1347 = arith.constant 16 : i32
        %get3A_1348 = arith.index_cast %get3A_1347 : i32 to index
        %get3A_1349 = arith.index_cast %mul3A_1266 : i32 to index
        %get3A_1350 = tpu.vector_load %arg6[%get3A_1348, %get3A_1349] {strides = array<i32>} : memref<32x1024xf32, #tpu.memory_space<vmem>>, vector<1x16xf32>,
        %get3A_1351 = vector.shape_cast %get3A_1350 : vector<1x16xf32> to vector<16xf32>
        %get3A_1352 = arith.constant 17 : i32
        %get3A_1353 = arith.index_cast %get3A_1352 : i32 to index
        %get3A_1354 = arith.index_cast %mul3A_1266 : i32 to index
        %get3A_1355 = tpu.vector_load %arg6[%get3A_1353, %get3A_1354] {strides = array<i32>} : memref<32x1024xf32, #tpu.memory_space<vmem>>, vector<1x16xf32>,
        %get3A_1356 = vector.shape_cast %get3A_1355 : vector<1x16xf32> to vector<16xf32>
        %get3A_1357 = arith.constant 18 : i32
        %get3A_1358 = arith.index_cast %get3A_1357 : i32 to index
        %get3A_1359 = arith.index_cast %mul3A_1266 : i32 to index
        %get3A_1360 = tpu.vector_load %arg6[%get3A_1358, %get3A_1359] {strides = array<i32>} : memref<32x1024xf32, #tpu.memory_space<vmem>>, vector<1x16xf32>,
        %get3A_1361 = vector.shape_cast %get3A_1360 : vector<1x16xf32> to vector<16xf32>
        %get3A_1362 = arith.constant 19 : i32
        %get3A_1363 = arith.index_cast %get3A_1362 : i32 to index
        %get3A_1364 = arith.index_cast %mul3A_1266 : i32 to index
        %get3A_1365 = tpu.vector_load %arg6[%get3A_1363, %get3A_1364] {strides = array<i32>} : memref<32x1024xf32, #tpu.memory_space<vmem>>, vector<1x16xf32>,
        %get3A_1366 = vector.shape_cast %get3A_1365 : vector<1x16xf32> to vector<16xf32>
        %get3A_1367 = arith.constant 20 : i32
        %get3A_1368 = arith.index_cast %get3A_1367 : i32 to index
        %get3A_1369 = arith.index_cast %mul3A_1266 : i32 to index
        %get3A_1370 = tpu.vector_load %arg6[%get3A_1368, %get3A_1369] {strides = array<i32>} : memref<32x1024xf32, #tpu.memory_space<vmem>>, vector<1x16xf32>,
        %get3A_1371 = vector.shape_cast %get3A_1370 : vector<1x16xf32> to vector<16xf32>
        %get3A_1372 = arith.constant 21 : i32
        %get3A_1373 = arith.index_cast %get3A_1372 : i32 to index
        %get3A_1374 = arith.index_cast %mul3A_1266 : i32 to index
        %get3A_1375 = tpu.vector_load %arg6[%get3A_1373, %get3A_1374] {strides = array<i32>} : memref<32x1024xf32, #tpu.memory_space<vmem>>, vector<1x16xf32>,
        %get3A_1376 = vector.shape_cast %get3A_1375 : vector<1x16xf32> to vector<16xf32>
        %get3A_1377 = arith.constant 22 : i32
        %get3A_1378 = arith.index_cast %get3A_1377 : i32 to index
        %get3A_1379 = arith.index_cast %mul3A_1266 : i32 to index
        %get3A_1380 = tpu.vector_load %arg6[%get3A_1378, %get3A_1379] {strides = array<i32>} : memref<32x1024xf32, #tpu.memory_space<vmem>>, vector<1x16xf32>,
        %get3A_1381 = vector.shape_cast %get3A_1380 : vector<1x16xf32> to vector<16xf32>
        %get3A_1382 = arith.constant 23 : i32
        %get3A_1383 = arith.index_cast %get3A_1382 : i32 to index
        %get3A_1384 = arith.index_cast %mul3A_1266 : i32 to index
        %get3A_1385 = tpu.vector_load %arg6[%get3A_1383, %get3A_1384] {strides = array<i32>} : memref<32x1024xf32, #tpu.memory_space<vmem>>, vector<1x16xf32>,
        %get3A_1386 = vector.shape_cast %get3A_1385 : vector<1x16xf32> to vector<16xf32>
        %get3A_1387 = arith.constant 24 : i32
        %get3A_1388 = arith.index_cast %get3A_1387 : i32 to index
        %get3A_1389 = arith.index_cast %mul3A_1266 : i32 to index
        %get3A_1390 = tpu.vector_load %arg6[%get3A_1388, %get3A_1389] {strides = array<i32>} : memref<32x1024xf32, #tpu.memory_space<vmem>>, vector<1x16xf32>,
        %get3A_1391 = vector.shape_cast %get3A_1390 : vector<1x16xf32> to vector<16xf32>
        %get3A_1392 = arith.constant 25 : i32
        %get3A_1393 = arith.index_cast %get3A_1392 : i32 to index
        %get3A_1394 = arith.index_cast %mul3A_1266 : i32 to index
        %get3A_1395 = tpu.vector_load %arg6[%get3A_1393, %get3A_1394] {strides = array<i32>} : memref<32x1024xf32, #tpu.memory_space<vmem>>, vector<1x16xf32>,
        %get3A_1396 = vector.shape_cast %get3A_1395 : vector<1x16xf32> to vector<16xf32>
        %get3A_1397 = arith.constant 26 : i32
        %get3A_1398 = arith.index_cast %get3A_1397 : i32 to index
        %get3A_1399 = arith.index_cast %mul3A_1266 : i32 to index
        %get3A_1400 = tpu.vector_load %arg6[%get3A_1398, %get3A_1399] {strides = array<i32>} : memref<32x1024xf32, #tpu.memory_space<vmem>>, vector<1x16xf32>,
        %get3A_1401 = vector.shape_cast %get3A_1400 : vector<1x16xf32> to vector<16xf32>
        %get3A_1402 = arith.constant 27 : i32
        %get3A_1403 = arith.index_cast %get3A_1402 : i32 to index
        %get3A_1404 = arith.index_cast %mul3A_1266 : i32 to index
        %get3A_1405 = tpu.vector_load %arg6[%get3A_1403, %get3A_1404] {strides = array<i32>} : memref<32x1024xf32, #tpu.memory_space<vmem>>, vector<1x16xf32>,
        %get3A_1406 = vector.shape_cast %get3A_1405 : vector<1x16xf32> to vector<16xf32>
        %get3A_1407 = arith.constant 28 : i32
        %get3A_1408 = arith.index_cast %get3A_1407 : i32 to index
        %get3A_1409 = arith.index_cast %mul3A_1266 : i32 to index
        %get3A_1410 = tpu.vector_load %arg6[%get3A_1408, %get3A_1409] {strides = array<i32>} : memref<32x1024xf32, #tpu.memory_space<vmem>>, vector<1x16xf32>,
        %get3A_1411 = vector.shape_cast %get3A_1410 : vector<1x16xf32> to vector<16xf32>
        %get3A_1412 = arith.constant 29 : i32
        %get3A_1413 = arith.index_cast %get3A_1412 : i32 to index
        %get3A_1414 = arith.index_cast %mul3A_1266 : i32 to index
        %get3A_1415 = tpu.vector_load %arg6[%get3A_1413, %get3A_1414] {strides = array<i32>} : memref<32x1024xf32, #tpu.memory_space<vmem>>, vector<1x16xf32>,
        %get3A_1416 = vector.shape_cast %get3A_1415 : vector<1x16xf32> to vector<16xf32>
        %get3A_1417 = arith.constant 30 : i32
        %get3A_1418 = arith.index_cast %get3A_1417 : i32 to index
        %get3A_1419 = arith.index_cast %mul3A_1266 : i32 to index
        %get3A_1420 = tpu.vector_load %arg6[%get3A_1418, %get3A_1419] {strides = array<i32>} : memref<32x1024xf32, #tpu.memory_space<vmem>>, vector<1x16xf32>,
        %get3A_1421 = vector.shape_cast %get3A_1420 : vector<1x16xf32> to vector<16xf32>
        %get3A_1422 = arith.constant 31 : i32
        %get3A_1423 = arith.index_cast %get3A_1422 : i32 to index
        %get3A_1424 = arith.index_cast %mul3A_1266 : i32 to index
        %get3A_1425 = tpu.vector_load %arg6[%get3A_1423, %get3A_1424] {strides = array<i32>} : memref<32x1024xf32, #tpu.memory_space<vmem>>, vector<1x16xf32>,
        %get3A_1426 = vector.shape_cast %get3A_1425 : vector<1x16xf32> to vector<16xf32>
        %broadcast_in_dim3A = vector.broadcast %squeeze3A : f32 to vector<16xf32>
        %mul3A_1427 = vector.broadcast %squeeze3A_76 : f32 to vector<16xf32>
        %mul3A_1428 = arith.mulf %mul3A_1427, %get3A_1271 : vector<16xf32>
        %add3A_1429 = arith.addf %broadcast_in_dim3A, %mul3A_1428 : vector<16xf32>
        %mul3A_1430 = vector.broadcast %squeeze3A_78 : f32 to vector<16xf32>
        %mul3A_1431 = arith.mulf %mul3A_1430, %get3A_1276 : vector<16xf32>
        %add3A_1432 = arith.addf %add3A_1429, %mul3A_1431 : vector<16xf32>
        %mul3A_1433 = vector.broadcast %squeeze3A_80 : f32 to vector<16xf32>
        %mul3A_1434 = arith.mulf %mul3A_1433, %get3A_1281 : vector<16xf32>
        %add3A_1435 = arith.addf %add3A_1432, %mul3A_1434 : vector<16xf32>
        %mul3A_1436 = vector.broadcast %squeeze3A_82 : f32 to vector<16xf32>
        %mul3A_1437 = arith.mulf %mul3A_1436, %get3A_1286 : vector<16xf32>
        %add3A_1438 = arith.addf %add3A_1435, %mul3A_1437 : vector<16xf32>
        %mul3A_1439 = vector.broadcast %squeeze3A_84 : f32 to vector<16xf32>
        %mul3A_1440 = arith.mulf %mul3A_1439, %get3A_1291 : vector<16xf32>
        %add3A_1441 = arith.addf %add3A_1438, %mul3A_1440 : vector<16xf32>
        %mul3A_1442 = vector.broadcast %squeeze3A_86 : f32 to vector<16xf32>
        %mul3A_1443 = arith.mulf %mul3A_1442, %get3A_1296 : vector<16xf32>
        %add3A_1444 = arith.addf %add3A_1441, %mul3A_1443 : vector<16xf32>
        %mul3A_1445 = vector.broadcast %squeeze3A_88 : f32 to vector<16xf32>
        %mul3A_1446 = arith.mulf %mul3A_1445, %get3A_1301 : vector<16xf32>
        %add3A_1447 = arith.addf %add3A_1444, %mul3A_1446 : vector<16xf32>
        %mul3A_1448 = vector.broadcast %squeeze3A_90 : f32 to vector<16xf32>
        %mul3A_1449 = arith.mulf %mul3A_1448, %get3A_1306 : vector<16xf32>
        %add3A_1450 = arith.addf %add3A_1447, %mul3A_1449 : vector<16xf32>
        %mul3A_1451 = vector.broadcast %squeeze3A_92 : f32 to vector<16xf32>
        %mul3A_1452 = arith.mulf %mul3A_1451, %get3A_1311 : vector<16xf32>
        %add3A_1453 = arith.addf %add3A_1450, %mul3A_1452 : vector<16xf32>
        %mul3A_1454 = vector.broadcast %squeeze3A_94 : f32 to vector<16xf32>
        %mul3A_1455 = arith.mulf %mul3A_1454, %get3A_1316 : vector<16xf32>
        %add3A_1456 = arith.addf %add3A_1453, %mul3A_1455 : vector<16xf32>
        %mul3A_1457 = vector.broadcast %squeeze3A_96 : f32 to vector<16xf32>
        %mul3A_1458 = arith.mulf %mul3A_1457, %get3A_1321 : vector<16xf32>
        %add3A_1459 = arith.addf %add3A_1456, %mul3A_1458 : vector<16xf32>
        %mul3A_1460 = vector.broadcast %squeeze3A_98 : f32 to vector<16xf32>
        %mul3A_1461 = arith.mulf %mul3A_1460, %get3A_1326 : vector<16xf32>
        %add3A_1462 = arith.addf %add3A_1459, %mul3A_1461 : vector<16xf32>
        %mul3A_1463 = vector.broadcast %squeeze3A_100 : f32 to vector<16xf32>
        %mul3A_1464 = arith.mulf %mul3A_1463, %get3A_1331 : vector<16xf32>
        %add3A_1465 = arith.addf %add3A_1462, %mul3A_1464 : vector<16xf32>
        %mul3A_1466 = vector.broadcast %squeeze3A_102 : f32 to vector<16xf32>
        %mul3A_1467 = arith.mulf %mul3A_1466, %get3A_1336 : vector<16xf32>
        %add3A_1468 = arith.addf %add3A_1465, %mul3A_1467 : vector<16xf32>
        %mul3A_1469 = vector.broadcast %squeeze3A_104 : f32 to vector<16xf32>
        %mul3A_1470 = arith.mulf %mul3A_1469, %get3A_1341 : vector<16xf32>
        %add3A_1471 = arith.addf %add3A_1468, %mul3A_1470 : vector<16xf32>
        %mul3A_1472 = vector.broadcast %squeeze3A_106 : f32 to vector<16xf32>
        %mul3A_1473 = arith.mulf %mul3A_1472, %get3A_1346 : vector<16xf32>
        %add3A_1474 = arith.addf %add3A_1471, %mul3A_1473 : vector<16xf32>
        %mul3A_1475 = vector.broadcast %squeeze3A_108 : f32 to vector<16xf32>
        %mul3A_1476 = arith.mulf %mul3A_1475, %get3A_1351 : vector<16xf32>
        %add3A_1477 = arith.addf %add3A_1474, %mul3A_1476 : vector<16xf32>
        %mul3A_1478 = vector.broadcast %squeeze3A_110 : f32 to vector<16xf32>
        %mul3A_1479 = arith.mulf %mul3A_1478, %get3A_1356 : vector<16xf32>
        %add3A_1480 = arith.addf %add3A_1477, %mul3A_1479 : vector<16xf32>
        %mul3A_1481 = vector.broadcast %squeeze3A_112 : f32 to vector<16xf32>
        %mul3A_1482 = arith.mulf %mul3A_1481, %get3A_1361 : vector<16xf32>
        %add3A_1483 = arith.addf %add3A_1480, %mul3A_1482 : vector<16xf32>
        %mul3A_1484 = vector.broadcast %squeeze3A_114 : f32 to vector<16xf32>
        %mul3A_1485 = arith.mulf %mul3A_1484, %get3A_1366 : vector<16xf32>
        %add3A_1486 = arith.addf %add3A_1483, %mul3A_1485 : vector<16xf32>
        %mul3A_1487 = vector.broadcast %squeeze3A_116 : f32 to vector<16xf32>
        %mul3A_1488 = arith.mulf %mul3A_1487, %get3A_1371 : vector<16xf32>
        %add3A_1489 = arith.addf %add3A_1486, %mul3A_1488 : vector<16xf32>
        %mul3A_1490 = vector.broadcast %squeeze3A_118 : f32 to vector<16xf32>
        %mul3A_1491 = arith.mulf %mul3A_1490, %get3A_1376 : vector<16xf32>
        %add3A_1492 = arith.addf %add3A_1489, %mul3A_1491 : vector<16xf32>
        %mul3A_1493 = vector.broadcast %squeeze3A_120 : f32 to vector<16xf32>
        %mul3A_1494 = arith.mulf %mul3A_1493, %get3A_1381 : vector<16xf32>
        %add3A_1495 = arith.addf %add3A_1492, %mul3A_1494 : vector<16xf32>
        %mul3A_1496 = vector.broadcast %squeeze3A_122 : f32 to vector<16xf32>
        %mul3A_1497 = arith.mulf %mul3A_1496, %get3A_1386 : vector<16xf32>
        %add3A_1498 = arith.addf %add3A_1495, %mul3A_1497 : vector<16xf32>
        %mul3A_1499 = vector.broadcast %squeeze3A_124 : f32 to vector<16xf32>
        %mul3A_1500 = arith.mulf %mul3A_1499, %get3A_1391 : vector<16xf32>
        %add3A_1501 = arith.addf %add3A_1498, %mul3A_1500 : vector<16xf32>
        %mul3A_1502 = vector.broadcast %squeeze3A_126 : f32 to vector<16xf32>
        %mul3A_1503 = arith.mulf %mul3A_1502, %get3A_1396 : vector<16xf32>
        %add3A_1504 = arith.addf %add3A_1501, %mul3A_1503 : vector<16xf32>
        %mul3A_1505 = vector.broadcast %squeeze3A_128 : f32 to vector<16xf32>
        %mul3A_1506 = arith.mulf %mul3A_1505, %get3A_1401 : vector<16xf32>
        %add3A_1507 = arith.addf %add3A_1504, %mul3A_1506 : vector<16xf32>
        %mul3A_1508 = vector.broadcast %squeeze3A_130 : f32 to vector<16xf32>
        %mul3A_1509 = arith.mulf %mul3A_1508, %get3A_1406 : vector<16xf32>
        %add3A_1510 = arith.addf %add3A_1507, %mul3A_1509 : vector<16xf32>
        %mul3A_1511 = vector.broadcast %squeeze3A_132 : f32 to vector<16xf32>
        %mul3A_1512 = arith.mulf %mul3A_1511, %get3A_1411 : vector<16xf32>
        %add3A_1513 = arith.addf %add3A_1510, %mul3A_1512 : vector<16xf32>
        %mul3A_1514 = vector.broadcast %squeeze3A_134 : f32 to vector<16xf32>
        %mul3A_1515 = arith.mulf %mul3A_1514, %get3A_1416 : vector<16xf32>
        %add3A_1516 = arith.addf %add3A_1513, %mul3A_1515 : vector<16xf32>
        %mul3A_1517 = vector.broadcast %squeeze3A_136 : f32 to vector<16xf32>
        %mul3A_1518 = arith.mulf %mul3A_1517, %get3A_1421 : vector<16xf32>
        %add3A_1519 = arith.addf %add3A_1516, %mul3A_1518 : vector<16xf32>
        %mul3A_1520 = vector.broadcast %squeeze3A_138 : f32 to vector<16xf32>
        %mul3A_1521 = arith.mulf %mul3A_1520, %get3A_1426 : vector<16xf32>
        %add3A_1522 = arith.addf %add3A_1519, %mul3A_1521 : vector<16xf32>
        %swap3A = arith.constant 0 : i32
        %swap3A_1523 = arith.index_cast %swap3A : i32 to index
        %swap3A_1524 = arith.index_cast %mul3A_1266 : i32 to index
        %swap3A_1525 = tpu.vector_load %arg7[%swap3A_1523, %swap3A_1524] {strides = array<i32>} : memref<16x1024xf32, #tpu.memory_space<vmem>>, vector<1x16xf32>,
        %swap3A_1526 = vector.shape_cast %swap3A_1525 : vector<1x16xf32> to vector<16xf32>
        %swap3A_1527 = vector.shape_cast %add3A_1522 : vector<16xf32> to vector<1x16xf32>
        tpu.vector_store %arg7[%swap3A_1523, %swap3A_1524], %swap3A_1527 {strides = array<i32>} : memref<16x1024xf32, #tpu.memory_space<vmem>>, vector<1x16xf32>,
        %broadcast_in_dim3A_1528 = vector.broadcast %squeeze3A_36 : f32 to vector<16xf32>
        %mul3A_1529 = vector.broadcast %squeeze3A_150 : f32 to vector<16xf32>
        %mul3A_1530 = arith.mulf %mul3A_1529, %get3A_1271 : vector<16xf32>
        %add3A_1531 = arith.addf %broadcast_in_dim3A_1528, %mul3A_1530 : vector<16xf32>
        %mul3A_1532 = vector.broadcast %squeeze3A_152 : f32 to vector<16xf32>
        %mul3A_1533 = arith.mulf %mul3A_1532, %get3A_1276 : vector<16xf32>
        %add3A_1534 = arith.addf %add3A_1531, %mul3A_1533 : vector<16xf32>
        %mul3A_1535 = vector.broadcast %squeeze3A_154 : f32 to vector<16xf32>
        %mul3A_1536 = arith.mulf %mul3A_1535, %get3A_1281 : vector<16xf32>
        %add3A_1537 = arith.addf %add3A_1534, %mul3A_1536 : vector<16xf32>
        %mul3A_1538 = vector.broadcast %squeeze3A_156 : f32 to vector<16xf32>
        %mul3A_1539 = arith.mulf %mul3A_1538, %get3A_1286 : vector<16xf32>
        %add3A_1540 = arith.addf %add3A_1537, %mul3A_1539 : vector<16xf32>
        %mul3A_1541 = vector.broadcast %squeeze3A_158 : f32 to vector<16xf32>
        %mul3A_1542 = arith.mulf %mul3A_1541, %get3A_1291 : vector<16xf32>
        %add3A_1543 = arith.addf %add3A_1540, %mul3A_1542 : vector<16xf32>
        %mul3A_1544 = vector.broadcast %squeeze3A_160 : f32 to vector<16xf32>
        %mul3A_1545 = arith.mulf %mul3A_1544, %get3A_1296 : vector<16xf32>
        %add3A_1546 = arith.addf %add3A_1543, %mul3A_1545 : vector<16xf32>
        %mul3A_1547 = vector.broadcast %squeeze3A_162 : f32 to vector<16xf32>
        %mul3A_1548 = arith.mulf %mul3A_1547, %get3A_1301 : vector<16xf32>
        %add3A_1549 = arith.addf %add3A_1546, %mul3A_1548 : vector<16xf32>
        %mul3A_1550 = vector.broadcast %squeeze3A_164 : f32 to vector<16xf32>
        %mul3A_1551 = arith.mulf %mul3A_1550, %get3A_1306 : vector<16xf32>
        %add3A_1552 = arith.addf %add3A_1549, %mul3A_1551 : vector<16xf32>
        %mul3A_1553 = vector.broadcast %squeeze3A_166 : f32 to vector<16xf32>
        %mul3A_1554 = arith.mulf %mul3A_1553, %get3A_1311 : vector<16xf32>
        %add3A_1555 = arith.addf %add3A_1552, %mul3A_1554 : vector<16xf32>
        %mul3A_1556 = vector.broadcast %squeeze3A_168 : f32 to vector<16xf32>
        %mul3A_1557 = arith.mulf %mul3A_1556, %get3A_1316 : vector<16xf32>
        %add3A_1558 = arith.addf %add3A_1555, %mul3A_1557 : vector<16xf32>
        %mul3A_1559 = vector.broadcast %squeeze3A_170 : f32 to vector<16xf32>
        %mul3A_1560 = arith.mulf %mul3A_1559, %get3A_1321 : vector<16xf32>
        %add3A_1561 = arith.addf %add3A_1558, %mul3A_1560 : vector<16xf32>
        %mul3A_1562 = vector.broadcast %squeeze3A_172 : f32 to vector<16xf32>
        %mul3A_1563 = arith.mulf %mul3A_1562, %get3A_1326 : vector<16xf32>
        %add3A_1564 = arith.addf %add3A_1561, %mul3A_1563 : vector<16xf32>
        %mul3A_1565 = vector.broadcast %squeeze3A_174 : f32 to vector<16xf32>
        %mul3A_1566 = arith.mulf %mul3A_1565, %get3A_1331 : vector<16xf32>
        %add3A_1567 = arith.addf %add3A_1564, %mul3A_1566 : vector<16xf32>
        %mul3A_1568 = vector.broadcast %squeeze3A_176 : f32 to vector<16xf32>
        %mul3A_1569 = arith.mulf %mul3A_1568, %get3A_1336 : vector<16xf32>
        %add3A_1570 = arith.addf %add3A_1567, %mul3A_1569 : vector<16xf32>
        %mul3A_1571 = vector.broadcast %squeeze3A_178 : f32 to vector<16xf32>
        %mul3A_1572 = arith.mulf %mul3A_1571, %get3A_1341 : vector<16xf32>
        %add3A_1573 = arith.addf %add3A_1570, %mul3A_1572 : vector<16xf32>
        %mul3A_1574 = vector.broadcast %squeeze3A_180 : f32 to vector<16xf32>
        %mul3A_1575 = arith.mulf %mul3A_1574, %get3A_1346 : vector<16xf32>
        %add3A_1576 = arith.addf %add3A_1573, %mul3A_1575 : vector<16xf32>
        %mul3A_1577 = vector.broadcast %squeeze3A_182 : f32 to vector<16xf32>
        %mul3A_1578 = arith.mulf %mul3A_1577, %get3A_1351 : vector<16xf32>
        %add3A_1579 = arith.addf %add3A_1576, %mul3A_1578 : vector<16xf32>
        %mul3A_1580 = vector.broadcast %squeeze3A_184 : f32 to vector<16xf32>
        %mul3A_1581 = arith.mulf %mul3A_1580, %get3A_1356 : vector<16xf32>
        %add3A_1582 = arith.addf %add3A_1579, %mul3A_1581 : vector<16xf32>
        %mul3A_1583 = vector.broadcast %squeeze3A_186 : f32 to vector<16xf32>
        %mul3A_1584 = arith.mulf %mul3A_1583, %get3A_1361 : vector<16xf32>
        %add3A_1585 = arith.addf %add3A_1582, %mul3A_1584 : vector<16xf32>
        %mul3A_1586 = vector.broadcast %squeeze3A_188 : f32 to vector<16xf32>
        %mul3A_1587 = arith.mulf %mul3A_1586, %get3A_1366 : vector<16xf32>
        %add3A_1588 = arith.addf %add3A_1585, %mul3A_1587 : vector<16xf32>
        %mul3A_1589 = vector.broadcast %squeeze3A_190 : f32 to vector<16xf32>
        %mul3A_1590 = arith.mulf %mul3A_1589, %get3A_1371 : vector<16xf32>
        %add3A_1591 = arith.addf %add3A_1588, %mul3A_1590 : vector<16xf32>
        %mul3A_1592 = vector.broadcast %squeeze3A_192 : f32 to vector<16xf32>
        %mul3A_1593 = arith.mulf %mul3A_1592, %get3A_1376 : vector<16xf32>
        %add3A_1594 = arith.addf %add3A_1591, %mul3A_1593 : vector<16xf32>
        %mul3A_1595 = vector.broadcast %squeeze3A_194 : f32 to vector<16xf32>
        %mul3A_1596 = arith.mulf %mul3A_1595, %get3A_1381 : vector<16xf32>
        %add3A_1597 = arith.addf %add3A_1594, %mul3A_1596 : vector<16xf32>
        %mul3A_1598 = vector.broadcast %squeeze3A_196 : f32 to vector<16xf32>
        %mul3A_1599 = arith.mulf %mul3A_1598, %get3A_1386 : vector<16xf32>
        %add3A_1600 = arith.addf %add3A_1597, %mul3A_1599 : vector<16xf32>
        %mul3A_1601 = vector.broadcast %squeeze3A_198 : f32 to vector<16xf32>
        %mul3A_1602 = arith.mulf %mul3A_1601, %get3A_1391 : vector<16xf32>
        %add3A_1603 = arith.addf %add3A_1600, %mul3A_1602 : vector<16xf32>
        %mul3A_1604 = vector.broadcast %squeeze3A_200 : f32 to vector<16xf32>
        %mul3A_1605 = arith.mulf %mul3A_1604, %get3A_1396 : vector<16xf32>
        %add3A_1606 = arith.addf %add3A_1603, %mul3A_1605 : vector<16xf32>
        %mul3A_1607 = vector.broadcast %squeeze3A_202 : f32 to vector<16xf32>
        %mul3A_1608 = arith.mulf %mul3A_1607, %get3A_1401 : vector<16xf32>
        %add3A_1609 = arith.addf %add3A_1606, %mul3A_1608 : vector<16xf32>
        %mul3A_1610 = vector.broadcast %squeeze3A_204 : f32 to vector<16xf32>
        %mul3A_1611 = arith.mulf %mul3A_1610, %get3A_1406 : vector<16xf32>
        %add3A_1612 = arith.addf %add3A_1609, %mul3A_1611 : vector<16xf32>
        %mul3A_1613 = vector.broadcast %squeeze3A_206 : f32 to vector<16xf32>
        %mul3A_1614 = arith.mulf %mul3A_1613, %get3A_1411 : vector<16xf32>
        %add3A_1615 = arith.addf %add3A_1612, %mul3A_1614 : vector<16xf32>
        %mul3A_1616 = vector.broadcast %squeeze3A_208 : f32 to vector<16xf32>
        %mul3A_1617 = arith.mulf %mul3A_1616, %get3A_1416 : vector<16xf32>
        %add3A_1618 = arith.addf %add3A_1615, %mul3A_1617 : vector<16xf32>
        %mul3A_1619 = vector.broadcast %squeeze3A_210 : f32 to vector<16xf32>
        %mul3A_1620 = arith.mulf %mul3A_1619, %get3A_1421 : vector<16xf32>
        %add3A_1621 = arith.addf %add3A_1618, %mul3A_1620 : vector<16xf32>
        %mul3A_1622 = vector.broadcast %squeeze3A_212 : f32 to vector<16xf32>
        %mul3A_1623 = arith.mulf %mul3A_1622, %get3A_1426 : vector<16xf32>
        %add3A_1624 = arith.addf %add3A_1621, %mul3A_1623 : vector<16xf32>
        %swap3A_1625 = arith.constant 1 : i32
        %swap3A_1626 = arith.index_cast %swap3A_1625 : i32 to index
        %swap3A_1627 = arith.index_cast %mul3A_1266 : i32 to index
        %swap3A_1628 = tpu.vector_load %arg7[%swap3A_1626, %swap3A_1627] {strides = array<i32>} : memref<16x1024xf32, #tpu.memory_space<vmem>>, vector<1x16xf32>,
        %swap3A_1629 = vector.shape_cast %swap3A_1628 : vector<1x16xf32> to vector<16xf32>
        %swap3A_1630 = vector.shape_cast %add3A_1624 : vector<16xf32> to vector<1x16xf32>
        tpu.vector_store %arg7[%swap3A_1626, %swap3A_1627], %swap3A_1630 {strides = array<i32>} : memref<16x1024xf32, #tpu.memory_space<vmem>>, vector<1x16xf32>,
        %broadcast_in_dim3A_1631 = vector.broadcast %squeeze3A_38 : f32 to vector<16xf32>
        %mul3A_1632 = vector.broadcast %squeeze3A_224 : f32 to vector<16xf32>
        %mul3A_1633 = arith.mulf %mul3A_1632, %get3A_1271 : vector<16xf32>
        %add3A_1634 = arith.addf %broadcast_in_dim3A_1631, %mul3A_1633 : vector<16xf32>
        %mul3A_1635 = vector.broadcast %squeeze3A_226 : f32 to vector<16xf32>
        %mul3A_1636 = arith.mulf %mul3A_1635, %get3A_1276 : vector<16xf32>
        %add3A_1637 = arith.addf %add3A_1634, %mul3A_1636 : vector<16xf32>
        %mul3A_1638 = vector.broadcast %squeeze3A_228 : f32 to vector<16xf32>
        %mul3A_1639 = arith.mulf %mul3A_1638, %get3A_1281 : vector<16xf32>
        %add3A_1640 = arith.addf %add3A_1637, %mul3A_1639 : vector<16xf32>
        %mul3A_1641 = vector.broadcast %squeeze3A_230 : f32 to vector<16xf32>
        %mul3A_1642 = arith.mulf %mul3A_1641, %get3A_1286 : vector<16xf32>
        %add3A_1643 = arith.addf %add3A_1640, %mul3A_1642 : vector<16xf32>
        %mul3A_1644 = vector.broadcast %squeeze3A_232 : f32 to vector<16xf32>
        %mul3A_1645 = arith.mulf %mul3A_1644, %get3A_1291 : vector<16xf32>
        %add3A_1646 = arith.addf %add3A_1643, %mul3A_1645 : vector<16xf32>
        %mul3A_1647 = vector.broadcast %squeeze3A_234 : f32 to vector<16xf32>
        %mul3A_1648 = arith.mulf %mul3A_1647, %get3A_1296 : vector<16xf32>
        %add3A_1649 = arith.addf %add3A_1646, %mul3A_1648 : vector<16xf32>
        %mul3A_1650 = vector.broadcast %squeeze3A_236 : f32 to vector<16xf32>
        %mul3A_1651 = arith.mulf %mul3A_1650, %get3A_1301 : vector<16xf32>
        %add3A_1652 = arith.addf %add3A_1649, %mul3A_1651 : vector<16xf32>
        %mul3A_1653 = vector.broadcast %squeeze3A_238 : f32 to vector<16xf32>
        %mul3A_1654 = arith.mulf %mul3A_1653, %get3A_1306 : vector<16xf32>
        %add3A_1655 = arith.addf %add3A_1652, %mul3A_1654 : vector<16xf32>
        %mul3A_1656 = vector.broadcast %squeeze3A_240 : f32 to vector<16xf32>
        %mul3A_1657 = arith.mulf %mul3A_1656, %get3A_1311 : vector<16xf32>
        %add3A_1658 = arith.addf %add3A_1655, %mul3A_1657 : vector<16xf32>
        %mul3A_1659 = vector.broadcast %squeeze3A_242 : f32 to vector<16xf32>
        %mul3A_1660 = arith.mulf %mul3A_1659, %get3A_1316 : vector<16xf32>
        %add3A_1661 = arith.addf %add3A_1658, %mul3A_1660 : vector<16xf32>
        %mul3A_1662 = vector.broadcast %squeeze3A_244 : f32 to vector<16xf32>
        %mul3A_1663 = arith.mulf %mul3A_1662, %get3A_1321 : vector<16xf32>
        %add3A_1664 = arith.addf %add3A_1661, %mul3A_1663 : vector<16xf32>
        %mul3A_1665 = vector.broadcast %squeeze3A_246 : f32 to vector<16xf32>
        %mul3A_1666 = arith.mulf %mul3A_1665, %get3A_1326 : vector<16xf32>
        %add3A_1667 = arith.addf %add3A_1664, %mul3A_1666 : vector<16xf32>
        %mul3A_1668 = vector.broadcast %squeeze3A_248 : f32 to vector<16xf32>
        %mul3A_1669 = arith.mulf %mul3A_1668, %get3A_1331 : vector<16xf32>
        %add3A_1670 = arith.addf %add3A_1667, %mul3A_1669 : vector<16xf32>
        %mul3A_1671 = vector.broadcast %squeeze3A_250 : f32 to vector<16xf32>
        %mul3A_1672 = arith.mulf %mul3A_1671, %get3A_1336 : vector<16xf32>
        %add3A_1673 = arith.addf %add3A_1670, %mul3A_1672 : vector<16xf32>
        %mul3A_1674 = vector.broadcast %squeeze3A_252 : f32 to vector<16xf32>
        %mul3A_1675 = arith.mulf %mul3A_1674, %get3A_1341 : vector<16xf32>
        %add3A_1676 = arith.addf %add3A_1673, %mul3A_1675 : vector<16xf32>
        %mul3A_1677 = vector.broadcast %squeeze3A_254 : f32 to vector<16xf32>
        %mul3A_1678 = arith.mulf %mul3A_1677, %get3A_1346 : vector<16xf32>
        %add3A_1679 = arith.addf %add3A_1676, %mul3A_1678 : vector<16xf32>
        %mul3A_1680 = vector.broadcast %squeeze3A_256 : f32 to vector<16xf32>
        %mul3A_1681 = arith.mulf %mul3A_1680, %get3A_1351 : vector<16xf32>
        %add3A_1682 = arith.addf %add3A_1679, %mul3A_1681 : vector<16xf32>
        %mul3A_1683 = vector.broadcast %squeeze3A_258 : f32 to vector<16xf32>
        %mul3A_1684 = arith.mulf %mul3A_1683, %get3A_1356 : vector<16xf32>
        %add3A_1685 = arith.addf %add3A_1682, %mul3A_1684 : vector<16xf32>
        %mul3A_1686 = vector.broadcast %squeeze3A_260 : f32 to vector<16xf32>
        %mul3A_1687 = arith.mulf %mul3A_1686, %get3A_1361 : vector<16xf32>
        %add3A_1688 = arith.addf %add3A_1685, %mul3A_1687 : vector<16xf32>
        %mul3A_1689 = vector.broadcast %squeeze3A_262 : f32 to vector<16xf32>
        %mul3A_1690 = arith.mulf %mul3A_1689, %get3A_1366 : vector<16xf32>
        %add3A_1691 = arith.addf %add3A_1688, %mul3A_1690 : vector<16xf32>
        %mul3A_1692 = vector.broadcast %squeeze3A_264 : f32 to vector<16xf32>
        %mul3A_1693 = arith.mulf %mul3A_1692, %get3A_1371 : vector<16xf32>
        %add3A_1694 = arith.addf %add3A_1691, %mul3A_1693 : vector<16xf32>
        %mul3A_1695 = vector.broadcast %squeeze3A_266 : f32 to vector<16xf32>
        %mul3A_1696 = arith.mulf %mul3A_1695, %get3A_1376 : vector<16xf32>
        %add3A_1697 = arith.addf %add3A_1694, %mul3A_1696 : vector<16xf32>
        %mul3A_1698 = vector.broadcast %squeeze3A_268 : f32 to vector<16xf32>
        %mul3A_1699 = arith.mulf %mul3A_1698, %get3A_1381 : vector<16xf32>
        %add3A_1700 = arith.addf %add3A_1697, %mul3A_1699 : vector<16xf32>
        %mul3A_1701 = vector.broadcast %squeeze3A_270 : f32 to vector<16xf32>
        %mul3A_1702 = arith.mulf %mul3A_1701, %get3A_1386 : vector<16xf32>
        %add3A_1703 = arith.addf %add3A_1700, %mul3A_1702 : vector<16xf32>
        %mul3A_1704 = vector.broadcast %squeeze3A_272 : f32 to vector<16xf32>
        %mul3A_1705 = arith.mulf %mul3A_1704, %get3A_1391 : vector<16xf32>
        %add3A_1706 = arith.addf %add3A_1703, %mul3A_1705 : vector<16xf32>
        %mul3A_1707 = vector.broadcast %squeeze3A_274 : f32 to vector<16xf32>
        %mul3A_1708 = arith.mulf %mul3A_1707, %get3A_1396 : vector<16xf32>
        %add3A_1709 = arith.addf %add3A_1706, %mul3A_1708 : vector<16xf32>
        %mul3A_1710 = vector.broadcast %squeeze3A_276 : f32 to vector<16xf32>
        %mul3A_1711 = arith.mulf %mul3A_1710, %get3A_1401 : vector<16xf32>
        %add3A_1712 = arith.addf %add3A_1709, %mul3A_1711 : vector<16xf32>
        %mul3A_1713 = vector.broadcast %squeeze3A_278 : f32 to vector<16xf32>
        %mul3A_1714 = arith.mulf %mul3A_1713, %get3A_1406 : vector<16xf32>
        %add3A_1715 = arith.addf %add3A_1712, %mul3A_1714 : vector<16xf32>
        %mul3A_1716 = vector.broadcast %squeeze3A_280 : f32 to vector<16xf32>
        %mul3A_1717 = arith.mulf %mul3A_1716, %get3A_1411 : vector<16xf32>
        %add3A_1718 = arith.addf %add3A_1715, %mul3A_1717 : vector<16xf32>
        %mul3A_1719 = vector.broadcast %squeeze3A_282 : f32 to vector<16xf32>
        %mul3A_1720 = arith.mulf %mul3A_1719, %get3A_1416 : vector<16xf32>
        %add3A_1721 = arith.addf %add3A_1718, %mul3A_1720 : vector<16xf32>
        %mul3A_1722 = vector.broadcast %squeeze3A_284 : f32 to vector<16xf32>
        %mul3A_1723 = arith.mulf %mul3A_1722, %get3A_1421 : vector<16xf32>
        %add3A_1724 = arith.addf %add3A_1721, %mul3A_1723 : vector<16xf32>
        %mul3A_1725 = vector.broadcast %squeeze3A_286 : f32 to vector<16xf32>
        %mul3A_1726 = arith.mulf %mul3A_1725, %get3A_1426 : vector<16xf32>
        %add3A_1727 = arith.addf %add3A_1724, %mul3A_1726 : vector<16xf32>
        %swap3A_1728 = arith.constant 2 : i32
        %swap3A_1729 = arith.index_cast %swap3A_1728 : i32 to index
        %swap3A_1730 = arith.index_cast %mul3A_1266 : i32 to index
        %swap3A_1731 = tpu.vector_load %arg7[%swap3A_1729, %swap3A_1730] {strides = array<i32>} : memref<16x1024xf32, #tpu.memory_space<vmem>>, vector<1x16xf32>,
        %swap3A_1732 = vector.shape_cast %swap3A_1731 : vector<1x16xf32> to vector<16xf32>
        %swap3A_1733 = vector.shape_cast %add3A_1727 : vector<16xf32> to vector<1x16xf32>
        tpu.vector_store %arg7[%swap3A_1729, %swap3A_1730], %swap3A_1733 {strides = array<i32>} : memref<16x1024xf32, #tpu.memory_space<vmem>>, vector<1x16xf32>,
        %broadcast_in_dim3A_1734 = vector.broadcast %squeeze3A_40 : f32 to vector<16xf32>
        %mul3A_1735 = vector.broadcast %squeeze3A_298 : f32 to vector<16xf32>
        %mul3A_1736 = arith.mulf %mul3A_1735, %get3A_1271 : vector<16xf32>
        %add3A_1737 = arith.addf %broadcast_in_dim3A_1734, %mul3A_1736 : vector<16xf32>
        %mul3A_1738 = vector.broadcast %squeeze3A_300 : f32 to vector<16xf32>
        %mul3A_1739 = arith.mulf %mul3A_1738, %get3A_1276 : vector<16xf32>
        %add3A_1740 = arith.addf %add3A_1737, %mul3A_1739 : vector<16xf32>
        %mul3A_1741 = vector.broadcast %squeeze3A_302 : f32 to vector<16xf32>
        %mul3A_1742 = arith.mulf %mul3A_1741, %get3A_1281 : vector<16xf32>
        %add3A_1743 = arith.addf %add3A_1740, %mul3A_1742 : vector<16xf32>
        %mul3A_1744 = vector.broadcast %squeeze3A_304 : f32 to vector<16xf32>
        %mul3A_1745 = arith.mulf %mul3A_1744, %get3A_1286 : vector<16xf32>
        %add3A_1746 = arith.addf %add3A_1743, %mul3A_1745 : vector<16xf32>
        %mul3A_1747 = vector.broadcast %squeeze3A_306 : f32 to vector<16xf32>
        %mul3A_1748 = arith.mulf %mul3A_1747, %get3A_1291 : vector<16xf32>
        %add3A_1749 = arith.addf %add3A_1746, %mul3A_1748 : vector<16xf32>
        %mul3A_1750 = vector.broadcast %squeeze3A_308 : f32 to vector<16xf32>
        %mul3A_1751 = arith.mulf %mul3A_1750, %get3A_1296 : vector<16xf32>
        %add3A_1752 = arith.addf %add3A_1749, %mul3A_1751 : vector<16xf32>
        %mul3A_1753 = vector.broadcast %squeeze3A_310 : f32 to vector<16xf32>
        %mul3A_1754 = arith.mulf %mul3A_1753, %get3A_1301 : vector<16xf32>
        %add3A_1755 = arith.addf %add3A_1752, %mul3A_1754 : vector<16xf32>
        %mul3A_1756 = vector.broadcast %squeeze3A_312 : f32 to vector<16xf32>
        %mul3A_1757 = arith.mulf %mul3A_1756, %get3A_1306 : vector<16xf32>
        %add3A_1758 = arith.addf %add3A_1755, %mul3A_1757 : vector<16xf32>
        %mul3A_1759 = vector.broadcast %squeeze3A_314 : f32 to vector<16xf32>
        %mul3A_1760 = arith.mulf %mul3A_1759, %get3A_1311 : vector<16xf32>
        %add3A_1761 = arith.addf %add3A_1758, %mul3A_1760 : vector<16xf32>
        %mul3A_1762 = vector.broadcast %squeeze3A_316 : f32 to vector<16xf32>
        %mul3A_1763 = arith.mulf %mul3A_1762, %get3A_1316 : vector<16xf32>
        %add3A_1764 = arith.addf %add3A_1761, %mul3A_1763 : vector<16xf32>
        %mul3A_1765 = vector.broadcast %squeeze3A_318 : f32 to vector<16xf32>
        %mul3A_1766 = arith.mulf %mul3A_1765, %get3A_1321 : vector<16xf32>
        %add3A_1767 = arith.addf %add3A_1764, %mul3A_1766 : vector<16xf32>
        %mul3A_1768 = vector.broadcast %squeeze3A_320 : f32 to vector<16xf32>
        %mul3A_1769 = arith.mulf %mul3A_1768, %get3A_1326 : vector<16xf32>
        %add3A_1770 = arith.addf %add3A_1767, %mul3A_1769 : vector<16xf32>
        %mul3A_1771 = vector.broadcast %squeeze3A_322 : f32 to vector<16xf32>
        %mul3A_1772 = arith.mulf %mul3A_1771, %get3A_1331 : vector<16xf32>
        %add3A_1773 = arith.addf %add3A_1770, %mul3A_1772 : vector<16xf32>
        %mul3A_1774 = vector.broadcast %squeeze3A_324 : f32 to vector<16xf32>
        %mul3A_1775 = arith.mulf %mul3A_1774, %get3A_1336 : vector<16xf32>
        %add3A_1776 = arith.addf %add3A_1773, %mul3A_1775 : vector<16xf32>
        %mul3A_1777 = vector.broadcast %squeeze3A_326 : f32 to vector<16xf32>
        %mul3A_1778 = arith.mulf %mul3A_1777, %get3A_1341 : vector<16xf32>
        %add3A_1779 = arith.addf %add3A_1776, %mul3A_1778 : vector<16xf32>
        %mul3A_1780 = vector.broadcast %squeeze3A_328 : f32 to vector<16xf32>
        %mul3A_1781 = arith.mulf %mul3A_1780, %get3A_1346 : vector<16xf32>
        %add3A_1782 = arith.addf %add3A_1779, %mul3A_1781 : vector<16xf32>
        %mul3A_1783 = vector.broadcast %squeeze3A_330 : f32 to vector<16xf32>
        %mul3A_1784 = arith.mulf %mul3A_1783, %get3A_1351 : vector<16xf32>
        %add3A_1785 = arith.addf %add3A_1782, %mul3A_1784 : vector<16xf32>
        %mul3A_1786 = vector.broadcast %squeeze3A_332 : f32 to vector<16xf32>
        %mul3A_1787 = arith.mulf %mul3A_1786, %get3A_1356 : vector<16xf32>
        %add3A_1788 = arith.addf %add3A_1785, %mul3A_1787 : vector<16xf32>
        %mul3A_1789 = vector.broadcast %squeeze3A_334 : f32 to vector<16xf32>
        %mul3A_1790 = arith.mulf %mul3A_1789, %get3A_1361 : vector<16xf32>
        %add3A_1791 = arith.addf %add3A_1788, %mul3A_1790 : vector<16xf32>
        %mul3A_1792 = vector.broadcast %squeeze3A_336 : f32 to vector<16xf32>
        %mul3A_1793 = arith.mulf %mul3A_1792, %get3A_1366 : vector<16xf32>
        %add3A_1794 = arith.addf %add3A_1791, %mul3A_1793 : vector<16xf32>
        %mul3A_1795 = vector.broadcast %squeeze3A_338 : f32 to vector<16xf32>
        %mul3A_1796 = arith.mulf %mul3A_1795, %get3A_1371 : vector<16xf32>
        %add3A_1797 = arith.addf %add3A_1794, %mul3A_1796 : vector<16xf32>
        %mul3A_1798 = vector.broadcast %squeeze3A_340 : f32 to vector<16xf32>
        %mul3A_1799 = arith.mulf %mul3A_1798, %get3A_1376 : vector<16xf32>
        %add3A_1800 = arith.addf %add3A_1797, %mul3A_1799 : vector<16xf32>
        %mul3A_1801 = vector.broadcast %squeeze3A_342 : f32 to vector<16xf32>
        %mul3A_1802 = arith.mulf %mul3A_1801, %get3A_1381 : vector<16xf32>
        %add3A_1803 = arith.addf %add3A_1800, %mul3A_1802 : vector<16xf32>
        %mul3A_1804 = vector.broadcast %squeeze3A_344 : f32 to vector<16xf32>
        %mul3A_1805 = arith.mulf %mul3A_1804, %get3A_1386 : vector<16xf32>
        %add3A_1806 = arith.addf %add3A_1803, %mul3A_1805 : vector<16xf32>
        %mul3A_1807 = vector.broadcast %squeeze3A_346 : f32 to vector<16xf32>
        %mul3A_1808 = arith.mulf %mul3A_1807, %get3A_1391 : vector<16xf32>
        %add3A_1809 = arith.addf %add3A_1806, %mul3A_1808 : vector<16xf32>
        %mul3A_1810 = vector.broadcast %squeeze3A_348 : f32 to vector<16xf32>
        %mul3A_1811 = arith.mulf %mul3A_1810, %get3A_1396 : vector<16xf32>
        %add3A_1812 = arith.addf %add3A_1809, %mul3A_1811 : vector<16xf32>
        %mul3A_1813 = vector.broadcast %squeeze3A_350 : f32 to vector<16xf32>
        %mul3A_1814 = arith.mulf %mul3A_1813, %get3A_1401 : vector<16xf32>
        %add3A_1815 = arith.addf %add3A_1812, %mul3A_1814 : vector<16xf32>
        %mul3A_1816 = vector.broadcast %squeeze3A_352 : f32 to vector<16xf32>
        %mul3A_1817 = arith.mulf %mul3A_1816, %get3A_1406 : vector<16xf32>
        %add3A_1818 = arith.addf %add3A_1815, %mul3A_1817 : vector<16xf32>
        %mul3A_1819 = vector.broadcast %squeeze3A_354 : f32 to vector<16xf32>
        %mul3A_1820 = arith.mulf %mul3A_1819, %get3A_1411 : vector<16xf32>
        %add3A_1821 = arith.addf %add3A_1818, %mul3A_1820 : vector<16xf32>
        %mul3A_1822 = vector.broadcast %squeeze3A_356 : f32 to vector<16xf32>
        %mul3A_1823 = arith.mulf %mul3A_1822, %get3A_1416 : vector<16xf32>
        %add3A_1824 = arith.addf %add3A_1821, %mul3A_1823 : vector<16xf32>
        %mul3A_1825 = vector.broadcast %squeeze3A_358 : f32 to vector<16xf32>
        %mul3A_1826 = arith.mulf %mul3A_1825, %get3A_1421 : vector<16xf32>
        %add3A_1827 = arith.addf %add3A_1824, %mul3A_1826 : vector<16xf32>
        %mul3A_1828 = vector.broadcast %squeeze3A_360 : f32 to vector<16xf32>
        %mul3A_1829 = arith.mulf %mul3A_1828, %get3A_1426 : vector<16xf32>
        %add3A_1830 = arith.addf %add3A_1827, %mul3A_1829 : vector<16xf32>
        %swap3A_1831 = arith.constant 3 : i32
        %swap3A_1832 = arith.index_cast %swap3A_1831 : i32 to index
        %swap3A_1833 = arith.index_cast %mul3A_1266 : i32 to index
        %swap3A_1834 = tpu.vector_load %arg7[%swap3A_1832, %swap3A_1833] {strides = array<i32>} : memref<16x1024xf32, #tpu.memory_space<vmem>>, vector<1x16xf32>,
        %swap3A_1835 = vector.shape_cast %swap3A_1834 : vector<1x16xf32> to vector<16xf32>
        %swap3A_1836 = vector.shape_cast %add3A_1830 : vector<16xf32> to vector<1x16xf32>
        tpu.vector_store %arg7[%swap3A_1832, %swap3A_1833], %swap3A_1836 {strides = array<i32>} : memref<16x1024xf32, #tpu.memory_space<vmem>>, vector<1x16xf32>,
        %broadcast_in_dim3A_1837 = vector.broadcast %squeeze3A_42 : f32 to vector<16xf32>
        %mul3A_1838 = vector.broadcast %squeeze3A_372 : f32 to vector<16xf32>
        %mul3A_1839 = arith.mulf %mul3A_1838, %get3A_1271 : vector<16xf32>
        %add3A_1840 = arith.addf %broadcast_in_dim3A_1837, %mul3A_1839 : vector<16xf32>
        %mul3A_1841 = vector.broadcast %squeeze3A_374 : f32 to vector<16xf32>
        %mul3A_1842 = arith.mulf %mul3A_1841, %get3A_1276 : vector<16xf32>
        %add3A_1843 = arith.addf %add3A_1840, %mul3A_1842 : vector<16xf32>
        %mul3A_1844 = vector.broadcast %squeeze3A_376 : f32 to vector<16xf32>
        %mul3A_1845 = arith.mulf %mul3A_1844, %get3A_1281 : vector<16xf32>
        %add3A_1846 = arith.addf %add3A_1843, %mul3A_1845 : vector<16xf32>
        %mul3A_1847 = vector.broadcast %squeeze3A_378 : f32 to vector<16xf32>
        %mul3A_1848 = arith.mulf %mul3A_1847, %get3A_1286 : vector<16xf32>
        %add3A_1849 = arith.addf %add3A_1846, %mul3A_1848 : vector<16xf32>
        %mul3A_1850 = vector.broadcast %squeeze3A_380 : f32 to vector<16xf32>
        %mul3A_1851 = arith.mulf %mul3A_1850, %get3A_1291 : vector<16xf32>
        %add3A_1852 = arith.addf %add3A_1849, %mul3A_1851 : vector<16xf32>
        %mul3A_1853 = vector.broadcast %squeeze3A_382 : f32 to vector<16xf32>
        %mul3A_1854 = arith.mulf %mul3A_1853, %get3A_1296 : vector<16xf32>
        %add3A_1855 = arith.addf %add3A_1852, %mul3A_1854 : vector<16xf32>
        %mul3A_1856 = vector.broadcast %squeeze3A_384 : f32 to vector<16xf32>
        %mul3A_1857 = arith.mulf %mul3A_1856, %get3A_1301 : vector<16xf32>
        %add3A_1858 = arith.addf %add3A_1855, %mul3A_1857 : vector<16xf32>
        %mul3A_1859 = vector.broadcast %squeeze3A_386 : f32 to vector<16xf32>
        %mul3A_1860 = arith.mulf %mul3A_1859, %get3A_1306 : vector<16xf32>
        %add3A_1861 = arith.addf %add3A_1858, %mul3A_1860 : vector<16xf32>
        %mul3A_1862 = vector.broadcast %squeeze3A_388 : f32 to vector<16xf32>
        %mul3A_1863 = arith.mulf %mul3A_1862, %get3A_1311 : vector<16xf32>
        %add3A_1864 = arith.addf %add3A_1861, %mul3A_1863 : vector<16xf32>
        %mul3A_1865 = vector.broadcast %squeeze3A_390 : f32 to vector<16xf32>
        %mul3A_1866 = arith.mulf %mul3A_1865, %get3A_1316 : vector<16xf32>
        %add3A_1867 = arith.addf %add3A_1864, %mul3A_1866 : vector<16xf32>
        %mul3A_1868 = vector.broadcast %squeeze3A_392 : f32 to vector<16xf32>
        %mul3A_1869 = arith.mulf %mul3A_1868, %get3A_1321 : vector<16xf32>
        %add3A_1870 = arith.addf %add3A_1867, %mul3A_1869 : vector<16xf32>
        %mul3A_1871 = vector.broadcast %squeeze3A_394 : f32 to vector<16xf32>
        %mul3A_1872 = arith.mulf %mul3A_1871, %get3A_1326 : vector<16xf32>
        %add3A_1873 = arith.addf %add3A_1870, %mul3A_1872 : vector<16xf32>
        %mul3A_1874 = vector.broadcast %squeeze3A_396 : f32 to vector<16xf32>
        %mul3A_1875 = arith.mulf %mul3A_1874, %get3A_1331 : vector<16xf32>
        %add3A_1876 = arith.addf %add3A_1873, %mul3A_1875 : vector<16xf32>
        %mul3A_1877 = vector.broadcast %squeeze3A_398 : f32 to vector<16xf32>
        %mul3A_1878 = arith.mulf %mul3A_1877, %get3A_1336 : vector<16xf32>
        %add3A_1879 = arith.addf %add3A_1876, %mul3A_1878 : vector<16xf32>
        %mul3A_1880 = vector.broadcast %squeeze3A_400 : f32 to vector<16xf32>
        %mul3A_1881 = arith.mulf %mul3A_1880, %get3A_1341 : vector<16xf32>
        %add3A_1882 = arith.addf %add3A_1879, %mul3A_1881 : vector<16xf32>
        %mul3A_1883 = vector.broadcast %squeeze3A_402 : f32 to vector<16xf32>
        %mul3A_1884 = arith.mulf %mul3A_1883, %get3A_1346 : vector<16xf32>
        %add3A_1885 = arith.addf %add3A_1882, %mul3A_1884 : vector<16xf32>
        %mul3A_1886 = vector.broadcast %squeeze3A_404 : f32 to vector<16xf32>
        %mul3A_1887 = arith.mulf %mul3A_1886, %get3A_1351 : vector<16xf32>
        %add3A_1888 = arith.addf %add3A_1885, %mul3A_1887 : vector<16xf32>
        %mul3A_1889 = vector.broadcast %squeeze3A_406 : f32 to vector<16xf32>
        %mul3A_1890 = arith.mulf %mul3A_1889, %get3A_1356 : vector<16xf32>
        %add3A_1891 = arith.addf %add3A_1888, %mul3A_1890 : vector<16xf32>
        %mul3A_1892 = vector.broadcast %squeeze3A_408 : f32 to vector<16xf32>
        %mul3A_1893 = arith.mulf %mul3A_1892, %get3A_1361 : vector<16xf32>
        %add3A_1894 = arith.addf %add3A_1891, %mul3A_1893 : vector<16xf32>
        %mul3A_1895 = vector.broadcast %squeeze3A_410 : f32 to vector<16xf32>
        %mul3A_1896 = arith.mulf %mul3A_1895, %get3A_1366 : vector<16xf32>
        %add3A_1897 = arith.addf %add3A_1894, %mul3A_1896 : vector<16xf32>
        %mul3A_1898 = vector.broadcast %squeeze3A_412 : f32 to vector<16xf32>
        %mul3A_1899 = arith.mulf %mul3A_1898, %get3A_1371 : vector<16xf32>
        %add3A_1900 = arith.addf %add3A_1897, %mul3A_1899 : vector<16xf32>
        %mul3A_1901 = vector.broadcast %squeeze3A_414 : f32 to vector<16xf32>
        %mul3A_1902 = arith.mulf %mul3A_1901, %get3A_1376 : vector<16xf32>
        %add3A_1903 = arith.addf %add3A_1900, %mul3A_1902 : vector<16xf32>
        %mul3A_1904 = vector.broadcast %squeeze3A_416 : f32 to vector<16xf32>
        %mul3A_1905 = arith.mulf %mul3A_1904, %get3A_1381 : vector<16xf32>
        %add3A_1906 = arith.addf %add3A_1903, %mul3A_1905 : vector<16xf32>
        %mul3A_1907 = vector.broadcast %squeeze3A_418 : f32 to vector<16xf32>
        %mul3A_1908 = arith.mulf %mul3A_1907, %get3A_1386 : vector<16xf32>
        %add3A_1909 = arith.addf %add3A_1906, %mul3A_1908 : vector<16xf32>
        %mul3A_1910 = vector.broadcast %squeeze3A_420 : f32 to vector<16xf32>
        %mul3A_1911 = arith.mulf %mul3A_1910, %get3A_1391 : vector<16xf32>
        %add3A_1912 = arith.addf %add3A_1909, %mul3A_1911 : vector<16xf32>
        %mul3A_1913 = vector.broadcast %squeeze3A_422 : f32 to vector<16xf32>
        %mul3A_1914 = arith.mulf %mul3A_1913, %get3A_1396 : vector<16xf32>
        %add3A_1915 = arith.addf %add3A_1912, %mul3A_1914 : vector<16xf32>
        %mul3A_1916 = vector.broadcast %squeeze3A_424 : f32 to vector<16xf32>
        %mul3A_1917 = arith.mulf %mul3A_1916, %get3A_1401 : vector<16xf32>
        %add3A_1918 = arith.addf %add3A_1915, %mul3A_1917 : vector<16xf32>
        %mul3A_1919 = vector.broadcast %squeeze3A_426 : f32 to vector<16xf32>
        %mul3A_1920 = arith.mulf %mul3A_1919, %get3A_1406 : vector<16xf32>
        %add3A_1921 = arith.addf %add3A_1918, %mul3A_1920 : vector<16xf32>
        %mul3A_1922 = vector.broadcast %squeeze3A_428 : f32 to vector<16xf32>
        %mul3A_1923 = arith.mulf %mul3A_1922, %get3A_1411 : vector<16xf32>
        %add3A_1924 = arith.addf %add3A_1921, %mul3A_1923 : vector<16xf32>
        %mul3A_1925 = vector.broadcast %squeeze3A_430 : f32 to vector<16xf32>
        %mul3A_1926 = arith.mulf %mul3A_1925, %get3A_1416 : vector<16xf32>
        %add3A_1927 = arith.addf %add3A_1924, %mul3A_1926 : vector<16xf32>
        %mul3A_1928 = vector.broadcast %squeeze3A_432 : f32 to vector<16xf32>
        %mul3A_1929 = arith.mulf %mul3A_1928, %get3A_1421 : vector<16xf32>
        %add3A_1930 = arith.addf %add3A_1927, %mul3A_1929 : vector<16xf32>
        %mul3A_1931 = vector.broadcast %squeeze3A_434 : f32 to vector<16xf32>
        %mul3A_1932 = arith.mulf %mul3A_1931, %get3A_1426 : vector<16xf32>
        %add3A_1933 = arith.addf %add3A_1930, %mul3A_1932 : vector<16xf32>
        %swap3A_1934 = arith.constant 4 : i32
        %swap3A_1935 = arith.index_cast %swap3A_1934 : i32 to index
        %swap3A_1936 = arith.index_cast %mul3A_1266 : i32 to index
        %swap3A_1937 = tpu.vector_load %arg7[%swap3A_1935, %swap3A_1936] {strides = array<i32>} : memref<16x1024xf32, #tpu.memory_space<vmem>>, vector<1x16xf32>,
        %swap3A_1938 = vector.shape_cast %swap3A_1937 : vector<1x16xf32> to vector<16xf32>
        %swap3A_1939 = vector.shape_cast %add3A_1933 : vector<16xf32> to vector<1x16xf32>
        tpu.vector_store %arg7[%swap3A_1935, %swap3A_1936], %swap3A_1939 {strides = array<i32>} : memref<16x1024xf32, #tpu.memory_space<vmem>>, vector<1x16xf32>,
        %broadcast_in_dim3A_1940 = vector.broadcast %squeeze3A_44 : f32 to vector<16xf32>
        %mul3A_1941 = vector.broadcast %squeeze3A_446 : f32 to vector<16xf32>
        %mul3A_1942 = arith.mulf %mul3A_1941, %get3A_1271 : vector<16xf32>
        %add3A_1943 = arith.addf %broadcast_in_dim3A_1940, %mul3A_1942 : vector<16xf32>
        %mul3A_1944 = vector.broadcast %squeeze3A_448 : f32 to vector<16xf32>
        %mul3A_1945 = arith.mulf %mul3A_1944, %get3A_1276 : vector<16xf32>
        %add3A_1946 = arith.addf %add3A_1943, %mul3A_1945 : vector<16xf32>
        %mul3A_1947 = vector.broadcast %squeeze3A_450 : f32 to vector<16xf32>
        %mul3A_1948 = arith.mulf %mul3A_1947, %get3A_1281 : vector<16xf32>
        %add3A_1949 = arith.addf %add3A_1946, %mul3A_1948 : vector<16xf32>
        %mul3A_1950 = vector.broadcast %squeeze3A_452 : f32 to vector<16xf32>
        %mul3A_1951 = arith.mulf %mul3A_1950, %get3A_1286 : vector<16xf32>
        %add3A_1952 = arith.addf %add3A_1949, %mul3A_1951 : vector<16xf32>
        %mul3A_1953 = vector.broadcast %squeeze3A_454 : f32 to vector<16xf32>
        %mul3A_1954 = arith.mulf %mul3A_1953, %get3A_1291 : vector<16xf32>
        %add3A_1955 = arith.addf %add3A_1952, %mul3A_1954 : vector<16xf32>
        %mul3A_1956 = vector.broadcast %squeeze3A_456 : f32 to vector<16xf32>
        %mul3A_1957 = arith.mulf %mul3A_1956, %get3A_1296 : vector<16xf32>
        %add3A_1958 = arith.addf %add3A_1955, %mul3A_1957 : vector<16xf32>
        %mul3A_1959 = vector.broadcast %squeeze3A_458 : f32 to vector<16xf32>
        %mul3A_1960 = arith.mulf %mul3A_1959, %get3A_1301 : vector<16xf32>
        %add3A_1961 = arith.addf %add3A_1958, %mul3A_1960 : vector<16xf32>
        %mul3A_1962 = vector.broadcast %squeeze3A_460 : f32 to vector<16xf32>
        %mul3A_1963 = arith.mulf %mul3A_1962, %get3A_1306 : vector<16xf32>
        %add3A_1964 = arith.addf %add3A_1961, %mul3A_1963 : vector<16xf32>
        %mul3A_1965 = vector.broadcast %squeeze3A_462 : f32 to vector<16xf32>
        %mul3A_1966 = arith.mulf %mul3A_1965, %get3A_1311 : vector<16xf32>
        %add3A_1967 = arith.addf %add3A_1964, %mul3A_1966 : vector<16xf32>
        %mul3A_1968 = vector.broadcast %squeeze3A_464 : f32 to vector<16xf32>
        %mul3A_1969 = arith.mulf %mul3A_1968, %get3A_1316 : vector<16xf32>
        %add3A_1970 = arith.addf %add3A_1967, %mul3A_1969 : vector<16xf32>
        %mul3A_1971 = vector.broadcast %squeeze3A_466 : f32 to vector<16xf32>
        %mul3A_1972 = arith.mulf %mul3A_1971, %get3A_1321 : vector<16xf32>
        %add3A_1973 = arith.addf %add3A_1970, %mul3A_1972 : vector<16xf32>
        %mul3A_1974 = vector.broadcast %squeeze3A_468 : f32 to vector<16xf32>
        %mul3A_1975 = arith.mulf %mul3A_1974, %get3A_1326 : vector<16xf32>
        %add3A_1976 = arith.addf %add3A_1973, %mul3A_1975 : vector<16xf32>
        %mul3A_1977 = vector.broadcast %squeeze3A_470 : f32 to vector<16xf32>
        %mul3A_1978 = arith.mulf %mul3A_1977, %get3A_1331 : vector<16xf32>
        %add3A_1979 = arith.addf %add3A_1976, %mul3A_1978 : vector<16xf32>
        %mul3A_1980 = vector.broadcast %squeeze3A_472 : f32 to vector<16xf32>
        %mul3A_1981 = arith.mulf %mul3A_1980, %get3A_1336 : vector<16xf32>
        %add3A_1982 = arith.addf %add3A_1979, %mul3A_1981 : vector<16xf32>
        %mul3A_1983 = vector.broadcast %squeeze3A_474 : f32 to vector<16xf32>
        %mul3A_1984 = arith.mulf %mul3A_1983, %get3A_1341 : vector<16xf32>
        %add3A_1985 = arith.addf %add3A_1982, %mul3A_1984 : vector<16xf32>
        %mul3A_1986 = vector.broadcast %squeeze3A_476 : f32 to vector<16xf32>
        %mul3A_1987 = arith.mulf %mul3A_1986, %get3A_1346 : vector<16xf32>
        %add3A_1988 = arith.addf %add3A_1985, %mul3A_1987 : vector<16xf32>
        %mul3A_1989 = vector.broadcast %squeeze3A_478 : f32 to vector<16xf32>
        %mul3A_1990 = arith.mulf %mul3A_1989, %get3A_1351 : vector<16xf32>
        %add3A_1991 = arith.addf %add3A_1988, %mul3A_1990 : vector<16xf32>
        %mul3A_1992 = vector.broadcast %squeeze3A_480 : f32 to vector<16xf32>
        %mul3A_1993 = arith.mulf %mul3A_1992, %get3A_1356 : vector<16xf32>
        %add3A_1994 = arith.addf %add3A_1991, %mul3A_1993 : vector<16xf32>
        %mul3A_1995 = vector.broadcast %squeeze3A_482 : f32 to vector<16xf32>
        %mul3A_1996 = arith.mulf %mul3A_1995, %get3A_1361 : vector<16xf32>
        %add3A_1997 = arith.addf %add3A_1994, %mul3A_1996 : vector<16xf32>
        %mul3A_1998 = vector.broadcast %squeeze3A_484 : f32 to vector<16xf32>
        %mul3A_1999 = arith.mulf %mul3A_1998, %get3A_1366 : vector<16xf32>
        %add3A_2000 = arith.addf %add3A_1997, %mul3A_1999 : vector<16xf32>
        %mul3A_2001 = vector.broadcast %squeeze3A_486 : f32 to vector<16xf32>
        %mul3A_2002 = arith.mulf %mul3A_2001, %get3A_1371 : vector<16xf32>
        %add3A_2003 = arith.addf %add3A_2000, %mul3A_2002 : vector<16xf32>
        %mul3A_2004 = vector.broadcast %squeeze3A_488 : f32 to vector<16xf32>
        %mul3A_2005 = arith.mulf %mul3A_2004, %get3A_1376 : vector<16xf32>
        %add3A_2006 = arith.addf %add3A_2003, %mul3A_2005 : vector<16xf32>
        %mul3A_2007 = vector.broadcast %squeeze3A_490 : f32 to vector<16xf32>
        %mul3A_2008 = arith.mulf %mul3A_2007, %get3A_1381 : vector<16xf32>
        %add3A_2009 = arith.addf %add3A_2006, %mul3A_2008 : vector<16xf32>
        %mul3A_2010 = vector.broadcast %squeeze3A_492 : f32 to vector<16xf32>
        %mul3A_2011 = arith.mulf %mul3A_2010, %get3A_1386 : vector<16xf32>
        %add3A_2012 = arith.addf %add3A_2009, %mul3A_2011 : vector<16xf32>
        %mul3A_2013 = vector.broadcast %squeeze3A_494 : f32 to vector<16xf32>
        %mul3A_2014 = arith.mulf %mul3A_2013, %get3A_1391 : vector<16xf32>
        %add3A_2015 = arith.addf %add3A_2012, %mul3A_2014 : vector<16xf32>
        %mul3A_2016 = vector.broadcast %squeeze3A_496 : f32 to vector<16xf32>
        %mul3A_2017 = arith.mulf %mul3A_2016, %get3A_1396 : vector<16xf32>
        %add3A_2018 = arith.addf %add3A_2015, %mul3A_2017 : vector<16xf32>
        %mul3A_2019 = vector.broadcast %squeeze3A_498 : f32 to vector<16xf32>
        %mul3A_2020 = arith.mulf %mul3A_2019, %get3A_1401 : vector<16xf32>
        %add3A_2021 = arith.addf %add3A_2018, %mul3A_2020 : vector<16xf32>
        %mul3A_2022 = vector.broadcast %squeeze3A_500 : f32 to vector<16xf32>
        %mul3A_2023 = arith.mulf %mul3A_2022, %get3A_1406 : vector<16xf32>
        %add3A_2024 = arith.addf %add3A_2021, %mul3A_2023 : vector<16xf32>
        %mul3A_2025 = vector.broadcast %squeeze3A_502 : f32 to vector<16xf32>
        %mul3A_2026 = arith.mulf %mul3A_2025, %get3A_1411 : vector<16xf32>
        %add3A_2027 = arith.addf %add3A_2024, %mul3A_2026 : vector<16xf32>
        %mul3A_2028 = vector.broadcast %squeeze3A_504 : f32 to vector<16xf32>
        %mul3A_2029 = arith.mulf %mul3A_2028, %get3A_1416 : vector<16xf32>
        %add3A_2030 = arith.addf %add3A_2027, %mul3A_2029 : vector<16xf32>
        %mul3A_2031 = vector.broadcast %squeeze3A_506 : f32 to vector<16xf32>
        %mul3A_2032 = arith.mulf %mul3A_2031, %get3A_1421 : vector<16xf32>
        %add3A_2033 = arith.addf %add3A_2030, %mul3A_2032 : vector<16xf32>
        %mul3A_2034 = vector.broadcast %squeeze3A_508 : f32 to vector<16xf32>
        %mul3A_2035 = arith.mulf %mul3A_2034, %get3A_1426 : vector<16xf32>
        %add3A_2036 = arith.addf %add3A_2033, %mul3A_2035 : vector<16xf32>
        %swap3A_2037 = arith.constant 5 : i32
        %swap3A_2038 = arith.index_cast %swap3A_2037 : i32 to index
        %swap3A_2039 = arith.index_cast %mul3A_1266 : i32 to index
        %swap3A_2040 = tpu.vector_load %arg7[%swap3A_2038, %swap3A_2039] {strides = array<i32>} : memref<16x1024xf32, #tpu.memory_space<vmem>>, vector<1x16xf32>,
        %swap3A_2041 = vector.shape_cast %swap3A_2040 : vector<1x16xf32> to vector<16xf32>
        %swap3A_2042 = vector.shape_cast %add3A_2036 : vector<16xf32> to vector<1x16xf32>
        tpu.vector_store %arg7[%swap3A_2038, %swap3A_2039], %swap3A_2042 {strides = array<i32>} : memref<16x1024xf32, #tpu.memory_space<vmem>>, vector<1x16xf32>,
        %broadcast_in_dim3A_2043 = vector.broadcast %squeeze3A_46 : f32 to vector<16xf32>
        %mul3A_2044 = vector.broadcast %squeeze3A_520 : f32 to vector<16xf32>
        %mul3A_2045 = arith.mulf %mul3A_2044, %get3A_1271 : vector<16xf32>
        %add3A_2046 = arith.addf %broadcast_in_dim3A_2043, %mul3A_2045 : vector<16xf32>
        %mul3A_2047 = vector.broadcast %squeeze3A_522 : f32 to vector<16xf32>
        %mul3A_2048 = arith.mulf %mul3A_2047, %get3A_1276 : vector<16xf32>
        %add3A_2049 = arith.addf %add3A_2046, %mul3A_2048 : vector<16xf32>
        %mul3A_2050 = vector.broadcast %squeeze3A_524 : f32 to vector<16xf32>
        %mul3A_2051 = arith.mulf %mul3A_2050, %get3A_1281 : vector<16xf32>
        %add3A_2052 = arith.addf %add3A_2049, %mul3A_2051 : vector<16xf32>
        %mul3A_2053 = vector.broadcast %squeeze3A_526 : f32 to vector<16xf32>
        %mul3A_2054 = arith.mulf %mul3A_2053, %get3A_1286 : vector<16xf32>
        %add3A_2055 = arith.addf %add3A_2052, %mul3A_2054 : vector<16xf32>
        %mul3A_2056 = vector.broadcast %squeeze3A_528 : f32 to vector<16xf32>
        %mul3A_2057 = arith.mulf %mul3A_2056, %get3A_1291 : vector<16xf32>
        %add3A_2058 = arith.addf %add3A_2055, %mul3A_2057 : vector<16xf32>
        %mul3A_2059 = vector.broadcast %squeeze3A_530 : f32 to vector<16xf32>
        %mul3A_2060 = arith.mulf %mul3A_2059, %get3A_1296 : vector<16xf32>
        %add3A_2061 = arith.addf %add3A_2058, %mul3A_2060 : vector<16xf32>
        %mul3A_2062 = vector.broadcast %squeeze3A_532 : f32 to vector<16xf32>
        %mul3A_2063 = arith.mulf %mul3A_2062, %get3A_1301 : vector<16xf32>
        %add3A_2064 = arith.addf %add3A_2061, %mul3A_2063 : vector<16xf32>
        %mul3A_2065 = vector.broadcast %squeeze3A_534 : f32 to vector<16xf32>
        %mul3A_2066 = arith.mulf %mul3A_2065, %get3A_1306 : vector<16xf32>
        %add3A_2067 = arith.addf %add3A_2064, %mul3A_2066 : vector<16xf32>
        %mul3A_2068 = vector.broadcast %squeeze3A_536 : f32 to vector<16xf32>
        %mul3A_2069 = arith.mulf %mul3A_2068, %get3A_1311 : vector<16xf32>
        %add3A_2070 = arith.addf %add3A_2067, %mul3A_2069 : vector<16xf32>
        %mul3A_2071 = vector.broadcast %squeeze3A_538 : f32 to vector<16xf32>
        %mul3A_2072 = arith.mulf %mul3A_2071, %get3A_1316 : vector<16xf32>
        %add3A_2073 = arith.addf %add3A_2070, %mul3A_2072 : vector<16xf32>
        %mul3A_2074 = vector.broadcast %squeeze3A_540 : f32 to vector<16xf32>
        %mul3A_2075 = arith.mulf %mul3A_2074, %get3A_1321 : vector<16xf32>
        %add3A_2076 = arith.addf %add3A_2073, %mul3A_2075 : vector<16xf32>
        %mul3A_2077 = vector.broadcast %squeeze3A_542 : f32 to vector<16xf32>
        %mul3A_2078 = arith.mulf %mul3A_2077, %get3A_1326 : vector<16xf32>
        %add3A_2079 = arith.addf %add3A_2076, %mul3A_2078 : vector<16xf32>
        %mul3A_2080 = vector.broadcast %squeeze3A_544 : f32 to vector<16xf32>
        %mul3A_2081 = arith.mulf %mul3A_2080, %get3A_1331 : vector<16xf32>
        %add3A_2082 = arith.addf %add3A_2079, %mul3A_2081 : vector<16xf32>
        %mul3A_2083 = vector.broadcast %squeeze3A_546 : f32 to vector<16xf32>
        %mul3A_2084 = arith.mulf %mul3A_2083, %get3A_1336 : vector<16xf32>
        %add3A_2085 = arith.addf %add3A_2082, %mul3A_2084 : vector<16xf32>
        %mul3A_2086 = vector.broadcast %squeeze3A_548 : f32 to vector<16xf32>
        %mul3A_2087 = arith.mulf %mul3A_2086, %get3A_1341 : vector<16xf32>
        %add3A_2088 = arith.addf %add3A_2085, %mul3A_2087 : vector<16xf32>
        %mul3A_2089 = vector.broadcast %squeeze3A_550 : f32 to vector<16xf32>
        %mul3A_2090 = arith.mulf %mul3A_2089, %get3A_1346 : vector<16xf32>
        %add3A_2091 = arith.addf %add3A_2088, %mul3A_2090 : vector<16xf32>
        %mul3A_2092 = vector.broadcast %squeeze3A_552 : f32 to vector<16xf32>
        %mul3A_2093 = arith.mulf %mul3A_2092, %get3A_1351 : vector<16xf32>
        %add3A_2094 = arith.addf %add3A_2091, %mul3A_2093 : vector<16xf32>
        %mul3A_2095 = vector.broadcast %squeeze3A_554 : f32 to vector<16xf32>
        %mul3A_2096 = arith.mulf %mul3A_2095, %get3A_1356 : vector<16xf32>
        %add3A_2097 = arith.addf %add3A_2094, %mul3A_2096 : vector<16xf32>
        %mul3A_2098 = vector.broadcast %squeeze3A_556 : f32 to vector<16xf32>
        %mul3A_2099 = arith.mulf %mul3A_2098, %get3A_1361 : vector<16xf32>
        %add3A_2100 = arith.addf %add3A_2097, %mul3A_2099 : vector<16xf32>
        %mul3A_2101 = vector.broadcast %squeeze3A_558 : f32 to vector<16xf32>
        %mul3A_2102 = arith.mulf %mul3A_2101, %get3A_1366 : vector<16xf32>
        %add3A_2103 = arith.addf %add3A_2100, %mul3A_2102 : vector<16xf32>
        %mul3A_2104 = vector.broadcast %squeeze3A_560 : f32 to vector<16xf32>
        %mul3A_2105 = arith.mulf %mul3A_2104, %get3A_1371 : vector<16xf32>
        %add3A_2106 = arith.addf %add3A_2103, %mul3A_2105 : vector<16xf32>
        %mul3A_2107 = vector.broadcast %squeeze3A_562 : f32 to vector<16xf32>
        %mul3A_2108 = arith.mulf %mul3A_2107, %get3A_1376 : vector<16xf32>
        %add3A_2109 = arith.addf %add3A_2106, %mul3A_2108 : vector<16xf32>
        %mul3A_2110 = vector.broadcast %squeeze3A_564 : f32 to vector<16xf32>
        %mul3A_2111 = arith.mulf %mul3A_2110, %get3A_1381 : vector<16xf32>
        %add3A_2112 = arith.addf %add3A_2109, %mul3A_2111 : vector<16xf32>
        %mul3A_2113 = vector.broadcast %squeeze3A_566 : f32 to vector<16xf32>
        %mul3A_2114 = arith.mulf %mul3A_2113, %get3A_1386 : vector<16xf32>
        %add3A_2115 = arith.addf %add3A_2112, %mul3A_2114 : vector<16xf32>
        %mul3A_2116 = vector.broadcast %squeeze3A_568 : f32 to vector<16xf32>
        %mul3A_2117 = arith.mulf %mul3A_2116, %get3A_1391 : vector<16xf32>
        %add3A_2118 = arith.addf %add3A_2115, %mul3A_2117 : vector<16xf32>
        %mul3A_2119 = vector.broadcast %squeeze3A_570 : f32 to vector<16xf32>
        %mul3A_2120 = arith.mulf %mul3A_2119, %get3A_1396 : vector<16xf32>
        %add3A_2121 = arith.addf %add3A_2118, %mul3A_2120 : vector<16xf32>
        %mul3A_2122 = vector.broadcast %squeeze3A_572 : f32 to vector<16xf32>
        %mul3A_2123 = arith.mulf %mul3A_2122, %get3A_1401 : vector<16xf32>
        %add3A_2124 = arith.addf %add3A_2121, %mul3A_2123 : vector<16xf32>
        %mul3A_2125 = vector.broadcast %squeeze3A_574 : f32 to vector<16xf32>
        %mul3A_2126 = arith.mulf %mul3A_2125, %get3A_1406 : vector<16xf32>
        %add3A_2127 = arith.addf %add3A_2124, %mul3A_2126 : vector<16xf32>
        %mul3A_2128 = vector.broadcast %squeeze3A_576 : f32 to vector<16xf32>
        %mul3A_2129 = arith.mulf %mul3A_2128, %get3A_1411 : vector<16xf32>
        %add3A_2130 = arith.addf %add3A_2127, %mul3A_2129 : vector<16xf32>
        %mul3A_2131 = vector.broadcast %squeeze3A_578 : f32 to vector<16xf32>
        %mul3A_2132 = arith.mulf %mul3A_2131, %get3A_1416 : vector<16xf32>
        %add3A_2133 = arith.addf %add3A_2130, %mul3A_2132 : vector<16xf32>
        %mul3A_2134 = vector.broadcast %squeeze3A_580 : f32 to vector<16xf32>
        %mul3A_2135 = arith.mulf %mul3A_2134, %get3A_1421 : vector<16xf32>
        %add3A_2136 = arith.addf %add3A_2133, %mul3A_2135 : vector<16xf32>
        %mul3A_2137 = vector.broadcast %squeeze3A_582 : f32 to vector<16xf32>
        %mul3A_2138 = arith.mulf %mul3A_2137, %get3A_1426 : vector<16xf32>
        %add3A_2139 = arith.addf %add3A_2136, %mul3A_2138 : vector<16xf32>
        %swap3A_2140 = arith.constant 6 : i32
        %swap3A_2141 = arith.index_cast %swap3A_2140 : i32 to index
        %swap3A_2142 = arith.index_cast %mul3A_1266 : i32 to index
        %swap3A_2143 = tpu.vector_load %arg7[%swap3A_2141, %swap3A_2142] {strides = array<i32>} : memref<16x1024xf32, #tpu.memory_space<vmem>>, vector<1x16xf32>,
        %swap3A_2144 = vector.shape_cast %swap3A_2143 : vector<1x16xf32> to vector<16xf32>
        %swap3A_2145 = vector.shape_cast %add3A_2139 : vector<16xf32> to vector<1x16xf32>
        tpu.vector_store %arg7[%swap3A_2141, %swap3A_2142], %swap3A_2145 {strides = array<i32>} : memref<16x1024xf32, #tpu.memory_space<vmem>>, vector<1x16xf32>,
        %broadcast_in_dim3A_2146 = vector.broadcast %squeeze3A_48 : f32 to vector<16xf32>
        %mul3A_2147 = vector.broadcast %squeeze3A_594 : f32 to vector<16xf32>
        %mul3A_2148 = arith.mulf %mul3A_2147, %get3A_1271 : vector<16xf32>
        %add3A_2149 = arith.addf %broadcast_in_dim3A_2146, %mul3A_2148 : vector<16xf32>
        %mul3A_2150 = vector.broadcast %squeeze3A_596 : f32 to vector<16xf32>
        %mul3A_2151 = arith.mulf %mul3A_2150, %get3A_1276 : vector<16xf32>
        %add3A_2152 = arith.addf %add3A_2149, %mul3A_2151 : vector<16xf32>
        %mul3A_2153 = vector.broadcast %squeeze3A_598 : f32 to vector<16xf32>
        %mul3A_2154 = arith.mulf %mul3A_2153, %get3A_1281 : vector<16xf32>
        %add3A_2155 = arith.addf %add3A_2152, %mul3A_2154 : vector<16xf32>
        %mul3A_2156 = vector.broadcast %squeeze3A_600 : f32 to vector<16xf32>
        %mul3A_2157 = arith.mulf %mul3A_2156, %get3A_1286 : vector<16xf32>
        %add3A_2158 = arith.addf %add3A_2155, %mul3A_2157 : vector<16xf32>
        %mul3A_2159 = vector.broadcast %squeeze3A_602 : f32 to vector<16xf32>
        %mul3A_2160 = arith.mulf %mul3A_2159, %get3A_1291 : vector<16xf32>
        %add3A_2161 = arith.addf %add3A_2158, %mul3A_2160 : vector<16xf32>
        %mul3A_2162 = vector.broadcast %squeeze3A_604 : f32 to vector<16xf32>
        %mul3A_2163 = arith.mulf %mul3A_2162, %get3A_1296 : vector<16xf32>
        %add3A_2164 = arith.addf %add3A_2161, %mul3A_2163 : vector<16xf32>
        %mul3A_2165 = vector.broadcast %squeeze3A_606 : f32 to vector<16xf32>
        %mul3A_2166 = arith.mulf %mul3A_2165, %get3A_1301 : vector<16xf32>
        %add3A_2167 = arith.addf %add3A_2164, %mul3A_2166 : vector<16xf32>
        %mul3A_2168 = vector.broadcast %squeeze3A_608 : f32 to vector<16xf32>
        %mul3A_2169 = arith.mulf %mul3A_2168, %get3A_1306 : vector<16xf32>
        %add3A_2170 = arith.addf %add3A_2167, %mul3A_2169 : vector<16xf32>
        %mul3A_2171 = vector.broadcast %squeeze3A_610 : f32 to vector<16xf32>
        %mul3A_2172 = arith.mulf %mul3A_2171, %get3A_1311 : vector<16xf32>
        %add3A_2173 = arith.addf %add3A_2170, %mul3A_2172 : vector<16xf32>
        %mul3A_2174 = vector.broadcast %squeeze3A_612 : f32 to vector<16xf32>
        %mul3A_2175 = arith.mulf %mul3A_2174, %get3A_1316 : vector<16xf32>
        %add3A_2176 = arith.addf %add3A_2173, %mul3A_2175 : vector<16xf32>
        %mul3A_2177 = vector.broadcast %squeeze3A_614 : f32 to vector<16xf32>
        %mul3A_2178 = arith.mulf %mul3A_2177, %get3A_1321 : vector<16xf32>
        %add3A_2179 = arith.addf %add3A_2176, %mul3A_2178 : vector<16xf32>
        %mul3A_2180 = vector.broadcast %squeeze3A_616 : f32 to vector<16xf32>
        %mul3A_2181 = arith.mulf %mul3A_2180, %get3A_1326 : vector<16xf32>
        %add3A_2182 = arith.addf %add3A_2179, %mul3A_2181 : vector<16xf32>
        %mul3A_2183 = vector.broadcast %squeeze3A_618 : f32 to vector<16xf32>
        %mul3A_2184 = arith.mulf %mul3A_2183, %get3A_1331 : vector<16xf32>
        %add3A_2185 = arith.addf %add3A_2182, %mul3A_2184 : vector<16xf32>
        %mul3A_2186 = vector.broadcast %squeeze3A_620 : f32 to vector<16xf32>
        %mul3A_2187 = arith.mulf %mul3A_2186, %get3A_1336 : vector<16xf32>
        %add3A_2188 = arith.addf %add3A_2185, %mul3A_2187 : vector<16xf32>
        %mul3A_2189 = vector.broadcast %squeeze3A_622 : f32 to vector<16xf32>
        %mul3A_2190 = arith.mulf %mul3A_2189, %get3A_1341 : vector<16xf32>
        %add3A_2191 = arith.addf %add3A_2188, %mul3A_2190 : vector<16xf32>
        %mul3A_2192 = vector.broadcast %squeeze3A_624 : f32 to vector<16xf32>
        %mul3A_2193 = arith.mulf %mul3A_2192, %get3A_1346 : vector<16xf32>
        %add3A_2194 = arith.addf %add3A_2191, %mul3A_2193 : vector<16xf32>
        %mul3A_2195 = vector.broadcast %squeeze3A_626 : f32 to vector<16xf32>
        %mul3A_2196 = arith.mulf %mul3A_2195, %get3A_1351 : vector<16xf32>
        %add3A_2197 = arith.addf %add3A_2194, %mul3A_2196 : vector<16xf32>
        %mul3A_2198 = vector.broadcast %squeeze3A_628 : f32 to vector<16xf32>
        %mul3A_2199 = arith.mulf %mul3A_2198, %get3A_1356 : vector<16xf32>
        %add3A_2200 = arith.addf %add3A_2197, %mul3A_2199 : vector<16xf32>
        %mul3A_2201 = vector.broadcast %squeeze3A_630 : f32 to vector<16xf32>
        %mul3A_2202 = arith.mulf %mul3A_2201, %get3A_1361 : vector<16xf32>
        %add3A_2203 = arith.addf %add3A_2200, %mul3A_2202 : vector<16xf32>
        %mul3A_2204 = vector.broadcast %squeeze3A_632 : f32 to vector<16xf32>
        %mul3A_2205 = arith.mulf %mul3A_2204, %get3A_1366 : vector<16xf32>
        %add3A_2206 = arith.addf %add3A_2203, %mul3A_2205 : vector<16xf32>
        %mul3A_2207 = vector.broadcast %squeeze3A_634 : f32 to vector<16xf32>
        %mul3A_2208 = arith.mulf %mul3A_2207, %get3A_1371 : vector<16xf32>
        %add3A_2209 = arith.addf %add3A_2206, %mul3A_2208 : vector<16xf32>
        %mul3A_2210 = vector.broadcast %squeeze3A_636 : f32 to vector<16xf32>
        %mul3A_2211 = arith.mulf %mul3A_2210, %get3A_1376 : vector<16xf32>
        %add3A_2212 = arith.addf %add3A_2209, %mul3A_2211 : vector<16xf32>
        %mul3A_2213 = vector.broadcast %squeeze3A_638 : f32 to vector<16xf32>
        %mul3A_2214 = arith.mulf %mul3A_2213, %get3A_1381 : vector<16xf32>
        %add3A_2215 = arith.addf %add3A_2212, %mul3A_2214 : vector<16xf32>
        %mul3A_2216 = vector.broadcast %squeeze3A_640 : f32 to vector<16xf32>
        %mul3A_2217 = arith.mulf %mul3A_2216, %get3A_1386 : vector<16xf32>
        %add3A_2218 = arith.addf %add3A_2215, %mul3A_2217 : vector<16xf32>
        %mul3A_2219 = vector.broadcast %squeeze3A_642 : f32 to vector<16xf32>
        %mul3A_2220 = arith.mulf %mul3A_2219, %get3A_1391 : vector<16xf32>
        %add3A_2221 = arith.addf %add3A_2218, %mul3A_2220 : vector<16xf32>
        %mul3A_2222 = vector.broadcast %squeeze3A_644 : f32 to vector<16xf32>
        %mul3A_2223 = arith.mulf %mul3A_2222, %get3A_1396 : vector<16xf32>
        %add3A_2224 = arith.addf %add3A_2221, %mul3A_2223 : vector<16xf32>
        %mul3A_2225 = vector.broadcast %squeeze3A_646 : f32 to vector<16xf32>
        %mul3A_2226 = arith.mulf %mul3A_2225, %get3A_1401 : vector<16xf32>
        %add3A_2227 = arith.addf %add3A_2224, %mul3A_2226 : vector<16xf32>
        %mul3A_2228 = vector.broadcast %squeeze3A_648 : f32 to vector<16xf32>
        %mul3A_2229 = arith.mulf %mul3A_2228, %get3A_1406 : vector<16xf32>
        %add3A_2230 = arith.addf %add3A_2227, %mul3A_2229 : vector<16xf32>
        %mul3A_2231 = vector.broadcast %squeeze3A_650 : f32 to vector<16xf32>
        %mul3A_2232 = arith.mulf %mul3A_2231, %get3A_1411 : vector<16xf32>
        %add3A_2233 = arith.addf %add3A_2230, %mul3A_2232 : vector<16xf32>
        %mul3A_2234 = vector.broadcast %squeeze3A_652 : f32 to vector<16xf32>
        %mul3A_2235 = arith.mulf %mul3A_2234, %get3A_1416 : vector<16xf32>
        %add3A_2236 = arith.addf %add3A_2233, %mul3A_2235 : vector<16xf32>
        %mul3A_2237 = vector.broadcast %squeeze3A_654 : f32 to vector<16xf32>
        %mul3A_2238 = arith.mulf %mul3A_2237, %get3A_1421 : vector<16xf32>
        %add3A_2239 = arith.addf %add3A_2236, %mul3A_2238 : vector<16xf32>
        %mul3A_2240 = vector.broadcast %squeeze3A_656 : f32 to vector<16xf32>
        %mul3A_2241 = arith.mulf %mul3A_2240, %get3A_1426 : vector<16xf32>
        %add3A_2242 = arith.addf %add3A_2239, %mul3A_2241 : vector<16xf32>
        %swap3A_2243 = arith.constant 7 : i32
        %swap3A_2244 = arith.index_cast %swap3A_2243 : i32 to index
        %swap3A_2245 = arith.index_cast %mul3A_1266 : i32 to index
        %swap3A_2246 = tpu.vector_load %arg7[%swap3A_2244, %swap3A_2245] {strides = array<i32>} : memref<16x1024xf32, #tpu.memory_space<vmem>>, vector<1x16xf32>,
        %swap3A_2247 = vector.shape_cast %swap3A_2246 : vector<1x16xf32> to vector<16xf32>
        %swap3A_2248 = vector.shape_cast %add3A_2242 : vector<16xf32> to vector<1x16xf32>
        tpu.vector_store %arg7[%swap3A_2244, %swap3A_2245], %swap3A_2248 {strides = array<i32>} : memref<16x1024xf32, #tpu.memory_space<vmem>>, vector<1x16xf32>,
        %broadcast_in_dim3A_2249 = vector.broadcast %squeeze3A_50 : f32 to vector<16xf32>
        %mul3A_2250 = vector.broadcast %squeeze3A_668 : f32 to vector<16xf32>
        %mul3A_2251 = arith.mulf %mul3A_2250, %get3A_1271 : vector<16xf32>
        %add3A_2252 = arith.addf %broadcast_in_dim3A_2249, %mul3A_2251 : vector<16xf32>
        %mul3A_2253 = vector.broadcast %squeeze3A_670 : f32 to vector<16xf32>
        %mul3A_2254 = arith.mulf %mul3A_2253, %get3A_1276 : vector<16xf32>
        %add3A_2255 = arith.addf %add3A_2252, %mul3A_2254 : vector<16xf32>
        %mul3A_2256 = vector.broadcast %squeeze3A_672 : f32 to vector<16xf32>
        %mul3A_2257 = arith.mulf %mul3A_2256, %get3A_1281 : vector<16xf32>
        %add3A_2258 = arith.addf %add3A_2255, %mul3A_2257 : vector<16xf32>
        %mul3A_2259 = vector.broadcast %squeeze3A_674 : f32 to vector<16xf32>
        %mul3A_2260 = arith.mulf %mul3A_2259, %get3A_1286 : vector<16xf32>
        %add3A_2261 = arith.addf %add3A_2258, %mul3A_2260 : vector<16xf32>
        %mul3A_2262 = vector.broadcast %squeeze3A_676 : f32 to vector<16xf32>
        %mul3A_2263 = arith.mulf %mul3A_2262, %get3A_1291 : vector<16xf32>
        %add3A_2264 = arith.addf %add3A_2261, %mul3A_2263 : vector<16xf32>
        %mul3A_2265 = vector.broadcast %squeeze3A_678 : f32 to vector<16xf32>
        %mul3A_2266 = arith.mulf %mul3A_2265, %get3A_1296 : vector<16xf32>
        %add3A_2267 = arith.addf %add3A_2264, %mul3A_2266 : vector<16xf32>
        %mul3A_2268 = vector.broadcast %squeeze3A_680 : f32 to vector<16xf32>
        %mul3A_2269 = arith.mulf %mul3A_2268, %get3A_1301 : vector<16xf32>
        %add3A_2270 = arith.addf %add3A_2267, %mul3A_2269 : vector<16xf32>
        %mul3A_2271 = vector.broadcast %squeeze3A_682 : f32 to vector<16xf32>
        %mul3A_2272 = arith.mulf %mul3A_2271, %get3A_1306 : vector<16xf32>
        %add3A_2273 = arith.addf %add3A_2270, %mul3A_2272 : vector<16xf32>
        %mul3A_2274 = vector.broadcast %squeeze3A_684 : f32 to vector<16xf32>
        %mul3A_2275 = arith.mulf %mul3A_2274, %get3A_1311 : vector<16xf32>
        %add3A_2276 = arith.addf %add3A_2273, %mul3A_2275 : vector<16xf32>
        %mul3A_2277 = vector.broadcast %squeeze3A_686 : f32 to vector<16xf32>
        %mul3A_2278 = arith.mulf %mul3A_2277, %get3A_1316 : vector<16xf32>
        %add3A_2279 = arith.addf %add3A_2276, %mul3A_2278 : vector<16xf32>
        %mul3A_2280 = vector.broadcast %squeeze3A_688 : f32 to vector<16xf32>
        %mul3A_2281 = arith.mulf %mul3A_2280, %get3A_1321 : vector<16xf32>
        %add3A_2282 = arith.addf %add3A_2279, %mul3A_2281 : vector<16xf32>
        %mul3A_2283 = vector.broadcast %squeeze3A_690 : f32 to vector<16xf32>
        %mul3A_2284 = arith.mulf %mul3A_2283, %get3A_1326 : vector<16xf32>
        %add3A_2285 = arith.addf %add3A_2282, %mul3A_2284 : vector<16xf32>
        %mul3A_2286 = vector.broadcast %squeeze3A_692 : f32 to vector<16xf32>
        %mul3A_2287 = arith.mulf %mul3A_2286, %get3A_1331 : vector<16xf32>
        %add3A_2288 = arith.addf %add3A_2285, %mul3A_2287 : vector<16xf32>
        %mul3A_2289 = vector.broadcast %squeeze3A_694 : f32 to vector<16xf32>
        %mul3A_2290 = arith.mulf %mul3A_2289, %get3A_1336 : vector<16xf32>
        %add3A_2291 = arith.addf %add3A_2288, %mul3A_2290 : vector<16xf32>
        %mul3A_2292 = vector.broadcast %squeeze3A_696 : f32 to vector<16xf32>
        %mul3A_2293 = arith.mulf %mul3A_2292, %get3A_1341 : vector<16xf32>
        %add3A_2294 = arith.addf %add3A_2291, %mul3A_2293 : vector<16xf32>
        %mul3A_2295 = vector.broadcast %squeeze3A_698 : f32 to vector<16xf32>
        %mul3A_2296 = arith.mulf %mul3A_2295, %get3A_1346 : vector<16xf32>
        %add3A_2297 = arith.addf %add3A_2294, %mul3A_2296 : vector<16xf32>
        %mul3A_2298 = vector.broadcast %squeeze3A_700 : f32 to vector<16xf32>
        %mul3A_2299 = arith.mulf %mul3A_2298, %get3A_1351 : vector<16xf32>
        %add3A_2300 = arith.addf %add3A_2297, %mul3A_2299 : vector<16xf32>
        %mul3A_2301 = vector.broadcast %squeeze3A_702 : f32 to vector<16xf32>
        %mul3A_2302 = arith.mulf %mul3A_2301, %get3A_1356 : vector<16xf32>
        %add3A_2303 = arith.addf %add3A_2300, %mul3A_2302 : vector<16xf32>
        %mul3A_2304 = vector.broadcast %squeeze3A_704 : f32 to vector<16xf32>
        %mul3A_2305 = arith.mulf %mul3A_2304, %get3A_1361 : vector<16xf32>
        %add3A_2306 = arith.addf %add3A_2303, %mul3A_2305 : vector<16xf32>
        %mul3A_2307 = vector.broadcast %squeeze3A_706 : f32 to vector<16xf32>
        %mul3A_2308 = arith.mulf %mul3A_2307, %get3A_1366 : vector<16xf32>
        %add3A_2309 = arith.addf %add3A_2306, %mul3A_2308 : vector<16xf32>
        %mul3A_2310 = vector.broadcast %squeeze3A_708 : f32 to vector<16xf32>
        %mul3A_2311 = arith.mulf %mul3A_2310, %get3A_1371 : vector<16xf32>
        %add3A_2312 = arith.addf %add3A_2309, %mul3A_2311 : vector<16xf32>
        %mul3A_2313 = vector.broadcast %squeeze3A_710 : f32 to vector<16xf32>
        %mul3A_2314 = arith.mulf %mul3A_2313, %get3A_1376 : vector<16xf32>
        %add3A_2315 = arith.addf %add3A_2312, %mul3A_2314 : vector<16xf32>
        %mul3A_2316 = vector.broadcast %squeeze3A_712 : f32 to vector<16xf32>
        %mul3A_2317 = arith.mulf %mul3A_2316, %get3A_1381 : vector<16xf32>
        %add3A_2318 = arith.addf %add3A_2315, %mul3A_2317 : vector<16xf32>
        %mul3A_2319 = vector.broadcast %squeeze3A_714 : f32 to vector<16xf32>
        %mul3A_2320 = arith.mulf %mul3A_2319, %get3A_1386 : vector<16xf32>
        %add3A_2321 = arith.addf %add3A_2318, %mul3A_2320 : vector<16xf32>
        %mul3A_2322 = vector.broadcast %squeeze3A_716 : f32 to vector<16xf32>
        %mul3A_2323 = arith.mulf %mul3A_2322, %get3A_1391 : vector<16xf32>
        %add3A_2324 = arith.addf %add3A_2321, %mul3A_2323 : vector<16xf32>
        %mul3A_2325 = vector.broadcast %squeeze3A_718 : f32 to vector<16xf32>
        %mul3A_2326 = arith.mulf %mul3A_2325, %get3A_1396 : vector<16xf32>
        %add3A_2327 = arith.addf %add3A_2324, %mul3A_2326 : vector<16xf32>
        %mul3A_2328 = vector.broadcast %squeeze3A_720 : f32 to vector<16xf32>
        %mul3A_2329 = arith.mulf %mul3A_2328, %get3A_1401 : vector<16xf32>
        %add3A_2330 = arith.addf %add3A_2327, %mul3A_2329 : vector<16xf32>
        %mul3A_2331 = vector.broadcast %squeeze3A_722 : f32 to vector<16xf32>
        %mul3A_2332 = arith.mulf %mul3A_2331, %get3A_1406 : vector<16xf32>
        %add3A_2333 = arith.addf %add3A_2330, %mul3A_2332 : vector<16xf32>
        %mul3A_2334 = vector.broadcast %squeeze3A_724 : f32 to vector<16xf32>
        %mul3A_2335 = arith.mulf %mul3A_2334, %get3A_1411 : vector<16xf32>
        %add3A_2336 = arith.addf %add3A_2333, %mul3A_2335 : vector<16xf32>
        %mul3A_2337 = vector.broadcast %squeeze3A_726 : f32 to vector<16xf32>
        %mul3A_2338 = arith.mulf %mul3A_2337, %get3A_1416 : vector<16xf32>
        %add3A_2339 = arith.addf %add3A_2336, %mul3A_2338 : vector<16xf32>
        %mul3A_2340 = vector.broadcast %squeeze3A_728 : f32 to vector<16xf32>
        %mul3A_2341 = arith.mulf %mul3A_2340, %get3A_1421 : vector<16xf32>
        %add3A_2342 = arith.addf %add3A_2339, %mul3A_2341 : vector<16xf32>
        %mul3A_2343 = vector.broadcast %squeeze3A_730 : f32 to vector<16xf32>
        %mul3A_2344 = arith.mulf %mul3A_2343, %get3A_1426 : vector<16xf32>
        %add3A_2345 = arith.addf %add3A_2342, %mul3A_2344 : vector<16xf32>
        %swap3A_2346 = arith.constant 8 : i32
        %swap3A_2347 = arith.index_cast %swap3A_2346 : i32 to index
        %swap3A_2348 = arith.index_cast %mul3A_1266 : i32 to index
        %swap3A_2349 = tpu.vector_load %arg7[%swap3A_2347, %swap3A_2348] {strides = array<i32>} : memref<16x1024xf32, #tpu.memory_space<vmem>>, vector<1x16xf32>,
        %swap3A_2350 = vector.shape_cast %swap3A_2349 : vector<1x16xf32> to vector<16xf32>
        %swap3A_2351 = vector.shape_cast %add3A_2345 : vector<16xf32> to vector<1x16xf32>
        tpu.vector_store %arg7[%swap3A_2347, %swap3A_2348], %swap3A_2351 {strides = array<i32>} : memref<16x1024xf32, #tpu.memory_space<vmem>>, vector<1x16xf32>,
        %broadcast_in_dim3A_2352 = vector.broadcast %squeeze3A_52 : f32 to vector<16xf32>
        %mul3A_2353 = vector.broadcast %squeeze3A_742 : f32 to vector<16xf32>
        %mul3A_2354 = arith.mulf %mul3A_2353, %get3A_1271 : vector<16xf32>
        %add3A_2355 = arith.addf %broadcast_in_dim3A_2352, %mul3A_2354 : vector<16xf32>
        %mul3A_2356 = vector.broadcast %squeeze3A_744 : f32 to vector<16xf32>
        %mul3A_2357 = arith.mulf %mul3A_2356, %get3A_1276 : vector<16xf32>
        %add3A_2358 = arith.addf %add3A_2355, %mul3A_2357 : vector<16xf32>
        %mul3A_2359 = vector.broadcast %squeeze3A_746 : f32 to vector<16xf32>
        %mul3A_2360 = arith.mulf %mul3A_2359, %get3A_1281 : vector<16xf32>
        %add3A_2361 = arith.addf %add3A_2358, %mul3A_2360 : vector<16xf32>
        %mul3A_2362 = vector.broadcast %squeeze3A_748 : f32 to vector<16xf32>
        %mul3A_2363 = arith.mulf %mul3A_2362, %get3A_1286 : vector<16xf32>
        %add3A_2364 = arith.addf %add3A_2361, %mul3A_2363 : vector<16xf32>
        %mul3A_2365 = vector.broadcast %squeeze3A_750 : f32 to vector<16xf32>
        %mul3A_2366 = arith.mulf %mul3A_2365, %get3A_1291 : vector<16xf32>
        %add3A_2367 = arith.addf %add3A_2364, %mul3A_2366 : vector<16xf32>
        %mul3A_2368 = vector.broadcast %squeeze3A_752 : f32 to vector<16xf32>
        %mul3A_2369 = arith.mulf %mul3A_2368, %get3A_1296 : vector<16xf32>
        %add3A_2370 = arith.addf %add3A_2367, %mul3A_2369 : vector<16xf32>
        %mul3A_2371 = vector.broadcast %squeeze3A_754 : f32 to vector<16xf32>
        %mul3A_2372 = arith.mulf %mul3A_2371, %get3A_1301 : vector<16xf32>
        %add3A_2373 = arith.addf %add3A_2370, %mul3A_2372 : vector<16xf32>
        %mul3A_2374 = vector.broadcast %squeeze3A_756 : f32 to vector<16xf32>
        %mul3A_2375 = arith.mulf %mul3A_2374, %get3A_1306 : vector<16xf32>
        %add3A_2376 = arith.addf %add3A_2373, %mul3A_2375 : vector<16xf32>
        %mul3A_2377 = vector.broadcast %squeeze3A_758 : f32 to vector<16xf32>
        %mul3A_2378 = arith.mulf %mul3A_2377, %get3A_1311 : vector<16xf32>
        %add3A_2379 = arith.addf %add3A_2376, %mul3A_2378 : vector<16xf32>
        %mul3A_2380 = vector.broadcast %squeeze3A_760 : f32 to vector<16xf32>
        %mul3A_2381 = arith.mulf %mul3A_2380, %get3A_1316 : vector<16xf32>
        %add3A_2382 = arith.addf %add3A_2379, %mul3A_2381 : vector<16xf32>
        %mul3A_2383 = vector.broadcast %squeeze3A_762 : f32 to vector<16xf32>
        %mul3A_2384 = arith.mulf %mul3A_2383, %get3A_1321 : vector<16xf32>
        %add3A_2385 = arith.addf %add3A_2382, %mul3A_2384 : vector<16xf32>
        %mul3A_2386 = vector.broadcast %squeeze3A_764 : f32 to vector<16xf32>
        %mul3A_2387 = arith.mulf %mul3A_2386, %get3A_1326 : vector<16xf32>
        %add3A_2388 = arith.addf %add3A_2385, %mul3A_2387 : vector<16xf32>
        %mul3A_2389 = vector.broadcast %squeeze3A_766 : f32 to vector<16xf32>
        %mul3A_2390 = arith.mulf %mul3A_2389, %get3A_1331 : vector<16xf32>
        %add3A_2391 = arith.addf %add3A_2388, %mul3A_2390 : vector<16xf32>
        %mul3A_2392 = vector.broadcast %squeeze3A_768 : f32 to vector<16xf32>
        %mul3A_2393 = arith.mulf %mul3A_2392, %get3A_1336 : vector<16xf32>
        %add3A_2394 = arith.addf %add3A_2391, %mul3A_2393 : vector<16xf32>
        %mul3A_2395 = vector.broadcast %squeeze3A_770 : f32 to vector<16xf32>
        %mul3A_2396 = arith.mulf %mul3A_2395, %get3A_1341 : vector<16xf32>
        %add3A_2397 = arith.addf %add3A_2394, %mul3A_2396 : vector<16xf32>
        %mul3A_2398 = vector.broadcast %squeeze3A_772 : f32 to vector<16xf32>
        %mul3A_2399 = arith.mulf %mul3A_2398, %get3A_1346 : vector<16xf32>
        %add3A_2400 = arith.addf %add3A_2397, %mul3A_2399 : vector<16xf32>
        %mul3A_2401 = vector.broadcast %squeeze3A_774 : f32 to vector<16xf32>
        %mul3A_2402 = arith.mulf %mul3A_2401, %get3A_1351 : vector<16xf32>
        %add3A_2403 = arith.addf %add3A_2400, %mul3A_2402 : vector<16xf32>
        %mul3A_2404 = vector.broadcast %squeeze3A_776 : f32 to vector<16xf32>
        %mul3A_2405 = arith.mulf %mul3A_2404, %get3A_1356 : vector<16xf32>
        %add3A_2406 = arith.addf %add3A_2403, %mul3A_2405 : vector<16xf32>
        %mul3A_2407 = vector.broadcast %squeeze3A_778 : f32 to vector<16xf32>
        %mul3A_2408 = arith.mulf %mul3A_2407, %get3A_1361 : vector<16xf32>
        %add3A_2409 = arith.addf %add3A_2406, %mul3A_2408 : vector<16xf32>
        %mul3A_2410 = vector.broadcast %squeeze3A_780 : f32 to vector<16xf32>
        %mul3A_2411 = arith.mulf %mul3A_2410, %get3A_1366 : vector<16xf32>
        %add3A_2412 = arith.addf %add3A_2409, %mul3A_2411 : vector<16xf32>
        %mul3A_2413 = vector.broadcast %squeeze3A_782 : f32 to vector<16xf32>
        %mul3A_2414 = arith.mulf %mul3A_2413, %get3A_1371 : vector<16xf32>
        %add3A_2415 = arith.addf %add3A_2412, %mul3A_2414 : vector<16xf32>
        %mul3A_2416 = vector.broadcast %squeeze3A_784 : f32 to vector<16xf32>
        %mul3A_2417 = arith.mulf %mul3A_2416, %get3A_1376 : vector<16xf32>
        %add3A_2418 = arith.addf %add3A_2415, %mul3A_2417 : vector<16xf32>
        %mul3A_2419 = vector.broadcast %squeeze3A_786 : f32 to vector<16xf32>
        %mul3A_2420 = arith.mulf %mul3A_2419, %get3A_1381 : vector<16xf32>
        %add3A_2421 = arith.addf %add3A_2418, %mul3A_2420 : vector<16xf32>
        %mul3A_2422 = vector.broadcast %squeeze3A_788 : f32 to vector<16xf32>
        %mul3A_2423 = arith.mulf %mul3A_2422, %get3A_1386 : vector<16xf32>
        %add3A_2424 = arith.addf %add3A_2421, %mul3A_2423 : vector<16xf32>
        %mul3A_2425 = vector.broadcast %squeeze3A_790 : f32 to vector<16xf32>
        %mul3A_2426 = arith.mulf %mul3A_2425, %get3A_1391 : vector<16xf32>
        %add3A_2427 = arith.addf %add3A_2424, %mul3A_2426 : vector<16xf32>
        %mul3A_2428 = vector.broadcast %squeeze3A_792 : f32 to vector<16xf32>
        %mul3A_2429 = arith.mulf %mul3A_2428, %get3A_1396 : vector<16xf32>
        %add3A_2430 = arith.addf %add3A_2427, %mul3A_2429 : vector<16xf32>
        %mul3A_2431 = vector.broadcast %squeeze3A_794 : f32 to vector<16xf32>
        %mul3A_2432 = arith.mulf %mul3A_2431, %get3A_1401 : vector<16xf32>
        %add3A_2433 = arith.addf %add3A_2430, %mul3A_2432 : vector<16xf32>
        %mul3A_2434 = vector.broadcast %squeeze3A_796 : f32 to vector<16xf32>
        %mul3A_2435 = arith.mulf %mul3A_2434, %get3A_1406 : vector<16xf32>
        %add3A_2436 = arith.addf %add3A_2433, %mul3A_2435 : vector<16xf32>
        %mul3A_2437 = vector.broadcast %squeeze3A_798 : f32 to vector<16xf32>
        %mul3A_2438 = arith.mulf %mul3A_2437, %get3A_1411 : vector<16xf32>
        %add3A_2439 = arith.addf %add3A_2436, %mul3A_2438 : vector<16xf32>
        %mul3A_2440 = vector.broadcast %squeeze3A_800 : f32 to vector<16xf32>
        %mul3A_2441 = arith.mulf %mul3A_2440, %get3A_1416 : vector<16xf32>
        %add3A_2442 = arith.addf %add3A_2439, %mul3A_2441 : vector<16xf32>
        %mul3A_2443 = vector.broadcast %squeeze3A_802 : f32 to vector<16xf32>
        %mul3A_2444 = arith.mulf %mul3A_2443, %get3A_1421 : vector<16xf32>
        %add3A_2445 = arith.addf %add3A_2442, %mul3A_2444 : vector<16xf32>
        %mul3A_2446 = vector.broadcast %squeeze3A_804 : f32 to vector<16xf32>
        %mul3A_2447 = arith.mulf %mul3A_2446, %get3A_1426 : vector<16xf32>
        %add3A_2448 = arith.addf %add3A_2445, %mul3A_2447 : vector<16xf32>
        %swap3A_2449 = arith.constant 9 : i32
        %swap3A_2450 = arith.index_cast %swap3A_2449 : i32 to index
        %swap3A_2451 = arith.index_cast %mul3A_1266 : i32 to index
        %swap3A_2452 = tpu.vector_load %arg7[%swap3A_2450, %swap3A_2451] {strides = array<i32>} : memref<16x1024xf32, #tpu.memory_space<vmem>>, vector<1x16xf32>,
        %swap3A_2453 = vector.shape_cast %swap3A_2452 : vector<1x16xf32> to vector<16xf32>
        %swap3A_2454 = vector.shape_cast %add3A_2448 : vector<16xf32> to vector<1x16xf32>
        tpu.vector_store %arg7[%swap3A_2450, %swap3A_2451], %swap3A_2454 {strides = array<i32>} : memref<16x1024xf32, #tpu.memory_space<vmem>>, vector<1x16xf32>,
        %broadcast_in_dim3A_2455 = vector.broadcast %squeeze3A_54 : f32 to vector<16xf32>
        %mul3A_2456 = vector.broadcast %squeeze3A_816 : f32 to vector<16xf32>
        %mul3A_2457 = arith.mulf %mul3A_2456, %get3A_1271 : vector<16xf32>
        %add3A_2458 = arith.addf %broadcast_in_dim3A_2455, %mul3A_2457 : vector<16xf32>
        %mul3A_2459 = vector.broadcast %squeeze3A_818 : f32 to vector<16xf32>
        %mul3A_2460 = arith.mulf %mul3A_2459, %get3A_1276 : vector<16xf32>
        %add3A_2461 = arith.addf %add3A_2458, %mul3A_2460 : vector<16xf32>
        %mul3A_2462 = vector.broadcast %squeeze3A_820 : f32 to vector<16xf32>
        %mul3A_2463 = arith.mulf %mul3A_2462, %get3A_1281 : vector<16xf32>
        %add3A_2464 = arith.addf %add3A_2461, %mul3A_2463 : vector<16xf32>
        %mul3A_2465 = vector.broadcast %squeeze3A_822 : f32 to vector<16xf32>
        %mul3A_2466 = arith.mulf %mul3A_2465, %get3A_1286 : vector<16xf32>
        %add3A_2467 = arith.addf %add3A_2464, %mul3A_2466 : vector<16xf32>
        %mul3A_2468 = vector.broadcast %squeeze3A_824 : f32 to vector<16xf32>
        %mul3A_2469 = arith.mulf %mul3A_2468, %get3A_1291 : vector<16xf32>
        %add3A_2470 = arith.addf %add3A_2467, %mul3A_2469 : vector<16xf32>
        %mul3A_2471 = vector.broadcast %squeeze3A_826 : f32 to vector<16xf32>
        %mul3A_2472 = arith.mulf %mul3A_2471, %get3A_1296 : vector<16xf32>
        %add3A_2473 = arith.addf %add3A_2470, %mul3A_2472 : vector<16xf32>
        %mul3A_2474 = vector.broadcast %squeeze3A_828 : f32 to vector<16xf32>
        %mul3A_2475 = arith.mulf %mul3A_2474, %get3A_1301 : vector<16xf32>
        %add3A_2476 = arith.addf %add3A_2473, %mul3A_2475 : vector<16xf32>
        %mul3A_2477 = vector.broadcast %squeeze3A_830 : f32 to vector<16xf32>
        %mul3A_2478 = arith.mulf %mul3A_2477, %get3A_1306 : vector<16xf32>
        %add3A_2479 = arith.addf %add3A_2476, %mul3A_2478 : vector<16xf32>
        %mul3A_2480 = vector.broadcast %squeeze3A_832 : f32 to vector<16xf32>
        %mul3A_2481 = arith.mulf %mul3A_2480, %get3A_1311 : vector<16xf32>
        %add3A_2482 = arith.addf %add3A_2479, %mul3A_2481 : vector<16xf32>
        %mul3A_2483 = vector.broadcast %squeeze3A_834 : f32 to vector<16xf32>
        %mul3A_2484 = arith.mulf %mul3A_2483, %get3A_1316 : vector<16xf32>
        %add3A_2485 = arith.addf %add3A_2482, %mul3A_2484 : vector<16xf32>
        %mul3A_2486 = vector.broadcast %squeeze3A_836 : f32 to vector<16xf32>
        %mul3A_2487 = arith.mulf %mul3A_2486, %get3A_1321 : vector<16xf32>
        %add3A_2488 = arith.addf %add3A_2485, %mul3A_2487 : vector<16xf32>
        %mul3A_2489 = vector.broadcast %squeeze3A_838 : f32 to vector<16xf32>
        %mul3A_2490 = arith.mulf %mul3A_2489, %get3A_1326 : vector<16xf32>
        %add3A_2491 = arith.addf %add3A_2488, %mul3A_2490 : vector<16xf32>
        %mul3A_2492 = vector.broadcast %squeeze3A_840 : f32 to vector<16xf32>
        %mul3A_2493 = arith.mulf %mul3A_2492, %get3A_1331 : vector<16xf32>
        %add3A_2494 = arith.addf %add3A_2491, %mul3A_2493 : vector<16xf32>
        %mul3A_2495 = vector.broadcast %squeeze3A_842 : f32 to vector<16xf32>
        %mul3A_2496 = arith.mulf %mul3A_2495, %get3A_1336 : vector<16xf32>
        %add3A_2497 = arith.addf %add3A_2494, %mul3A_2496 : vector<16xf32>
        %mul3A_2498 = vector.broadcast %squeeze3A_844 : f32 to vector<16xf32>
        %mul3A_2499 = arith.mulf %mul3A_2498, %get3A_1341 : vector<16xf32>
        %add3A_2500 = arith.addf %add3A_2497, %mul3A_2499 : vector<16xf32>
        %mul3A_2501 = vector.broadcast %squeeze3A_846 : f32 to vector<16xf32>
        %mul3A_2502 = arith.mulf %mul3A_2501, %get3A_1346 : vector<16xf32>
        %add3A_2503 = arith.addf %add3A_2500, %mul3A_2502 : vector<16xf32>
        %mul3A_2504 = vector.broadcast %squeeze3A_848 : f32 to vector<16xf32>
        %mul3A_2505 = arith.mulf %mul3A_2504, %get3A_1351 : vector<16xf32>
        %add3A_2506 = arith.addf %add3A_2503, %mul3A_2505 : vector<16xf32>
        %mul3A_2507 = vector.broadcast %squeeze3A_850 : f32 to vector<16xf32>
        %mul3A_2508 = arith.mulf %mul3A_2507, %get3A_1356 : vector<16xf32>
        %add3A_2509 = arith.addf %add3A_2506, %mul3A_2508 : vector<16xf32>
        %mul3A_2510 = vector.broadcast %squeeze3A_852 : f32 to vector<16xf32>
        %mul3A_2511 = arith.mulf %mul3A_2510, %get3A_1361 : vector<16xf32>
        %add3A_2512 = arith.addf %add3A_2509, %mul3A_2511 : vector<16xf32>
        %mul3A_2513 = vector.broadcast %squeeze3A_854 : f32 to vector<16xf32>
        %mul3A_2514 = arith.mulf %mul3A_2513, %get3A_1366 : vector<16xf32>
        %add3A_2515 = arith.addf %add3A_2512, %mul3A_2514 : vector<16xf32>
        %mul3A_2516 = vector.broadcast %squeeze3A_856 : f32 to vector<16xf32>
        %mul3A_2517 = arith.mulf %mul3A_2516, %get3A_1371 : vector<16xf32>
        %add3A_2518 = arith.addf %add3A_2515, %mul3A_2517 : vector<16xf32>
        %mul3A_2519 = vector.broadcast %squeeze3A_858 : f32 to vector<16xf32>
        %mul3A_2520 = arith.mulf %mul3A_2519, %get3A_1376 : vector<16xf32>
        %add3A_2521 = arith.addf %add3A_2518, %mul3A_2520 : vector<16xf32>
        %mul3A_2522 = vector.broadcast %squeeze3A_860 : f32 to vector<16xf32>
        %mul3A_2523 = arith.mulf %mul3A_2522, %get3A_1381 : vector<16xf32>
        %add3A_2524 = arith.addf %add3A_2521, %mul3A_2523 : vector<16xf32>
        %mul3A_2525 = vector.broadcast %squeeze3A_862 : f32 to vector<16xf32>
        %mul3A_2526 = arith.mulf %mul3A_2525, %get3A_1386 : vector<16xf32>
        %add3A_2527 = arith.addf %add3A_2524, %mul3A_2526 : vector<16xf32>
        %mul3A_2528 = vector.broadcast %squeeze3A_864 : f32 to vector<16xf32>
        %mul3A_2529 = arith.mulf %mul3A_2528, %get3A_1391 : vector<16xf32>
        %add3A_2530 = arith.addf %add3A_2527, %mul3A_2529 : vector<16xf32>
        %mul3A_2531 = vector.broadcast %squeeze3A_866 : f32 to vector<16xf32>
        %mul3A_2532 = arith.mulf %mul3A_2531, %get3A_1396 : vector<16xf32>
        %add3A_2533 = arith.addf %add3A_2530, %mul3A_2532 : vector<16xf32>
        %mul3A_2534 = vector.broadcast %squeeze3A_868 : f32 to vector<16xf32>
        %mul3A_2535 = arith.mulf %mul3A_2534, %get3A_1401 : vector<16xf32>
        %add3A_2536 = arith.addf %add3A_2533, %mul3A_2535 : vector<16xf32>
        %mul3A_2537 = vector.broadcast %squeeze3A_870 : f32 to vector<16xf32>
        %mul3A_2538 = arith.mulf %mul3A_2537, %get3A_1406 : vector<16xf32>
        %add3A_2539 = arith.addf %add3A_2536, %mul3A_2538 : vector<16xf32>
        %mul3A_2540 = vector.broadcast %squeeze3A_872 : f32 to vector<16xf32>
        %mul3A_2541 = arith.mulf %mul3A_2540, %get3A_1411 : vector<16xf32>
        %add3A_2542 = arith.addf %add3A_2539, %mul3A_2541 : vector<16xf32>
        %mul3A_2543 = vector.broadcast %squeeze3A_874 : f32 to vector<16xf32>
        %mul3A_2544 = arith.mulf %mul3A_2543, %get3A_1416 : vector<16xf32>
        %add3A_2545 = arith.addf %add3A_2542, %mul3A_2544 : vector<16xf32>
        %mul3A_2546 = vector.broadcast %squeeze3A_876 : f32 to vector<16xf32>
        %mul3A_2547 = arith.mulf %mul3A_2546, %get3A_1421 : vector<16xf32>
        %add3A_2548 = arith.addf %add3A_2545, %mul3A_2547 : vector<16xf32>
        %mul3A_2549 = vector.broadcast %squeeze3A_878 : f32 to vector<16xf32>
        %mul3A_2550 = arith.mulf %mul3A_2549, %get3A_1426 : vector<16xf32>
        %add3A_2551 = arith.addf %add3A_2548, %mul3A_2550 : vector<16xf32>
        %swap3A_2552 = arith.constant 10 : i32
        %swap3A_2553 = arith.index_cast %swap3A_2552 : i32 to index
        %swap3A_2554 = arith.index_cast %mul3A_1266 : i32 to index
        %swap3A_2555 = tpu.vector_load %arg7[%swap3A_2553, %swap3A_2554] {strides = array<i32>} : memref<16x1024xf32, #tpu.memory_space<vmem>>, vector<1x16xf32>,
        %swap3A_2556 = vector.shape_cast %swap3A_2555 : vector<1x16xf32> to vector<16xf32>
        %swap3A_2557 = vector.shape_cast %add3A_2551 : vector<16xf32> to vector<1x16xf32>
        tpu.vector_store %arg7[%swap3A_2553, %swap3A_2554], %swap3A_2557 {strides = array<i32>} : memref<16x1024xf32, #tpu.memory_space<vmem>>, vector<1x16xf32>,
        %broadcast_in_dim3A_2558 = vector.broadcast %squeeze3A_56 : f32 to vector<16xf32>
        %mul3A_2559 = vector.broadcast %squeeze3A_890 : f32 to vector<16xf32>
        %mul3A_2560 = arith.mulf %mul3A_2559, %get3A_1271 : vector<16xf32>
        %add3A_2561 = arith.addf %broadcast_in_dim3A_2558, %mul3A_2560 : vector<16xf32>
        %mul3A_2562 = vector.broadcast %squeeze3A_892 : f32 to vector<16xf32>
        %mul3A_2563 = arith.mulf %mul3A_2562, %get3A_1276 : vector<16xf32>
        %add3A_2564 = arith.addf %add3A_2561, %mul3A_2563 : vector<16xf32>
        %mul3A_2565 = vector.broadcast %squeeze3A_894 : f32 to vector<16xf32>
        %mul3A_2566 = arith.mulf %mul3A_2565, %get3A_1281 : vector<16xf32>
        %add3A_2567 = arith.addf %add3A_2564, %mul3A_2566 : vector<16xf32>
        %mul3A_2568 = vector.broadcast %squeeze3A_896 : f32 to vector<16xf32>
        %mul3A_2569 = arith.mulf %mul3A_2568, %get3A_1286 : vector<16xf32>
        %add3A_2570 = arith.addf %add3A_2567, %mul3A_2569 : vector<16xf32>
        %mul3A_2571 = vector.broadcast %squeeze3A_898 : f32 to vector<16xf32>
        %mul3A_2572 = arith.mulf %mul3A_2571, %get3A_1291 : vector<16xf32>
        %add3A_2573 = arith.addf %add3A_2570, %mul3A_2572 : vector<16xf32>
        %mul3A_2574 = vector.broadcast %squeeze3A_900 : f32 to vector<16xf32>
        %mul3A_2575 = arith.mulf %mul3A_2574, %get3A_1296 : vector<16xf32>
        %add3A_2576 = arith.addf %add3A_2573, %mul3A_2575 : vector<16xf32>
        %mul3A_2577 = vector.broadcast %squeeze3A_902 : f32 to vector<16xf32>
        %mul3A_2578 = arith.mulf %mul3A_2577, %get3A_1301 : vector<16xf32>
        %add3A_2579 = arith.addf %add3A_2576, %mul3A_2578 : vector<16xf32>
        %mul3A_2580 = vector.broadcast %squeeze3A_904 : f32 to vector<16xf32>
        %mul3A_2581 = arith.mulf %mul3A_2580, %get3A_1306 : vector<16xf32>
        %add3A_2582 = arith.addf %add3A_2579, %mul3A_2581 : vector<16xf32>
        %mul3A_2583 = vector.broadcast %squeeze3A_906 : f32 to vector<16xf32>
        %mul3A_2584 = arith.mulf %mul3A_2583, %get3A_1311 : vector<16xf32>
        %add3A_2585 = arith.addf %add3A_2582, %mul3A_2584 : vector<16xf32>
        %mul3A_2586 = vector.broadcast %squeeze3A_908 : f32 to vector<16xf32>
        %mul3A_2587 = arith.mulf %mul3A_2586, %get3A_1316 : vector<16xf32>
        %add3A_2588 = arith.addf %add3A_2585, %mul3A_2587 : vector<16xf32>
        %mul3A_2589 = vector.broadcast %squeeze3A_910 : f32 to vector<16xf32>
        %mul3A_2590 = arith.mulf %mul3A_2589, %get3A_1321 : vector<16xf32>
        %add3A_2591 = arith.addf %add3A_2588, %mul3A_2590 : vector<16xf32>
        %mul3A_2592 = vector.broadcast %squeeze3A_912 : f32 to vector<16xf32>
        %mul3A_2593 = arith.mulf %mul3A_2592, %get3A_1326 : vector<16xf32>
        %add3A_2594 = arith.addf %add3A_2591, %mul3A_2593 : vector<16xf32>
        %mul3A_2595 = vector.broadcast %squeeze3A_914 : f32 to vector<16xf32>
        %mul3A_2596 = arith.mulf %mul3A_2595, %get3A_1331 : vector<16xf32>
        %add3A_2597 = arith.addf %add3A_2594, %mul3A_2596 : vector<16xf32>
        %mul3A_2598 = vector.broadcast %squeeze3A_916 : f32 to vector<16xf32>
        %mul3A_2599 = arith.mulf %mul3A_2598, %get3A_1336 : vector<16xf32>
        %add3A_2600 = arith.addf %add3A_2597, %mul3A_2599 : vector<16xf32>
        %mul3A_2601 = vector.broadcast %squeeze3A_918 : f32 to vector<16xf32>
        %mul3A_2602 = arith.mulf %mul3A_2601, %get3A_1341 : vector<16xf32>
        %add3A_2603 = arith.addf %add3A_2600, %mul3A_2602 : vector<16xf32>
        %mul3A_2604 = vector.broadcast %squeeze3A_920 : f32 to vector<16xf32>
        %mul3A_2605 = arith.mulf %mul3A_2604, %get3A_1346 : vector<16xf32>
        %add3A_2606 = arith.addf %add3A_2603, %mul3A_2605 : vector<16xf32>
        %mul3A_2607 = vector.broadcast %squeeze3A_922 : f32 to vector<16xf32>
        %mul3A_2608 = arith.mulf %mul3A_2607, %get3A_1351 : vector<16xf32>
        %add3A_2609 = arith.addf %add3A_2606, %mul3A_2608 : vector<16xf32>
        %mul3A_2610 = vector.broadcast %squeeze3A_924 : f32 to vector<16xf32>
        %mul3A_2611 = arith.mulf %mul3A_2610, %get3A_1356 : vector<16xf32>
        %add3A_2612 = arith.addf %add3A_2609, %mul3A_2611 : vector<16xf32>
        %mul3A_2613 = vector.broadcast %squeeze3A_926 : f32 to vector<16xf32>
        %mul3A_2614 = arith.mulf %mul3A_2613, %get3A_1361 : vector<16xf32>
        %add3A_2615 = arith.addf %add3A_2612, %mul3A_2614 : vector<16xf32>
        %mul3A_2616 = vector.broadcast %squeeze3A_928 : f32 to vector<16xf32>
        %mul3A_2617 = arith.mulf %mul3A_2616, %get3A_1366 : vector<16xf32>
        %add3A_2618 = arith.addf %add3A_2615, %mul3A_2617 : vector<16xf32>
        %mul3A_2619 = vector.broadcast %squeeze3A_930 : f32 to vector<16xf32>
        %mul3A_2620 = arith.mulf %mul3A_2619, %get3A_1371 : vector<16xf32>
        %add3A_2621 = arith.addf %add3A_2618, %mul3A_2620 : vector<16xf32>
        %mul3A_2622 = vector.broadcast %squeeze3A_932 : f32 to vector<16xf32>
        %mul3A_2623 = arith.mulf %mul3A_2622, %get3A_1376 : vector<16xf32>
        %add3A_2624 = arith.addf %add3A_2621, %mul3A_2623 : vector<16xf32>
        %mul3A_2625 = vector.broadcast %squeeze3A_934 : f32 to vector<16xf32>
        %mul3A_2626 = arith.mulf %mul3A_2625, %get3A_1381 : vector<16xf32>
        %add3A_2627 = arith.addf %add3A_2624, %mul3A_2626 : vector<16xf32>
        %mul3A_2628 = vector.broadcast %squeeze3A_936 : f32 to vector<16xf32>
        %mul3A_2629 = arith.mulf %mul3A_2628, %get3A_1386 : vector<16xf32>
        %add3A_2630 = arith.addf %add3A_2627, %mul3A_2629 : vector<16xf32>
        %mul3A_2631 = vector.broadcast %squeeze3A_938 : f32 to vector<16xf32>
        %mul3A_2632 = arith.mulf %mul3A_2631, %get3A_1391 : vector<16xf32>
        %add3A_2633 = arith.addf %add3A_2630, %mul3A_2632 : vector<16xf32>
        %mul3A_2634 = vector.broadcast %squeeze3A_940 : f32 to vector<16xf32>
        %mul3A_2635 = arith.mulf %mul3A_2634, %get3A_1396 : vector<16xf32>
        %add3A_2636 = arith.addf %add3A_2633, %mul3A_2635 : vector<16xf32>
        %mul3A_2637 = vector.broadcast %squeeze3A_942 : f32 to vector<16xf32>
        %mul3A_2638 = arith.mulf %mul3A_2637, %get3A_1401 : vector<16xf32>
        %add3A_2639 = arith.addf %add3A_2636, %mul3A_2638 : vector<16xf32>
        %mul3A_2640 = vector.broadcast %squeeze3A_944 : f32 to vector<16xf32>
        %mul3A_2641 = arith.mulf %mul3A_2640, %get3A_1406 : vector<16xf32>
        %add3A_2642 = arith.addf %add3A_2639, %mul3A_2641 : vector<16xf32>
        %mul3A_2643 = vector.broadcast %squeeze3A_946 : f32 to vector<16xf32>
        %mul3A_2644 = arith.mulf %mul3A_2643, %get3A_1411 : vector<16xf32>
        %add3A_2645 = arith.addf %add3A_2642, %mul3A_2644 : vector<16xf32>
        %mul3A_2646 = vector.broadcast %squeeze3A_948 : f32 to vector<16xf32>
        %mul3A_2647 = arith.mulf %mul3A_2646, %get3A_1416 : vector<16xf32>
        %add3A_2648 = arith.addf %add3A_2645, %mul3A_2647 : vector<16xf32>
        %mul3A_2649 = vector.broadcast %squeeze3A_950 : f32 to vector<16xf32>
        %mul3A_2650 = arith.mulf %mul3A_2649, %get3A_1421 : vector<16xf32>
        %add3A_2651 = arith.addf %add3A_2648, %mul3A_2650 : vector<16xf32>
        %mul3A_2652 = vector.broadcast %squeeze3A_952 : f32 to vector<16xf32>
        %mul3A_2653 = arith.mulf %mul3A_2652, %get3A_1426 : vector<16xf32>
        %add3A_2654 = arith.addf %add3A_2651, %mul3A_2653 : vector<16xf32>
        %swap3A_2655 = arith.constant 11 : i32
        %swap3A_2656 = arith.index_cast %swap3A_2655 : i32 to index
        %swap3A_2657 = arith.index_cast %mul3A_1266 : i32 to index
        %swap3A_2658 = tpu.vector_load %arg7[%swap3A_2656, %swap3A_2657] {strides = array<i32>} : memref<16x1024xf32, #tpu.memory_space<vmem>>, vector<1x16xf32>,
        %swap3A_2659 = vector.shape_cast %swap3A_2658 : vector<1x16xf32> to vector<16xf32>
        %swap3A_2660 = vector.shape_cast %add3A_2654 : vector<16xf32> to vector<1x16xf32>
        tpu.vector_store %arg7[%swap3A_2656, %swap3A_2657], %swap3A_2660 {strides = array<i32>} : memref<16x1024xf32, #tpu.memory_space<vmem>>, vector<1x16xf32>,
        %broadcast_in_dim3A_2661 = vector.broadcast %squeeze3A_58 : f32 to vector<16xf32>
        %mul3A_2662 = vector.broadcast %squeeze3A_964 : f32 to vector<16xf32>
        %mul3A_2663 = arith.mulf %mul3A_2662, %get3A_1271 : vector<16xf32>
        %add3A_2664 = arith.addf %broadcast_in_dim3A_2661, %mul3A_2663 : vector<16xf32>
        %mul3A_2665 = vector.broadcast %squeeze3A_966 : f32 to vector<16xf32>
        %mul3A_2666 = arith.mulf %mul3A_2665, %get3A_1276 : vector<16xf32>
        %add3A_2667 = arith.addf %add3A_2664, %mul3A_2666 : vector<16xf32>
        %mul3A_2668 = vector.broadcast %squeeze3A_968 : f32 to vector<16xf32>
        %mul3A_2669 = arith.mulf %mul3A_2668, %get3A_1281 : vector<16xf32>
        %add3A_2670 = arith.addf %add3A_2667, %mul3A_2669 : vector<16xf32>
        %mul3A_2671 = vector.broadcast %squeeze3A_970 : f32 to vector<16xf32>
        %mul3A_2672 = arith.mulf %mul3A_2671, %get3A_1286 : vector<16xf32>
        %add3A_2673 = arith.addf %add3A_2670, %mul3A_2672 : vector<16xf32>
        %mul3A_2674 = vector.broadcast %squeeze3A_972 : f32 to vector<16xf32>
        %mul3A_2675 = arith.mulf %mul3A_2674, %get3A_1291 : vector<16xf32>
        %add3A_2676 = arith.addf %add3A_2673, %mul3A_2675 : vector<16xf32>
        %mul3A_2677 = vector.broadcast %squeeze3A_974 : f32 to vector<16xf32>
        %mul3A_2678 = arith.mulf %mul3A_2677, %get3A_1296 : vector<16xf32>
        %add3A_2679 = arith.addf %add3A_2676, %mul3A_2678 : vector<16xf32>
        %mul3A_2680 = vector.broadcast %squeeze3A_976 : f32 to vector<16xf32>
        %mul3A_2681 = arith.mulf %mul3A_2680, %get3A_1301 : vector<16xf32>
        %add3A_2682 = arith.addf %add3A_2679, %mul3A_2681 : vector<16xf32>
        %mul3A_2683 = vector.broadcast %squeeze3A_978 : f32 to vector<16xf32>
        %mul3A_2684 = arith.mulf %mul3A_2683, %get3A_1306 : vector<16xf32>
        %add3A_2685 = arith.addf %add3A_2682, %mul3A_2684 : vector<16xf32>
        %mul3A_2686 = vector.broadcast %squeeze3A_980 : f32 to vector<16xf32>
        %mul3A_2687 = arith.mulf %mul3A_2686, %get3A_1311 : vector<16xf32>
        %add3A_2688 = arith.addf %add3A_2685, %mul3A_2687 : vector<16xf32>
        %mul3A_2689 = vector.broadcast %squeeze3A_982 : f32 to vector<16xf32>
        %mul3A_2690 = arith.mulf %mul3A_2689, %get3A_1316 : vector<16xf32>
        %add3A_2691 = arith.addf %add3A_2688, %mul3A_2690 : vector<16xf32>
        %mul3A_2692 = vector.broadcast %squeeze3A_984 : f32 to vector<16xf32>
        %mul3A_2693 = arith.mulf %mul3A_2692, %get3A_1321 : vector<16xf32>
        %add3A_2694 = arith.addf %add3A_2691, %mul3A_2693 : vector<16xf32>
        %mul3A_2695 = vector.broadcast %squeeze3A_986 : f32 to vector<16xf32>
        %mul3A_2696 = arith.mulf %mul3A_2695, %get3A_1326 : vector<16xf32>
        %add3A_2697 = arith.addf %add3A_2694, %mul3A_2696 : vector<16xf32>
        %mul3A_2698 = vector.broadcast %squeeze3A_988 : f32 to vector<16xf32>
        %mul3A_2699 = arith.mulf %mul3A_2698, %get3A_1331 : vector<16xf32>
        %add3A_2700 = arith.addf %add3A_2697, %mul3A_2699 : vector<16xf32>
        %mul3A_2701 = vector.broadcast %squeeze3A_990 : f32 to vector<16xf32>
        %mul3A_2702 = arith.mulf %mul3A_2701, %get3A_1336 : vector<16xf32>
        %add3A_2703 = arith.addf %add3A_2700, %mul3A_2702 : vector<16xf32>
        %mul3A_2704 = vector.broadcast %squeeze3A_992 : f32 to vector<16xf32>
        %mul3A_2705 = arith.mulf %mul3A_2704, %get3A_1341 : vector<16xf32>
        %add3A_2706 = arith.addf %add3A_2703, %mul3A_2705 : vector<16xf32>
        %mul3A_2707 = vector.broadcast %squeeze3A_994 : f32 to vector<16xf32>
        %mul3A_2708 = arith.mulf %mul3A_2707, %get3A_1346 : vector<16xf32>
        %add3A_2709 = arith.addf %add3A_2706, %mul3A_2708 : vector<16xf32>
        %mul3A_2710 = vector.broadcast %squeeze3A_996 : f32 to vector<16xf32>
        %mul3A_2711 = arith.mulf %mul3A_2710, %get3A_1351 : vector<16xf32>
        %add3A_2712 = arith.addf %add3A_2709, %mul3A_2711 : vector<16xf32>
        %mul3A_2713 = vector.broadcast %squeeze3A_998 : f32 to vector<16xf32>
        %mul3A_2714 = arith.mulf %mul3A_2713, %get3A_1356 : vector<16xf32>
        %add3A_2715 = arith.addf %add3A_2712, %mul3A_2714 : vector<16xf32>
        %mul3A_2716 = vector.broadcast %squeeze3A_1000 : f32 to vector<16xf32>
        %mul3A_2717 = arith.mulf %mul3A_2716, %get3A_1361 : vector<16xf32>
        %add3A_2718 = arith.addf %add3A_2715, %mul3A_2717 : vector<16xf32>
        %mul3A_2719 = vector.broadcast %squeeze3A_1002 : f32 to vector<16xf32>
        %mul3A_2720 = arith.mulf %mul3A_2719, %get3A_1366 : vector<16xf32>
        %add3A_2721 = arith.addf %add3A_2718, %mul3A_2720 : vector<16xf32>
        %mul3A_2722 = vector.broadcast %squeeze3A_1004 : f32 to vector<16xf32>
        %mul3A_2723 = arith.mulf %mul3A_2722, %get3A_1371 : vector<16xf32>
        %add3A_2724 = arith.addf %add3A_2721, %mul3A_2723 : vector<16xf32>
        %mul3A_2725 = vector.broadcast %squeeze3A_1006 : f32 to vector<16xf32>
        %mul3A_2726 = arith.mulf %mul3A_2725, %get3A_1376 : vector<16xf32>
        %add3A_2727 = arith.addf %add3A_2724, %mul3A_2726 : vector<16xf32>
        %mul3A_2728 = vector.broadcast %squeeze3A_1008 : f32 to vector<16xf32>
        %mul3A_2729 = arith.mulf %mul3A_2728, %get3A_1381 : vector<16xf32>
        %add3A_2730 = arith.addf %add3A_2727, %mul3A_2729 : vector<16xf32>
        %mul3A_2731 = vector.broadcast %squeeze3A_1010 : f32 to vector<16xf32>
        %mul3A_2732 = arith.mulf %mul3A_2731, %get3A_1386 : vector<16xf32>
        %add3A_2733 = arith.addf %add3A_2730, %mul3A_2732 : vector<16xf32>
        %mul3A_2734 = vector.broadcast %squeeze3A_1012 : f32 to vector<16xf32>
        %mul3A_2735 = arith.mulf %mul3A_2734, %get3A_1391 : vector<16xf32>
        %add3A_2736 = arith.addf %add3A_2733, %mul3A_2735 : vector<16xf32>
        %mul3A_2737 = vector.broadcast %squeeze3A_1014 : f32 to vector<16xf32>
        %mul3A_2738 = arith.mulf %mul3A_2737, %get3A_1396 : vector<16xf32>
        %add3A_2739 = arith.addf %add3A_2736, %mul3A_2738 : vector<16xf32>
        %mul3A_2740 = vector.broadcast %squeeze3A_1016 : f32 to vector<16xf32>
        %mul3A_2741 = arith.mulf %mul3A_2740, %get3A_1401 : vector<16xf32>
        %add3A_2742 = arith.addf %add3A_2739, %mul3A_2741 : vector<16xf32>
        %mul3A_2743 = vector.broadcast %squeeze3A_1018 : f32 to vector<16xf32>
        %mul3A_2744 = arith.mulf %mul3A_2743, %get3A_1406 : vector<16xf32>
        %add3A_2745 = arith.addf %add3A_2742, %mul3A_2744 : vector<16xf32>
        %mul3A_2746 = vector.broadcast %squeeze3A_1020 : f32 to vector<16xf32>
        %mul3A_2747 = arith.mulf %mul3A_2746, %get3A_1411 : vector<16xf32>
        %add3A_2748 = arith.addf %add3A_2745, %mul3A_2747 : vector<16xf32>
        %mul3A_2749 = vector.broadcast %squeeze3A_1022 : f32 to vector<16xf32>
        %mul3A_2750 = arith.mulf %mul3A_2749, %get3A_1416 : vector<16xf32>
        %add3A_2751 = arith.addf %add3A_2748, %mul3A_2750 : vector<16xf32>
        %mul3A_2752 = vector.broadcast %squeeze3A_1024 : f32 to vector<16xf32>
        %mul3A_2753 = arith.mulf %mul3A_2752, %get3A_1421 : vector<16xf32>
        %add3A_2754 = arith.addf %add3A_2751, %mul3A_2753 : vector<16xf32>
        %mul3A_2755 = vector.broadcast %squeeze3A_1026 : f32 to vector<16xf32>
        %mul3A_2756 = arith.mulf %mul3A_2755, %get3A_1426 : vector<16xf32>
        %add3A_2757 = arith.addf %add3A_2754, %mul3A_2756 : vector<16xf32>
        %swap3A_2758 = arith.constant 12 : i32
        %swap3A_2759 = arith.index_cast %swap3A_2758 : i32 to index
        %swap3A_2760 = arith.index_cast %mul3A_1266 : i32 to index
        %swap3A_2761 = tpu.vector_load %arg7[%swap3A_2759, %swap3A_2760] {strides = array<i32>} : memref<16x1024xf32, #tpu.memory_space<vmem>>, vector<1x16xf32>,
        %swap3A_2762 = vector.shape_cast %swap3A_2761 : vector<1x16xf32> to vector<16xf32>
        %swap3A_2763 = vector.shape_cast %add3A_2757 : vector<16xf32> to vector<1x16xf32>
        tpu.vector_store %arg7[%swap3A_2759, %swap3A_2760], %swap3A_2763 {strides = array<i32>} : memref<16x1024xf32, #tpu.memory_space<vmem>>, vector<1x16xf32>,
        %broadcast_in_dim3A_2764 = vector.broadcast %squeeze3A_60 : f32 to vector<16xf32>
        %mul3A_2765 = vector.broadcast %squeeze3A_1038 : f32 to vector<16xf32>
        %mul3A_2766 = arith.mulf %mul3A_2765, %get3A_1271 : vector<16xf32>
        %add3A_2767 = arith.addf %broadcast_in_dim3A_2764, %mul3A_2766 : vector<16xf32>
        %mul3A_2768 = vector.broadcast %squeeze3A_1040 : f32 to vector<16xf32>
        %mul3A_2769 = arith.mulf %mul3A_2768, %get3A_1276 : vector<16xf32>
        %add3A_2770 = arith.addf %add3A_2767, %mul3A_2769 : vector<16xf32>
        %mul3A_2771 = vector.broadcast %squeeze3A_1042 : f32 to vector<16xf32>
        %mul3A_2772 = arith.mulf %mul3A_2771, %get3A_1281 : vector<16xf32>
        %add3A_2773 = arith.addf %add3A_2770, %mul3A_2772 : vector<16xf32>
        %mul3A_2774 = vector.broadcast %squeeze3A_1044 : f32 to vector<16xf32>
        %mul3A_2775 = arith.mulf %mul3A_2774, %get3A_1286 : vector<16xf32>
        %add3A_2776 = arith.addf %add3A_2773, %mul3A_2775 : vector<16xf32>
        %mul3A_2777 = vector.broadcast %squeeze3A_1046 : f32 to vector<16xf32>
        %mul3A_2778 = arith.mulf %mul3A_2777, %get3A_1291 : vector<16xf32>
        %add3A_2779 = arith.addf %add3A_2776, %mul3A_2778 : vector<16xf32>
        %mul3A_2780 = vector.broadcast %squeeze3A_1048 : f32 to vector<16xf32>
        %mul3A_2781 = arith.mulf %mul3A_2780, %get3A_1296 : vector<16xf32>
        %add3A_2782 = arith.addf %add3A_2779, %mul3A_2781 : vector<16xf32>
        %mul3A_2783 = vector.broadcast %squeeze3A_1050 : f32 to vector<16xf32>
        %mul3A_2784 = arith.mulf %mul3A_2783, %get3A_1301 : vector<16xf32>
        %add3A_2785 = arith.addf %add3A_2782, %mul3A_2784 : vector<16xf32>
        %mul3A_2786 = vector.broadcast %squeeze3A_1052 : f32 to vector<16xf32>
        %mul3A_2787 = arith.mulf %mul3A_2786, %get3A_1306 : vector<16xf32>
        %add3A_2788 = arith.addf %add3A_2785, %mul3A_2787 : vector<16xf32>
        %mul3A_2789 = vector.broadcast %squeeze3A_1054 : f32 to vector<16xf32>
        %mul3A_2790 = arith.mulf %mul3A_2789, %get3A_1311 : vector<16xf32>
        %add3A_2791 = arith.addf %add3A_2788, %mul3A_2790 : vector<16xf32>
        %mul3A_2792 = vector.broadcast %squeeze3A_1056 : f32 to vector<16xf32>
        %mul3A_2793 = arith.mulf %mul3A_2792, %get3A_1316 : vector<16xf32>
        %add3A_2794 = arith.addf %add3A_2791, %mul3A_2793 : vector<16xf32>
        %mul3A_2795 = vector.broadcast %squeeze3A_1058 : f32 to vector<16xf32>
        %mul3A_2796 = arith.mulf %mul3A_2795, %get3A_1321 : vector<16xf32>
        %add3A_2797 = arith.addf %add3A_2794, %mul3A_2796 : vector<16xf32>
        %mul3A_2798 = vector.broadcast %squeeze3A_1060 : f32 to vector<16xf32>
        %mul3A_2799 = arith.mulf %mul3A_2798, %get3A_1326 : vector<16xf32>
        %add3A_2800 = arith.addf %add3A_2797, %mul3A_2799 : vector<16xf32>
        %mul3A_2801 = vector.broadcast %squeeze3A_1062 : f32 to vector<16xf32>
        %mul3A_2802 = arith.mulf %mul3A_2801, %get3A_1331 : vector<16xf32>
        %add3A_2803 = arith.addf %add3A_2800, %mul3A_2802 : vector<16xf32>
        %mul3A_2804 = vector.broadcast %squeeze3A_1064 : f32 to vector<16xf32>
        %mul3A_2805 = arith.mulf %mul3A_2804, %get3A_1336 : vector<16xf32>
        %add3A_2806 = arith.addf %add3A_2803, %mul3A_2805 : vector<16xf32>
        %mul3A_2807 = vector.broadcast %squeeze3A_1066 : f32 to vector<16xf32>
        %mul3A_2808 = arith.mulf %mul3A_2807, %get3A_1341 : vector<16xf32>
        %add3A_2809 = arith.addf %add3A_2806, %mul3A_2808 : vector<16xf32>
        %mul3A_2810 = vector.broadcast %squeeze3A_1068 : f32 to vector<16xf32>
        %mul3A_2811 = arith.mulf %mul3A_2810, %get3A_1346 : vector<16xf32>
        %add3A_2812 = arith.addf %add3A_2809, %mul3A_2811 : vector<16xf32>
        %mul3A_2813 = vector.broadcast %squeeze3A_1070 : f32 to vector<16xf32>
        %mul3A_2814 = arith.mulf %mul3A_2813, %get3A_1351 : vector<16xf32>
        %add3A_2815 = arith.addf %add3A_2812, %mul3A_2814 : vector<16xf32>
        %mul3A_2816 = vector.broadcast %squeeze3A_1072 : f32 to vector<16xf32>
        %mul3A_2817 = arith.mulf %mul3A_2816, %get3A_1356 : vector<16xf32>
        %add3A_2818 = arith.addf %add3A_2815, %mul3A_2817 : vector<16xf32>
        %mul3A_2819 = vector.broadcast %squeeze3A_1074 : f32 to vector<16xf32>
        %mul3A_2820 = arith.mulf %mul3A_2819, %get3A_1361 : vector<16xf32>
        %add3A_2821 = arith.addf %add3A_2818, %mul3A_2820 : vector<16xf32>
        %mul3A_2822 = vector.broadcast %squeeze3A_1076 : f32 to vector<16xf32>
        %mul3A_2823 = arith.mulf %mul3A_2822, %get3A_1366 : vector<16xf32>
        %add3A_2824 = arith.addf %add3A_2821, %mul3A_2823 : vector<16xf32>
        %mul3A_2825 = vector.broadcast %squeeze3A_1078 : f32 to vector<16xf32>
        %mul3A_2826 = arith.mulf %mul3A_2825, %get3A_1371 : vector<16xf32>
        %add3A_2827 = arith.addf %add3A_2824, %mul3A_2826 : vector<16xf32>
        %mul3A_2828 = vector.broadcast %squeeze3A_1080 : f32 to vector<16xf32>
        %mul3A_2829 = arith.mulf %mul3A_2828, %get3A_1376 : vector<16xf32>
        %add3A_2830 = arith.addf %add3A_2827, %mul3A_2829 : vector<16xf32>
        %mul3A_2831 = vector.broadcast %squeeze3A_1082 : f32 to vector<16xf32>
        %mul3A_2832 = arith.mulf %mul3A_2831, %get3A_1381 : vector<16xf32>
        %add3A_2833 = arith.addf %add3A_2830, %mul3A_2832 : vector<16xf32>
        %mul3A_2834 = vector.broadcast %squeeze3A_1084 : f32 to vector<16xf32>
        %mul3A_2835 = arith.mulf %mul3A_2834, %get3A_1386 : vector<16xf32>
        %add3A_2836 = arith.addf %add3A_2833, %mul3A_2835 : vector<16xf32>
        %mul3A_2837 = vector.broadcast %squeeze3A_1086 : f32 to vector<16xf32>
        %mul3A_2838 = arith.mulf %mul3A_2837, %get3A_1391 : vector<16xf32>
        %add3A_2839 = arith.addf %add3A_2836, %mul3A_2838 : vector<16xf32>
        %mul3A_2840 = vector.broadcast %squeeze3A_1088 : f32 to vector<16xf32>
        %mul3A_2841 = arith.mulf %mul3A_2840, %get3A_1396 : vector<16xf32>
        %add3A_2842 = arith.addf %add3A_2839, %mul3A_2841 : vector<16xf32>
        %mul3A_2843 = vector.broadcast %squeeze3A_1090 : f32 to vector<16xf32>
        %mul3A_2844 = arith.mulf %mul3A_2843, %get3A_1401 : vector<16xf32>
        %add3A_2845 = arith.addf %add3A_2842, %mul3A_2844 : vector<16xf32>
        %mul3A_2846 = vector.broadcast %squeeze3A_1092 : f32 to vector<16xf32>
        %mul3A_2847 = arith.mulf %mul3A_2846, %get3A_1406 : vector<16xf32>
        %add3A_2848 = arith.addf %add3A_2845, %mul3A_2847 : vector<16xf32>
        %mul3A_2849 = vector.broadcast %squeeze3A_1094 : f32 to vector<16xf32>
        %mul3A_2850 = arith.mulf %mul3A_2849, %get3A_1411 : vector<16xf32>
        %add3A_2851 = arith.addf %add3A_2848, %mul3A_2850 : vector<16xf32>
        %mul3A_2852 = vector.broadcast %squeeze3A_1096 : f32 to vector<16xf32>
        %mul3A_2853 = arith.mulf %mul3A_2852, %get3A_1416 : vector<16xf32>
        %add3A_2854 = arith.addf %add3A_2851, %mul3A_2853 : vector<16xf32>
        %mul3A_2855 = vector.broadcast %squeeze3A_1098 : f32 to vector<16xf32>
        %mul3A_2856 = arith.mulf %mul3A_2855, %get3A_1421 : vector<16xf32>
        %add3A_2857 = arith.addf %add3A_2854, %mul3A_2856 : vector<16xf32>
        %mul3A_2858 = vector.broadcast %squeeze3A_1100 : f32 to vector<16xf32>
        %mul3A_2859 = arith.mulf %mul3A_2858, %get3A_1426 : vector<16xf32>
        %add3A_2860 = arith.addf %add3A_2857, %mul3A_2859 : vector<16xf32>
        %swap3A_2861 = arith.constant 13 : i32
        %swap3A_2862 = arith.index_cast %swap3A_2861 : i32 to index
        %swap3A_2863 = arith.index_cast %mul3A_1266 : i32 to index
        %swap3A_2864 = tpu.vector_load %arg7[%swap3A_2862, %swap3A_2863] {strides = array<i32>} : memref<16x1024xf32, #tpu.memory_space<vmem>>, vector<1x16xf32>,
        %swap3A_2865 = vector.shape_cast %swap3A_2864 : vector<1x16xf32> to vector<16xf32>
        %swap3A_2866 = vector.shape_cast %add3A_2860 : vector<16xf32> to vector<1x16xf32>
        tpu.vector_store %arg7[%swap3A_2862, %swap3A_2863], %swap3A_2866 {strides = array<i32>} : memref<16x1024xf32, #tpu.memory_space<vmem>>, vector<1x16xf32>,
        %broadcast_in_dim3A_2867 = vector.broadcast %squeeze3A_62 : f32 to vector<16xf32>
        %mul3A_2868 = vector.broadcast %squeeze3A_1112 : f32 to vector<16xf32>
        %mul3A_2869 = arith.mulf %mul3A_2868, %get3A_1271 : vector<16xf32>
        %add3A_2870 = arith.addf %broadcast_in_dim3A_2867, %mul3A_2869 : vector<16xf32>
        %mul3A_2871 = vector.broadcast %squeeze3A_1114 : f32 to vector<16xf32>
        %mul3A_2872 = arith.mulf %mul3A_2871, %get3A_1276 : vector<16xf32>
        %add3A_2873 = arith.addf %add3A_2870, %mul3A_2872 : vector<16xf32>
        %mul3A_2874 = vector.broadcast %squeeze3A_1116 : f32 to vector<16xf32>
        %mul3A_2875 = arith.mulf %mul3A_2874, %get3A_1281 : vector<16xf32>
        %add3A_2876 = arith.addf %add3A_2873, %mul3A_2875 : vector<16xf32>
        %mul3A_2877 = vector.broadcast %squeeze3A_1118 : f32 to vector<16xf32>
        %mul3A_2878 = arith.mulf %mul3A_2877, %get3A_1286 : vector<16xf32>
        %add3A_2879 = arith.addf %add3A_2876, %mul3A_2878 : vector<16xf32>
        %mul3A_2880 = vector.broadcast %squeeze3A_1120 : f32 to vector<16xf32>
        %mul3A_2881 = arith.mulf %mul3A_2880, %get3A_1291 : vector<16xf32>
        %add3A_2882 = arith.addf %add3A_2879, %mul3A_2881 : vector<16xf32>
        %mul3A_2883 = vector.broadcast %squeeze3A_1122 : f32 to vector<16xf32>
        %mul3A_2884 = arith.mulf %mul3A_2883, %get3A_1296 : vector<16xf32>
        %add3A_2885 = arith.addf %add3A_2882, %mul3A_2884 : vector<16xf32>
        %mul3A_2886 = vector.broadcast %squeeze3A_1124 : f32 to vector<16xf32>
        %mul3A_2887 = arith.mulf %mul3A_2886, %get3A_1301 : vector<16xf32>
        %add3A_2888 = arith.addf %add3A_2885, %mul3A_2887 : vector<16xf32>
        %mul3A_2889 = vector.broadcast %squeeze3A_1126 : f32 to vector<16xf32>
        %mul3A_2890 = arith.mulf %mul3A_2889, %get3A_1306 : vector<16xf32>
        %add3A_2891 = arith.addf %add3A_2888, %mul3A_2890 : vector<16xf32>
        %mul3A_2892 = vector.broadcast %squeeze3A_1128 : f32 to vector<16xf32>
        %mul3A_2893 = arith.mulf %mul3A_2892, %get3A_1311 : vector<16xf32>
        %add3A_2894 = arith.addf %add3A_2891, %mul3A_2893 : vector<16xf32>
        %mul3A_2895 = vector.broadcast %squeeze3A_1130 : f32 to vector<16xf32>
        %mul3A_2896 = arith.mulf %mul3A_2895, %get3A_1316 : vector<16xf32>
        %add3A_2897 = arith.addf %add3A_2894, %mul3A_2896 : vector<16xf32>
        %mul3A_2898 = vector.broadcast %squeeze3A_1132 : f32 to vector<16xf32>
        %mul3A_2899 = arith.mulf %mul3A_2898, %get3A_1321 : vector<16xf32>
        %add3A_2900 = arith.addf %add3A_2897, %mul3A_2899 : vector<16xf32>
        %mul3A_2901 = vector.broadcast %squeeze3A_1134 : f32 to vector<16xf32>
        %mul3A_2902 = arith.mulf %mul3A_2901, %get3A_1326 : vector<16xf32>
        %add3A_2903 = arith.addf %add3A_2900, %mul3A_2902 : vector<16xf32>
        %mul3A_2904 = vector.broadcast %squeeze3A_1136 : f32 to vector<16xf32>
        %mul3A_2905 = arith.mulf %mul3A_2904, %get3A_1331 : vector<16xf32>
        %add3A_2906 = arith.addf %add3A_2903, %mul3A_2905 : vector<16xf32>
        %mul3A_2907 = vector.broadcast %squeeze3A_1138 : f32 to vector<16xf32>
        %mul3A_2908 = arith.mulf %mul3A_2907, %get3A_1336 : vector<16xf32>
        %add3A_2909 = arith.addf %add3A_2906, %mul3A_2908 : vector<16xf32>
        %mul3A_2910 = vector.broadcast %squeeze3A_1140 : f32 to vector<16xf32>
        %mul3A_2911 = arith.mulf %mul3A_2910, %get3A_1341 : vector<16xf32>
        %add3A_2912 = arith.addf %add3A_2909, %mul3A_2911 : vector<16xf32>
        %mul3A_2913 = vector.broadcast %squeeze3A_1142 : f32 to vector<16xf32>
        %mul3A_2914 = arith.mulf %mul3A_2913, %get3A_1346 : vector<16xf32>
        %add3A_2915 = arith.addf %add3A_2912, %mul3A_2914 : vector<16xf32>
        %mul3A_2916 = vector.broadcast %squeeze3A_1144 : f32 to vector<16xf32>
        %mul3A_2917 = arith.mulf %mul3A_2916, %get3A_1351 : vector<16xf32>
        %add3A_2918 = arith.addf %add3A_2915, %mul3A_2917 : vector<16xf32>
        %mul3A_2919 = vector.broadcast %squeeze3A_1146 : f32 to vector<16xf32>
        %mul3A_2920 = arith.mulf %mul3A_2919, %get3A_1356 : vector<16xf32>
        %add3A_2921 = arith.addf %add3A_2918, %mul3A_2920 : vector<16xf32>
        %mul3A_2922 = vector.broadcast %squeeze3A_1148 : f32 to vector<16xf32>
        %mul3A_2923 = arith.mulf %mul3A_2922, %get3A_1361 : vector<16xf32>
        %add3A_2924 = arith.addf %add3A_2921, %mul3A_2923 : vector<16xf32>
        %mul3A_2925 = vector.broadcast %squeeze3A_1150 : f32 to vector<16xf32>
        %mul3A_2926 = arith.mulf %mul3A_2925, %get3A_1366 : vector<16xf32>
        %add3A_2927 = arith.addf %add3A_2924, %mul3A_2926 : vector<16xf32>
        %mul3A_2928 = vector.broadcast %squeeze3A_1152 : f32 to vector<16xf32>
        %mul3A_2929 = arith.mulf %mul3A_2928, %get3A_1371 : vector<16xf32>
        %add3A_2930 = arith.addf %add3A_2927, %mul3A_2929 : vector<16xf32>
        %mul3A_2931 = vector.broadcast %squeeze3A_1154 : f32 to vector<16xf32>
        %mul3A_2932 = arith.mulf %mul3A_2931, %get3A_1376 : vector<16xf32>
        %add3A_2933 = arith.addf %add3A_2930, %mul3A_2932 : vector<16xf32>
        %mul3A_2934 = vector.broadcast %squeeze3A_1156 : f32 to vector<16xf32>
        %mul3A_2935 = arith.mulf %mul3A_2934, %get3A_1381 : vector<16xf32>
        %add3A_2936 = arith.addf %add3A_2933, %mul3A_2935 : vector<16xf32>
        %mul3A_2937 = vector.broadcast %squeeze3A_1158 : f32 to vector<16xf32>
        %mul3A_2938 = arith.mulf %mul3A_2937, %get3A_1386 : vector<16xf32>
        %add3A_2939 = arith.addf %add3A_2936, %mul3A_2938 : vector<16xf32>
        %mul3A_2940 = vector.broadcast %squeeze3A_1160 : f32 to vector<16xf32>
        %mul3A_2941 = arith.mulf %mul3A_2940, %get3A_1391 : vector<16xf32>
        %add3A_2942 = arith.addf %add3A_2939, %mul3A_2941 : vector<16xf32>
        %mul3A_2943 = vector.broadcast %squeeze3A_1162 : f32 to vector<16xf32>
        %mul3A_2944 = arith.mulf %mul3A_2943, %get3A_1396 : vector<16xf32>
        %add3A_2945 = arith.addf %add3A_2942, %mul3A_2944 : vector<16xf32>
        %mul3A_2946 = vector.broadcast %squeeze3A_1164 : f32 to vector<16xf32>
        %mul3A_2947 = arith.mulf %mul3A_2946, %get3A_1401 : vector<16xf32>
        %add3A_2948 = arith.addf %add3A_2945, %mul3A_2947 : vector<16xf32>
        %mul3A_2949 = vector.broadcast %squeeze3A_1166 : f32 to vector<16xf32>
        %mul3A_2950 = arith.mulf %mul3A_2949, %get3A_1406 : vector<16xf32>
        %add3A_2951 = arith.addf %add3A_2948, %mul3A_2950 : vector<16xf32>
        %mul3A_2952 = vector.broadcast %squeeze3A_1168 : f32 to vector<16xf32>
        %mul3A_2953 = arith.mulf %mul3A_2952, %get3A_1411 : vector<16xf32>
        %add3A_2954 = arith.addf %add3A_2951, %mul3A_2953 : vector<16xf32>
        %mul3A_2955 = vector.broadcast %squeeze3A_1170 : f32 to vector<16xf32>
        %mul3A_2956 = arith.mulf %mul3A_2955, %get3A_1416 : vector<16xf32>
        %add3A_2957 = arith.addf %add3A_2954, %mul3A_2956 : vector<16xf32>
        %mul3A_2958 = vector.broadcast %squeeze3A_1172 : f32 to vector<16xf32>
        %mul3A_2959 = arith.mulf %mul3A_2958, %get3A_1421 : vector<16xf32>
        %add3A_2960 = arith.addf %add3A_2957, %mul3A_2959 : vector<16xf32>
        %mul3A_2961 = vector.broadcast %squeeze3A_1174 : f32 to vector<16xf32>
        %mul3A_2962 = arith.mulf %mul3A_2961, %get3A_1426 : vector<16xf32>
        %add3A_2963 = arith.addf %add3A_2960, %mul3A_2962 : vector<16xf32>
        %swap3A_2964 = arith.constant 14 : i32
        %swap3A_2965 = arith.index_cast %swap3A_2964 : i32 to index
        %swap3A_2966 = arith.index_cast %mul3A_1266 : i32 to index
        %swap3A_2967 = tpu.vector_load %arg7[%swap3A_2965, %swap3A_2966] {strides = array<i32>} : memref<16x1024xf32, #tpu.memory_space<vmem>>, vector<1x16xf32>,
        %swap3A_2968 = vector.shape_cast %swap3A_2967 : vector<1x16xf32> to vector<16xf32>
        %swap3A_2969 = vector.shape_cast %add3A_2963 : vector<16xf32> to vector<1x16xf32>
        tpu.vector_store %arg7[%swap3A_2965, %swap3A_2966], %swap3A_2969 {strides = array<i32>} : memref<16x1024xf32, #tpu.memory_space<vmem>>, vector<1x16xf32>,
        %broadcast_in_dim3A_2970 = vector.broadcast %squeeze3A_64 : f32 to vector<16xf32>
        %mul3A_2971 = vector.broadcast %squeeze3A_1186 : f32 to vector<16xf32>
        %mul3A_2972 = arith.mulf %mul3A_2971, %get3A_1271 : vector<16xf32>
        %add3A_2973 = arith.addf %broadcast_in_dim3A_2970, %mul3A_2972 : vector<16xf32>
        %mul3A_2974 = vector.broadcast %squeeze3A_1188 : f32 to vector<16xf32>
        %mul3A_2975 = arith.mulf %mul3A_2974, %get3A_1276 : vector<16xf32>
        %add3A_2976 = arith.addf %add3A_2973, %mul3A_2975 : vector<16xf32>
        %mul3A_2977 = vector.broadcast %squeeze3A_1190 : f32 to vector<16xf32>
        %mul3A_2978 = arith.mulf %mul3A_2977, %get3A_1281 : vector<16xf32>
        %add3A_2979 = arith.addf %add3A_2976, %mul3A_2978 : vector<16xf32>
        %mul3A_2980 = vector.broadcast %squeeze3A_1192 : f32 to vector<16xf32>
        %mul3A_2981 = arith.mulf %mul3A_2980, %get3A_1286 : vector<16xf32>
        %add3A_2982 = arith.addf %add3A_2979, %mul3A_2981 : vector<16xf32>
        %mul3A_2983 = vector.broadcast %squeeze3A_1194 : f32 to vector<16xf32>
        %mul3A_2984 = arith.mulf %mul3A_2983, %get3A_1291 : vector<16xf32>
        %add3A_2985 = arith.addf %add3A_2982, %mul3A_2984 : vector<16xf32>
        %mul3A_2986 = vector.broadcast %squeeze3A_1196 : f32 to vector<16xf32>
        %mul3A_2987 = arith.mulf %mul3A_2986, %get3A_1296 : vector<16xf32>
        %add3A_2988 = arith.addf %add3A_2985, %mul3A_2987 : vector<16xf32>
        %mul3A_2989 = vector.broadcast %squeeze3A_1198 : f32 to vector<16xf32>
        %mul3A_2990 = arith.mulf %mul3A_2989, %get3A_1301 : vector<16xf32>
        %add3A_2991 = arith.addf %add3A_2988, %mul3A_2990 : vector<16xf32>
        %mul3A_2992 = vector.broadcast %squeeze3A_1200 : f32 to vector<16xf32>
        %mul3A_2993 = arith.mulf %mul3A_2992, %get3A_1306 : vector<16xf32>
        %add3A_2994 = arith.addf %add3A_2991, %mul3A_2993 : vector<16xf32>
        %mul3A_2995 = vector.broadcast %squeeze3A_1202 : f32 to vector<16xf32>
        %mul3A_2996 = arith.mulf %mul3A_2995, %get3A_1311 : vector<16xf32>
        %add3A_2997 = arith.addf %add3A_2994, %mul3A_2996 : vector<16xf32>
        %mul3A_2998 = vector.broadcast %squeeze3A_1204 : f32 to vector<16xf32>
        %mul3A_2999 = arith.mulf %mul3A_2998, %get3A_1316 : vector<16xf32>
        %add3A_3000 = arith.addf %add3A_2997, %mul3A_2999 : vector<16xf32>
        %mul3A_3001 = vector.broadcast %squeeze3A_1206 : f32 to vector<16xf32>
        %mul3A_3002 = arith.mulf %mul3A_3001, %get3A_1321 : vector<16xf32>
        %add3A_3003 = arith.addf %add3A_3000, %mul3A_3002 : vector<16xf32>
        %mul3A_3004 = vector.broadcast %squeeze3A_1208 : f32 to vector<16xf32>
        %mul3A_3005 = arith.mulf %mul3A_3004, %get3A_1326 : vector<16xf32>
        %add3A_3006 = arith.addf %add3A_3003, %mul3A_3005 : vector<16xf32>
        %mul3A_3007 = vector.broadcast %squeeze3A_1210 : f32 to vector<16xf32>
        %mul3A_3008 = arith.mulf %mul3A_3007, %get3A_1331 : vector<16xf32>
        %add3A_3009 = arith.addf %add3A_3006, %mul3A_3008 : vector<16xf32>
        %mul3A_3010 = vector.broadcast %squeeze3A_1212 : f32 to vector<16xf32>
        %mul3A_3011 = arith.mulf %mul3A_3010, %get3A_1336 : vector<16xf32>
        %add3A_3012 = arith.addf %add3A_3009, %mul3A_3011 : vector<16xf32>
        %mul3A_3013 = vector.broadcast %squeeze3A_1214 : f32 to vector<16xf32>
        %mul3A_3014 = arith.mulf %mul3A_3013, %get3A_1341 : vector<16xf32>
        %add3A_3015 = arith.addf %add3A_3012, %mul3A_3014 : vector<16xf32>
        %mul3A_3016 = vector.broadcast %squeeze3A_1216 : f32 to vector<16xf32>
        %mul3A_3017 = arith.mulf %mul3A_3016, %get3A_1346 : vector<16xf32>
        %add3A_3018 = arith.addf %add3A_3015, %mul3A_3017 : vector<16xf32>
        %mul3A_3019 = vector.broadcast %squeeze3A_1218 : f32 to vector<16xf32>
        %mul3A_3020 = arith.mulf %mul3A_3019, %get3A_1351 : vector<16xf32>
        %add3A_3021 = arith.addf %add3A_3018, %mul3A_3020 : vector<16xf32>
        %mul3A_3022 = vector.broadcast %squeeze3A_1220 : f32 to vector<16xf32>
        %mul3A_3023 = arith.mulf %mul3A_3022, %get3A_1356 : vector<16xf32>
        %add3A_3024 = arith.addf %add3A_3021, %mul3A_3023 : vector<16xf32>
        %mul3A_3025 = vector.broadcast %squeeze3A_1222 : f32 to vector<16xf32>
        %mul3A_3026 = arith.mulf %mul3A_3025, %get3A_1361 : vector<16xf32>
        %add3A_3027 = arith.addf %add3A_3024, %mul3A_3026 : vector<16xf32>
        %mul3A_3028 = vector.broadcast %squeeze3A_1224 : f32 to vector<16xf32>
        %mul3A_3029 = arith.mulf %mul3A_3028, %get3A_1366 : vector<16xf32>
        %add3A_3030 = arith.addf %add3A_3027, %mul3A_3029 : vector<16xf32>
        %mul3A_3031 = vector.broadcast %squeeze3A_1226 : f32 to vector<16xf32>
        %mul3A_3032 = arith.mulf %mul3A_3031, %get3A_1371 : vector<16xf32>
        %add3A_3033 = arith.addf %add3A_3030, %mul3A_3032 : vector<16xf32>
        %mul3A_3034 = vector.broadcast %squeeze3A_1228 : f32 to vector<16xf32>
        %mul3A_3035 = arith.mulf %mul3A_3034, %get3A_1376 : vector<16xf32>
        %add3A_3036 = arith.addf %add3A_3033, %mul3A_3035 : vector<16xf32>
        %mul3A_3037 = vector.broadcast %squeeze3A_1230 : f32 to vector<16xf32>
        %mul3A_3038 = arith.mulf %mul3A_3037, %get3A_1381 : vector<16xf32>
        %add3A_3039 = arith.addf %add3A_3036, %mul3A_3038 : vector<16xf32>
        %mul3A_3040 = vector.broadcast %squeeze3A_1232 : f32 to vector<16xf32>
        %mul3A_3041 = arith.mulf %mul3A_3040, %get3A_1386 : vector<16xf32>
        %add3A_3042 = arith.addf %add3A_3039, %mul3A_3041 : vector<16xf32>
        %mul3A_3043 = vector.broadcast %squeeze3A_1234 : f32 to vector<16xf32>
        %mul3A_3044 = arith.mulf %mul3A_3043, %get3A_1391 : vector<16xf32>
        %add3A_3045 = arith.addf %add3A_3042, %mul3A_3044 : vector<16xf32>
        %mul3A_3046 = vector.broadcast %squeeze3A_1236 : f32 to vector<16xf32>
        %mul3A_3047 = arith.mulf %mul3A_3046, %get3A_1396 : vector<16xf32>
        %add3A_3048 = arith.addf %add3A_3045, %mul3A_3047 : vector<16xf32>
        %mul3A_3049 = vector.broadcast %squeeze3A_1238 : f32 to vector<16xf32>
        %mul3A_3050 = arith.mulf %mul3A_3049, %get3A_1401 : vector<16xf32>
        %add3A_3051 = arith.addf %add3A_3048, %mul3A_3050 : vector<16xf32>
        %mul3A_3052 = vector.broadcast %squeeze3A_1240 : f32 to vector<16xf32>
        %mul3A_3053 = arith.mulf %mul3A_3052, %get3A_1406 : vector<16xf32>
        %add3A_3054 = arith.addf %add3A_3051, %mul3A_3053 : vector<16xf32>
        %mul3A_3055 = vector.broadcast %squeeze3A_1242 : f32 to vector<16xf32>
        %mul3A_3056 = arith.mulf %mul3A_3055, %get3A_1411 : vector<16xf32>
        %add3A_3057 = arith.addf %add3A_3054, %mul3A_3056 : vector<16xf32>
        %mul3A_3058 = vector.broadcast %squeeze3A_1244 : f32 to vector<16xf32>
        %mul3A_3059 = arith.mulf %mul3A_3058, %get3A_1416 : vector<16xf32>
        %add3A_3060 = arith.addf %add3A_3057, %mul3A_3059 : vector<16xf32>
        %mul3A_3061 = vector.broadcast %squeeze3A_1246 : f32 to vector<16xf32>
        %mul3A_3062 = arith.mulf %mul3A_3061, %get3A_1421 : vector<16xf32>
        %add3A_3063 = arith.addf %add3A_3060, %mul3A_3062 : vector<16xf32>
        %mul3A_3064 = vector.broadcast %squeeze3A_1248 : f32 to vector<16xf32>
        %mul3A_3065 = arith.mulf %mul3A_3064, %get3A_1426 : vector<16xf32>
        %add3A_3066 = arith.addf %add3A_3063, %mul3A_3065 : vector<16xf32>
        %swap3A_3067 = arith.constant 15 : i32
        %swap3A_3068 = arith.index_cast %swap3A_3067 : i32 to index
        %swap3A_3069 = arith.index_cast %mul3A_1266 : i32 to index
        %swap3A_3070 = tpu.vector_load %arg7[%swap3A_3068, %swap3A_3069] {strides = array<i32>} : memref<16x1024xf32, #tpu.memory_space<vmem>>, vector<1x16xf32>,
        %swap3A_3071 = vector.shape_cast %swap3A_3070 : vector<1x16xf32> to vector<16xf32>
        %swap3A_3072 = vector.shape_cast %add3A_3066 : vector<16xf32> to vector<1x16xf32>
        tpu.vector_store %arg7[%swap3A_3068, %swap3A_3069], %swap3A_3072 {strides = array<i32>} : memref<16x1024xf32, #tpu.memory_space<vmem>>, vector<1x16xf32>,
      }
      %scan3A_1263 = arith.constant 64 : i32
      "tpu.region"() ({
        %run_scoped3A = tpu.sem_alloc : memref<!tpu.dma_semaphore, #tpu.memory_space<semaphore_mem>>
        %dma_start3A = arith.constant 0 : i32
        %dma_start3A_1264 = tpu.memref_slice %arg5[%select_n3A, %dma_start3A, %add3A_1257] : memref<8x16x262144xf32, #tpu.memory_space<hbm>> -> memref<1x16x1024xf32, #tpu.memory_space<hbm>>
        %dma_start3A_1265 = tpu.memref_squeeze %dma_start3A_1264 : memref<1x16x1024xf32, #tpu.memory_space<hbm>> -> memref<16x1024xf32, #tpu.memory_space<hbm>>
        %dma_start3A_1266 = arith.constant 0 : i32
        %dma_start3A_1267 = tpu.memref_slice %arg5[%select_n3A, %dma_start3A_1266, %add3A_1257] : memref<8x16x262144xf32, #tpu.memory_space<hbm>> -> memref<1x16x1024xf32, #tpu.memory_space<hbm>>
        %dma_start3A_1268 = tpu.memref_squeeze %dma_start3A_1267 : memref<1x16x1024xf32, #tpu.memory_space<hbm>> -> memref<16x1024xf32, #tpu.memory_space<hbm>>
        tpu.enqueue_dma source(%arg7 : memref<16x1024xf32, #tpu.memory_space<vmem>>) target(%dma_start3A_1268 : memref<16x1024xf32, #tpu.memory_space<hbm>>) target_semaphore(%run_scoped3A : memref<!tpu.dma_semaphore, #tpu.memory_space<semaphore_mem>>)
        %dma_wait3A = arith.constant 0 : i32
        %dma_wait3A_1269 = tpu.memref_slice %arg5[%select_n3A, %dma_wait3A, %add3A_1257] : memref<8x16x262144xf32, #tpu.memory_space<hbm>> -> memref<1x16x1024xf32, #tpu.memory_space<hbm>>
        %dma_wait3A_1270 = tpu.memref_squeeze %dma_wait3A_1269 : memref<1x16x1024xf32, #tpu.memory_space<hbm>> -> memref<16x1024xf32, #tpu.memory_space<hbm>>
        %dma_wait3A_1271 = arith.constant 0 : i32
        %dma_wait3A_1272 = tpu.memref_slice %arg5[%select_n3A, %dma_wait3A_1271, %add3A_1257] : memref<8x16x262144xf32, #tpu.memory_space<hbm>> -> memref<1x16x1024xf32, #tpu.memory_space<hbm>>
        %dma_wait3A_1273 = tpu.memref_squeeze %dma_wait3A_1272 : memref<1x16x1024xf32, #tpu.memory_space<hbm>> -> memref<16x1024xf32, #tpu.memory_space<hbm>>
        tpu.wait_dma2 semaphore(%run_scoped3A : memref<!tpu.dma_semaphore, #tpu.memory_space<semaphore_mem>>) src(%arg7 : memref<16x1024xf32, #tpu.memory_space<vmem>>) dst(%dma_wait3A_1273 : memref<16x1024xf32, #tpu.memory_space<hbm>>)
        tpu.yield
      }) : () -> ()
    }
    %scan3A_1253 = arith.constant 64 : i32
    return
  }
}

</mosaic_0001>

<sc_bundles>
// kernel: kernel.3.cloned.1.call-start
scs
__scs_entry_jumppad:
0x0: {  	(pc) =	sbr.rel $0x88, $3  }
0x1: {  	(tag) =	ssettag $0x0;
	lr =	simm.s32 $0x1  }
0x2: {  	[smem:$0x3F9E] =	sst lr;
	_ =	strace $0xD0000000  }
0x3: {  	_ = 	snop  }
0x4: {  	_ = 	snop  }
0x5: {  	_ = 	snop  }
0x6: {  	_ = 	snop  }
0x7: {  	_ = 	snop  }
__scs_overlays_trampoline_lowered:
0x8: {  	[smem:$0x3FAD] =	sst s0  }
0x9: {  	[smem:$0x3FAE] =	sst s1  }
0xa: {  	[smem:$0x3FAF] =	sst s2  }
0xb: {  	[smem:$0x3FB0] =	sst s3  }
0xc: {  	[smem:$0x3FB1] =	sst s4  }
0xd: {  	[smem:$0x3FB2] =	sst s5  }
0xe: {  	[smem:$0x3FB3] =	sst s6  }
0xf: {  	[smem:$0x3FB4] =	sst s7  }
0x10: {  	[smem:$0x3FB5] =	sst s8  }
0x11: {  	[smem:$0x3FB6] =	sst s9;
	s0 =	simm.s32 @!p0 $0x0  }
0x12: {  	s1 =	sld [smem:$0x3F9C];
	s0 =	simm.s32 @p0 $0x1  }
0x13: {  	[smem:$0x3FB7] =	sst s0;
	s0 =	simm.s32 @!p1 $0x0  }
0x14: {  	s2 =	sld [smem:$0x3F9B];
	s0 =	simm.s32 @p1 $0x1  }
0x15: {  	[smem:$0x3FB8] =	sst s0;
	s0 =	simm.s32 @!p2 $0x0  }
0x16: {  	s3 =	sld [smem:$0x3FDB];
	s0 =	simm.s32 @p2 $0x1  }
0x17: {  	s4 =	simm.s32 $0x1BF5;
	[smem:$0x3FBA] =	sst s0  }
0x18: {  	s0 =	sld [smem:$0x3F9D];
	_ =	swait.ge [sflag:s4], $0x0  }
0x19: {  	s7 =	sld [smem:$0x3F9E]  }
0x1a: {  	s8 =	sadd.s32 $0xFFFFE003, lr  }
0x1b: {  	s9 =	sadd.s32 $0xFFFFFEF7, lr;
	s5 =	simm.s32 $0xFFFFFFFF;
	p2 =	slt.u32 s8, $0xFFFFF086  }
0x1c: {  	p1 =	slt.u32 s9, $0xF7A;
	s5 =	simm.s32 @!p2 $0x0  }
0x1d: {  	s5 =	simm.s32 @p1 $0x1;
	p0 =	seq.s32 s7, s2  }
0x1e: {  	s7 =	smul.u32 @!p0 $0xF7A, s2;
	p2 =	seq.s32 @!p0 s5, $0x0  }
0x1f: {  	s9 =	smul.u32 $0xF7A, s1;
	s8 =	simm.s32 @!p0 $0x1BF5;
	p2 =	por !p2, p0  }
0x20: {  	[sflag:s8] =	ssyncset.s32 @!p0 $0xFFFFF086;
	s6 =	sadd.s32 @!p0 s3, s7;
	s7 =	simm.s32 @!p0 $0x108  }
0x21: {  	s3 =	sadd.s32 s3, s9;
	s6 =	sadd.s32 @!p0 $0x88, s6;
	s7 =	simm.s32 @p2 $0x1082  }
0x22: {  	[simem:s7], [sflag:s8] =	dma.local @!p0 [hbm:s6], $0xF7A  }
0x23: {  	s9 =	sor.u32 $0xD0000000, s2;
	s6 =	simm.s32 $0x108;
	_ =	swait.ge @!p0 [sflag:s8], $0x0  }
0x24: {  	s3 =	sadd.s32 $0x88, s3;
	s6 =	simm.s32 @!p1 $0x1082;
	[sflag:s4] =	ssyncset.s32 $0xFFFFF086  }
0x25: {  	[simem:s6], [sflag:s4] =	dma.local [hbm:s3], $0xF7A  }
0x26: {  	[smem:$0x3F9E] =	sst s1;
	(tag) =	ssettag s2;
	_ =	strace s9  }
0x27: {  	s1 =	sld [smem:$0x3FAE]  }
0x28: {  	s2 =	sld [smem:$0x3FAF]  }
0x29: {  	s4 =	sld [smem:$0x3FB1]  }
0x2a: {  	p0 =	seq.s32 s5, $0x0;
	s5 =	sld [smem:$0x3FB2]  }
0x2b: {  	s6 =	sld [smem:$0x3FB3]  }
0x2c: {  	s7 =	sld [smem:$0x3FB4]  }
0x2d: {  	s3 =	simm.s32 $0x108;
	s8 =	sld [smem:$0x3FB5]  }
0x2e: {  	s3 =	simm.s32 @!p0 $0x1082;
	s9 =	sld [smem:$0x3FB6]  }
0x2f: {  	lr =	sadd.s32 s0, s3;
	s0 =	sld [smem:$0x3FAD]  }
0x30: {  	s3 =	sld [smem:$0x3FB0]  }
0x31: {  	[smem:$0x3FB9] =	sst s10  }
0x32: {  	s10 =	sld [smem:$0x3FB7];
	_ =	sdelay $0x3  }
0x33: {  	p0 =	seq.s32 s10, $0x1;
	s10 =	sld [smem:$0x3FB9];
	_ =	sdelay $0x3  }
0x34: {  	[smem:$0x3FB9] =	sst s10  }
0x35: {  	s10 =	sld [smem:$0x3FB8];
	_ =	sdelay $0x3  }
0x36: {  	p1 =	seq.s32 s10, $0x1;
	s10 =	sld [smem:$0x3FB9];
	_ =	sdelay $0x3  }
0x37: {  	[smem:$0x3FB9] =	sst s10  }
0x38: {  	s10 =	sld [smem:$0x3FBA]  }
0x39: {  	_ = 	snop;
	(pc) =	sbr.ind lr, $3  }
0x3a: {  	_ = 	snop  }
0x3b: {  	_ = 	snop  }
0x3c: {  	p2 =	seq.s32 s10, $0x1;
	s10 =	sld [smem:$0x3FB9]  }
0x3d: {  	_ =	shalt  }
0x3e: {  	_ =	shalt  }
0x3f: {  	_ =	shalt  }
0x40: {  	_ =	shalt  }
0x41: {  	_ =	shalt  }
0x42: {  	_ =	shalt  }
0x43: {  	_ =	shalt  }
0x44: {  	_ =	shalt  }
0x45: {  	_ =	shalt  }
0x46: {  	_ =	shalt  }
0x47: {  	_ =	shalt  }
0x48: {  	_ =	shalt  }
0x49: {  	_ =	shalt  }
0x4a: {  	_ =	shalt  }
0x4b: {  	_ =	shalt  }
0x4c: {  	_ =	shalt  }
0x4d: {  	_ =	shalt  }
0x4e: {  	_ =	shalt  }
0x4f: {  	_ =	shalt  }
0x50: {  	_ =	shalt  }
0x51: {  	_ =	shalt  }
0x52: {  	_ =	shalt  }
0x53: {  	_ =	shalt  }
0x54: {  	_ =	shalt  }
0x55: {  	_ =	shalt  }
0x56: {  	_ =	shalt  }
0x57: {  	_ =	shalt  }
0x58: {  	_ =	shalt  }
0x59: {  	_ =	shalt  }
0x5a: {  	_ =	shalt  }
0x5b: {  	_ =	shalt  }
0x5c: {  	_ =	shalt  }
0x5d: {  	_ =	shalt  }
0x5e: {  	_ =	shalt  }
0x5f: {  	_ =	shalt  }
0x60: {  	_ =	shalt  }
0x61: {  	_ =	shalt  }
0x62: {  	_ =	shalt  }
0x63: {  	_ =	shalt  }
0x64: {  	_ =	shalt  }
0x65: {  	_ =	shalt  }
0x66: {  	_ =	shalt  }
0x67: {  	_ =	shalt  }
0x68: {  	_ =	shalt  }
0x69: {  	_ =	shalt  }
0x6a: {  	_ =	shalt  }
0x6b: {  	_ =	shalt  }
0x6c: {  	_ =	shalt  }
0x6d: {  	_ =	shalt  }
0x6e: {  	_ =	shalt  }
0x6f: {  	_ =	shalt  }
0x70: {  	_ =	shalt  }
0x71: {  	_ =	shalt  }
0x72: {  	_ =	shalt  }
0x73: {  	_ =	shalt  }
0x74: {  	_ =	shalt  }
0x75: {  	_ =	shalt  }
0x76: {  	_ =	shalt  }
0x77: {  	_ =	shalt  }
0x78: {  	_ =	shalt  }
0x79: {  	_ =	shalt  }
0x7a: {  	_ =	shalt  }
0x7b: {  	_ =	shalt  }
0x7c: {  	_ =	shalt  }
0x7d: {  	_ =	shalt  }
0x7e: {  	_ =	shalt  }
0x7f: {  	_ =	shalt  }
0x80: {  	_ =	shalt  }
0x81: {  	_ =	shalt  }
0x82: {  	_ =	shalt  }
0x83: {  	_ =	shalt  }
0x84: {  	_ =	shalt  }
0x85: {  	_ =	shalt  }
0x86: {  	_ =	shalt  }
0x87: {  	_ =	shalt  }
.Lfunc_end0:
.L_simem_size_0:
called_computation.1_lowered:
.L_overlay_start_0:
0x88: {  	s2 =	sld [smem:$0x3FD9]  }
0x89: {  	s3 =	sld [smem:$0x3FFE];
	_ =	sdelay $0x1  }
0x8a: {  	s1 =	srdreg.scid  }
0x8b: {  	s0 =	sand.u32 $0x1, s1  }
0x8c: {  	s17 =	sshll.u32 s0, $0xA;
	s2 =	sadd.s32 s3, s2  }
0x8d: {  	s2 =	sadd.s32 s2, s17  }
0x8e: {  	[smem:$0x3FC5] =	sst s2  }
0x8f: {  	_ = 	snop  }
0x90: {  	s2 =	sld [smem:$0x3FC8]  }
0x91: {  	s18 =	sld [smem:$0x3FC7];
	(tm) =	ssettm $0x1  }
0x92: {  	s4 =	sld [smem:$0x3FFB];
	_ =	sdelay $0x3  }
0x93: {  	_ =	strace s4  }
0x94: {  	s4 =	sld [smem:$0x3FFC];
	_ =	sdelay $0x3  }
0x95: {  	_ =	strace s4  }
0x96: {  	s4 =	sld [smem:$0x3FFD];
	_ =	sdelay $0x3  }
0x97: {  	_ =	strace s4  }
0x98: {  	_ =	strace $0x8FFFFFFF  }
0x99: {  	s19 =	sld [smem:$0x3FDB];
	_ =	sdelay $0x1  }
0x9a: {  	s5 =	simm.s32 $_scs_section_size  }
0x9b: {  	s6 =	simm.s32 $_size__tile_overlayer_lowered;
	s7 =	simm.s32 $_tile_overlayer_lowered  }
0x9c: {  	s22 =	simm.s32 $0x1BFF;
	s21 =	sshll.u32 s7, $0x1;
	s4 =	sadd.s32 s5, s19  }
0x9d: {  	s8 =	simm.s32 $0x0;
	s20 =	sshll.u32 s6, $0x1;
	s6 =	sadd.s32 s21, s4  }
0x9e: {  	[timem:s8], [sflag:s22] =	dma.local [hbm:s6], s20  }
0x9f: {  	_ =	swait.ge [sflag:s22], s20  }
0xa0: {  	s5 =	ssub.s32 $0x0, s20;
	[sflag:s22] =	ssyncset.done $0x0  }
0xa1: {  	[sflag:s22] =	ssyncadd.s32 s5;
	_ =	sdelay $0x1  }
0xa2: {  	s23 =	simm.s32 $0x1B8B  }
0xa3: {  	_ =	swait.ge [sflag:s23], $0x1  }
0xa4: {  	[sflag:s23] =	ssyncset.done $0x0  }
0xa5: {  	s25 =	simm.s32 $0x1B8E;
	s24 =	sld [smem:$0x3FFE];
	[sflag:s23] =	ssyncadd.s32 $0xFFFFFFFF  }
0xa6: {  	s26 =	simm.s32 $execute0_lowered;
	[smem:$0x3FD2] =	sst s25  }
0xa7: {  	s6 =	sshll.u32 s26, $0x1;
	_ =	strace $0x80000046;
	[dreg:$0x1] =	wrdreg $0xFFFFFFFF  }
0xa8: {  	s28 =	simm.s32 $_size_execute0_lowered;
	s4 =	sadd.s32 s4, s6;
	[dreg:$0x0] =	wrdreg $0x0  }
0xa9: {  	s6 =	sshll.u32 s28, $0x1;
	[dreg:$0x2] =	wrdreg s4  }
0xaa: {  	[dreg:$0x3] =	wrdreg s6  }
0xab: {  	[dreg:$0x4] =	wrdreg $0xC0  }
0xac: {  	_ =	task [dreg:s8], $0x5FFFF  }
0xad: {  	[dreg:$0x1] =	wrdreg $0xFFFFFFFF  }
0xae: {  	[dreg:$0x0] =	wrdreg $0x60  }
0xaf: {  	[dreg:$0x2] =	wrdreg s24  }
0xb0: {  	[dreg:$0x3] =	wrdreg s2  }
0xb1: {  	[dreg:$0x4] =	wrdreg s18  }
0xb2: {  	[dreg:$0x5] =	wrdreg $0x9  }
0xb3: {  	_ =	task.clear_ibuf [dreg:s8], $0x6FFFF;
	_ =	strace $0x90000046  }
0xb4: {  	s29 =	simm.s32 $0x9;
	_ =	strace $0x80000048  }
0xb5: {  	_ =	swait.ge [sflag:s29], $0x1  }
0xb6: {  	[sflag:s29] =	ssyncadd.s32 $0xFFFFFFFF  }
0xb7: {  	_ =	strace $0x90000048  }
0xb8: {  	_ =	sfence  }
0xb9: {  	s30 =	sld [smem:$0x0];
	_ =	sdelay $0x2  }
0xba: {  	s31 =	sshll.u32 s1, $0xD;
	s1 =	sshrl.u32 s1, $0x2  }
0xbb: {  	s3 =	sand.u32 $0x4000, s31;
	s1 =	sadd.s32 s1, s30  }
0xbc: {  	s0 =	sor.u32 s3, s0;
	s1 =	sshll.u32 s1, $0x11  }
0xbd: {  	s0 =	sor.u32 s1, s0  }
0xbe: {  	s0 =	sadd.s32 $0x8F2B, s0  }
0xbf: {  	[sflag:s0] =	ssyncadd.remote.s32 $0x1  }
0xc0: {  	_ =	sfence.sel $0xFFFF  }
0xc1: {  	[dreg:$0x0] =	wrdreg $0xFFFFFFFF;
	(pc) =	sbr.abs _section_cstart, $3  }
0xc2: {  	[dreg:$0x1] =	wrdreg $0xFFFFFFFF  }
0xc3: {  	_ =	task.clear_ibuf [dreg:s8], $0x2FFFF;
	_ =	strace $0x9FFFFFFF  }
0xc4: {  	(tm) =	ssettm $0x7FFFFFFF  }
0xc5: {  	_ =	shalt  }
tec
execute0_lowered:
.L_overlay_start_1:
0x0: {  	(tag) =	ssettag $0x1  }
0x1: {  	s6 =	rddreg [dreg:$0x0]  }
0x2: {  	s1 =	rddreg [dreg:$0x1]  }
0x3: {  	s2 =	rddreg [dreg:$0x2]  }
0x4: {  	s0 =	rddreg [dreg:$0x3];
	s4 =	simm.s32 $0x0;
	s7 =	srdreg.scid  }
0x5: {  	s3 =	stileid.u32;
	s12 =	simm.s32 $0x1;
	s13 =	simm.s32 $0xC800  }
0x6: {  	s14 =	simm.s32 $0x2000;
	s15 =	simm.s32 $0x200000;
	s16 =	simm.s32 $0x8000  }
0x7: {  	s17 =	simm.s32 $0x0;
	[smem:$0x7FF] =	sst s4;
	s5 =	sadd.s32 $0x800, s6  }
0x8: {  	s7 =	sand.u32 $0x1, s7;
	s8 =	sshll.u32 s3, $0x1;
	s6 =	sadd.s32 $0x800800, s6  }
0x9: {  	s11 =	sshrl.u32 s3, $0x1;
	s9 =	ssub.s32 $0x2, s7;
	s8 =	sand.u32 $0x2, s8  }
0xa: {  	_ =	strace $0x80000047;
	s10 =	sshrl.u32 s9, $0x1;
	s7 =	sor.u32 s7, s8  }
0xb: {  	s8 =	sshll.u32 s11, $0x17;
	s10 =	ssub.s32 s9, s10;
	s7 =	sshll.u32 s7, $0x13  }
0xc: {  	s9 =	sshll.u32 s11, $0x16;
	s11 =	simm.s32 $0xC000;
	s10 =	smax.u32 s10, $0x1  }
.LBB2_1:
0xd: {  	[tilespmem:s11], [sflag:$0x1] =	stream.linear.gather [hbm4b:s1+s4], $0x800, $0x38;
	[tilespmem:$0xC880] =	vst v63  }
0xe: {  	_ =	swait.ge [sflag:s12], $0x800  }
0xf: {  	[sflag:s12] =	ssyncset.done $0x0  }
0x10: {  	[sflag:s12] =	ssyncadd.s32 $0xFFFFF800  }
0x11: {  	[tilespmem:s13], [sflag:$0x1] =	stream.linear.gather [hbm4b:s2+s4], $0x80, $0x38;
	[tilespmem:$0xC880] =	vst v63  }
0x12: {  	_ =	swait.ge [sflag:s12], $0x80  }
0x13: {  	[sflag:s12] =	ssyncset.done $0x0  }
0x14: {  	[sflag:s12] =	ssyncadd.s32 $0xFFFFFF80  }
0x15: {  	v0 =	vld [tilespmem:$0xC000];
	_ =	sdelay $0x4  }
0x16: {  	v3 =	vbroadcast v0, $0x0;
	v4 =	vbroadcast v0, $0x1  }
0x17: {  	v18 =	vbroadcast v0, $0x2;
	v19 =	vbroadcast v0, $0x3  }
0x18: {  	v7 =	vbroadcast v0, $0x4;
	v8 =	vbroadcast v0, $0x5  }
0x19: {  	v1 =	vld [tilespmem:$0xC010];
	v9 =	vbroadcast v0, $0x6;
	v10 =	vbroadcast v0, $0x7  }
0x1a: {  	v11 =	vbroadcast v0, $0x8;
	v12 =	vbroadcast v0, $0x9  }
0x1b: {  	v13 =	vbroadcast v0, $0xA;
	v14 =	vbroadcast v0, $0xB  }
0x1c: {  	v20 =	vbroadcast v0, $0xC;
	v5 =	vbroadcast v0, $0xD  }
0x1d: {  	v6 =	vbroadcast v0, $0xE;
	v22 =	vbroadcast v0, $0xF  }
0x1e: {  	v26 =	vbroadcast v1, $0x0;
	v28 =	vbroadcast v1, $0x1  }
0x1f: {  	v29 =	vbroadcast v1, $0x2;
	v31 =	vbroadcast v1, $0x3  }
0x20: {  	v32 =	vbroadcast v1, $0x4;
	v33 =	vbroadcast v1, $0x5  }
0x21: {  	v0 =	vld [tilespmem:$0xC080];
	v42 =	vbroadcast v1, $0x6;
	v45 =	vbroadcast v1, $0x7  }
0x22: {  	v48 =	vbroadcast v1, $0x8;
	v49 =	vbroadcast v1, $0x9  }
0x23: {  	v51 =	vbroadcast v1, $0xA;
	v52 =	vbroadcast v1, $0xB  }
0x24: {  	v53 =	vbroadcast v1, $0xC;
	v54 =	vbroadcast v1, $0xD  }
0x25: {  	v55 =	vbroadcast v1, $0xE;
	v56 =	vbroadcast v1, $0xF  }
0x26: {  	v21 =	vbroadcast v0, $0x0;
	v23 =	vbroadcast v0, $0x1  }
0x27: {  	v24 =	vbroadcast v0, $0x2;
	v36 =	vbroadcast v0, $0x3  }
0x28: {  	v50 =	vbroadcast v0, $0x4;
	v2 =	vbroadcast v0, $0xC  }
0x29: {  	v1 =	vld [tilespmem:$0xC090];
	v57 =	vbroadcast v0, $0x5;
	v58 =	vbroadcast v0, $0x6  }
0x2a: {  	v59 =	vbroadcast v0, $0x7;
	[tilespmem:$0x1DFD0] =	vst v2;
	v2 =	vbroadcast v0, $0xD  }
0x2b: {  	v60 =	vbroadcast v0, $0x8;
	v61 =	vbroadcast v0, $0x9  }
0x2c: {  	v62 =	vbroadcast v0, $0xA;
	[tilespmem:$0x1DFE0] =	vst v2;
	v2 =	vbroadcast v0, $0xE  }
0x2d: {  	v63 =	vbroadcast v0, $0xB;
	v0 =	vbroadcast v0, $0xF  }
0x2e: {  	[tilespmem:$0x1DFF0] =	vst v2;
	v2 =	vbroadcast v1, $0x6  }
0x2f: {  	[tilespmem:$0x1E000] =	vst v0;
	v0 =	vbroadcast v1, $0x0  }
0x30: {  	[tilespmem:$0x1E070] =	vst v2;
	v2 =	vbroadcast v1, $0x7  }
0x31: {  	[tilespmem:$0x1E010] =	vst v0;
	v0 =	vbroadcast v1, $0x1  }
0x32: {  	[tilespmem:$0x1E080] =	vst v2;
	v2 =	vbroadcast v1, $0x8  }
0x33: {  	[tilespmem:$0x1E020] =	vst v0;
	v0 =	vbroadcast v1, $0x2  }
0x34: {  	[tilespmem:$0x1E090] =	vst v2;
	v2 =	vbroadcast v1, $0x9  }
0x35: {  	[tilespmem:$0x1E030] =	vst v0;
	v0 =	vbroadcast v1, $0x3  }
0x36: {  	[tilespmem:$0x1E0A0] =	vst v2;
	v2 =	vbroadcast v1, $0xA  }
0x37: {  	[tilespmem:$0x1E040] =	vst v0;
	v0 =	vbroadcast v1, $0x4  }
0x38: {  	[tilespmem:$0x1E0B0] =	vst v2;
	v2 =	vbroadcast v1, $0xB  }
0x39: {  	[tilespmem:$0x1E050] =	vst v0;
	v0 =	vbroadcast v1, $0x5  }
0x3a: {  	[tilespmem:$0x1E0C0] =	vst v2;
	v2 =	vbroadcast v1, $0xC  }
0x3b: {  	[tilespmem:$0x1E060] =	vst v0;
	v0 =	vld [tilespmem:$0xC100]  }
0x3c: {  	[tilespmem:$0x1E0D0] =	vst v2;
	v2 =	vbroadcast v1, $0xD;
	_ =	sdelay $0x1  }
0x3d: {  	[tilespmem:$0x1E0E0] =	vst v2;
	v2 =	vbroadcast v1, $0xE  }
0x3e: {  	v1 =	vbroadcast v1, $0xF  }
0x3f: {  	[tilespmem:$0x1E0F0] =	vst v2;
	v2 =	vbroadcast v0, $0x6  }
0x40: {  	[tilespmem:$0x1E100] =	vst v1;
	v1 =	vbroadcast v0, $0x0  }
0x41: {  	[tilespmem:$0x1E170] =	vst v2;
	v2 =	vbroadcast v0, $0x7  }
0x42: {  	[tilespmem:$0x1E110] =	vst v1;
	v1 =	vbroadcast v0, $0x1  }
0x43: {  	[tilespmem:$0x1E180] =	vst v2;
	v2 =	vbroadcast v0, $0x8  }
0x44: {  	[tilespmem:$0x1E120] =	vst v1;
	v1 =	vbroadcast v0, $0x2  }
0x45: {  	[tilespmem:$0x1E190] =	vst v2;
	v2 =	vbroadcast v0, $0x9  }
0x46: {  	[tilespmem:$0x1E130] =	vst v1;
	v1 =	vbroadcast v0, $0x3  }
0x47: {  	[tilespmem:$0x1E1A0] =	vst v2;
	v2 =	vbroadcast v0, $0xA  }
0x48: {  	[tilespmem:$0x1E140] =	vst v1;
	v1 =	vbroadcast v0, $0x4  }
0x49: {  	[tilespmem:$0x1E1B0] =	vst v2;
	v2 =	vbroadcast v0, $0xB  }
0x4a: {  	[tilespmem:$0x1E150] =	vst v1;
	v1 =	vbroadcast v0, $0x5  }
0x4b: {  	[tilespmem:$0x1E1C0] =	vst v2;
	v2 =	vbroadcast v0, $0xC  }
0x4c: {  	[tilespmem:$0x1E160] =	vst v1;
	v1 =	vld [tilespmem:$0xC110]  }
0x4d: {  	[tilespmem:$0x1E1D0] =	vst v2;
	v2 =	vbroadcast v0, $0xD;
	_ =	sdelay $0x1  }
0x4e: {  	[tilespmem:$0x1E1E0] =	vst v2;
	v2 =	vbroadcast v0, $0xE;
	v0 =	vbroadcast v0, $0xF;
	_ =	sdelay $0x1  }
0x4f: {  	[tilespmem:$0x1E200] =	vst v0;
	v0 =	vbroadcast v1, $0x0;
	_ =	sdelay $0x1  }
0x50: {  	[tilespmem:$0x1E210] =	vst v0;
	v0 =	vbroadcast v1, $0x1;
	_ =	sdelay $0x1  }
0x51: {  	[tilespmem:$0x1E220] =	vst v0;
	v0 =	vbroadcast v1, $0x2;
	_ =	sdelay $0x1  }
0x52: {  	[tilespmem:$0x1E230] =	vst v0;
	v0 =	vbroadcast v1, $0x3;
	_ =	sdelay $0x1  }
0x53: {  	[tilespmem:$0x1E240] =	vst v0;
	v0 =	vbroadcast v1, $0x4;
	_ =	sdelay $0x1  }
0x54: {  	[tilespmem:$0x1E250] =	vst v0;
	v0 =	vbroadcast v1, $0x5  }
0x55: {  	[tilespmem:$0x1E1F0] =	vst v2;
	v2 =	vbroadcast v1, $0x6  }
0x56: {  	[tilespmem:$0x1E260] =	vst v0  }
0x57: {  	v0 =	vld [tilespmem:$0xC180];
	[tilespmem:$0x1E270] =	vst v2;
	v2 =	vbroadcast v1, $0x7;
	_ =	sdelay $0x1  }
0x58: {  	[tilespmem:$0x1E280] =	vst v2;
	v2 =	vbroadcast v1, $0x8;
	_ =	sdelay $0x1  }
0x59: {  	[tilespmem:$0x1E290] =	vst v2;
	v2 =	vbroadcast v1, $0x9;
	_ =	sdelay $0x1  }
0x5a: {  	[tilespmem:$0x1E2A0] =	vst v2;
	v2 =	vbroadcast v1, $0xA;
	_ =	sdelay $0x1  }
0x5b: {  	[tilespmem:$0x1E2B0] =	vst v2;
	v2 =	vbroadcast v1, $0xB;
	_ =	sdelay $0x1  }
0x5c: {  	[tilespmem:$0x1E2C0] =	vst v2;
	v2 =	vbroadcast v1, $0xC;
	_ =	sdelay $0x1  }
0x5d: {  	[tilespmem:$0x1E2D0] =	vst v2;
	v2 =	vbroadcast v1, $0xD;
	_ =	sdelay $0x1  }
0x5e: {  	[tilespmem:$0x1E2E0] =	vst v2;
	v2 =	vbroadcast v1, $0xE  }
0x5f: {  	v1 =	vbroadcast v1, $0xF  }
0x60: {  	[tilespmem:$0x1E2F0] =	vst v2;
	v2 =	vbroadcast v0, $0x6  }
0x61: {  	[tilespmem:$0x1E300] =	vst v1;
	v1 =	vbroadcast v0, $0x0  }
0x62: {  	[tilespmem:$0x1E370] =	vst v2;
	v2 =	vbroadcast v0, $0x7  }
0x63: {  	[tilespmem:$0x1E310] =	vst v1;
	v1 =	vbroadcast v0, $0x1  }
0x64: {  	[tilespmem:$0x1E380] =	vst v2;
	v2 =	vbroadcast v0, $0x8  }
0x65: {  	[tilespmem:$0x1E320] =	vst v1;
	v1 =	vbroadcast v0, $0x2  }
0x66: {  	[tilespmem:$0x1E390] =	vst v2;
	v2 =	vbroadcast v0, $0x9  }
0x67: {  	[tilespmem:$0x1E330] =	vst v1;
	v1 =	vbroadcast v0, $0x3  }
0x68: {  	[tilespmem:$0x1E3A0] =	vst v2;
	v2 =	vbroadcast v0, $0xA  }
0x69: {  	[tilespmem:$0x1E340] =	vst v1;
	v1 =	vbroadcast v0, $0x4  }
0x6a: {  	[tilespmem:$0x1E3B0] =	vst v2;
	v2 =	vbroadcast v0, $0xB  }
0x6b: {  	[tilespmem:$0x1E350] =	vst v1;
	v1 =	vbroadcast v0, $0x5  }
0x6c: {  	[tilespmem:$0x1E3C0] =	vst v2;
	v2 =	vbroadcast v0, $0xC  }
0x6d: {  	[tilespmem:$0x1E360] =	vst v1;
	v1 =	vld [tilespmem:$0xC190]  }
0x6e: {  	[tilespmem:$0x1E3D0] =	vst v2;
	v2 =	vbroadcast v0, $0xD;
	_ =	sdelay $0x1  }
0x6f: {  	[tilespmem:$0x1E3E0] =	vst v2;
	v2 =	vbroadcast v0, $0xE  }
0x70: {  	v0 =	vbroadcast v0, $0xF  }
0x71: {  	[tilespmem:$0x1E3F0] =	vst v2;
	v2 =	vbroadcast v1, $0x6  }
0x72: {  	[tilespmem:$0x1E400] =	vst v0;
	v0 =	vbroadcast v1, $0x0  }
0x73: {  	[tilespmem:$0x1E470] =	vst v2;
	v2 =	vbroadcast v1, $0x7  }
0x74: {  	[tilespmem:$0x1E410] =	vst v0;
	v0 =	vbroadcast v1, $0x1  }
0x75: {  	[tilespmem:$0x1E480] =	vst v2;
	v2 =	vbroadcast v1, $0x8  }
0x76: {  	[tilespmem:$0x1E420] =	vst v0;
	v0 =	vbroadcast v1, $0x2  }
0x77: {  	[tilespmem:$0x1E490] =	vst v2;
	v2 =	vbroadcast v1, $0x9  }
0x78: {  	[tilespmem:$0x1E430] =	vst v0;
	v0 =	vbroadcast v1, $0x3  }
0x79: {  	[tilespmem:$0x1E4A0] =	vst v2;
	v2 =	vbroadcast v1, $0xA  }
0x7a: {  	[tilespmem:$0x1E440] =	vst v0;
	v0 =	vbroadcast v1, $0x4  }
0x7b: {  	[tilespmem:$0x1E4B0] =	vst v2;
	v2 =	vbroadcast v1, $0xB  }
0x7c: {  	[tilespmem:$0x1E450] =	vst v0;
	v0 =	vbroadcast v1, $0x5  }
0x7d: {  	[tilespmem:$0x1E4C0] =	vst v2;
	v2 =	vbroadcast v1, $0xC  }
0x7e: {  	[tilespmem:$0x1E460] =	vst v0;
	v0 =	vld [tilespmem:$0xC200]  }
0x7f: {  	[tilespmem:$0x1E4D0] =	vst v2;
	v2 =	vbroadcast v1, $0xD;
	_ =	sdelay $0x1  }
0x80: {  	[tilespmem:$0x1E4E0] =	vst v2;
	v2 =	vbroadcast v1, $0xE  }
0x81: {  	v1 =	vbroadcast v1, $0xF  }
0x82: {  	[tilespmem:$0x1E4F0] =	vst v2;
	v2 =	vbroadcast v0, $0x6  }
0x83: {  	[tilespmem:$0x1E500] =	vst v1;
	v1 =	vbroadcast v0, $0x0  }
0x84: {  	[tilespmem:$0x1E570] =	vst v2;
	v2 =	vbroadcast v0, $0x7  }
0x85: {  	[tilespmem:$0x1E510] =	vst v1;
	v1 =	vbroadcast v0, $0x1  }
0x86: {  	[tilespmem:$0x1E580] =	vst v2;
	v2 =	vbroadcast v0, $0x8  }
0x87: {  	[tilespmem:$0x1E520] =	vst v1;
	v1 =	vbroadcast v0, $0x2  }
0x88: {  	[tilespmem:$0x1E590] =	vst v2;
	v2 =	vbroadcast v0, $0x9  }
0x89: {  	[tilespmem:$0x1E530] =	vst v1;
	v1 =	vbroadcast v0, $0x3  }
0x8a: {  	[tilespmem:$0x1E5A0] =	vst v2;
	v2 =	vbroadcast v0, $0xA  }
0x8b: {  	[tilespmem:$0x1E540] =	vst v1;
	v1 =	vbroadcast v0, $0x4  }
0x8c: {  	[tilespmem:$0x1E5B0] =	vst v2;
	v2 =	vbroadcast v0, $0xB  }
0x8d: {  	[tilespmem:$0x1E550] =	vst v1;
	v1 =	vbroadcast v0, $0x5  }
0x8e: {  	[tilespmem:$0x1E5C0] =	vst v2;
	v2 =	vbroadcast v0, $0xC  }
0x8f: {  	[tilespmem:$0x1E560] =	vst v1;
	v1 =	vld [tilespmem:$0xC210]  }
0x90: {  	[tilespmem:$0x1E5D0] =	vst v2;
	v2 =	vbroadcast v0, $0xD;
	_ =	sdelay $0x1  }
0x91: {  	[tilespmem:$0x1E5E0] =	vst v2;
	v2 =	vbroadcast v0, $0xE  }
0x92: {  	v0 =	vbroadcast v0, $0xF  }
0x93: {  	[tilespmem:$0x1E5F0] =	vst v2;
	v2 =	vbroadcast v1, $0x6  }
0x94: {  	[tilespmem:$0x1E600] =	vst v0;
	v0 =	vbroadcast v1, $0x0  }
0x95: {  	[tilespmem:$0x1E670] =	vst v2;
	v2 =	vbroadcast v1, $0x7  }
0x96: {  	[tilespmem:$0x1E610] =	vst v0;
	v0 =	vbroadcast v1, $0x1  }
0x97: {  	[tilespmem:$0x1E680] =	vst v2;
	v2 =	vbroadcast v1, $0x8  }
0x98: {  	[tilespmem:$0x1E620] =	vst v0;
	v0 =	vbroadcast v1, $0x2  }
0x99: {  	[tilespmem:$0x1E690] =	vst v2;
	v2 =	vbroadcast v1, $0x9  }
0x9a: {  	[tilespmem:$0x1E630] =	vst v0;
	v0 =	vbroadcast v1, $0x3  }
0x9b: {  	[tilespmem:$0x1E6A0] =	vst v2;
	v2 =	vbroadcast v1, $0xA  }
0x9c: {  	[tilespmem:$0x1E640] =	vst v0;
	v0 =	vbroadcast v1, $0x4  }
0x9d: {  	[tilespmem:$0x1E6B0] =	vst v2;
	v2 =	vbroadcast v1, $0xB  }
0x9e: {  	[tilespmem:$0x1E650] =	vst v0;
	v0 =	vbroadcast v1, $0x5  }
0x9f: {  	[tilespmem:$0x1E6C0] =	vst v2;
	v2 =	vbroadcast v1, $0xC  }
0xa0: {  	[tilespmem:$0x1E660] =	vst v0;
	v0 =	vld [tilespmem:$0xC280]  }
0xa1: {  	[tilespmem:$0x1E6D0] =	vst v2;
	v2 =	vbroadcast v1, $0xD;
	_ =	sdelay $0x1  }
0xa2: {  	[tilespmem:$0x1E6E0] =	vst v2;
	v2 =	vbroadcast v1, $0xE  }
0xa3: {  	v1 =	vbroadcast v1, $0xF  }
0xa4: {  	[tilespmem:$0x1E6F0] =	vst v2;
	v2 =	vbroadcast v0, $0x6  }
0xa5: {  	[tilespmem:$0x1E700] =	vst v1;
	v1 =	vbroadcast v0, $0x0  }
0xa6: {  	[tilespmem:$0x1E770] =	vst v2;
	v2 =	vbroadcast v0, $0x7  }
0xa7: {  	[tilespmem:$0x1E710] =	vst v1;
	v1 =	vbroadcast v0, $0x1  }
0xa8: {  	[tilespmem:$0x1E780] =	vst v2;
	v2 =	vbroadcast v0, $0x8  }
0xa9: {  	[tilespmem:$0x1E720] =	vst v1;
	v1 =	vbroadcast v0, $0x2  }
0xaa: {  	[tilespmem:$0x1E790] =	vst v2;
	v2 =	vbroadcast v0, $0x9  }
0xab: {  	[tilespmem:$0x1E730] =	vst v1;
	v1 =	vbroadcast v0, $0x3  }
0xac: {  	[tilespmem:$0x1E7A0] =	vst v2;
	v2 =	vbroadcast v0, $0xA  }
0xad: {  	[tilespmem:$0x1E740] =	vst v1;
	v1 =	vbroadcast v0, $0x4  }
0xae: {  	[tilespmem:$0x1E7B0] =	vst v2;
	v2 =	vbroadcast v0, $0xB  }
0xaf: {  	[tilespmem:$0x1E750] =	vst v1;
	v1 =	vbroadcast v0, $0x5  }
0xb0: {  	[tilespmem:$0x1E7C0] =	vst v2;
	v2 =	vbroadcast v0, $0xC  }
0xb1: {  	[tilespmem:$0x1E760] =	vst v1;
	v1 =	vld [tilespmem:$0xC290]  }
0xb2: {  	[tilespmem:$0x1E7D0] =	vst v2;
	v2 =	vbroadcast v0, $0xD;
	_ =	sdelay $0x1  }
0xb3: {  	[tilespmem:$0x1E7E0] =	vst v2;
	v2 =	vbroadcast v0, $0xE  }
0xb4: {  	v0 =	vbroadcast v0, $0xF  }
0xb5: {  	[tilespmem:$0x1E7F0] =	vst v2;
	v2 =	vbroadcast v1, $0x6  }
0xb6: {  	[tilespmem:$0x1E800] =	vst v0;
	v0 =	vbroadcast v1, $0x0  }
0xb7: {  	[tilespmem:$0x1E870] =	vst v2;
	v2 =	vbroadcast v1, $0x7  }
0xb8: {  	[tilespmem:$0x1E810] =	vst v0;
	v0 =	vbroadcast v1, $0x1  }
0xb9: {  	[tilespmem:$0x1E880] =	vst v2;
	v2 =	vbroadcast v1, $0x8  }
0xba: {  	[tilespmem:$0x1E820] =	vst v0;
	v0 =	vbroadcast v1, $0x2  }
0xbb: {  	[tilespmem:$0x1E890] =	vst v2;
	v2 =	vbroadcast v1, $0x9  }
0xbc: {  	[tilespmem:$0x1E830] =	vst v0;
	v0 =	vbroadcast v1, $0x3  }
0xbd: {  	[tilespmem:$0x1E8A0] =	vst v2;
	v2 =	vbroadcast v1, $0xA  }
0xbe: {  	[tilespmem:$0x1E840] =	vst v0;
	v0 =	vbroadcast v1, $0x4  }
0xbf: {  	[tilespmem:$0x1E8B0] =	vst v2;
	v2 =	vbroadcast v1, $0xB  }
0xc0: {  	[tilespmem:$0x1E850] =	vst v0;
	v0 =	vbroadcast v1, $0x5  }
0xc1: {  	[tilespmem:$0x1E8C0] =	vst v2;
	v2 =	vbroadcast v1, $0xC  }
0xc2: {  	[tilespmem:$0x1E860] =	vst v0;
	v0 =	vld [tilespmem:$0xC300]  }
0xc3: {  	[tilespmem:$0x1E8D0] =	vst v2;
	v2 =	vbroadcast v1, $0xD;
	_ =	sdelay $0x1  }
0xc4: {  	[tilespmem:$0x1E8E0] =	vst v2;
	v2 =	vbroadcast v1, $0xE  }
0xc5: {  	v1 =	vbroadcast v1, $0xF  }
0xc6: {  	[tilespmem:$0x1E8F0] =	vst v2;
	v2 =	vbroadcast v0, $0x6  }
0xc7: {  	[tilespmem:$0x1E900] =	vst v1;
	v1 =	vbroadcast v0, $0x0  }
0xc8: {  	[tilespmem:$0x1E970] =	vst v2;
	v2 =	vbroadcast v0, $0x7  }
0xc9: {  	[tilespmem:$0x1E910] =	vst v1;
	v1 =	vbroadcast v0, $0x1  }
0xca: {  	[tilespmem:$0x1E980] =	vst v2;
	v2 =	vbroadcast v0, $0x8  }
0xcb: {  	[tilespmem:$0x1E920] =	vst v1;
	v1 =	vbroadcast v0, $0x2  }
0xcc: {  	[tilespmem:$0x1E990] =	vst v2;
	v2 =	vbroadcast v0, $0x9  }
0xcd: {  	[tilespmem:$0x1E930] =	vst v1;
	v1 =	vbroadcast v0, $0x3  }
0xce: {  	[tilespmem:$0x1E9A0] =	vst v2;
	v2 =	vbroadcast v0, $0xA  }
0xcf: {  	[tilespmem:$0x1E940] =	vst v1;
	v1 =	vbroadcast v0, $0x4  }
0xd0: {  	[tilespmem:$0x1E9B0] =	vst v2;
	v2 =	vbroadcast v0, $0xB  }
0xd1: {  	[tilespmem:$0x1E950] =	vst v1;
	v1 =	vbroadcast v0, $0x5  }
0xd2: {  	[tilespmem:$0x1E9C0] =	vst v2;
	v2 =	vbroadcast v0, $0xC  }
0xd3: {  	[tilespmem:$0x1E960] =	vst v1;
	v1 =	vld [tilespmem:$0xC310]  }
0xd4: {  	[tilespmem:$0x1E9D0] =	vst v2;
	v2 =	vbroadcast v0, $0xD;
	_ =	sdelay $0x1  }
0xd5: {  	[tilespmem:$0x1E9E0] =	vst v2;
	v2 =	vbroadcast v0, $0xE  }
0xd6: {  	v0 =	vbroadcast v0, $0xF  }
0xd7: {  	[tilespmem:$0x1E9F0] =	vst v2;
	v2 =	vbroadcast v1, $0x6  }
0xd8: {  	[tilespmem:$0x1EA00] =	vst v0;
	v0 =	vbroadcast v1, $0x0  }
0xd9: {  	[tilespmem:$0x1EA70] =	vst v2;
	v2 =	vbroadcast v1, $0x7  }
0xda: {  	[tilespmem:$0x1EA10] =	vst v0;
	v0 =	vbroadcast v1, $0x1  }
0xdb: {  	[tilespmem:$0x1EA80] =	vst v2;
	v2 =	vbroadcast v1, $0x8  }
0xdc: {  	[tilespmem:$0x1EA20] =	vst v0;
	v0 =	vbroadcast v1, $0x2  }
0xdd: {  	[tilespmem:$0x1EA90] =	vst v2;
	v2 =	vbroadcast v1, $0x9  }
0xde: {  	[tilespmem:$0x1EA30] =	vst v0;
	v0 =	vbroadcast v1, $0x3  }
0xdf: {  	[tilespmem:$0x1EAA0] =	vst v2;
	v2 =	vbroadcast v1, $0xA  }
0xe0: {  	[tilespmem:$0x1EA40] =	vst v0;
	v0 =	vbroadcast v1, $0x4  }
0xe1: {  	[tilespmem:$0x1EAB0] =	vst v2;
	v2 =	vbroadcast v1, $0xB  }
0xe2: {  	[tilespmem:$0x1EA50] =	vst v0;
	v0 =	vbroadcast v1, $0x5  }
0xe3: {  	[tilespmem:$0x1EAC0] =	vst v2;
	v2 =	vbroadcast v1, $0xC  }
0xe4: {  	[tilespmem:$0x1EA60] =	vst v0;
	v0 =	vld [tilespmem:$0xC380]  }
0xe5: {  	[tilespmem:$0x1EAD0] =	vst v2;
	v2 =	vbroadcast v1, $0xD;
	_ =	sdelay $0x1  }
0xe6: {  	[tilespmem:$0x1EAE0] =	vst v2;
	v2 =	vbroadcast v1, $0xE  }
0xe7: {  	v1 =	vbroadcast v1, $0xF  }
0xe8: {  	[tilespmem:$0x1EAF0] =	vst v2;
	v2 =	vbroadcast v0, $0x6  }
0xe9: {  	[tilespmem:$0x1EB00] =	vst v1;
	v1 =	vbroadcast v0, $0x0  }
0xea: {  	[tilespmem:$0x1EB70] =	vst v2;
	v2 =	vbroadcast v0, $0x7  }
0xeb: {  	[tilespmem:$0x1EB10] =	vst v1;
	v1 =	vbroadcast v0, $0x1  }
0xec: {  	[tilespmem:$0x1EB80] =	vst v2;
	v2 =	vbroadcast v0, $0x8  }
0xed: {  	[tilespmem:$0x1EB20] =	vst v1;
	v1 =	vbroadcast v0, $0x2  }
0xee: {  	[tilespmem:$0x1EB90] =	vst v2;
	v2 =	vbroadcast v0, $0x9  }
0xef: {  	[tilespmem:$0x1EB30] =	vst v1;
	v1 =	vbroadcast v0, $0x3  }
0xf0: {  	[tilespmem:$0x1EBA0] =	vst v2;
	v2 =	vbroadcast v0, $0xA  }
0xf1: {  	[tilespmem:$0x1EB40] =	vst v1;
	v1 =	vbroadcast v0, $0x4  }
0xf2: {  	[tilespmem:$0x1EBB0] =	vst v2;
	v2 =	vbroadcast v0, $0xB  }
0xf3: {  	[tilespmem:$0x1EB50] =	vst v1;
	v1 =	vbroadcast v0, $0x5  }
0xf4: {  	[tilespmem:$0x1EBC0] =	vst v2;
	v2 =	vbroadcast v0, $0xC  }
0xf5: {  	[tilespmem:$0x1EB60] =	vst v1;
	v1 =	vld [tilespmem:$0xC390]  }
0xf6: {  	[tilespmem:$0x1EBD0] =	vst v2;
	v2 =	vbroadcast v0, $0xD;
	_ =	sdelay $0x1  }
0xf7: {  	[tilespmem:$0x1EBE0] =	vst v2;
	v2 =	vbroadcast v0, $0xE;
	v0 =	vbroadcast v0, $0xF;
	_ =	sdelay $0x1  }
0xf8: {  	[tilespmem:$0x1EC00] =	vst v0;
	v0 =	vbroadcast v1, $0x0  }
0xf9: {  	v15 =	vbroadcast v1, $0xC;
	[tilespmem:$0x1EBF0] =	vst v2  }
0xfa: {  	v2 =	vld [tilespmem:$0xC400];
	[tilespmem:$0x1EC10] =	vst v0;
	v0 =	vbroadcast v1, $0x1  }
0xfb: {  	[tilespmem:$0x1ECD0] =	vst v15;
	v15 =	vbroadcast v1, $0xD  }
0xfc: {  	[tilespmem:$0x1EC20] =	vst v0;
	v0 =	vbroadcast v1, $0x2  }
0xfd: {  	[tilespmem:$0x1ECE0] =	vst v15;
	v15 =	vbroadcast v1, $0xE  }
0xfe: {  	[tilespmem:$0x1EC30] =	vst v0;
	v0 =	vbroadcast v1, $0x3  }
0xff: {  	[tilespmem:$0x1ECF0] =	vst v15;
	v15 =	vbroadcast v2, $0x5  }
0x100: {  	[tilespmem:$0x1EC40] =	vst v0;
	v0 =	vbroadcast v1, $0x4  }
0x101: {  	[tilespmem:$0x1ED00] =	vst v15;
	v15 =	vbroadcast v2, $0x4  }
0x102: {  	[tilespmem:$0x1EC50] =	vst v0;
	v0 =	vbroadcast v1, $0x5  }
0x103: {  	[tilespmem:$0x1ED10] =	vst v15;
	v15 =	vbroadcast v2, $0x3  }
0x104: {  	[tilespmem:$0x1EC60] =	vst v0;
	v0 =	vbroadcast v1, $0x6  }
0x105: {  	[tilespmem:$0x1ED20] =	vst v15;
	v15 =	vbroadcast v2, $0x2  }
0x106: {  	[tilespmem:$0x1EC70] =	vst v0;
	v0 =	vbroadcast v1, $0x7  }
0x107: {  	[tilespmem:$0x1ED30] =	vst v15;
	v15 =	vbroadcast v2, $0x1  }
0x108: {  	[tilespmem:$0x1EC80] =	vst v0;
	v0 =	vbroadcast v1, $0x8  }
0x109: {  	[tilespmem:$0x1ED40] =	vst v15;
	v15 =	vbroadcast v2, $0x6  }
0x10a: {  	[tilespmem:$0x1EC90] =	vst v0;
	v0 =	vbroadcast v1, $0x9  }
0x10b: {  	[tilespmem:$0x1ED80] =	vst v15;
	v15 =	vbroadcast v2, $0x7  }
0x10c: {  	[tilespmem:$0x1ECA0] =	vst v0;
	v0 =	vbroadcast v1, $0xA  }
0x10d: {  	[tilespmem:$0x1ED90] =	vst v15;
	v15 =	vbroadcast v2, $0x8  }
0x10e: {  	[tilespmem:$0x1ECB0] =	vst v0;
	v0 =	vbroadcast v1, $0xB  }
0x10f: {  	[tilespmem:$0x1EDA0] =	vst v15  }
0x110: {  	v15 =	vbroadcast v2, $0x9;
	[tilespmem:$0x1ECC0] =	vst v0;
	v0 =	vld [tilespmem:$0xC800]  }
0x111: {  	v1 =	vbroadcast v1, $0xF  }
0x112: {  	[tilespmem:$0x1EDB0] =	vst v15;
	v15 =	vbroadcast v2, $0xA  }
0x113: {  	[tilespmem:$0x1ED50] =	vst v1;
	v1 =	vbroadcast v2, $0x0  }
0x114: {  	[tilespmem:$0x1EDC0] =	vst v15;
	v15 =	vbroadcast v2, $0xB  }
0x115: {  	[tilespmem:$0x1ED60] =	vst v1;
	v1 =	vbroadcast v0, $0x8  }
0x116: {  	[tilespmem:$0x1EDD0] =	vst v15;
	v15 =	vbroadcast v2, $0xC  }
0x117: {  	[tilespmem:$0x1ED70] =	vst v1;
	v1 =	vld [tilespmem:$0xC410]  }
0x118: {  	[tilespmem:$0x1EDE0] =	vst v15;
	v15 =	vbroadcast v2, $0xD;
	_ =	sdelay $0x1  }
0x119: {  	[tilespmem:$0x1EDF0] =	vst v15;
	v15 =	vbroadcast v2, $0xE;
	v2 =	vbroadcast v2, $0xF;
	_ =	sdelay $0x1  }
0x11a: {  	[tilespmem:$0x1EE10] =	vst v2;
	v2 =	vbroadcast v1, $0x0  }
0x11b: {  	[tilespmem:$0x1EE00] =	vst v15;
	v15 =	vbroadcast v1, $0x7  }
0x11c: {  	[tilespmem:$0x1EE20] =	vst v2;
	v2 =	vbroadcast v1, $0x1  }
0x11d: {  	[tilespmem:$0x1EE90] =	vst v15;
	v15 =	vbroadcast v1, $0x8  }
0x11e: {  	[tilespmem:$0x1EE30] =	vst v2;
	v2 =	vbroadcast v1, $0x2  }
0x11f: {  	[tilespmem:$0x1EEA0] =	vst v15;
	v15 =	vbroadcast v1, $0x9  }
0x120: {  	[tilespmem:$0x1EE40] =	vst v2;
	v2 =	vbroadcast v1, $0x3  }
0x121: {  	[tilespmem:$0x1EEB0] =	vst v15;
	v15 =	vbroadcast v1, $0xA  }
0x122: {  	[tilespmem:$0x1EE50] =	vst v2;
	v2 =	vbroadcast v1, $0x4  }
0x123: {  	[tilespmem:$0x1EEC0] =	vst v15;
	v15 =	vbroadcast v1, $0xB  }
0x124: {  	[tilespmem:$0x1EE60] =	vst v2;
	v2 =	vbroadcast v1, $0x5  }
0x125: {  	[tilespmem:$0x1EED0] =	vst v15;
	v15 =	vbroadcast v1, $0xC  }
0x126: {  	[tilespmem:$0x1EE70] =	vst v2;
	v2 =	vbroadcast v1, $0x6  }
0x127: {  	[tilespmem:$0x1EEE0] =	vst v15  }
0x128: {  	v15 =	vbroadcast v1, $0xD;
	[tilespmem:$0x1EE80] =	vst v2;
	v2 =	vld [tilespmem:$0xC480];
	_ =	sdelay $0x1  }
0x129: {  	[tilespmem:$0x1EEF0] =	vst v15;
	v15 =	vbroadcast v1, $0xE;
	v1 =	vbroadcast v1, $0xF;
	_ =	sdelay $0x1  }
0x12a: {  	[tilespmem:$0x1EF10] =	vst v1;
	v1 =	vbroadcast v0, $0x7  }
0x12b: {  	[tilespmem:$0x1EF00] =	vst v15;
	v15 =	vbroadcast v2, $0x6  }
0x12c: {  	[tilespmem:$0x1EF20] =	vst v1;
	v1 =	vbroadcast v2, $0x0  }
0x12d: {  	[tilespmem:$0x1EF90] =	vst v15;
	v15 =	vbroadcast v2, $0x7  }
0x12e: {  	[tilespmem:$0x1EF30] =	vst v1;
	v1 =	vbroadcast v2, $0x1  }
0x12f: {  	[tilespmem:$0x1EFA0] =	vst v15;
	v15 =	vbroadcast v2, $0x8  }
0x130: {  	[tilespmem:$0x1EF40] =	vst v1;
	v1 =	vbroadcast v2, $0x2  }
0x131: {  	[tilespmem:$0x1EFB0] =	vst v15;
	v15 =	vbroadcast v2, $0x9  }
0x132: {  	[tilespmem:$0x1EF50] =	vst v1;
	v1 =	vbroadcast v2, $0x3  }
0x133: {  	[tilespmem:$0x1EFC0] =	vst v15;
	v15 =	vbroadcast v2, $0xA  }
0x134: {  	[tilespmem:$0x1EF60] =	vst v1;
	v1 =	vbroadcast v2, $0x4  }
0x135: {  	[tilespmem:$0x1EFD0] =	vst v15;
	v15 =	vbroadcast v2, $0xB  }
0x136: {  	[tilespmem:$0x1EF70] =	vst v1;
	v1 =	vbroadcast v2, $0x5  }
0x137: {  	[tilespmem:$0x1EFE0] =	vst v15;
	v15 =	vbroadcast v2, $0xC  }
0x138: {  	[tilespmem:$0x1EF80] =	vst v1;
	v1 =	vld [tilespmem:$0xC490]  }
0x139: {  	[tilespmem:$0x1EFF0] =	vst v15;
	v15 =	vbroadcast v2, $0xD;
	_ =	sdelay $0x1  }
0x13a: {  	[tilespmem:$0x1F000] =	vst v15;
	v15 =	vbroadcast v2, $0xE  }
0x13b: {  	v2 =	vbroadcast v2, $0xF  }
0x13c: {  	[tilespmem:$0x1F010] =	vst v15;
	v15 =	vbroadcast v1, $0x6  }
0x13d: {  	[tilespmem:$0x1F020] =	vst v2;
	v2 =	vbroadcast v1, $0x0  }
0x13e: {  	[tilespmem:$0x1F090] =	vst v15;
	v15 =	vbroadcast v1, $0x7  }
0x13f: {  	[tilespmem:$0x1F030] =	vst v2;
	v2 =	vbroadcast v1, $0x1  }
0x140: {  	[tilespmem:$0x1F0A0] =	vst v15;
	v15 =	vbroadcast v1, $0x8  }
0x141: {  	[tilespmem:$0x1F040] =	vst v2;
	v2 =	vbroadcast v1, $0x2  }
0x142: {  	[tilespmem:$0x1F0B0] =	vst v15;
	v15 =	vbroadcast v1, $0x9  }
0x143: {  	[tilespmem:$0x1F050] =	vst v2;
	v2 =	vbroadcast v1, $0x3  }
0x144: {  	[tilespmem:$0x1F0C0] =	vst v15;
	v15 =	vbroadcast v1, $0xA  }
0x145: {  	[tilespmem:$0x1F060] =	vst v2;
	v2 =	vbroadcast v1, $0x4  }
0x146: {  	[tilespmem:$0x1F0D0] =	vst v15;
	v15 =	vbroadcast v1, $0xB  }
0x147: {  	[tilespmem:$0x1F070] =	vst v2;
	v2 =	vbroadcast v1, $0x5  }
0x148: {  	[tilespmem:$0x1F0E0] =	vst v15;
	v15 =	vbroadcast v1, $0xC  }
0x149: {  	[tilespmem:$0x1F080] =	vst v2;
	v2 =	vld [tilespmem:$0xC500]  }
0x14a: {  	[tilespmem:$0x1F0F0] =	vst v15;
	v15 =	vbroadcast v1, $0xD;
	_ =	sdelay $0x1  }
0x14b: {  	[tilespmem:$0x1F100] =	vst v15;
	v15 =	vbroadcast v1, $0xE;
	_ =	sdelay $0x1  }
0x14c: {  	[tilespmem:$0x1F110] =	vst v15;
	v15 =	vbroadcast v2, $0x5  }
0x14d: {  	v1 =	vbroadcast v1, $0xF  }
0x14e: {  	[tilespmem:$0x1F190] =	vst v15;
	v15 =	vbroadcast v2, $0x6  }
0x14f: {  	[tilespmem:$0x1F120] =	vst v1;
	v1 =	vbroadcast v0, $0x6  }
0x150: {  	[tilespmem:$0x1F1A0] =	vst v15;
	v15 =	vbroadcast v2, $0x7  }
0x151: {  	[tilespmem:$0x1F130] =	vst v1;
	v1 =	vbroadcast v2, $0x0  }
0x152: {  	[tilespmem:$0x1F1B0] =	vst v15;
	v15 =	vbroadcast v2, $0x8  }
0x153: {  	[tilespmem:$0x1F140] =	vst v1;
	v1 =	vbroadcast v2, $0x1  }
0x154: {  	[tilespmem:$0x1F1C0] =	vst v15;
	v15 =	vbroadcast v2, $0x9  }
0x155: {  	[tilespmem:$0x1F150] =	vst v1;
	v1 =	vbroadcast v2, $0x2  }
0x156: {  	[tilespmem:$0x1F1D0] =	vst v15;
	v15 =	vbroadcast v2, $0xA  }
0x157: {  	[tilespmem:$0x1F160] =	vst v1;
	v1 =	vbroadcast v2, $0x3  }
0x158: {  	[tilespmem:$0x1F1E0] =	vst v15;
	v15 =	vbroadcast v2, $0xB  }
0x159: {  	[tilespmem:$0x1F170] =	vst v1;
	v1 =	vbroadcast v2, $0x4  }
0x15a: {  	[tilespmem:$0x1F1F0] =	vst v15;
	v15 =	vbroadcast v2, $0xC  }
0x15b: {  	[tilespmem:$0x1F180] =	vst v1;
	v1 =	vld [tilespmem:$0xC510]  }
0x15c: {  	[tilespmem:$0x1F200] =	vst v15;
	v15 =	vbroadcast v2, $0xD;
	_ =	sdelay $0x1  }
0x15d: {  	[tilespmem:$0x1F210] =	vst v15;
	v15 =	vbroadcast v2, $0xE;
	v2 =	vbroadcast v2, $0xF;
	_ =	sdelay $0x1  }
0x15e: {  	[tilespmem:$0x1F230] =	vst v2;
	v2 =	vbroadcast v1, $0x0  }
0x15f: {  	[tilespmem:$0x1F220] =	vst v15;
	v15 =	vbroadcast v1, $0x7  }
0x160: {  	[tilespmem:$0x1F240] =	vst v2;
	v2 =	vbroadcast v1, $0x1  }
0x161: {  	[tilespmem:$0x1F2B0] =	vst v15;
	v15 =	vbroadcast v1, $0x8  }
0x162: {  	[tilespmem:$0x1F250] =	vst v2;
	v2 =	vbroadcast v1, $0x2  }
0x163: {  	[tilespmem:$0x1F2C0] =	vst v15;
	v15 =	vbroadcast v1, $0x9  }
0x164: {  	[tilespmem:$0x1F260] =	vst v2;
	v2 =	vbroadcast v1, $0x3  }
0x165: {  	[tilespmem:$0x1F2D0] =	vst v15;
	v15 =	vbroadcast v1, $0xA  }
0x166: {  	[tilespmem:$0x1F270] =	vst v2;
	v2 =	vbroadcast v1, $0x4  }
0x167: {  	[tilespmem:$0x1F2E0] =	vst v15;
	v15 =	vbroadcast v1, $0xB  }
0x168: {  	[tilespmem:$0x1F280] =	vst v2;
	v2 =	vbroadcast v1, $0x5  }
0x169: {  	[tilespmem:$0x1F2F0] =	vst v15;
	v15 =	vbroadcast v1, $0xC  }
0x16a: {  	[tilespmem:$0x1F290] =	vst v2;
	v2 =	vbroadcast v1, $0x6  }
0x16b: {  	[tilespmem:$0x1F300] =	vst v15  }
0x16c: {  	v15 =	vbroadcast v1, $0xD;
	[tilespmem:$0x1F2A0] =	vst v2;
	v2 =	vld [tilespmem:$0xC580];
	_ =	sdelay $0x1  }
0x16d: {  	[tilespmem:$0x1F310] =	vst v15;
	v15 =	vbroadcast v1, $0xE;
	v1 =	vbroadcast v1, $0xF;
	_ =	sdelay $0x1  }
0x16e: {  	[tilespmem:$0x1F330] =	vst v1;
	v1 =	vbroadcast v0, $0x5  }
0x16f: {  	[tilespmem:$0x1F320] =	vst v15;
	v15 =	vbroadcast v2, $0x6  }
0x170: {  	[tilespmem:$0x1F340] =	vst v1;
	v1 =	vbroadcast v2, $0x0  }
0x171: {  	[tilespmem:$0x1F3B0] =	vst v15;
	v15 =	vbroadcast v2, $0x7  }
0x172: {  	[tilespmem:$0x1F350] =	vst v1;
	v1 =	vbroadcast v2, $0x1  }
0x173: {  	[tilespmem:$0x1F3C0] =	vst v15;
	v15 =	vbroadcast v2, $0x8  }
0x174: {  	[tilespmem:$0x1F360] =	vst v1;
	v1 =	vbroadcast v2, $0x2  }
0x175: {  	[tilespmem:$0x1F3D0] =	vst v15;
	v15 =	vbroadcast v2, $0x9  }
0x176: {  	[tilespmem:$0x1F370] =	vst v1;
	v1 =	vbroadcast v2, $0x3  }
0x177: {  	[tilespmem:$0x1F3E0] =	vst v15;
	v15 =	vbroadcast v2, $0xA  }
0x178: {  	[tilespmem:$0x1F380] =	vst v1;
	v1 =	vbroadcast v2, $0x4  }
0x179: {  	[tilespmem:$0x1F3F0] =	vst v15;
	v15 =	vbroadcast v2, $0xB  }
0x17a: {  	[tilespmem:$0x1F390] =	vst v1;
	v1 =	vbroadcast v2, $0x5  }
0x17b: {  	[tilespmem:$0x1F400] =	vst v15;
	v15 =	vbroadcast v2, $0xC  }
0x17c: {  	[tilespmem:$0x1F3A0] =	vst v1;
	v1 =	vld [tilespmem:$0xC590]  }
0x17d: {  	[tilespmem:$0x1F410] =	vst v15;
	v15 =	vbroadcast v2, $0xD;
	_ =	sdelay $0x1  }
0x17e: {  	[tilespmem:$0x1F420] =	vst v15;
	v15 =	vbroadcast v2, $0xE  }
0x17f: {  	v2 =	vbroadcast v2, $0xF  }
0x180: {  	[tilespmem:$0x1F430] =	vst v15;
	v15 =	vbroadcast v1, $0x6  }
0x181: {  	[tilespmem:$0x1F440] =	vst v2;
	v2 =	vbroadcast v1, $0x0  }
0x182: {  	[tilespmem:$0x1F4B0] =	vst v15;
	v15 =	vbroadcast v1, $0x7  }
0x183: {  	[tilespmem:$0x1F450] =	vst v2;
	v2 =	vbroadcast v1, $0x1  }
0x184: {  	[tilespmem:$0x1F4C0] =	vst v15;
	v15 =	vbroadcast v1, $0x8  }
0x185: {  	[tilespmem:$0x1F460] =	vst v2;
	v2 =	vbroadcast v1, $0x2  }
0x186: {  	[tilespmem:$0x1F4D0] =	vst v15;
	v15 =	vbroadcast v1, $0x9  }
0x187: {  	[tilespmem:$0x1F470] =	vst v2;
	v2 =	vbroadcast v1, $0x3  }
0x188: {  	[tilespmem:$0x1F4E0] =	vst v15;
	v15 =	vbroadcast v1, $0xA  }
0x189: {  	[tilespmem:$0x1F480] =	vst v2;
	v2 =	vbroadcast v1, $0x4  }
0x18a: {  	[tilespmem:$0x1F4F0] =	vst v15;
	v15 =	vbroadcast v1, $0xB  }
0x18b: {  	[tilespmem:$0x1F490] =	vst v2;
	v2 =	vbroadcast v1, $0x5  }
0x18c: {  	[tilespmem:$0x1F500] =	vst v15;
	v15 =	vbroadcast v1, $0xC  }
0x18d: {  	[tilespmem:$0x1F4A0] =	vst v2;
	v2 =	vld [tilespmem:$0xC600]  }
0x18e: {  	[tilespmem:$0x1F510] =	vst v15;
	v15 =	vbroadcast v1, $0xD;
	_ =	sdelay $0x1  }
0x18f: {  	[tilespmem:$0x1F520] =	vst v15;
	v15 =	vbroadcast v1, $0xE;
	_ =	sdelay $0x1  }
0x190: {  	[tilespmem:$0x1F530] =	vst v15;
	v15 =	vbroadcast v2, $0x5  }
0x191: {  	v1 =	vbroadcast v1, $0xF  }
0x192: {  	[tilespmem:$0x1F5B0] =	vst v15;
	v15 =	vbroadcast v2, $0x6  }
0x193: {  	[tilespmem:$0x1F540] =	vst v1;
	v1 =	vbroadcast v0, $0x4  }
0x194: {  	[tilespmem:$0x1F5C0] =	vst v15;
	v15 =	vbroadcast v2, $0x7  }
0x195: {  	[tilespmem:$0x1F550] =	vst v1;
	v1 =	vbroadcast v2, $0x0  }
0x196: {  	[tilespmem:$0x1F5D0] =	vst v15;
	v15 =	vbroadcast v2, $0x8  }
0x197: {  	[tilespmem:$0x1F560] =	vst v1;
	v1 =	vbroadcast v2, $0x1  }
0x198: {  	[tilespmem:$0x1F5E0] =	vst v15;
	v15 =	vbroadcast v2, $0x9  }
0x199: {  	[tilespmem:$0x1F570] =	vst v1;
	v1 =	vbroadcast v2, $0x2  }
0x19a: {  	[tilespmem:$0x1F5F0] =	vst v15;
	v15 =	vbroadcast v2, $0xA  }
0x19b: {  	[tilespmem:$0x1F580] =	vst v1;
	v1 =	vbroadcast v2, $0x3  }
0x19c: {  	[tilespmem:$0x1F600] =	vst v15;
	v15 =	vbroadcast v2, $0xB  }
0x19d: {  	[tilespmem:$0x1F590] =	vst v1;
	v1 =	vbroadcast v2, $0x4  }
0x19e: {  	[tilespmem:$0x1F610] =	vst v15;
	v15 =	vbroadcast v2, $0xC  }
0x19f: {  	[tilespmem:$0x1F5A0] =	vst v1;
	v1 =	vld [tilespmem:$0xC610]  }
0x1a0: {  	[tilespmem:$0x1F620] =	vst v15;
	v15 =	vbroadcast v2, $0xD;
	_ =	sdelay $0x1  }
0x1a1: {  	[tilespmem:$0x1F630] =	vst v15;
	v15 =	vbroadcast v2, $0xE;
	v2 =	vbroadcast v2, $0xF;
	_ =	sdelay $0x1  }
0x1a2: {  	[tilespmem:$0x1F650] =	vst v2;
	v2 =	vbroadcast v1, $0x0;
	_ =	sdelay $0x1  }
0x1a3: {  	[tilespmem:$0x1F660] =	vst v2;
	v2 =	vbroadcast v1, $0x1  }
0x1a4: {  	v47 =	vbroadcast v1, $0x3  }
0x1a5: {  	v44 =	vbroadcast v1, $0x4;
	[tilespmem:$0x1F670] =	vst v2;
	v2 =	vbroadcast v1, $0x2  }
0x1a6: {  	v41 =	vbroadcast v1, $0x5;
	v39 =	vbroadcast v1, $0x6  }
0x1a7: {  	v37 =	vbroadcast v1, $0x7;
	v34 =	vbroadcast v1, $0x8;
	[tilespmem:$0x1F680] =	vst v2;
	v2 =	vld [tilespmem:$0xC680]  }
0x1a8: {  	v27 =	vbroadcast v1, $0x9;
	v25 =	vbroadcast v1, $0xA  }
0x1a9: {  	v30 =	vbroadcast v1, $0xB;
	v35 =	vbroadcast v1, $0xC  }
0x1aa: {  	v38 =	vbroadcast v1, $0xD;
	v40 =	vbroadcast v1, $0xE  }
0x1ab: {  	v43 =	vbroadcast v1, $0xF;
	v1 =	vbroadcast v0, $0x3  }
0x1ac: {  	[tilespmem:$0x1F640] =	vst v15;
	v15 =	vbroadcast v2, $0x6  }
0x1ad: {  	[tilespmem:$0x1F690] =	vst v1;
	v1 =	vbroadcast v2, $0x0  }
0x1ae: {  	[tilespmem:$0x1F700] =	vst v15;
	v15 =	vbroadcast v2, $0x7  }
0x1af: {  	[tilespmem:$0x1F6A0] =	vst v1;
	v1 =	vbroadcast v2, $0x1  }
0x1b0: {  	[tilespmem:$0x1F710] =	vst v15;
	v15 =	vbroadcast v2, $0x8  }
0x1b1: {  	[tilespmem:$0x1F6B0] =	vst v1;
	v1 =	vbroadcast v2, $0x2  }
0x1b2: {  	[tilespmem:$0x1F720] =	vst v15;
	v15 =	vbroadcast v2, $0x9  }
0x1b3: {  	[tilespmem:$0x1F6C0] =	vst v1;
	v1 =	vbroadcast v2, $0x3  }
0x1b4: {  	[tilespmem:$0x1F730] =	vst v15;
	v15 =	vbroadcast v2, $0xA  }
0x1b5: {  	[tilespmem:$0x1F6D0] =	vst v1;
	v1 =	vbroadcast v2, $0x4  }
0x1b6: {  	[tilespmem:$0x1F740] =	vst v15;
	v15 =	vbroadcast v2, $0xB  }
0x1b7: {  	[tilespmem:$0x1F6E0] =	vst v1;
	v1 =	vbroadcast v2, $0x5  }
0x1b8: {  	[tilespmem:$0x1F750] =	vst v15;
	v15 =	vbroadcast v2, $0xC  }
0x1b9: {  	[tilespmem:$0x1F6F0] =	vst v1;
	v1 =	vld [tilespmem:$0xC690]  }
0x1ba: {  	[tilespmem:$0x1F760] =	vst v15;
	v15 =	vbroadcast v2, $0xD;
	_ =	sdelay $0x1  }
0x1bb: {  	[tilespmem:$0x1F770] =	vst v15;
	v15 =	vbroadcast v2, $0xE;
	_ =	sdelay $0x1  }
0x1bc: {  	[tilespmem:$0x1F780] =	vst v15;
	v15 =	vbroadcast v1, $0x6  }
0x1bd: {  	[tilespmem:$0x1FD10] =	vst v18;
	v2 =	vbroadcast v2, $0xF  }
0x1be: {  	[tilespmem:$0x1F7F0] =	vst v15;
	v15 =	vbroadcast v1, $0x7  }
0x1bf: {  	[tilespmem:$0x1F790] =	vst v2;
	v2 =	vbroadcast v1, $0x0  }
0x1c0: {  	[tilespmem:$0x1F800] =	vst v15;
	v15 =	vbroadcast v1, $0x8  }
0x1c1: {  	[tilespmem:$0x1F7A0] =	vst v2;
	v2 =	vbroadcast v1, $0x1  }
0x1c2: {  	[tilespmem:$0x1F810] =	vst v15;
	v15 =	vbroadcast v1, $0x9  }
0x1c3: {  	[tilespmem:$0x1F7B0] =	vst v2;
	v2 =	vbroadcast v1, $0x2  }
0x1c4: {  	[tilespmem:$0x1F820] =	vst v15;
	v15 =	vbroadcast v1, $0xA  }
0x1c5: {  	[tilespmem:$0x1F7C0] =	vst v2;
	v2 =	vbroadcast v1, $0x4  }
0x1c6: {  	[tilespmem:$0x1F830] =	vst v15;
	v15 =	vbroadcast v1, $0xB  }
0x1c7: {  	[tilespmem:$0x1F7D0] =	vst v2;
	v2 =	vbroadcast v1, $0x5  }
0x1c8: {  	[tilespmem:$0x1F840] =	vst v15;
	v15 =	vbroadcast v1, $0xC  }
0x1c9: {  	[tilespmem:$0x1F7E0] =	vst v2;
	v2 =	vld [tilespmem:$0xC700]  }
0x1ca: {  	[tilespmem:$0x1F850] =	vst v15;
	v15 =	vbroadcast v1, $0xD  }
0x1cb: {  	[tilespmem:$0x1FD20] =	vst v19  }
0x1cc: {  	[tilespmem:$0x1F860] =	vst v15;
	v15 =	vbroadcast v1, $0xE  }
0x1cd: {  	[tilespmem:$0x1FD30] =	vst v7  }
0x1ce: {  	[tilespmem:$0x1F870] =	vst v15;
	v15 =	vbroadcast v2, $0x5  }
0x1cf: {  	[tilespmem:$0x1FD40] =	vst v3;
	v46 =	vbroadcast v1, $0x3;
	v1 =	vbroadcast v1, $0xF  }
0x1d0: {  	[tilespmem:$0x1F8F0] =	vst v15;
	v15 =	vbroadcast v2, $0x6  }
0x1d1: {  	[tilespmem:$0x1F880] =	vst v1;
	v1 =	vbroadcast v0, $0x2  }
0x1d2: {  	[tilespmem:$0x1F900] =	vst v15;
	v15 =	vbroadcast v2, $0x7  }
0x1d3: {  	[tilespmem:$0x1F890] =	vst v1;
	v1 =	vbroadcast v2, $0x0  }
0x1d4: {  	[tilespmem:$0x1F910] =	vst v15;
	v15 =	vbroadcast v2, $0x8  }
0x1d5: {  	[tilespmem:$0x1F8A0] =	vst v1;
	v1 =	vbroadcast v2, $0x1  }
0x1d6: {  	[tilespmem:$0x1F920] =	vst v15;
	v15 =	vbroadcast v2, $0x9  }
0x1d7: {  	[tilespmem:$0x1F8B0] =	vst v1;
	v1 =	vbroadcast v2, $0x2  }
0x1d8: {  	[tilespmem:$0x1F930] =	vst v15;
	v15 =	vbroadcast v2, $0xA  }
0x1d9: {  	[tilespmem:$0x1F8C0] =	vst v1;
	v1 =	vbroadcast v2, $0x3  }
0x1da: {  	[tilespmem:$0x1F940] =	vst v15;
	v15 =	vbroadcast v2, $0xB  }
0x1db: {  	[tilespmem:$0x1F8D0] =	vst v1;
	v1 =	vbroadcast v2, $0x4  }
0x1dc: {  	[tilespmem:$0x1F950] =	vst v15;
	v15 =	vbroadcast v2, $0xC  }
0x1dd: {  	[tilespmem:$0x1F8E0] =	vst v1;
	v1 =	vld [tilespmem:$0xC710]  }
0x1de: {  	[tilespmem:$0x1F960] =	vst v15;
	v15 =	vbroadcast v2, $0xD  }
0x1df: {  	[tilespmem:$0x1FD50] =	vst v8  }
0x1e0: {  	[tilespmem:$0x1F970] =	vst v15;
	v15 =	vbroadcast v2, $0xE;
	v2 =	vbroadcast v2, $0xF  }
0x1e1: {  	[tilespmem:$0x1FD60] =	vst v9  }
0x1e2: {  	[tilespmem:$0x1F990] =	vst v2;
	v2 =	vbroadcast v1, $0x0  }
0x1e3: {  	[tilespmem:$0x1FD70] =	vst v10  }
0x1e4: {  	[tilespmem:$0x1F9A0] =	vst v2;
	v2 =	vbroadcast v1, $0x1  }
0x1e5: {  	[tilespmem:$0x1FD80] =	vst v11  }
0x1e6: {  	[tilespmem:$0x1F9B0] =	vst v2;
	v2 =	vbroadcast v1, $0x2  }
0x1e7: {  	[tilespmem:$0x1FD90] =	vst v12  }
0x1e8: {  	[tilespmem:$0x1F9C0] =	vst v2;
	v2 =	vbroadcast v1, $0x3  }
0x1e9: {  	[tilespmem:$0x1FDA0] =	vst v14  }
0x1ea: {  	[tilespmem:$0x1F9D0] =	vst v2;
	v2 =	vbroadcast v1, $0x4  }
0x1eb: {  	[tilespmem:$0x1FDB0] =	vst v13  }
0x1ec: {  	[tilespmem:$0x1F9E0] =	vst v2;
	v2 =	vbroadcast v1, $0x5  }
0x1ed: {  	[tilespmem:$0x1FDC0] =	vst v20  }
0x1ee: {  	[tilespmem:$0x1F9F0] =	vst v2;
	v2 =	vbroadcast v1, $0x6  }
0x1ef: {  	[tilespmem:$0x1FDD0] =	vst v45  }
0x1f0: {  	[tilespmem:$0x1FA00] =	vst v2;
	v2 =	vbroadcast v1, $0x7  }
0x1f1: {  	[tilespmem:$0x1FDE0] =	vst v29  }
0x1f2: {  	[tilespmem:$0x1FA10] =	vst v2;
	v2 =	vbroadcast v1, $0x8  }
0x1f3: {  	[tilespmem:$0x1FDF0] =	vst v42  }
0x1f4: {  	[tilespmem:$0x1FA20] =	vst v2;
	v2 =	vbroadcast v1, $0x9  }
0x1f5: {  	[tilespmem:$0x1F980] =	vst v15;
	v15 =	vbroadcast v0, $0x1  }
0x1f6: {  	[tilespmem:$0x1FA30] =	vst v2;
	v2 =	vbroadcast v1, $0xA  }
0x1f7: {  	[tilespmem:$0x1FAA0] =	vst v15;
	v15 =	vbroadcast v0, $0x9  }
0x1f8: {  	[tilespmem:$0x1FA40] =	vst v2;
	v2 =	vbroadcast v1, $0xB  }
0x1f9: {  	[tilespmem:$0x1FAB0] =	vst v15;
	v15 =	vbroadcast v0, $0xA  }
0x1fa: {  	[tilespmem:$0x1FA50] =	vst v2;
	v2 =	vbroadcast v1, $0xC  }
0x1fb: {  	[tilespmem:$0x1FAC0] =	vst v15;
	v15 =	vbroadcast v0, $0xB  }
0x1fc: {  	[tilespmem:$0x1FA60] =	vst v2;
	v2 =	vbroadcast v1, $0xD  }
0x1fd: {  	[tilespmem:$0x1FAD0] =	vst v15;
	v15 =	vbroadcast v0, $0xC  }
0x1fe: {  	[tilespmem:$0x1FA70] =	vst v2;
	v2 =	vbroadcast v1, $0xE;
	v1 =	vbroadcast v1, $0xF  }
0x1ff: {  	[tilespmem:$0x1FAE0] =	vst v15  }
0x200: {  	v15 =	vbroadcast v0, $0xD;
	[tilespmem:$0x1FA90] =	vst v1;
	v1 =	vld [tilespmem:$0xC780]  }
0x201: {  	[tilespmem:$0x1FE00] =	vst v31  }
0x202: {  	[tilespmem:$0x1FAF0] =	vst v15;
	v15 =	vbroadcast v0, $0xE  }
0x203: {  	[tilespmem:$0x1FA80] =	vst v2;
	v2 =	vbroadcast v0, $0x0;
	v0 =	vbroadcast v0, $0xF  }
0x204: {  	[tilespmem:$0x1FE10] =	vst v28  }
0x205: {  	[tilespmem:$0x1FB10] =	vst v0;
	v0 =	vbroadcast v1, $0x0  }
0x206: {  	[tilespmem:$0x1FE20] =	vst v6  }
0x207: {  	[tilespmem:$0x1FB20] =	vst v0;
	v0 =	vbroadcast v1, $0x1  }
0x208: {  	[tilespmem:$0x1FE30] =	vst v32  }
0x209: {  	[tilespmem:$0x1FB30] =	vst v0;
	v0 =	vbroadcast v1, $0x2  }
0x20a: {  	[tilespmem:$0x1FE40] =	vst v5  }
0x20b: {  	[tilespmem:$0x1FB40] =	vst v0;
	v0 =	vbroadcast v1, $0x3  }
0x20c: {  	[tilespmem:$0x1FE50] =	vst v23  }
0x20d: {  	[tilespmem:$0x1FB50] =	vst v0;
	v0 =	vbroadcast v1, $0x4  }
0x20e: {  	[tilespmem:$0x1FE60] =	vst v24  }
0x20f: {  	[tilespmem:$0x1FB60] =	vst v0;
	v0 =	vbroadcast v1, $0x5  }
0x210: {  	[tilespmem:$0x1FE70] =	vst v36  }
0x211: {  	[tilespmem:$0x1FB70] =	vst v0;
	v0 =	vbroadcast v1, $0x6  }
0x212: {  	[tilespmem:$0x1FE80] =	vst v50  }
0x213: {  	[tilespmem:$0x1FB80] =	vst v0;
	v0 =	vbroadcast v1, $0x7  }
0x214: {  	[tilespmem:$0x1FE90] =	vst v51  }
0x215: {  	[tilespmem:$0x1FB90] =	vst v0;
	v0 =	vbroadcast v1, $0x8  }
0x216: {  	[tilespmem:$0x1FEA0] =	vst v52  }
0x217: {  	[tilespmem:$0x1FBA0] =	vst v0;
	v0 =	vbroadcast v1, $0x9  }
0x218: {  	[tilespmem:$0x1FEB0] =	vst v53  }
0x219: {  	[tilespmem:$0x1FBB0] =	vst v0;
	v0 =	vbroadcast v1, $0xA  }
0x21a: {  	[tilespmem:$0x1FEC0] =	vst v56  }
0x21b: {  	[tilespmem:$0x1FBC0] =	vst v0;
	v0 =	vbroadcast v1, $0xB  }
0x21c: {  	[tilespmem:$0x1FED0] =	vst v57  }
0x21d: {  	[tilespmem:$0x1FBD0] =	vst v0;
	v0 =	vbroadcast v1, $0xC  }
0x21e: {  	[tilespmem:$0x1FEE0] =	vst v21  }
0x21f: {  	[tilespmem:$0x1FBE0] =	vst v0;
	v0 =	vbroadcast v1, $0xD  }
0x220: {  	[tilespmem:$0x1FB00] =	vst v15;
	v15 =	vld [tilespmem:$0xC790]  }
0x221: {  	[tilespmem:$0x1FBF0] =	vst v0;
	v0 =	vbroadcast v1, $0xE  }
0x222: {  	[tilespmem:$0x1FEF0] =	vst v58  }
0x223: {  	[tilespmem:$0x1FC00] =	vst v0;
	v0 =	vbroadcast v1, $0xF  }
0x224: {  	[tilespmem:$0x1FFE0] =	vst v4  }
0x225: {  	[tilespmem:$0x1FC10] =	vst v0;
	v0 =	vbroadcast v15, $0x0  }
0x226: {  	[tilespmem:$0x1FFF0] =	vst v59  }
0x227: {  	[tilespmem:$0x1FC20] =	vst v0;
	v0 =	vbroadcast v15, $0x1  }
0x228: {  	[tilespmem:$0x1FF00] =	vst v47  }
0x229: {  	[tilespmem:$0x1FC30] =	vst v0;
	v0 =	vbroadcast v15, $0x2  }
0x22a: {  	[tilespmem:$0x1FF10] =	vst v44  }
0x22b: {  	[tilespmem:$0x1FC40] =	vst v0;
	v0 =	vbroadcast v15, $0x3  }
0x22c: {  	[tilespmem:$0x1FF20] =	vst v41  }
0x22d: {  	[tilespmem:$0x1FC50] =	vst v0;
	v0 =	vbroadcast v15, $0x4  }
0x22e: {  	[tilespmem:$0x1FF30] =	vst v39  }
0x22f: {  	[tilespmem:$0x1FC60] =	vst v0;
	v0 =	vbroadcast v15, $0x5  }
0x230: {  	[tilespmem:$0x1FF40] =	vst v37  }
0x231: {  	[tilespmem:$0x1FC70] =	vst v0;
	v0 =	vbroadcast v15, $0x6  }
0x232: {  	[tilespmem:$0x1FF50] =	vst v34  }
0x233: {  	[tilespmem:$0x1FC80] =	vst v0;
	v0 =	vbroadcast v15, $0x7  }
0x234: {  	[tilespmem:$0x1FF60] =	vst v27  }
0x235: {  	[tilespmem:$0x1FC90] =	vst v0;
	v0 =	vbroadcast v15, $0x8  }
0x236: {  	[tilespmem:$0x1FF70] =	vst v25  }
0x237: {  	[tilespmem:$0x1FCA0] =	vst v0;
	v0 =	vbroadcast v15, $0x9  }
0x238: {  	[tilespmem:$0x1FF80] =	vst v30  }
0x239: {  	[tilespmem:$0x1FCB0] =	vst v0;
	v0 =	vbroadcast v15, $0xA  }
0x23a: {  	[tilespmem:$0x1FF90] =	vst v35  }
0x23b: {  	[tilespmem:$0x1FCC0] =	vst v0;
	v0 =	vbroadcast v15, $0xB  }
0x23c: {  	[tilespmem:$0x1FFA0] =	vst v38  }
0x23d: {  	[tilespmem:$0x1FCD0] =	vst v0;
	v0 =	vbroadcast v15, $0xC  }
0x23e: {  	[tilespmem:$0x1FFB0] =	vst v40  }
0x23f: {  	[tilespmem:$0x1FCE0] =	vst v0;
	v0 =	vbroadcast v15, $0xD  }
0x240: {  	[tilespmem:$0x1FFC0] =	vst v43  }
0x241: {  	[tilespmem:$0x1FCF0] =	vst v0;
	v0 =	vbroadcast v15, $0xE  }
0x242: {  	[tilespmem:$0x1FFD0] =	vst v46  }
0x243: {  	s18 =	simm.s32 $0x0;
	v15 =	vbroadcast v15, $0xF;
	[tilespmem:$0x1FD00] =	vst v0  }
.LBB2_2:
0x244: {  	s19 =	sshll.u32 s18, $0xD  }
0x245: {  	s19 =	sadd.s32 s7, s19  }
0x246: {  	s20 =	sadd.s32 s8, s19  }
0x247: {  	s20 =	sshrl.u32 s20, $0x3  }
0x248: {  	s21 =	sadd.s32 s5, s20;
	s20 =	simm.s32 $0x0  }
0x249: {  	[tilespmem:s20], [sflag:$0x1] =	stream.strided.gather [hbm4b:s21+s14], $0x8000, s15, s14, $0x38;
	[tilespmem:$0xC880] =	vst v63  }
0x24a: {  	_ =	swait.ge [sflag:s12], $0x8000  }
0x24b: {  	[sflag:s12] =	ssyncset.done $0x0  }
0x24c: {  	s21 =	simm.s32 $0x0;
	[sflag:s12] =	ssyncadd.s32 $0xFFFF8000  }
.LBB2_3:
0x24d: {  	s22 =	sand.u32 $0x70, s21;
	s23 =	sand.u32 $0x1C00, s20  }
0x24e: {  	v0 =	vld [tilespmem:$0x1FD40];
	s22 =	sor.u32 s22, s23  }
0x24f: {  	v47 =	vld [tilespmem:s22+$0x0];
	_ =	sdelay $0x3  }
0x250: {  	v46 =	vld [tilespmem:s22+$0x80]  }
0x251: {  	v16 =	vmul.f32 v47, v0;
	v0 =	vld [tilespmem:$0x1FFE0];
	_ =	sdelay $0x1  }
0x252: {  	v44 =	vld [tilespmem:s22+$0x100];
	_ =	sdelay $0x1  }
0x253: {  	v43 =	vld [tilespmem:s22+$0x180]  }
0x254: {  	v16 =	vadd.f32 v16, v2;
	v17 =	vmul.f32 v46, v0  }
0x255: {  	v41 =	vld [tilespmem:s22+$0x200]  }
0x256: {  	v16 =	vadd.f32 v17, v16;
	v17 =	vmul.f32 v44, v18  }
0x257: {  	v40 =	vld [tilespmem:s22+$0x280]  }
0x258: {  	v16 =	vadd.f32 v17, v16;
	v17 =	vmul.f32 v43, v19  }
0x259: {  	s24 =	sor.u32 s21, s20;
	v39 =	vld [tilespmem:s22+$0x300]  }
0x25a: {  	s31 =	sor.u32 $0x380, s24;
	v16 =	vadd.f32 v17, v16;
	v17 =	vmul.f32 v41, v7  }
0x25b: {  	v38 =	vld [tilespmem:s31+$0x0]  }
0x25c: {  	v16 =	vadd.f32 v17, v16;
	v17 =	vmul.f32 v40, v8  }
0x25d: {  	v37 =	vld [tilespmem:s22+$0x2000]  }
0x25e: {  	v16 =	vadd.f32 v17, v16;
	v17 =	vmul.f32 v39, v9  }
0x25f: {  	v35 =	vld [tilespmem:s22+$0x2080]  }
0x260: {  	v16 =	vadd.f32 v17, v16;
	v17 =	vmul.f32 v38, v10  }
0x261: {  	v34 =	vld [tilespmem:s22+$0x2100]  }
0x262: {  	v0 =	vld [tilespmem:$0x1FAA0];
	v16 =	vadd.f32 v17, v16;
	v17 =	vmul.f32 v37, v11  }
0x263: {  	v30 =	vld [tilespmem:s22+$0x2180]  }
0x264: {  	v16 =	vadd.f32 v17, v16;
	v17 =	vmul.f32 v35, v12  }
0x265: {  	v27 =	vld [tilespmem:s22+$0x2200];
	v18 =	vmul.f32 v47, v21  }
0x266: {  	v16 =	vadd.f32 v17, v16;
	v17 =	vmul.f32 v34, v13  }
0x267: {  	v25 =	vld [tilespmem:s22+$0x2280];
	v19 =	vmul.f32 v46, v23;
	v18 =	vadd.f32 v18, v0  }
0x268: {  	v16 =	vadd.f32 v17, v16;
	v17 =	vmul.f32 v30, v14  }
0x269: {  	v23 =	vld [tilespmem:s22+$0x2300];
	v18 =	vadd.f32 v19, v18;
	v19 =	vmul.f32 v44, v24  }
0x26a: {  	s24 =	sor.u32 $0x2380, s24;
	v16 =	vadd.f32 v17, v16;
	v17 =	vmul.f32 v27, v20  }
0x26b: {  	v24 =	vld [tilespmem:s24+$0x0];
	v18 =	vadd.f32 v19, v18;
	v19 =	vmul.f32 v43, v36  }
0x26c: {  	v16 =	vadd.f32 v17, v16;
	v17 =	vmul.f32 v25, v5  }
0x26d: {  	v21 =	vld [tilespmem:s22+$0x4000];
	v18 =	vadd.f32 v19, v18;
	v20 =	vmul.f32 v41, v50  }
0x26e: {  	v16 =	vadd.f32 v17, v16;
	v17 =	vmul.f32 v23, v6  }
0x26f: {  	v19 =	vld [tilespmem:s22+$0x4080];
	v18 =	vadd.f32 v20, v18;
	v20 =	vmul.f32 v40, v57  }
0x270: {  	v13 =	vmov v22;
	v22 =	vmul.f32 v24, v22;
	v16 =	vadd.f32 v17, v16  }
0x271: {  	v18 =	vadd.f32 v20, v18;
	v20 =	vmul.f32 v39, v58  }
0x272: {  	v14 =	vmov v26;
	v26 =	vmul.f32 v21, v26;
	v17 =	vld [tilespmem:s22+$0x4100];
	v22 =	vadd.f32 v22, v16  }
0x273: {  	v0 =	vld [tilespmem:$0x1E110];
	v18 =	vadd.f32 v20, v18;
	v20 =	vmul.f32 v38, v59  }
0x274: {  	v22 =	vadd.f32 v26, v22;
	v26 =	vmul.f32 v19, v28  }
0x275: {  	v20 =	vadd.f32 v20, v18;
	v28 =	vmul.f32 v37, v60  }
0x276: {  	v22 =	vadd.f32 v26, v22  }
0x277: {  	v26 =	vmul.f32 v17, v29;
	v28 =	vadd.f32 v28, v20;
	v29 =	vmul.f32 v35, v61  }
0x278: {  	v50 =	vmul.f32 v47, v0;
	v0 =	vld [tilespmem:$0x1DFD0]  }
0x279: {  	v28 =	vadd.f32 v29, v28;
	v29 =	vmul.f32 v34, v62;
	_ =	sdelay $0x1  }
0x27a: {  	v16 =	vld [tilespmem:s22+$0x4180];
	v28 =	vadd.f32 v29, v28;
	v29 =	vmul.f32 v30, v63  }
0x27b: {  	v18 =	vld [tilespmem:s22+$0x4200]  }
0x27c: {  	v28 =	vadd.f32 v29, v28;
	v29 =	vmul.f32 v27, v0;
	v0 =	vld [tilespmem:$0x1F890];
	_ =	sdelay $0x3  }
0x27d: {  	v22 =	vadd.f32 v26, v22  }
0x27e: {  	v26 =	vmul.f32 v16, v31;
	v31 =	vmul.f32 v18, v32;
	v32 =	vadd.f32 v50, v0;
	v0 =	vld [tilespmem:$0x1E120];
	_ =	sdelay $0x4  }
0x27f: {  	v58 =	vmul.f32 v46, v0;
	v0 =	vld [tilespmem:$0x1DFE0];
	_ =	sdelay $0x4  }
0x280: {  	v28 =	vadd.f32 v29, v28;
	v29 =	vmul.f32 v25, v0;
	v0 =	vld [tilespmem:$0x1E130];
	_ =	sdelay $0x2  }
0x281: {  	v20 =	vld [tilespmem:s22+$0x4280];
	_ =	sdelay $0x1  }
0x282: {  	v59 =	vmul.f32 v44, v0;
	v0 =	vld [tilespmem:$0x1DFF0]  }
0x283: {  	v26 =	vadd.f32 v26, v22;
	_ =	sdelay $0x1  }
0x284: {  	v57 =	vmul.f32 v20, v33;
	v31 =	vadd.f32 v31, v26;
	_ =	sdelay $0x1  }
0x285: {  	v31 =	vadd.f32 v57, v31;
	v57 =	vmul.f32 v23, v0;
	v0 =	vld [tilespmem:$0x1E140];
	_ =	sdelay $0x4  }
0x286: {  	v32 =	vadd.f32 v58, v32;
	v58 =	vmul.f32 v43, v0;
	v0 =	vld [tilespmem:$0x1E000];
	_ =	sdelay $0x4  }
0x287: {  	v32 =	vadd.f32 v59, v32;
	v59 =	vmul.f32 v24, v0;
	v0 =	vld [tilespmem:$0x1E150];
	_ =	sdelay $0x2  }
0x288: {  	v29 =	vadd.f32 v29, v28;
	_ =	sdelay $0x1  }
0x289: {  	v29 =	vadd.f32 v57, v29;
	v57 =	vmul.f32 v41, v0;
	v0 =	vld [tilespmem:$0x1E010];
	_ =	sdelay $0x4  }
0x28a: {  	v12 =	vmov v33;
	v33 =	vadd.f32 v58, v32;
	v58 =	vmul.f32 v21, v0;
	v0 =	vld [tilespmem:$0x1E160];
	_ =	sdelay $0x4  }
0x28b: {  	v29 =	vadd.f32 v59, v29;
	v59 =	vmul.f32 v40, v0;
	v0 =	vld [tilespmem:$0x1E020];
	_ =	sdelay $0x2  }
0x28c: {  	v22 =	vld [tilespmem:s22+$0x4300];
	_ =	sdelay $0x1  }
0x28d: {  	v29 =	vadd.f32 v58, v29;
	v58 =	vmul.f32 v19, v0;
	v0 =	vld [tilespmem:$0x1E170]  }
0x28e: {  	v26 =	vld [tilespmem:s22+$0x4380];
	_ =	sdelay $0x1  }
0x28f: {  	v50 =	vmul.f32 v22, v42;
	v28 =	vld [tilespmem:s22+$0x6000];
	v42 =	vadd.f32 v57, v33;
	_ =	sdelay $0x1  }
0x290: {  	v42 =	vadd.f32 v59, v42;
	v59 =	vmul.f32 v39, v0;
	v0 =	vld [tilespmem:$0x1E030]  }
0x291: {  	v31 =	vadd.f32 v50, v31;
	v50 =	vmul.f32 v26, v45;
	_ =	sdelay $0x1  }
0x292: {  	v31 =	vadd.f32 v50, v31;
	v57 =	vmul.f32 v28, v48;
	_ =	sdelay $0x1  }
0x293: {  	v11 =	vmov v48;
	v48 =	vadd.f32 v57, v31;
	v57 =	vmul.f32 v17, v0;
	v0 =	vld [tilespmem:$0x1E180];
	_ =	sdelay $0x4  }
0x294: {  	v42 =	vadd.f32 v59, v42;
	v59 =	vmul.f32 v38, v0;
	v0 =	vld [tilespmem:$0x1E040];
	_ =	sdelay $0x2  }
0x295: {  	v32 =	vld [tilespmem:s22+$0x6080];
	v29 =	vadd.f32 v58, v29;
	_ =	sdelay $0x1  }
0x296: {  	v36 =	vadd.f32 v57, v29;
	v57 =	vmul.f32 v16, v0;
	v0 =	vld [tilespmem:$0x1E190];
	_ =	sdelay $0x2  }
0x297: {  	v58 =	vmul.f32 v32, v49;
	_ =	sdelay $0x1  }
0x298: {  	v48 =	vadd.f32 v58, v48;
	v58 =	vmul.f32 v37, v0;
	v0 =	vld [tilespmem:$0x1E050];
	_ =	sdelay $0x4  }
0x299: {  	v36 =	vadd.f32 v57, v36;
	v57 =	vmul.f32 v18, v0;
	v0 =	vld [tilespmem:$0x1E1A0];
	_ =	sdelay $0x2  }
0x29a: {  	v42 =	vadd.f32 v59, v42;
	_ =	sdelay $0x1  }
0x29b: {  	v42 =	vadd.f32 v58, v42;
	v58 =	vmul.f32 v35, v0;
	v0 =	vld [tilespmem:$0x1E060];
	_ =	sdelay $0x4  }
0x29c: {  	v50 =	vadd.f32 v57, v36;
	v57 =	vmul.f32 v20, v0;
	v0 =	vld [tilespmem:$0x1E1B0]  }
0x29d: {  	v33 =	vld [tilespmem:s22+$0x6100];
	_ =	sdelay $0x1  }
0x29e: {  	v31 =	vld [tilespmem:s22+$0x6180];
	_ =	sdelay $0x1  }
0x29f: {  	v42 =	vadd.f32 v58, v42;
	v58 =	vmul.f32 v34, v0;
	v0 =	vld [tilespmem:$0x1E310]  }
0x2a0: {  	v59 =	vmul.f32 v33, v51;
	_ =	sdelay $0x1  }
0x2a1: {  	v48 =	vadd.f32 v59, v48;
	v59 =	vmul.f32 v31, v52;
	_ =	sdelay $0x1  }
0x2a2: {  	v48 =	vadd.f32 v59, v48;
	v59 =	vmul.f32 v47, v0;
	v0 =	vld [tilespmem:$0x1E1C0];
	_ =	sdelay $0x4  }
0x2a3: {  	v50 =	vadd.f32 v57, v50;
	v57 =	vmul.f32 v30, v0;
	v0 =	vld [tilespmem:$0x1E070];
	_ =	sdelay $0x4  }
0x2a4: {  	v42 =	vadd.f32 v58, v42;
	v58 =	vmul.f32 v22, v0;
	v0 =	vld [tilespmem:$0x1F690];
	_ =	sdelay $0x4  }
0x2a5: {  	v52 =	vadd.f32 v59, v0;
	v0 =	vld [tilespmem:$0x1E320];
	_ =	sdelay $0x4  }
0x2a6: {  	v59 =	vmul.f32 v46, v0;
	v0 =	vld [tilespmem:$0x1E1D0];
	_ =	sdelay $0x2  }
0x2a7: {  	v29 =	vld [tilespmem:s22+$0x6200];
	_ =	sdelay $0x1  }
0x2a8: {  	v42 =	vadd.f32 v57, v42;
	v57 =	vmul.f32 v27, v0;
	v0 =	vld [tilespmem:$0x1E330];
	_ =	sdelay $0x2  }
0x2a9: {  	v10 =	vmov v49;
	v49 =	vmul.f32 v29, v53;
	_ =	sdelay $0x1  }
0x2aa: {  	v48 =	vadd.f32 v49, v48;
	v49 =	vadd.f32 v58, v50;
	v58 =	vmul.f32 v44, v0;
	v0 =	vld [tilespmem:$0x1E080];
	_ =	sdelay $0x3  }
0x2ab: {  	v36 =	vld [tilespmem:s22+$0x6280]  }
0x2ac: {  	v50 =	vadd.f32 v59, v52;
	v59 =	vmul.f32 v26, v0;
	v0 =	vld [tilespmem:$0x1E1E0];
	_ =	sdelay $0x4  }
0x2ad: {  	v45 =	vadd.f32 v57, v42;
	v57 =	vmul.f32 v25, v0;
	v0 =	vld [tilespmem:$0x1E340];
	_ =	sdelay $0x4  }
0x2ae: {  	v50 =	vadd.f32 v58, v50;
	v58 =	vmul.f32 v43, v0;
	v0 =	vld [tilespmem:$0x1E1F0];
	_ =	sdelay $0x4  }
0x2af: {  	v49 =	vadd.f32 v59, v49;
	v59 =	vmul.f32 v23, v0;
	v0 =	vld [tilespmem:$0x1E090];
	_ =	sdelay $0x4  }
0x2b0: {  	v45 =	vadd.f32 v57, v45;
	v57 =	vmul.f32 v28, v0;
	v0 =	vld [tilespmem:$0x1E350];
	_ =	sdelay $0x4  }
0x2b1: {  	v50 =	vadd.f32 v58, v50;
	v58 =	vmul.f32 v41, v0;
	v0 =	vld [tilespmem:$0x1E200];
	_ =	sdelay $0x4  }
0x2b2: {  	v45 =	vadd.f32 v59, v45;
	v59 =	vmul.f32 v24, v0;
	v0 =	vld [tilespmem:$0x1E360];
	_ =	sdelay $0x4  }
0x2b3: {  	v49 =	vadd.f32 v57, v49;
	v57 =	vmul.f32 v40, v0;
	v0 =	vld [tilespmem:$0x1E0A0];
	_ =	sdelay $0x4  }
0x2b4: {  	v50 =	vadd.f32 v58, v50;
	v58 =	vmul.f32 v32, v0;
	v0 =	vld [tilespmem:$0x1E210];
	_ =	sdelay $0x4  }
0x2b5: {  	v52 =	vadd.f32 v59, v45;
	v59 =	vmul.f32 v21, v0;
	v0 =	vld [tilespmem:$0x1E370];
	_ =	sdelay $0x4  }
0x2b6: {  	v50 =	vadd.f32 v57, v50;
	v57 =	vmul.f32 v39, v0;
	v0 =	vld [tilespmem:$0x1E220];
	_ =	sdelay $0x4  }
0x2b7: {  	v49 =	vadd.f32 v58, v49;
	v58 =	vmul.f32 v19, v0;
	v0 =	vld [tilespmem:$0x1E0B0];
	_ =	sdelay $0x4  }
0x2b8: {  	v52 =	vadd.f32 v59, v52;
	v59 =	vmul.f32 v33, v0;
	v0 =	vld [tilespmem:$0x1E380];
	_ =	sdelay $0x4  }
0x2b9: {  	v50 =	vadd.f32 v57, v50;
	v57 =	vmul.f32 v38, v0;
	v0 =	vld [tilespmem:$0x1E230];
	_ =	sdelay $0x4  }
0x2ba: {  	v52 =	vadd.f32 v58, v52;
	v58 =	vmul.f32 v17, v0;
	v0 =	vld [tilespmem:$0x1E390];
	_ =	sdelay $0x4  }
0x2bb: {  	v49 =	vadd.f32 v59, v49;
	v59 =	vmul.f32 v37, v0;
	v0 =	vld [tilespmem:$0x1E0C0];
	_ =	sdelay $0x4  }
0x2bc: {  	v50 =	vadd.f32 v57, v50;
	v57 =	vmul.f32 v31, v0;
	v0 =	vld [tilespmem:$0x1E240];
	_ =	sdelay $0x4  }
0x2bd: {  	v52 =	vadd.f32 v58, v52;
	v58 =	vmul.f32 v16, v0;
	v0 =	vld [tilespmem:$0x1E3A0];
	_ =	sdelay $0x4  }
0x2be: {  	v50 =	vadd.f32 v59, v50;
	v59 =	vmul.f32 v35, v0;
	v0 =	vld [tilespmem:$0x1E0D0];
	_ =	sdelay $0x4  }
0x2bf: {  	v49 =	vadd.f32 v57, v49;
	v57 =	vmul.f32 v29, v0;
	v0 =	vld [tilespmem:$0x1E250];
	_ =	sdelay $0x4  }
0x2c0: {  	v52 =	vadd.f32 v58, v52;
	v58 =	vmul.f32 v18, v0;
	v0 =	vld [tilespmem:$0x1E3B0];
	_ =	sdelay $0x4  }
0x2c1: {  	v50 =	vadd.f32 v59, v50;
	v59 =	vmul.f32 v34, v0;
	v0 =	vld [tilespmem:$0x1E510];
	_ =	sdelay $0x4  }
0x2c2: {  	v49 =	vadd.f32 v57, v49;
	v57 =	vmul.f32 v47, v0;
	v0 =	vld [tilespmem:$0x1E3C0];
	_ =	sdelay $0x4  }
0x2c3: {  	v51 =	vmul.f32 v30, v0;
	v0 =	vld [tilespmem:$0x1E260];
	_ =	sdelay $0x4  }
0x2c4: {  	v53 =	vmul.f32 v20, v0;
	v0 =	vld [tilespmem:$0x1F550]  }
0x2c5: {  	v42 =	vld [tilespmem:s22+$0x6300];
	_ =	sdelay $0x1  }
0x2c6: {  	v9 =	vmov v54;
	v54 =	vmul.f32 v36, v54;
	v45 =	vld [tilespmem:s22+$0x6380];
	_ =	sdelay $0x1  }
0x2c7: {  	v48 =	vadd.f32 v54, v48;
	v54 =	vadd.f32 v57, v0;
	v0 =	vld [tilespmem:$0x1E520]  }
0x2c8: {  	v8 =	vmov v55;
	v55 =	vmul.f32 v42, v55;
	_ =	sdelay $0x1  }
0x2c9: {  	v48 =	vadd.f32 v55, v48;
	v55 =	vmul.f32 v45, v56;
	_ =	sdelay $0x1  }
0x2ca: {  	v48 =	vadd.f32 v55, v48;
	v55 =	vmul.f32 v46, v0;
	v0 =	vld [tilespmem:$0x1E0E0];
	_ =	sdelay $0x4  }
0x2cb: {  	v56 =	vmul.f32 v36, v0;
	v0 =	vld [tilespmem:$0x1E3D0];
	_ =	sdelay $0x4  }
0x2cc: {  	v52 =	vadd.f32 v58, v52;
	v58 =	vmul.f32 v27, v0;
	v0 =	vld [tilespmem:$0x1E530];
	_ =	sdelay $0x4  }
0x2cd: {  	v50 =	vadd.f32 v59, v50;
	v59 =	vmul.f32 v44, v0;
	v0 =	vld [tilespmem:$0x1E270];
	_ =	sdelay $0x4  }
0x2ce: {  	v57 =	vmul.f32 v22, v0;
	v0 =	vld [tilespmem:$0x1E3E0];
	_ =	sdelay $0x2  }
0x2cf: {  	v50 =	vadd.f32 v51, v50;
	_ =	sdelay $0x1  }
0x2d0: {  	v50 =	vadd.f32 v58, v50;
	v58 =	vmul.f32 v25, v0;
	v0 =	vld [tilespmem:$0x1E540];
	_ =	sdelay $0x2  }
0x2d1: {  	v52 =	vadd.f32 v53, v52;
	v53 =	vadd.f32 v55, v54;
	_ =	sdelay $0x1  }
0x2d2: {  	v53 =	vadd.f32 v59, v53;
	v59 =	vmul.f32 v43, v0;
	v0 =	vld [tilespmem:$0x1E3F0];
	_ =	sdelay $0x4  }
0x2d3: {  	v51 =	vmul.f32 v23, v0;
	v0 =	vld [tilespmem:$0x1E280];
	_ =	sdelay $0x4  }
0x2d4: {  	v55 =	vmul.f32 v26, v0;
	v0 =	vld [tilespmem:$0x1E550];
	_ =	sdelay $0x4  }
0x2d5: {  	v54 =	vmul.f32 v41, v0;
	v0 =	vld [tilespmem:$0x1E0F0];
	_ =	sdelay $0x4  }
0x2d6: {  	v49 =	vadd.f32 v56, v49;
	v56 =	vmul.f32 v42, v0;
	v0 =	vld [tilespmem:$0x1E400];
	_ =	sdelay $0x4  }
0x2d7: {  	v52 =	vadd.f32 v57, v52;
	v57 =	vmul.f32 v24, v0;
	v0 =	vld [tilespmem:$0x1E560];
	_ =	sdelay $0x4  }
0x2d8: {  	v50 =	vadd.f32 v58, v50;
	v58 =	vmul.f32 v40, v0;
	v0 =	vld [tilespmem:$0x1E290];
	_ =	sdelay $0x4  }
0x2d9: {  	v53 =	vadd.f32 v59, v53;
	v59 =	vmul.f32 v28, v0;
	v0 =	vld [tilespmem:$0x1E410];
	_ =	sdelay $0x2  }
0x2da: {  	v50 =	vadd.f32 v51, v50;
	_ =	sdelay $0x1  }
0x2db: {  	v50 =	vadd.f32 v57, v50;
	v57 =	vmul.f32 v21, v0;
	v0 =	vld [tilespmem:$0x1E570];
	_ =	sdelay $0x2  }
0x2dc: {  	v53 =	vadd.f32 v54, v53;
	_ =	sdelay $0x1  }
0x2dd: {  	v53 =	vadd.f32 v58, v53;
	v58 =	vmul.f32 v39, v0;
	v0 =	vld [tilespmem:$0x1E420];
	_ =	sdelay $0x4  }
0x2de: {  	v51 =	vmul.f32 v19, v0;
	v0 =	vld [tilespmem:$0x1E2A0];
	_ =	sdelay $0x4  }
0x2df: {  	v52 =	vadd.f32 v55, v52;
	v55 =	vmul.f32 v32, v0;
	v0 =	vld [tilespmem:$0x1E580];
	_ =	sdelay $0x4  }
0x2e0: {  	v54 =	vmul.f32 v38, v0;
	v0 =	vld [tilespmem:$0x1E100];
	_ =	sdelay $0x4  }
0x2e1: {  	v49 =	vadd.f32 v56, v49;
	v56 =	vmul.f32 v45, v0;
	v0 =	vld [tilespmem:$0x1E430];
	_ =	sdelay $0x4  }
0x2e2: {  	v52 =	vadd.f32 v59, v52;
	v59 =	vmul.f32 v17, v0;
	v0 =	vld [tilespmem:$0x1E590];
	_ =	sdelay $0x4  }
0x2e3: {  	v50 =	vadd.f32 v57, v50;
	v57 =	vmul.f32 v37, v0;
	v0 =	vld [tilespmem:$0x1E2B0];
	_ =	sdelay $0x4  }
0x2e4: {  	v53 =	vadd.f32 v58, v53;
	v58 =	vmul.f32 v33, v0;
	v0 =	vld [tilespmem:$0x1E440];
	_ =	sdelay $0x2  }
0x2e5: {  	v50 =	vadd.f32 v51, v50;
	_ =	sdelay $0x1  }
0x2e6: {  	v50 =	vadd.f32 v59, v50;
	v59 =	vmul.f32 v16, v0;
	v0 =	vld [tilespmem:$0x1E5A0];
	_ =	sdelay $0x2  }
0x2e7: {  	v53 =	vadd.f32 v54, v53;
	_ =	sdelay $0x1  }
0x2e8: {  	v53 =	vadd.f32 v57, v53;
	v57 =	vmul.f32 v35, v0;
	v0 =	vld [tilespmem:$0x1E450];
	_ =	sdelay $0x2  }
0x2e9: {  	v52 =	vadd.f32 v55, v52;
	_ =	sdelay $0x1  }
0x2ea: {  	v52 =	vadd.f32 v58, v52;
	v58 =	vmul.f32 v18, v0;
	v0 =	vld [tilespmem:$0x1E2C0];
	_ =	sdelay $0x4  }
0x2eb: {  	v55 =	vmul.f32 v31, v0;
	v0 =	vld [tilespmem:$0x1E5B0];
	_ =	sdelay $0x4  }
0x2ec: {  	v54 =	vmul.f32 v34, v0;
	v0 =	vld [tilespmem:$0x1E460];
	_ =	sdelay $0x4  }
0x2ed: {  	v51 =	vmul.f32 v20, v0;
	v0 =	vld [tilespmem:$0x1E710];
	_ =	sdelay $0x4  }
0x2ee: {  	v49 =	vadd.f32 v56, v49;
	v56 =	vmul.f32 v47, v0;
	v0 =	vld [tilespmem:$0x1E5C0];
	_ =	sdelay $0x2  }
0x2ef: {  	v53 =	vadd.f32 v57, v53;
	_ =	sdelay $0x1  }
0x2f0: {  	v53 =	vadd.f32 v54, v53;
	v54 =	vmul.f32 v30, v0;
	v0 =	vld [tilespmem:$0x1F340]  }
0x2f1: {  	v50 =	vadd.f32 v59, v50;
	_ =	sdelay $0x1  }
0x2f2: {  	v50 =	vadd.f32 v58, v50;
	_ =	sdelay $0x1  }
0x2f3: {  	v50 =	vadd.f32 v51, v50;
	v51 =	vadd.f32 v56, v0;
	v0 =	vld [tilespmem:$0x1E720];
	_ =	sdelay $0x4  }
0x2f4: {  	v52 =	vadd.f32 v55, v52;
	v55 =	vmul.f32 v46, v0;
	v0 =	vld [tilespmem:$0x1E470];
	_ =	sdelay $0x4  }
0x2f5: {  	v56 =	vmul.f32 v22, v0;
	v0 =	vld [tilespmem:$0x1E5D0];
	_ =	sdelay $0x4  }
0x2f6: {  	v53 =	vadd.f32 v54, v53;
	v54 =	vmul.f32 v27, v0;
	v0 =	vld [tilespmem:$0x1E2D0];
	_ =	sdelay $0x4  }
0x2f7: {  	v57 =	vmul.f32 v29, v0;
	v0 =	vld [tilespmem:$0x1E730];
	_ =	sdelay $0x4  }
0x2f8: {  	v51 =	vadd.f32 v55, v51;
	v55 =	vmul.f32 v44, v0;
	v0 =	vld [tilespmem:$0x1E5E0];
	_ =	sdelay $0x4  }
0x2f9: {  	v53 =	vadd.f32 v54, v53;
	v54 =	vmul.f32 v25, v0;
	v0 =	vld [tilespmem:$0x1E480];
	_ =	sdelay $0x4  }
0x2fa: {  	v50 =	vadd.f32 v56, v50;
	v56 =	vmul.f32 v26, v0;
	v0 =	vld [tilespmem:$0x1E740];
	_ =	sdelay $0x4  }
0x2fb: {  	v59 =	vmul.f32 v43, v0;
	v0 =	vld [tilespmem:$0x1E5F0];
	_ =	sdelay $0x4  }
0x2fc: {  	v53 =	vadd.f32 v54, v53;
	v54 =	vmul.f32 v23, v0;
	v0 =	vld [tilespmem:$0x1E750];
	_ =	sdelay $0x4  }
0x2fd: {  	v51 =	vadd.f32 v55, v51;
	v55 =	vmul.f32 v41, v0;
	v0 =	vld [tilespmem:$0x1E490];
	_ =	sdelay $0x4  }
0x2fe: {  	v50 =	vadd.f32 v56, v50;
	v56 =	vmul.f32 v28, v0;
	v0 =	vld [tilespmem:$0x1E600];
	_ =	sdelay $0x4  }
0x2ff: {  	v53 =	vadd.f32 v54, v53;
	v54 =	vmul.f32 v24, v0;
	v0 =	vld [tilespmem:$0x1E2E0];
	_ =	sdelay $0x4  }
0x300: {  	v52 =	vadd.f32 v57, v52;
	v57 =	vmul.f32 v36, v0;
	v0 =	vld [tilespmem:$0x1E760];
	_ =	sdelay $0x2  }
0x301: {  	v51 =	vadd.f32 v59, v51;
	_ =	sdelay $0x1  }
0x302: {  	v51 =	vadd.f32 v55, v51;
	v55 =	vmul.f32 v40, v0;
	v0 =	vld [tilespmem:$0x1E610];
	_ =	sdelay $0x4  }
0x303: {  	v53 =	vadd.f32 v54, v53;
	v54 =	vmul.f32 v21, v0;
	v0 =	vld [tilespmem:$0x1E4A0];
	_ =	sdelay $0x4  }
0x304: {  	v50 =	vadd.f32 v56, v50;
	v56 =	vmul.f32 v32, v0;
	v0 =	vld [tilespmem:$0x1E770];
	_ =	sdelay $0x4  }
0x305: {  	v58 =	vmul.f32 v39, v0;
	v0 =	vld [tilespmem:$0x1E620];
	_ =	sdelay $0x4  }
0x306: {  	v53 =	vadd.f32 v54, v53;
	v54 =	vmul.f32 v19, v0;
	v0 =	vld [tilespmem:$0x1E780];
	_ =	sdelay $0x4  }
0x307: {  	v51 =	vadd.f32 v55, v51;
	v55 =	vmul.f32 v38, v0;
	v0 =	vld [tilespmem:$0x1E4B0];
	_ =	sdelay $0x4  }
0x308: {  	v50 =	vadd.f32 v56, v50;
	v56 =	vmul.f32 v33, v0;
	v0 =	vld [tilespmem:$0x1E630];
	_ =	sdelay $0x4  }
0x309: {  	v53 =	vadd.f32 v54, v53;
	v54 =	vmul.f32 v17, v0;
	v0 =	vld [tilespmem:$0x1E2F0];
	_ =	sdelay $0x4  }
0x30a: {  	v52 =	vadd.f32 v57, v52;
	v57 =	vmul.f32 v42, v0;
	v0 =	vld [tilespmem:$0x1E790];
	_ =	sdelay $0x2  }
0x30b: {  	v51 =	vadd.f32 v58, v51;
	_ =	sdelay $0x1  }
0x30c: {  	v51 =	vadd.f32 v55, v51;
	v55 =	vmul.f32 v37, v0;
	v0 =	vld [tilespmem:$0x1E640];
	_ =	sdelay $0x4  }
0x30d: {  	v53 =	vadd.f32 v54, v53;
	v54 =	vmul.f32 v16, v0;
	v0 =	vld [tilespmem:$0x1E4C0];
	_ =	sdelay $0x4  }
0x30e: {  	v50 =	vadd.f32 v56, v50;
	v56 =	vmul.f32 v31, v0;
	v0 =	vld [tilespmem:$0x1E7A0];
	_ =	sdelay $0x4  }
0x30f: {  	v59 =	vmul.f32 v35, v0;
	v0 =	vld [tilespmem:$0x1E650];
	_ =	sdelay $0x4  }
0x310: {  	v53 =	vadd.f32 v54, v53;
	v54 =	vmul.f32 v18, v0;
	v0 =	vld [tilespmem:$0x1E7B0];
	_ =	sdelay $0x4  }
0x311: {  	v51 =	vadd.f32 v55, v51;
	v55 =	vmul.f32 v34, v0;
	v0 =	vld [tilespmem:$0x1E4D0];
	_ =	sdelay $0x4  }
0x312: {  	v50 =	vadd.f32 v56, v50;
	v56 =	vmul.f32 v29, v0;
	v0 =	vld [tilespmem:$0x1E660];
	_ =	sdelay $0x4  }
0x313: {  	v53 =	vadd.f32 v54, v53;
	v54 =	vmul.f32 v20, v0;
	v0 =	vld [tilespmem:$0x1E300];
	_ =	sdelay $0x4  }
0x314: {  	v52 =	vadd.f32 v57, v52;
	v57 =	vmul.f32 v45, v0;
	v0 =	vld [tilespmem:$0x1E7C0];
	_ =	sdelay $0x2  }
0x315: {  	v51 =	vadd.f32 v59, v51;
	_ =	sdelay $0x1  }
0x316: {  	v51 =	vadd.f32 v55, v51;
	v55 =	vmul.f32 v30, v0;
	v0 =	vld [tilespmem:$0x1E4E0];
	_ =	sdelay $0x4  }
0x317: {  	v58 =	vmul.f32 v36, v0;
	v0 =	vld [tilespmem:$0x1E670];
	_ =	sdelay $0x4  }
0x318: {  	v53 =	vadd.f32 v54, v53;
	v54 =	vmul.f32 v22, v0;
	v0 =	vld [tilespmem:$0x1E7D0];
	_ =	sdelay $0x4  }
0x319: {  	v51 =	vadd.f32 v55, v51;
	v55 =	vmul.f32 v27, v0;
	v0 =	vld [tilespmem:$0x1E910];
	_ =	sdelay $0x2  }
0x31a: {  	v56 =	vadd.f32 v56, v50;
	_ =	sdelay $0x1  }
0x31b: {  	v50 =	vadd.f32 v57, v52;
	v52 =	vadd.f32 v58, v56;
	v56 =	vmul.f32 v47, v0;
	v0 =	vld [tilespmem:$0x1E7E0];
	_ =	sdelay $0x4  }
0x31c: {  	v53 =	vadd.f32 v54, v53;
	v54 =	vmul.f32 v25, v0;
	v0 =	vld [tilespmem:$0x1E680];
	_ =	sdelay $0x4  }
0x31d: {  	v51 =	vadd.f32 v55, v51;
	v55 =	vmul.f32 v26, v0;
	v0 =	vld [tilespmem:$0x1F130];
	_ =	sdelay $0x4  }
0x31e: {  	v56 =	vadd.f32 v56, v0;
	v0 =	vld [tilespmem:$0x1E920];
	_ =	sdelay $0x4  }
0x31f: {  	v57 =	vmul.f32 v46, v0;
	v0 =	vld [tilespmem:$0x1E4F0];
	_ =	sdelay $0x4  }
0x320: {  	v58 =	vmul.f32 v42, v0;
	v0 =	vld [tilespmem:$0x1E7F0];
	_ =	sdelay $0x4  }
0x321: {  	v51 =	vadd.f32 v54, v51;
	v54 =	vmul.f32 v23, v0;
	v0 =	vld [tilespmem:$0x1E930];
	_ =	sdelay $0x4  }
0x322: {  	v53 =	vadd.f32 v55, v53;
	v55 =	vadd.f32 v57, v56;
	v56 =	vmul.f32 v44, v0;
	v0 =	vld [tilespmem:$0x1E690];
	_ =	sdelay $0x4  }
0x323: {  	v57 =	vmul.f32 v28, v0;
	v0 =	vld [tilespmem:$0x1E800];
	_ =	sdelay $0x4  }
0x324: {  	v51 =	vadd.f32 v54, v51;
	v54 =	vmul.f32 v24, v0;
	v0 =	vld [tilespmem:$0x1E940];
	_ =	sdelay $0x4  }
0x325: {  	v55 =	vadd.f32 v56, v55;
	v56 =	vmul.f32 v43, v0;
	v0 =	vld [tilespmem:$0x1E810];
	_ =	sdelay $0x4  }
0x326: {  	v51 =	vadd.f32 v54, v51;
	v54 =	vmul.f32 v21, v0;
	v0 =	vld [tilespmem:$0x1E6A0];
	_ =	sdelay $0x4  }
0x327: {  	v53 =	vadd.f32 v57, v53;
	v57 =	vmul.f32 v32, v0;
	v0 =	vld [tilespmem:$0x1E950];
	_ =	sdelay $0x4  }
0x328: {  	v55 =	vadd.f32 v56, v55;
	v56 =	vmul.f32 v41, v0;
	v0 =	vld [tilespmem:$0x1E500];
	_ =	sdelay $0x4  }
0x329: {  	v52 =	vadd.f32 v58, v52;
	v58 =	vmul.f32 v45, v0;
	v0 =	vld [tilespmem:$0x1E820];
	_ =	sdelay $0x4  }
0x32a: {  	v51 =	vadd.f32 v54, v51;
	v54 =	vmul.f32 v19, v0;
	v0 =	vld [tilespmem:$0x1E960];
	_ =	sdelay $0x4  }
0x32b: {  	v55 =	vadd.f32 v56, v55;
	v56 =	vmul.f32 v40, v0;
	v0 =	vld [tilespmem:$0x1E6B0];
	_ =	sdelay $0x4  }
0x32c: {  	v53 =	vadd.f32 v57, v53;
	v57 =	vmul.f32 v33, v0;
	v0 =	vld [tilespmem:$0x1E830];
	_ =	sdelay $0x4  }
0x32d: {  	v59 =	vmul.f32 v17, v0;
	v0 =	vld [tilespmem:$0x1E970];
	_ =	sdelay $0x3  }
0x32e: {  	v54 =	vadd.f32 v54, v51  }
0x32f: {  	v51 =	vadd.f32 v58, v52;
	v52 =	vadd.f32 v56, v55;
	v55 =	vmul.f32 v39, v0;
	v0 =	vld [tilespmem:$0x1E840];
	_ =	sdelay $0x4  }
0x330: {  	v56 =	vmul.f32 v16, v0;
	v0 =	vld [tilespmem:$0x1E6C0];
	_ =	sdelay $0x4  }
0x331: {  	v53 =	vadd.f32 v57, v53;
	v57 =	vmul.f32 v31, v0;
	v0 =	vld [tilespmem:$0x1E980];
	_ =	sdelay $0x4  }
0x332: {  	v52 =	vadd.f32 v55, v52;
	v55 =	vmul.f32 v38, v0;
	v0 =	vld [tilespmem:$0x1E850];
	_ =	sdelay $0x2  }
0x333: {  	v54 =	vadd.f32 v59, v54;
	_ =	sdelay $0x1  }
0x334: {  	v54 =	vadd.f32 v56, v54;
	v56 =	vmul.f32 v18, v0;
	v0 =	vld [tilespmem:$0x1EB10];
	_ =	sdelay $0x4  }
0x335: {  	v58 =	vmul.f32 v47, v0;
	v0 =	vld [tilespmem:$0x1E990];
	_ =	sdelay $0x4  }
0x336: {  	v52 =	vadd.f32 v55, v52;
	v55 =	vmul.f32 v37, v0;
	v0 =	vld [tilespmem:$0x1EF20];
	_ =	sdelay $0x4  }
0x337: {  	v54 =	vadd.f32 v56, v54;
	v56 =	vadd.f32 v58, v0;
	v0 =	vld [tilespmem:$0x1EB20];
	_ =	sdelay $0x4  }
0x338: {  	v53 =	vadd.f32 v57, v53;
	v57 =	vmul.f32 v46, v0;
	v0 =	vld [tilespmem:$0x1E860];
	_ =	sdelay $0x4  }
0x339: {  	v58 =	vmul.f32 v20, v0;
	v0 =	vld [tilespmem:$0x1E9A0];
	_ =	sdelay $0x4  }
0x33a: {  	v52 =	vadd.f32 v55, v52;
	v55 =	vmul.f32 v35, v0;
	v0 =	vld [tilespmem:$0x1E6D0];
	_ =	sdelay $0x4  }
0x33b: {  	v59 =	vmul.f32 v29, v0;
	v0 =	vld [tilespmem:$0x1EB30];
	_ =	sdelay $0x4  }
0x33c: {  	v56 =	vadd.f32 v57, v56;
	v57 =	vmul.f32 v44, v0;
	v0 =	vld [tilespmem:$0x1E9B0];
	_ =	sdelay $0x4  }
0x33d: {  	v52 =	vadd.f32 v55, v52;
	v55 =	vmul.f32 v34, v0;
	v0 =	vld [tilespmem:$0x1E870];
	_ =	sdelay $0x4  }
0x33e: {  	v54 =	vadd.f32 v58, v54;
	v58 =	vmul.f32 v22, v0;
	v0 =	vld [tilespmem:$0x1EB40];
	_ =	sdelay $0x4  }
0x33f: {  	v56 =	vadd.f32 v57, v56;
	v57 =	vmul.f32 v43, v0;
	v0 =	vld [tilespmem:$0x1E9C0];
	_ =	sdelay $0x4  }
0x340: {  	v52 =	vadd.f32 v55, v52;
	v55 =	vmul.f32 v30, v0;
	v0 =	vld [tilespmem:$0x1EB50];
	_ =	sdelay $0x4  }
0x341: {  	v56 =	vadd.f32 v57, v56;
	v57 =	vmul.f32 v41, v0;
	v0 =	vld [tilespmem:$0x1E880];
	_ =	sdelay $0x4  }
0x342: {  	v54 =	vadd.f32 v58, v54;
	v58 =	vmul.f32 v26, v0;
	v0 =	vld [tilespmem:$0x1E9D0];
	_ =	sdelay $0x4  }
0x343: {  	v52 =	vadd.f32 v55, v52;
	v55 =	vmul.f32 v27, v0;
	v0 =	vld [tilespmem:$0x1E6E0];
	_ =	sdelay $0x4  }
0x344: {  	v53 =	vadd.f32 v59, v53;
	v59 =	vmul.f32 v36, v0;
	v0 =	vld [tilespmem:$0x1EB60];
	_ =	sdelay $0x4  }
0x345: {  	v56 =	vadd.f32 v57, v56;
	v57 =	vmul.f32 v40, v0;
	v0 =	vld [tilespmem:$0x1E9E0];
	_ =	sdelay $0x4  }
0x346: {  	v52 =	vadd.f32 v55, v52;
	v55 =	vmul.f32 v25, v0;
	v0 =	vld [tilespmem:$0x1E890];
	_ =	sdelay $0x4  }
0x347: {  	v54 =	vadd.f32 v58, v54;
	v58 =	vmul.f32 v28, v0;
	v0 =	vld [tilespmem:$0x1EB70];
	_ =	sdelay $0x4  }
0x348: {  	v56 =	vadd.f32 v57, v56;
	v57 =	vmul.f32 v39, v0;
	v0 =	vld [tilespmem:$0x1E9F0];
	_ =	sdelay $0x4  }
0x349: {  	v52 =	vadd.f32 v55, v52;
	v55 =	vmul.f32 v23, v0;
	v0 =	vld [tilespmem:$0x1EB80];
	_ =	sdelay $0x4  }
0x34a: {  	v56 =	vadd.f32 v57, v56;
	v57 =	vmul.f32 v38, v0;
	v0 =	vld [tilespmem:$0x1E8A0];
	_ =	sdelay $0x4  }
0x34b: {  	v54 =	vadd.f32 v58, v54;
	v58 =	vmul.f32 v32, v0;
	v0 =	vld [tilespmem:$0x1EA00];
	_ =	sdelay $0x4  }
0x34c: {  	v52 =	vadd.f32 v55, v52;
	v55 =	vmul.f32 v24, v0;
	v0 =	vld [tilespmem:$0x1E6F0];
	_ =	sdelay $0x4  }
0x34d: {  	v53 =	vadd.f32 v59, v53;
	v59 =	vmul.f32 v42, v0;
	v0 =	vld [tilespmem:$0x1EB90];
	_ =	sdelay $0x4  }
0x34e: {  	v56 =	vadd.f32 v57, v56;
	v57 =	vmul.f32 v37, v0;
	v0 =	vld [tilespmem:$0x1EA10];
	_ =	sdelay $0x4  }
0x34f: {  	v52 =	vadd.f32 v55, v52;
	v55 =	vmul.f32 v21, v0;
	v0 =	vld [tilespmem:$0x1E8B0];
	_ =	sdelay $0x4  }
0x350: {  	v54 =	vadd.f32 v58, v54;
	v58 =	vmul.f32 v33, v0;
	v0 =	vld [tilespmem:$0x1EBA0];
	_ =	sdelay $0x4  }
0x351: {  	v56 =	vadd.f32 v57, v56;
	v57 =	vmul.f32 v35, v0;
	v0 =	vld [tilespmem:$0x1EA20];
	_ =	sdelay $0x4  }
0x352: {  	v52 =	vadd.f32 v55, v52;
	v55 =	vmul.f32 v19, v0;
	v0 =	vld [tilespmem:$0x1EBB0];
	_ =	sdelay $0x4  }
0x353: {  	v56 =	vadd.f32 v57, v56;
	v57 =	vmul.f32 v34, v0;
	v0 =	vld [tilespmem:$0x1E8C0];
	_ =	sdelay $0x4  }
0x354: {  	v54 =	vadd.f32 v58, v54;
	v58 =	vmul.f32 v31, v0;
	v0 =	vld [tilespmem:$0x1EA30];
	_ =	sdelay $0x4  }
0x355: {  	v52 =	vadd.f32 v55, v52;
	v55 =	vmul.f32 v17, v0;
	v0 =	vld [tilespmem:$0x1E700];
	_ =	sdelay $0x4  }
0x356: {  	v53 =	vadd.f32 v59, v53;
	v59 =	vmul.f32 v45, v0;
	v0 =	vld [tilespmem:$0x1EBC0];
	_ =	sdelay $0x4  }
0x357: {  	v56 =	vadd.f32 v57, v56;
	v57 =	vmul.f32 v30, v0;
	v0 =	vld [tilespmem:$0x1EA40];
	_ =	sdelay $0x4  }
0x358: {  	v54 =	vadd.f32 v58, v54;
	v58 =	vmul.f32 v16, v0;
	v0 =	vld [tilespmem:$0x1E8D0];
	_ =	sdelay $0x4  }
0x359: {  	v7 =	vmov v60;
	v60 =	vmul.f32 v29, v0;
	v0 =	vld [tilespmem:$0x1EBD0];
	_ =	sdelay $0x4  }
0x35a: {  	v56 =	vadd.f32 v57, v56;
	v57 =	vmul.f32 v27, v0;
	v0 =	vld [tilespmem:$0x1EA50];
	_ =	sdelay $0x2  }
0x35b: {  	v55 =	vadd.f32 v55, v52;
	_ =	sdelay $0x1  }
0x35c: {  	v52 =	vadd.f32 v59, v53;
	v53 =	vadd.f32 v58, v55;
	v55 =	vmul.f32 v18, v0;
	v0 =	vld [tilespmem:$0x1EBE0];
	_ =	sdelay $0x4  }
0x35d: {  	v56 =	vadd.f32 v57, v56;
	v57 =	vmul.f32 v25, v0;
	v0 =	vld [tilespmem:$0x1EA60];
	_ =	sdelay $0x4  }
0x35e: {  	v53 =	vadd.f32 v55, v53;
	v55 =	vmul.f32 v20, v0;
	v0 =	vld [tilespmem:$0x1ED60];
	_ =	sdelay $0x4  }
0x35f: {  	v54 =	vadd.f32 v60, v54;
	v60 =	vmul.f32 v47, v0;
	v0 =	vld [tilespmem:$0x1E8E0];
	_ =	sdelay $0x4  }
0x360: {  	v59 =	vmul.f32 v36, v0;
	v0 =	vld [tilespmem:$0x1EBF0];
	_ =	sdelay $0x4  }
0x361: {  	v56 =	vadd.f32 v57, v56;
	v57 =	vmul.f32 v23, v0;
	v0 =	vld [tilespmem:$0x1ED70];
	_ =	sdelay $0x4  }
0x362: {  	v53 =	vadd.f32 v55, v53;
	v55 =	vadd.f32 v60, v0;
	v0 =	vld [tilespmem:$0x1ED40];
	_ =	sdelay $0x4  }
0x363: {  	v58 =	vmul.f32 v46, v0;
	v0 =	vld [tilespmem:$0x1EA70];
	_ =	sdelay $0x4  }
0x364: {  	v60 =	vmul.f32 v22, v0;
	v0 =	vld [tilespmem:$0x1EC00];
	_ =	sdelay $0x4  }
0x365: {  	v56 =	vadd.f32 v57, v56;
	v57 =	vmul.f32 v24, v0;
	v0 =	vld [tilespmem:$0x1ED30];
	_ =	sdelay $0x4  }
0x366: {  	v55 =	vadd.f32 v58, v55;
	v58 =	vmul.f32 v44, v0;
	v0 =	vld [tilespmem:$0x1EC10];
	_ =	sdelay $0x4  }
0x367: {  	v56 =	vadd.f32 v57, v56;
	v57 =	vmul.f32 v21, v0;
	v0 =	vld [tilespmem:$0x1EA80];
	_ =	sdelay $0x4  }
0x368: {  	v54 =	vadd.f32 v59, v54;
	v59 =	vmul.f32 v26, v0;
	v0 =	vld [tilespmem:$0x1ED20];
	_ =	sdelay $0x4  }
0x369: {  	v55 =	vadd.f32 v58, v55;
	v58 =	vmul.f32 v43, v0;
	v0 =	vld [tilespmem:$0x1E8F0];
	_ =	sdelay $0x4  }
0x36a: {  	v53 =	vadd.f32 v60, v53;
	v60 =	vmul.f32 v42, v0;
	v0 =	vld [tilespmem:$0x1EC20];
	_ =	sdelay $0x4  }
0x36b: {  	v56 =	vadd.f32 v57, v56;
	v57 =	vmul.f32 v19, v0;
	v0 =	vld [tilespmem:$0x1ED10];
	_ =	sdelay $0x4  }
0x36c: {  	v55 =	vadd.f32 v58, v55;
	v58 =	vmul.f32 v41, v0;
	v0 =	vld [tilespmem:$0x1EA90];
	_ =	sdelay $0x4  }
0x36d: {  	v53 =	vadd.f32 v59, v53;
	v59 =	vmul.f32 v28, v0;
	v0 =	vld [tilespmem:$0x1EC30];
	_ =	sdelay $0x4  }
0x36e: {  	v56 =	vadd.f32 v57, v56;
	v57 =	vmul.f32 v17, v0;
	v0 =	vld [tilespmem:$0x1ED00];
	_ =	sdelay $0x4  }
0x36f: {  	v54 =	vadd.f32 v60, v54;
	v60 =	vmul.f32 v40, v0;
	v0 =	vld [tilespmem:$0x1EC40];
	_ =	sdelay $0x4  }
0x370: {  	v56 =	vadd.f32 v57, v56;
	v57 =	vmul.f32 v16, v0;
	v0 =	vld [tilespmem:$0x1EAA0];
	_ =	sdelay $0x4  }
0x371: {  	v53 =	vadd.f32 v59, v53;
	v59 =	vmul.f32 v32, v0;
	v0 =	vld [tilespmem:$0x1ED80];
	_ =	sdelay $0x4  }
0x372: {  	v55 =	vadd.f32 v58, v55;
	v58 =	vmul.f32 v39, v0;
	v0 =	vld [tilespmem:$0x1E900];
	_ =	sdelay $0x4  }
0x373: {  	v55 =	vadd.f32 v60, v55;
	v60 =	vmul.f32 v45, v0;
	v0 =	vld [tilespmem:$0x1EC50];
	_ =	sdelay $0x4  }
0x374: {  	v56 =	vadd.f32 v57, v56;
	v57 =	vmul.f32 v18, v0;
	v0 =	vld [tilespmem:$0x1ED90];
	_ =	sdelay $0x4  }
0x375: {  	v55 =	vadd.f32 v58, v55;
	v58 =	vmul.f32 v38, v0;
	v0 =	vld [tilespmem:$0x1EAB0];
	_ =	sdelay $0x4  }
0x376: {  	v6 =	vmov v61;
	v61 =	vmul.f32 v33, v0;
	v0 =	vld [tilespmem:$0x1EC60];
	_ =	sdelay $0x4  }
0x377: {  	v56 =	vadd.f32 v57, v56;
	v57 =	vmul.f32 v20, v0;
	v0 =	vld [tilespmem:$0x1EDA0];
	_ =	sdelay $0x3  }
0x378: {  	v59 =	vadd.f32 v59, v53  }
0x379: {  	v53 =	vadd.f32 v60, v54;
	v54 =	vadd.f32 v58, v55;
	v55 =	vmul.f32 v37, v0;
	v0 =	vld [tilespmem:$0x1EAC0];
	_ =	sdelay $0x4  }
0x37a: {  	v60 =	vadd.f32 v61, v59;
	v61 =	vmul.f32 v31, v0;
	v0 =	vld [tilespmem:$0x1EC70];
	_ =	sdelay $0x4  }
0x37b: {  	v56 =	vadd.f32 v57, v56;
	v57 =	vmul.f32 v22, v0;
	v0 =	vld [tilespmem:$0x1EDB0];
	_ =	sdelay $0x4  }
0x37c: {  	v54 =	vadd.f32 v55, v54;
	v55 =	vmul.f32 v35, v0;
	v0 =	vld [tilespmem:$0x1EAD0];
	_ =	sdelay $0x4  }
0x37d: {  	v59 =	vmul.f32 v29, v0;
	v0 =	vld [tilespmem:$0x1EF30];
	_ =	sdelay $0x4  }
0x37e: {  	v58 =	vadd.f32 v61, v60;
	v60 =	vmul.f32 v47, v0;
	v0 =	vld [tilespmem:$0x1EDC0];
	_ =	sdelay $0x4  }
0x37f: {  	v54 =	vadd.f32 v55, v54;
	v55 =	vmul.f32 v34, v0;
	v0 =	vld [tilespmem:$0x1EC80];
	_ =	sdelay $0x4  }
0x380: {  	v56 =	vadd.f32 v57, v56;
	v57 =	vmul.f32 v26, v0;
	v0 =	vld [tilespmem:$0x1FAB0];
	_ =	sdelay $0x4  }
0x381: {  	v60 =	vadd.f32 v60, v0;
	v0 =	vld [tilespmem:$0x1EF40];
	_ =	sdelay $0x4  }
0x382: {  	v61 =	vmul.f32 v46, v0;
	v0 =	vld [tilespmem:$0x1EDD0];
	_ =	sdelay $0x4  }
0x383: {  	v54 =	vadd.f32 v55, v54;
	v55 =	vmul.f32 v30, v0;
	v0 =	vld [tilespmem:$0x1EF50];
	_ =	sdelay $0x4  }
0x384: {  	v58 =	vadd.f32 v59, v58;
	v59 =	vmul.f32 v44, v0;
	v0 =	vld [tilespmem:$0x1EC90];
	_ =	sdelay $0x4  }
0x385: {  	v56 =	vadd.f32 v57, v56;
	v57 =	vadd.f32 v61, v60;
	v60 =	vmul.f32 v28, v0;
	v0 =	vld [tilespmem:$0x1EDE0];
	_ =	sdelay $0x4  }
0x386: {  	v54 =	vadd.f32 v55, v54;
	v55 =	vmul.f32 v27, v0;
	v0 =	vld [tilespmem:$0x1EAE0];
	_ =	sdelay $0x4  }
0x387: {  	v61 =	vmul.f32 v36, v0;
	v0 =	vld [tilespmem:$0x1EF60];
	_ =	sdelay $0x4  }
0x388: {  	v57 =	vadd.f32 v59, v57;
	v59 =	vmul.f32 v43, v0;
	v0 =	vld [tilespmem:$0x1EDF0];
	_ =	sdelay $0x4  }
0x389: {  	v54 =	vadd.f32 v55, v54;
	v55 =	vmul.f32 v25, v0;
	v0 =	vld [tilespmem:$0x1ECA0];
	_ =	sdelay $0x4  }
0x38a: {  	v56 =	vadd.f32 v60, v56;
	v60 =	vmul.f32 v32, v0;
	v0 =	vld [tilespmem:$0x1EF70];
	_ =	sdelay $0x4  }
0x38b: {  	v57 =	vadd.f32 v59, v57;
	v59 =	vmul.f32 v41, v0;
	v0 =	vld [tilespmem:$0x1EE00];
	_ =	sdelay $0x4  }
0x38c: {  	v54 =	vadd.f32 v55, v54;
	v55 =	vmul.f32 v23, v0;
	v0 =	vld [tilespmem:$0x1EF80];
	_ =	sdelay $0x4  }
0x38d: {  	v57 =	vadd.f32 v59, v57;
	v59 =	vmul.f32 v40, v0;
	v0 =	vld [tilespmem:$0x1ECB0];
	_ =	sdelay $0x4  }
0x38e: {  	v56 =	vadd.f32 v60, v56;
	v60 =	vmul.f32 v33, v0;
	v0 =	vld [tilespmem:$0x1EE10];
	_ =	sdelay $0x4  }
0x38f: {  	v54 =	vadd.f32 v55, v54;
	v55 =	vmul.f32 v24, v0;
	v0 =	vld [tilespmem:$0x1EAF0];
	_ =	sdelay $0x4  }
0x390: {  	v58 =	vadd.f32 v61, v58;
	v61 =	vmul.f32 v42, v0;
	v0 =	vld [tilespmem:$0x1EF90];
	_ =	sdelay $0x4  }
0x391: {  	v57 =	vadd.f32 v59, v57;
	v59 =	vmul.f32 v39, v0;
	v0 =	vld [tilespmem:$0x1EE20];
	_ =	sdelay $0x4  }
0x392: {  	v54 =	vadd.f32 v55, v54;
	v55 =	vmul.f32 v21, v0;
	v0 =	vld [tilespmem:$0x1ECC0];
	_ =	sdelay $0x4  }
0x393: {  	v56 =	vadd.f32 v60, v56;
	v60 =	vmul.f32 v31, v0;
	v0 =	vld [tilespmem:$0x1EFA0];
	_ =	sdelay $0x4  }
0x394: {  	v57 =	vadd.f32 v59, v57;
	v59 =	vmul.f32 v38, v0;
	v0 =	vld [tilespmem:$0x1EE30];
	_ =	sdelay $0x4  }
0x395: {  	v54 =	vadd.f32 v55, v54;
	v55 =	vmul.f32 v19, v0;
	v0 =	vld [tilespmem:$0x1EFB0];
	_ =	sdelay $0x4  }
0x396: {  	v57 =	vadd.f32 v59, v57;
	v59 =	vmul.f32 v37, v0;
	v0 =	vld [tilespmem:$0x1ECD0];
	_ =	sdelay $0x4  }
0x397: {  	v56 =	vadd.f32 v60, v56;
	v60 =	vmul.f32 v29, v0;
	v0 =	vld [tilespmem:$0x1EE40];
	_ =	sdelay $0x4  }
0x398: {  	v54 =	vadd.f32 v55, v54;
	v55 =	vmul.f32 v17, v0;
	v0 =	vld [tilespmem:$0x1EB00];
	_ =	sdelay $0x4  }
0x399: {  	v58 =	vadd.f32 v61, v58;
	v61 =	vmul.f32 v45, v0;
	v0 =	vld [tilespmem:$0x1EFC0];
	_ =	sdelay $0x4  }
0x39a: {  	v57 =	vadd.f32 v59, v57;
	v59 =	vmul.f32 v35, v0;
	v0 =	vld [tilespmem:$0x1EE50];
	_ =	sdelay $0x4  }
0x39b: {  	v56 =	vadd.f32 v60, v56;
	v60 =	vmul.f32 v16, v0;
	v0 =	vld [tilespmem:$0x1ECE0];
	_ =	sdelay $0x4  }
0x39c: {  	v5 =	vmov v62;
	v62 =	vmul.f32 v36, v0;
	v0 =	vld [tilespmem:$0x1EFD0];
	_ =	sdelay $0x4  }
0x39d: {  	v57 =	vadd.f32 v59, v57;
	v59 =	vmul.f32 v34, v0;
	v0 =	vld [tilespmem:$0x1EE60];
	_ =	sdelay $0x4  }
0x39e: {  	v55 =	vadd.f32 v55, v54;
	v54 =	vadd.f32 v61, v58;
	v58 =	vmul.f32 v18, v0;
	v0 =	vld [tilespmem:$0x1EFE0];
	_ =	sdelay $0x4  }
0x39f: {  	v57 =	vadd.f32 v59, v57;
	v59 =	vmul.f32 v30, v0;
	v0 =	vld [tilespmem:$0x1ECF0];
	_ =	sdelay $0x4  }
0x3a0: {  	v55 =	vadd.f32 v60, v55;
	v60 =	vmul.f32 v42, v0;
	v0 =	vld [tilespmem:$0x1F140];
	_ =	sdelay $0x4  }
0x3a1: {  	v55 =	vadd.f32 v58, v55;
	v58 =	vmul.f32 v47, v0;
	v0 =	vld [tilespmem:$0x1EE70];
	_ =	sdelay $0x4  }
0x3a2: {  	v61 =	vmul.f32 v20, v0;
	v0 =	vld [tilespmem:$0x1EFF0];
	_ =	sdelay $0x4  }
0x3a3: {  	v57 =	vadd.f32 v59, v57;
	v59 =	vmul.f32 v27, v0;
	v0 =	vld [tilespmem:$0x1FAC0];
	_ =	sdelay $0x4  }
0x3a4: {  	v58 =	vadd.f32 v58, v0;
	v0 =	vld [tilespmem:$0x1F150];
	_ =	sdelay $0x2  }
0x3a5: {  	v56 =	vadd.f32 v62, v56;
	_ =	sdelay $0x1  }
0x3a6: {  	v56 =	vadd.f32 v60, v56;
	v60 =	vmul.f32 v46, v0;
	v0 =	vld [tilespmem:$0x1F000];
	_ =	sdelay $0x4  }
0x3a7: {  	v57 =	vadd.f32 v59, v57;
	v59 =	vmul.f32 v25, v0;
	v0 =	vld [tilespmem:$0x1EE80];
	_ =	sdelay $0x4  }
0x3a8: {  	v55 =	vadd.f32 v61, v55;
	v61 =	vmul.f32 v22, v0;
	v0 =	vld [tilespmem:$0x1F160];
	_ =	sdelay $0x4  }
0x3a9: {  	v58 =	vadd.f32 v60, v58;
	v60 =	vmul.f32 v44, v0;
	v0 =	vld [tilespmem:$0x1ED50];
	_ =	sdelay $0x4  }
0x3aa: {  	v62 =	vmul.f32 v45, v0;
	v0 =	vld [tilespmem:$0x1F010];
	_ =	sdelay $0x4  }
0x3ab: {  	v57 =	vadd.f32 v59, v57;
	v59 =	vmul.f32 v23, v0;
	v0 =	vld [tilespmem:$0x1F170];
	_ =	sdelay $0x4  }
0x3ac: {  	v58 =	vadd.f32 v60, v58;
	v60 =	vmul.f32 v43, v0;
	v0 =	vld [tilespmem:$0x1EE90];
	_ =	sdelay $0x4  }
0x3ad: {  	v4 =	vmov v63;
	v63 =	vmul.f32 v26, v0;
	v0 =	vld [tilespmem:$0x1F020];
	_ =	sdelay $0x4  }
0x3ae: {  	v57 =	vadd.f32 v59, v57;
	v59 =	vmul.f32 v24, v0;
	v0 =	vld [tilespmem:$0x1F180];
	_ =	sdelay $0x3  }
0x3af: {  	v61 =	vadd.f32 v61, v55  }
0x3b0: {  	v55 =	vadd.f32 v62, v56;
	v56 =	vadd.f32 v60, v58;
	v58 =	vmul.f32 v41, v0;
	v0 =	vld [tilespmem:$0x1F030];
	_ =	sdelay $0x4  }
0x3b1: {  	v57 =	vadd.f32 v59, v57;
	v59 =	vmul.f32 v21, v0;
	v0 =	vld [tilespmem:$0x1EEA0];
	_ =	sdelay $0x4  }
0x3b2: {  	v60 =	vadd.f32 v63, v61;
	v61 =	vmul.f32 v28, v0;
	v0 =	vld [tilespmem:$0x1F190];
	_ =	sdelay $0x4  }
0x3b3: {  	v56 =	vadd.f32 v58, v56;
	v58 =	vmul.f32 v40, v0;
	v0 =	vld [tilespmem:$0x1F040];
	_ =	sdelay $0x4  }
0x3b4: {  	v57 =	vadd.f32 v59, v57;
	v59 =	vmul.f32 v19, v0;
	v0 =	vld [tilespmem:$0x1F350];
	_ =	sdelay $0x4  }
0x3b5: {  	v62 =	vmul.f32 v47, v0;
	v0 =	vld [tilespmem:$0x1F1A0];
	_ =	sdelay $0x4  }
0x3b6: {  	v56 =	vadd.f32 v58, v56;
	v58 =	vmul.f32 v39, v0;
	v0 =	vld [tilespmem:$0x1FAD0];
	_ =	sdelay $0x4  }
0x3b7: {  	v57 =	vadd.f32 v59, v57;
	v59 =	vadd.f32 v62, v0;
	v0 =	vld [tilespmem:$0x1F360];
	_ =	sdelay $0x4  }
0x3b8: {  	v60 =	vadd.f32 v61, v60;
	v61 =	vmul.f32 v46, v0;
	v0 =	vld [tilespmem:$0x1F050];
	_ =	sdelay $0x4  }
0x3b9: {  	v62 =	vmul.f32 v17, v0;
	v0 =	vld [tilespmem:$0x1F1B0];
	_ =	sdelay $0x4  }
0x3ba: {  	v56 =	vadd.f32 v58, v56;
	v58 =	vmul.f32 v38, v0;
	v0 =	vld [tilespmem:$0x1EEB0];
	_ =	sdelay $0x4  }
0x3bb: {  	v63 =	vmul.f32 v32, v0;
	v0 =	vld [tilespmem:$0x1F370];
	_ =	sdelay $0x4  }
0x3bc: {  	v59 =	vadd.f32 v61, v59;
	v61 =	vmul.f32 v44, v0;
	v0 =	vld [tilespmem:$0x1F1C0];
	_ =	sdelay $0x4  }
0x3bd: {  	v56 =	vadd.f32 v58, v56;
	v58 =	vmul.f32 v37, v0;
	v0 =	vld [tilespmem:$0x1F060];
	_ =	sdelay $0x4  }
0x3be: {  	v57 =	vadd.f32 v62, v57;
	v62 =	vmul.f32 v16, v0;
	v0 =	vld [tilespmem:$0x1F380];
	_ =	sdelay $0x4  }
0x3bf: {  	v59 =	vadd.f32 v61, v59;
	v61 =	vmul.f32 v43, v0;
	v0 =	vld [tilespmem:$0x1F1D0];
	_ =	sdelay $0x4  }
0x3c0: {  	v56 =	vadd.f32 v58, v56;
	v58 =	vmul.f32 v35, v0;
	v0 =	vld [tilespmem:$0x1F390];
	_ =	sdelay $0x4  }
0x3c1: {  	v59 =	vadd.f32 v61, v59;
	v61 =	vmul.f32 v41, v0;
	v0 =	vld [tilespmem:$0x1F070];
	_ =	sdelay $0x4  }
0x3c2: {  	v57 =	vadd.f32 v62, v57;
	v62 =	vmul.f32 v18, v0;
	v0 =	vld [tilespmem:$0x1F1E0];
	_ =	sdelay $0x4  }
0x3c3: {  	v56 =	vadd.f32 v58, v56;
	v58 =	vmul.f32 v34, v0;
	v0 =	vld [tilespmem:$0x1EEC0];
	_ =	sdelay $0x4  }
0x3c4: {  	v60 =	vadd.f32 v63, v60;
	v63 =	vmul.f32 v33, v0;
	v0 =	vld [tilespmem:$0x1F3A0];
	_ =	sdelay $0x4  }
0x3c5: {  	v59 =	vadd.f32 v61, v59;
	v61 =	vmul.f32 v40, v0;
	v0 =	vld [tilespmem:$0x1F1F0];
	_ =	sdelay $0x4  }
0x3c6: {  	v56 =	vadd.f32 v58, v56;
	v58 =	vmul.f32 v30, v0;
	v0 =	vld [tilespmem:$0x1F080];
	_ =	sdelay $0x4  }
0x3c7: {  	v57 =	vadd.f32 v62, v57;
	v62 =	vmul.f32 v20, v0;
	v0 =	vld [tilespmem:$0x1F3B0];
	_ =	sdelay $0x4  }
0x3c8: {  	v59 =	vadd.f32 v61, v59;
	v61 =	vmul.f32 v39, v0;
	v0 =	vld [tilespmem:$0x1F200];
	_ =	sdelay $0x4  }
0x3c9: {  	v56 =	vadd.f32 v58, v56;
	v58 =	vmul.f32 v27, v0;
	v0 =	vld [tilespmem:$0x1F3C0];
	_ =	sdelay $0x4  }
0x3ca: {  	v59 =	vadd.f32 v61, v59;
	v61 =	vmul.f32 v38, v0;
	v0 =	vld [tilespmem:$0x1F090];
	_ =	sdelay $0x4  }
0x3cb: {  	v57 =	vadd.f32 v62, v57;
	v62 =	vmul.f32 v22, v0;
	v0 =	vld [tilespmem:$0x1F210];
	_ =	sdelay $0x4  }
0x3cc: {  	v56 =	vadd.f32 v58, v56;
	v58 =	vmul.f32 v25, v0;
	v0 =	vld [tilespmem:$0x1EED0];
	_ =	sdelay $0x4  }
0x3cd: {  	v60 =	vadd.f32 v63, v60;
	v63 =	vmul.f32 v31, v0;
	v0 =	vld [tilespmem:$0x1F3D0];
	_ =	sdelay $0x4  }
0x3ce: {  	v59 =	vadd.f32 v61, v59;
	v61 =	vmul.f32 v37, v0;
	v0 =	vld [tilespmem:$0x1F220];
	_ =	sdelay $0x4  }
0x3cf: {  	v56 =	vadd.f32 v58, v56;
	v58 =	vmul.f32 v23, v0;
	v0 =	vld [tilespmem:$0x1F0A0];
	_ =	sdelay $0x4  }
0x3d0: {  	v57 =	vadd.f32 v62, v57;
	v62 =	vmul.f32 v26, v0;
	v0 =	vld [tilespmem:$0x1F3E0];
	_ =	sdelay $0x4  }
0x3d1: {  	v59 =	vadd.f32 v61, v59;
	v61 =	vmul.f32 v35, v0;
	v0 =	vld [tilespmem:$0x1F230];
	_ =	sdelay $0x4  }
0x3d2: {  	v56 =	vadd.f32 v58, v56;
	v58 =	vmul.f32 v24, v0;
	v0 =	vld [tilespmem:$0x1F3F0];
	_ =	sdelay $0x4  }
0x3d3: {  	v59 =	vadd.f32 v61, v59;
	v61 =	vmul.f32 v34, v0;
	v0 =	vld [tilespmem:$0x1F0B0];
	_ =	sdelay $0x4  }
0x3d4: {  	v57 =	vadd.f32 v62, v57;
	v62 =	vmul.f32 v28, v0;
	v0 =	vld [tilespmem:$0x1F240];
	_ =	sdelay $0x4  }
0x3d5: {  	v56 =	vadd.f32 v58, v56;
	v58 =	vmul.f32 v21, v0;
	v0 =	vld [tilespmem:$0x1EEE0];
	_ =	sdelay $0x4  }
0x3d6: {  	v60 =	vadd.f32 v63, v60;
	v63 =	vmul.f32 v29, v0;
	v0 =	vld [tilespmem:$0x1F400];
	_ =	sdelay $0x4  }
0x3d7: {  	v59 =	vadd.f32 v61, v59;
	v61 =	vmul.f32 v30, v0;
	v0 =	vld [tilespmem:$0x1F250];
	_ =	sdelay $0x4  }
0x3d8: {  	v56 =	vadd.f32 v58, v56;
	v58 =	vmul.f32 v19, v0;
	v0 =	vld [tilespmem:$0x1F0C0];
	_ =	sdelay $0x4  }
0x3d9: {  	v57 =	vadd.f32 v62, v57;
	v62 =	vmul.f32 v32, v0;
	v0 =	vld [tilespmem:$0x1F410];
	_ =	sdelay $0x4  }
0x3da: {  	v59 =	vadd.f32 v61, v59;
	v61 =	vmul.f32 v27, v0;
	v0 =	vld [tilespmem:$0x1F260];
	_ =	sdelay $0x4  }
0x3db: {  	v56 =	vadd.f32 v58, v56;
	v58 =	vmul.f32 v17, v0;
	v0 =	vld [tilespmem:$0x1F420];
	_ =	sdelay $0x4  }
0x3dc: {  	v59 =	vadd.f32 v61, v59;
	v61 =	vmul.f32 v25, v0;
	v0 =	vld [tilespmem:$0x1F0D0];
	_ =	sdelay $0x4  }
0x3dd: {  	v57 =	vadd.f32 v62, v57;
	v62 =	vmul.f32 v33, v0;
	v0 =	vld [tilespmem:$0x1F270];
	_ =	sdelay $0x4  }
0x3de: {  	v56 =	vadd.f32 v58, v56;
	v58 =	vmul.f32 v16, v0;
	v0 =	vld [tilespmem:$0x1EEF0];
	_ =	sdelay $0x4  }
0x3df: {  	v60 =	vadd.f32 v63, v60;
	v63 =	vmul.f32 v36, v0;
	v0 =	vld [tilespmem:$0x1F430];
	_ =	sdelay $0x4  }
0x3e0: {  	v59 =	vadd.f32 v61, v59;
	v61 =	vmul.f32 v23, v0;
	v0 =	vld [tilespmem:$0x1F280];
	_ =	sdelay $0x4  }
0x3e1: {  	v56 =	vadd.f32 v58, v56;
	v58 =	vmul.f32 v18, v0;
	v0 =	vld [tilespmem:$0x1F0E0];
	_ =	sdelay $0x4  }
0x3e2: {  	v57 =	vadd.f32 v62, v57;
	v62 =	vmul.f32 v31, v0;
	v0 =	vld [tilespmem:$0x1F440];
	_ =	sdelay $0x4  }
0x3e3: {  	v59 =	vadd.f32 v61, v59;
	v61 =	vmul.f32 v24, v0;
	v0 =	vld [tilespmem:$0x1F290];
	_ =	sdelay $0x4  }
0x3e4: {  	v56 =	vadd.f32 v58, v56;
	v58 =	vmul.f32 v20, v0;
	v0 =	vld [tilespmem:$0x1F450];
	_ =	sdelay $0x4  }
0x3e5: {  	v59 =	vadd.f32 v61, v59;
	v61 =	vmul.f32 v21, v0;
	v0 =	vld [tilespmem:$0x1F0F0];
	_ =	sdelay $0x4  }
0x3e6: {  	v57 =	vadd.f32 v62, v57;
	v62 =	vmul.f32 v29, v0;
	v0 =	vld [tilespmem:$0x1F2A0];
	_ =	sdelay $0x4  }
0x3e7: {  	v56 =	vadd.f32 v58, v56;
	v58 =	vmul.f32 v22, v0;
	v0 =	vld [tilespmem:$0x1EF00];
	_ =	sdelay $0x4  }
0x3e8: {  	v60 =	vadd.f32 v63, v60;
	v63 =	vmul.f32 v42, v0;
	v0 =	vld [tilespmem:$0x1F460];
	_ =	sdelay $0x4  }
0x3e9: {  	v59 =	vadd.f32 v61, v59;
	v61 =	vmul.f32 v19, v0;
	v0 =	vld [tilespmem:$0x1F2B0];
	_ =	sdelay $0x4  }
0x3ea: {  	v56 =	vadd.f32 v58, v56;
	v58 =	vmul.f32 v26, v0;
	v0 =	vld [tilespmem:$0x1F100];
	_ =	sdelay $0x4  }
0x3eb: {  	v57 =	vadd.f32 v62, v57;
	v62 =	vmul.f32 v36, v0;
	v0 =	vld [tilespmem:$0x1F470];
	_ =	sdelay $0x4  }
0x3ec: {  	v59 =	vadd.f32 v61, v59;
	v61 =	vmul.f32 v17, v0;
	v0 =	vld [tilespmem:$0x1F2C0];
	_ =	sdelay $0x4  }
0x3ed: {  	v56 =	vadd.f32 v58, v56;
	v58 =	vmul.f32 v28, v0;
	v0 =	vld [tilespmem:$0x1F480];
	_ =	sdelay $0x4  }
0x3ee: {  	v59 =	vadd.f32 v61, v59;
	v61 =	vmul.f32 v16, v0;
	v0 =	vld [tilespmem:$0x1F110];
	_ =	sdelay $0x4  }
0x3ef: {  	v57 =	vadd.f32 v62, v57;
	v62 =	vmul.f32 v42, v0;
	v0 =	vld [tilespmem:$0x1F2D0];
	_ =	sdelay $0x4  }
0x3f0: {  	v56 =	vadd.f32 v58, v56;
	v58 =	vmul.f32 v32, v0;
	v0 =	vld [tilespmem:$0x1EF10];
	_ =	sdelay $0x4  }
0x3f1: {  	v60 =	vadd.f32 v63, v60;
	v63 =	vmul.f32 v45, v0;
	v0 =	vld [tilespmem:$0x1F490];
	_ =	sdelay $0x1  }
0x3f2: {  	v3 =	vld [tilespmem:$0x1F4A0];
	_ =	sdelay $0x2  }
0x3f3: {  	v1 =	vld [tilespmem:$0x1F2E0];
	v59 =	vadd.f32 v61, v59;
	v61 =	vmul.f32 v18, v0;
	_ =	sdelay $0x1  }
0x3f4: {  	v59 =	vadd.f32 v61, v59;
	v61 =	vmul.f32 v20, v3;
	v3 =	vld [tilespmem:$0x1F6A0]  }
0x3f5: {  	v0 =	vld [tilespmem:$0x1F120];
	_ =	sdelay $0x1  }
0x3f6: {  	v1 =	vmul.f32 v33, v1;
	v58 =	vadd.f32 v58, v56;
	_ =	sdelay $0x1  }
0x3f7: {  	v1 =	vadd.f32 v1, v58;
	v58 =	vadd.f32 v61, v59;
	v59 =	vmul.f32 v47, v3;
	v3 =	vld [tilespmem:$0x1F4B0]  }
0x3f8: {  	v62 =	vadd.f32 v62, v57;
	v0 =	vmul.f32 v45, v0;
	_ =	sdelay $0x1  }
0x3f9: {  	v56 =	vadd.f32 v0, v62;
	v0 =	vld [tilespmem:$0x1F560];
	_ =	sdelay $0x1  }
0x3fa: {  	v57 =	vadd.f32 v63, v60;
	v60 =	vmul.f32 v22, v3;
	v3 =	vld [tilespmem:$0x1FAE0];
	_ =	sdelay $0x2  }
0x3fb: {  	v0 =	vmul.f32 v47, v0;
	_ =	sdelay $0x1  }
0x3fc: {  	v0 =	vadd.f32 v0, v3;
	v3 =	vld [tilespmem:$0x1F570];
	_ =	sdelay $0x4  }
0x3fd: {  	v61 =	vmul.f32 v46, v3;
	v3 =	vld [tilespmem:$0x1F2F0];
	_ =	sdelay $0x4  }
0x3fe: {  	v62 =	vmul.f32 v31, v3;
	v3 =	vld [tilespmem:$0x1FAF0];
	_ =	sdelay $0x4  }
0x3ff: {  	v59 =	vadd.f32 v59, v3;
	v3 =	vld [tilespmem:$0x1F6B0];
	_ =	sdelay $0x4  }
0x400: {  	v63 =	vmul.f32 v46, v3;
	v3 =	vld [tilespmem:$0x1F580];
	_ =	sdelay $0x4  }
0x401: {  	v58 =	vadd.f32 v60, v58;
	v60 =	vmul.f32 v44, v3;
	v3 =	vld [tilespmem:$0x1F4C0];
	_ =	sdelay $0x4  }
0x402: {  	v0 =	vadd.f32 v61, v0;
	v61 =	vmul.f32 v26, v3;
	v3 =	vld [tilespmem:$0x1F6C0];
	_ =	sdelay $0x4  }
0x403: {  	v59 =	vadd.f32 v63, v59;
	v63 =	vmul.f32 v44, v3;
	v3 =	vld [tilespmem:$0x1F590];
	_ =	sdelay $0x4  }
0x404: {  	v0 =	vadd.f32 v60, v0;
	v60 =	vmul.f32 v43, v3;
	v3 =	vld [tilespmem:$0x1F6D0];
	_ =	sdelay $0x4  }
0x405: {  	v58 =	vadd.f32 v61, v58;
	v61 =	vmul.f32 v43, v3;
	v3 =	vld [tilespmem:$0x1F4D0];
	_ =	sdelay $0x4  }
0x406: {  	v1 =	vadd.f32 v62, v1;
	v62 =	vmul.f32 v28, v3;
	v3 =	vld [tilespmem:$0x1F5A0];
	_ =	sdelay $0x4  }
0x407: {  	v0 =	vadd.f32 v60, v0;
	v60 =	vmul.f32 v41, v3;
	v3 =	vld [tilespmem:$0x1F300];
	_ =	sdelay $0x4  }
0x408: {  	v59 =	vadd.f32 v63, v59;
	v63 =	vmul.f32 v29, v3;
	v3 =	vld [tilespmem:$0x1F6E0];
	_ =	sdelay $0x4  }
0x409: {  	v59 =	vadd.f32 v61, v59;
	v61 =	vmul.f32 v41, v3;
	v3 =	vld [tilespmem:$0x1F5B0];
	_ =	sdelay $0x4  }
0x40a: {  	v0 =	vadd.f32 v60, v0;
	v60 =	vmul.f32 v40, v3;
	v3 =	vld [tilespmem:$0x1F4E0];
	_ =	sdelay $0x4  }
0x40b: {  	v58 =	vadd.f32 v62, v58;
	v62 =	vmul.f32 v32, v3;
	v3 =	vld [tilespmem:$0x1F6F0];
	_ =	sdelay $0x4  }
0x40c: {  	v59 =	vadd.f32 v61, v59;
	v61 =	vmul.f32 v40, v3;
	v3 =	vld [tilespmem:$0x1F5C0];
	_ =	sdelay $0x4  }
0x40d: {  	v0 =	vadd.f32 v60, v0;
	v60 =	vmul.f32 v39, v3;
	v3 =	vld [tilespmem:$0x1F700];
	_ =	sdelay $0x4  }
0x40e: {  	v59 =	vadd.f32 v61, v59;
	v61 =	vmul.f32 v39, v3;
	v3 =	vld [tilespmem:$0x1F4F0];
	_ =	sdelay $0x4  }
0x40f: {  	v58 =	vadd.f32 v62, v58;
	v62 =	vmul.f32 v33, v3;
	v3 =	vld [tilespmem:$0x1F5D0];
	_ =	sdelay $0x4  }
0x410: {  	v0 =	vadd.f32 v60, v0;
	v60 =	vmul.f32 v38, v3;
	v3 =	vld [tilespmem:$0x1F310];
	_ =	sdelay $0x4  }
0x411: {  	v1 =	vadd.f32 v63, v1;
	v63 =	vmul.f32 v36, v3;
	v3 =	vld [tilespmem:$0x1F710];
	_ =	sdelay $0x4  }
0x412: {  	v59 =	vadd.f32 v61, v59;
	v61 =	vmul.f32 v38, v3;
	v3 =	vld [tilespmem:$0x1F5E0];
	_ =	sdelay $0x4  }
0x413: {  	v0 =	vadd.f32 v60, v0;
	v60 =	vmul.f32 v37, v3;
	v3 =	vld [tilespmem:$0x1F500];
	_ =	sdelay $0x4  }
0x414: {  	v58 =	vadd.f32 v62, v58;
	v62 =	vmul.f32 v31, v3;
	v3 =	vld [tilespmem:$0x1F720];
	_ =	sdelay $0x4  }
0x415: {  	v59 =	vadd.f32 v61, v59;
	v61 =	vmul.f32 v37, v3;
	v3 =	vld [tilespmem:$0x1F5F0];
	_ =	sdelay $0x4  }
0x416: {  	v0 =	vadd.f32 v60, v0;
	v60 =	vmul.f32 v35, v3;
	v3 =	vld [tilespmem:$0x1F730];
	_ =	sdelay $0x4  }
0x417: {  	v59 =	vadd.f32 v61, v59;
	v61 =	vmul.f32 v35, v3;
	v3 =	vld [tilespmem:$0x1F510];
	_ =	sdelay $0x4  }
0x418: {  	v58 =	vadd.f32 v62, v58;
	v62 =	vmul.f32 v29, v3;
	v3 =	vld [tilespmem:$0x1F600];
	_ =	sdelay $0x4  }
0x419: {  	v0 =	vadd.f32 v60, v0;
	v60 =	vmul.f32 v34, v3;
	v3 =	vld [tilespmem:$0x1F320];
	_ =	sdelay $0x4  }
0x41a: {  	v1 =	vadd.f32 v63, v1;
	v63 =	vmul.f32 v42, v3;
	v3 =	vld [tilespmem:$0x1F740];
	_ =	sdelay $0x4  }
0x41b: {  	v59 =	vadd.f32 v61, v59;
	v61 =	vmul.f32 v34, v3;
	v3 =	vld [tilespmem:$0x1F610];
	_ =	sdelay $0x4  }
0x41c: {  	v0 =	vadd.f32 v60, v0;
	v60 =	vmul.f32 v30, v3;
	v3 =	vld [tilespmem:$0x1F520];
	_ =	sdelay $0x4  }
0x41d: {  	v58 =	vadd.f32 v62, v58;
	v62 =	vmul.f32 v36, v3;
	v3 =	vld [tilespmem:$0x1F750];
	_ =	sdelay $0x4  }
0x41e: {  	v59 =	vadd.f32 v61, v59;
	v61 =	vmul.f32 v30, v3;
	v3 =	vld [tilespmem:$0x1F620];
	_ =	sdelay $0x4  }
0x41f: {  	v0 =	vadd.f32 v60, v0;
	v60 =	vmul.f32 v27, v3;
	v3 =	vld [tilespmem:$0x1F760];
	_ =	sdelay $0x4  }
0x420: {  	v59 =	vadd.f32 v61, v59;
	v61 =	vmul.f32 v27, v3;
	v3 =	vld [tilespmem:$0x1F530];
	_ =	sdelay $0x4  }
0x421: {  	v58 =	vadd.f32 v62, v58;
	v62 =	vmul.f32 v42, v3;
	v3 =	vld [tilespmem:$0x1F630];
	_ =	sdelay $0x4  }
0x422: {  	v0 =	vadd.f32 v60, v0;
	v60 =	vmul.f32 v25, v3;
	v3 =	vld [tilespmem:$0x1F330];
	_ =	sdelay $0x4  }
0x423: {  	v1 =	vadd.f32 v63, v1;
	v63 =	vmul.f32 v45, v3;
	v3 =	vld [tilespmem:$0x1F770];
	_ =	sdelay $0x4  }
0x424: {  	v59 =	vadd.f32 v61, v59;
	v61 =	vmul.f32 v25, v3;
	v3 =	vld [tilespmem:$0x1F640];
	_ =	sdelay $0x4  }
0x425: {  	v0 =	vadd.f32 v60, v0;
	v60 =	vmul.f32 v23, v3;
	v3 =	vld [tilespmem:$0x1F540];
	_ =	sdelay $0x1  }
0x426: {  	v61 =	vadd.f32 v61, v59;
	v59 =	vadd.f32 v63, v1;
	v63 =	vmov v4;
	v4 =	vld [tilespmem:$0x1F790];
	_ =	sdelay $0x2  }
0x427: {  	v58 =	vadd.f32 v62, v58;
	v62 =	vmul.f32 v45, v3;
	v3 =	vmov v2;
	v2 =	vld [tilespmem:$0x1F780]  }
0x428: {  	v1 =	vld [tilespmem:$0x1F650]  }
0x429: {  	v0 =	vadd.f32 v60, v0;
	v60 =	vmul.f32 v24, v4;
	v4 =	vld [tilespmem:$0x1F8A0];
	_ =	sdelay $0x2  }
0x42a: {  	v2 =	vmul.f32 v23, v2;
	_ =	sdelay $0x1  }
0x42b: {  	v1 =	vmul.f32 v24, v1;
	v2 =	vadd.f32 v2, v61;
	v61 =	vmul.f32 v47, v4;
	v4 =	vld [tilespmem:$0x1F7A0];
	_ =	sdelay $0x1  }
0x42c: {  	v0 =	vadd.f32 v1, v0;
	v1 =	vld [tilespmem:$0x1F660];
	_ =	sdelay $0x2  }
0x42d: {  	v2 =	vadd.f32 v60, v2;
	v60 =	vmul.f32 v21, v4;
	v4 =	vld [tilespmem:$0x1FB20];
	_ =	sdelay $0x1  }
0x42e: {  	v1 =	vmul.f32 v21, v1;
	_ =	sdelay $0x1  }
0x42f: {  	v0 =	vadd.f32 v1, v0;
	v1 =	vld [tilespmem:$0x1FB00]  }
0x430: {  	v47 =	vmul.f32 v47, v4;
	v4 =	vld [tilespmem:$0x1F8B0];
	_ =	sdelay $0x4  }
0x431: {  	v1 =	vadd.f32 v61, v1;
	v61 =	vmul.f32 v46, v4;
	v4 =	vld [tilespmem:$0x1FB10];
	_ =	sdelay $0x4  }
0x432: {  	v47 =	vadd.f32 v47, v4;
	v4 =	vld [tilespmem:$0x1FB30];
	_ =	sdelay $0x4  }
0x433: {  	v46 =	vmul.f32 v46, v4;
	v4 =	vld [tilespmem:$0x1F670];
	_ =	sdelay $0x4  }
0x434: {  	v2 =	vadd.f32 v60, v2;
	v60 =	vmul.f32 v19, v4;
	v4 =	vld [tilespmem:$0x1F8C0];
	_ =	sdelay $0x4  }
0x435: {  	v1 =	vadd.f32 v61, v1;
	v61 =	vmul.f32 v44, v4;
	v4 =	vld [tilespmem:$0x1F7B0];
	_ =	sdelay $0x4  }
0x436: {  	v46 =	vadd.f32 v46, v47;
	v47 =	vmul.f32 v19, v4;
	v4 =	vld [tilespmem:$0x1FB40];
	_ =	sdelay $0x4  }
0x437: {  	v44 =	vmul.f32 v44, v4;
	v4 =	vld [tilespmem:$0x1F8D0];
	_ =	sdelay $0x4  }
0x438: {  	v0 =	vadd.f32 v60, v0;
	v60 =	vmul.f32 v43, v4;
	v4 =	vld [tilespmem:$0x1FB50];
	_ =	sdelay $0x4  }
0x439: {  	v43 =	vmul.f32 v43, v4;
	v4 =	vld [tilespmem:$0x1F680];
	_ =	sdelay $0x4  }
0x43a: {  	v44 =	vadd.f32 v44, v46;
	v46 =	vmul.f32 v17, v4;
	v4 =	vld [tilespmem:$0x1F8E0];
	_ =	sdelay $0x4  }
0x43b: {  	v2 =	vadd.f32 v47, v2;
	v47 =	vmul.f32 v41, v4;
	v4 =	vld [tilespmem:$0x1F7C0];
	_ =	sdelay $0x4  }
0x43c: {  	v43 =	vadd.f32 v43, v44;
	v44 =	vmul.f32 v17, v4;
	v4 =	vld [tilespmem:$0x1FB60];
	_ =	sdelay $0x4  }
0x43d: {  	v41 =	vmul.f32 v41, v4;
	v4 =	vld [tilespmem:$0x1F8F0];
	_ =	sdelay $0x4  }
0x43e: {  	v0 =	vadd.f32 v46, v0;
	v46 =	vmul.f32 v40, v4;
	v4 =	vld [tilespmem:$0x1FB70];
	_ =	sdelay $0x4  }
0x43f: {  	v40 =	vmul.f32 v40, v4;
	v4 =	vld [tilespmem:$0x1F900];
	_ =	sdelay $0x2  }
0x440: {  	v1 =	vadd.f32 v61, v1;
	_ =	sdelay $0x1  }
0x441: {  	v1 =	vadd.f32 v60, v1;
	v2 =	vadd.f32 v44, v2;
	v44 =	vmul.f32 v39, v4;
	v4 =	vld [tilespmem:$0x1FB80];
	_ =	sdelay $0x1  }
0x442: {  	v1 =	vadd.f32 v47, v1;
	_ =	sdelay $0x1  }
0x443: {  	v1 =	vadd.f32 v46, v1;
	v46 =	vld [tilespmem:$0x1FFD0]  }
0x444: {  	v39 =	vmul.f32 v39, v4;
	v4 =	vld [tilespmem:$0x1F910];
	_ =	sdelay $0x2  }
0x445: {  	v41 =	vadd.f32 v41, v43;
	_ =	sdelay $0x1  }
0x446: {  	v40 =	vadd.f32 v40, v41;
	v41 =	vmul.f32 v16, v46;
	v46 =	vmul.f32 v38, v4;
	v4 =	vld [tilespmem:$0x1FB90];
	_ =	sdelay $0x2  }
0x447: {  	v47 =	vld [tilespmem:$0x1FF00]  }
0x448: {  	v1 =	vadd.f32 v44, v1;
	v44 =	vld [tilespmem:$0x1FF10]  }
0x449: {  	v38 =	vmul.f32 v38, v4;
	v4 =	vld [tilespmem:$0x1F920];
	_ =	sdelay $0x3  }
0x44a: {  	v43 =	vmul.f32 v16, v47  }
0x44b: {  	v47 =	vmul.f32 v18, v44;
	v44 =	vmul.f32 v37, v4;
	v4 =	vld [tilespmem:$0x1F7D0];
	_ =	sdelay $0x4  }
0x44c: {  	v1 =	vadd.f32 v46, v1;
	v46 =	vmul.f32 v18, v4;
	v4 =	vld [tilespmem:$0x1FBA0];
	_ =	sdelay $0x4  }
0x44d: {  	v37 =	vmul.f32 v37, v4;
	v4 =	vld [tilespmem:$0x1F930];
	_ =	sdelay $0x4  }
0x44e: {  	v1 =	vadd.f32 v44, v1;
	v44 =	vmul.f32 v35, v4;
	v4 =	vld [tilespmem:$0x1FBB0];
	_ =	sdelay $0x1  }
0x44f: {  	v0 =	vadd.f32 v43, v0;
	_ =	sdelay $0x1  }
0x450: {  	v0 =	vadd.f32 v47, v0;
	v47 =	vld [tilespmem:$0x1FF20]  }
0x451: {  	v35 =	vmul.f32 v35, v4;
	v4 =	vld [tilespmem:$0x1F940];
	_ =	sdelay $0x2  }
0x452: {  	v2 =	vadd.f32 v41, v2;
	_ =	sdelay $0x1  }
0x453: {  	v2 =	vadd.f32 v46, v2;
	v46 =	vmul.f32 v20, v47;
	v47 =	vmul.f32 v34, v4;
	v4 =	vld [tilespmem:$0x1F7E0];
	_ =	sdelay $0x4  }
0x454: {  	v1 =	vadd.f32 v44, v1;
	v44 =	vmul.f32 v20, v4;
	v4 =	vld [tilespmem:$0x1FBC0];
	_ =	sdelay $0x4  }
0x455: {  	v34 =	vmul.f32 v34, v4;
	v4 =	vld [tilespmem:$0x1F950];
	_ =	sdelay $0x4  }
0x456: {  	v1 =	vadd.f32 v47, v1;
	v47 =	vmul.f32 v30, v4;
	v4 =	vld [tilespmem:$0x1FBD0];
	_ =	sdelay $0x4  }
0x457: {  	v30 =	vmul.f32 v30, v4;
	v4 =	vld [tilespmem:$0x1F960];
	_ =	sdelay $0x3  }
0x458: {  	v0 =	vadd.f32 v46, v0;
	v46 =	vld [tilespmem:$0x1FF30]  }
0x459: {  	v2 =	vadd.f32 v44, v2;
	v44 =	vmul.f32 v27, v4;
	v4 =	vld [tilespmem:$0x1F7F0];
	_ =	sdelay $0x4  }
0x45a: {  	v41 =	vmul.f32 v22, v46;
	v46 =	vmul.f32 v22, v4;
	v4 =	vld [tilespmem:$0x1FBE0];
	_ =	sdelay $0x4  }
0x45b: {  	v27 =	vmul.f32 v27, v4;
	v4 =	vld [tilespmem:$0x1F970];
	_ =	sdelay $0x4  }
0x45c: {  	v0 =	vadd.f32 v41, v0;
	v41 =	vmul.f32 v25, v4;
	v4 =	vld [tilespmem:$0x1FBF0]  }
0x45d: {  	v39 =	vadd.f32 v39, v40;
	_ =	sdelay $0x1  }
0x45e: {  	v38 =	vadd.f32 v38, v39;
	_ =	sdelay $0x1  }
0x45f: {  	v37 =	vadd.f32 v37, v38;
	v25 =	vmul.f32 v25, v4;
	v4 =	vld [tilespmem:$0x1F980];
	_ =	sdelay $0x1  }
0x460: {  	v35 =	vadd.f32 v35, v37;
	_ =	sdelay $0x1  }
0x461: {  	v34 =	vadd.f32 v34, v35  }
0x462: {  	v2 =	vadd.f32 v46, v2;
	v46 =	vmul.f32 v23, v4;
	v4 =	vld [tilespmem:$0x1F800]  }
0x463: {  	v30 =	vadd.f32 v30, v34;
	_ =	sdelay $0x1  }
0x464: {  	v27 =	vadd.f32 v27, v30;
	_ =	sdelay $0x1  }
0x465: {  	v25 =	vadd.f32 v25, v27;
	v27 =	vmul.f32 v26, v4;
	v4 =	vld [tilespmem:$0x1FC00];
	_ =	sdelay $0x2  }
0x466: {  	v1 =	vadd.f32 v47, v1;
	v47 =	vld [tilespmem:$0x1FF40];
	_ =	sdelay $0x1  }
0x467: {  	v23 =	vmul.f32 v23, v4;
	v4 =	vld [tilespmem:$0x1F990];
	_ =	sdelay $0x2  }
0x468: {  	v30 =	vmul.f32 v26, v47;
	_ =	sdelay $0x1  }
0x469: {  	v0 =	vadd.f32 v30, v0;
	v30 =	vmul.f32 v24, v4;
	v4 =	vld [tilespmem:$0x1FC10];
	_ =	sdelay $0x4  }
0x46a: {  	v24 =	vmul.f32 v24, v4;
	v4 =	vld [tilespmem:$0x1F9A0];
	_ =	sdelay $0x4  }
0x46b: {  	v2 =	vadd.f32 v27, v2;
	v27 =	vmul.f32 v21, v4;
	v4 =	vld [tilespmem:$0x1F810];
	_ =	sdelay $0x2  }
0x46c: {  	v23 =	vadd.f32 v23, v25;
	_ =	sdelay $0x1  }
0x46d: {  	v23 =	vadd.f32 v24, v23;
	v24 =	vmul.f32 v28, v4;
	v4 =	vld [tilespmem:$0x1FC20];
	_ =	sdelay $0x2  }
0x46e: {  	v47 =	vld [tilespmem:$0x1FF50];
	_ =	sdelay $0x1  }
0x46f: {  	v21 =	vmul.f32 v21, v4;
	v4 =	vld [tilespmem:$0x1F9B0];
	_ =	sdelay $0x2  }
0x470: {  	v25 =	vmul.f32 v28, v47;
	_ =	sdelay $0x1  }
0x471: {  	v0 =	vadd.f32 v25, v0;
	v25 =	vmul.f32 v19, v4;
	v4 =	vld [tilespmem:$0x1FC30];
	_ =	sdelay $0x4  }
0x472: {  	v19 =	vmul.f32 v19, v4;
	v4 =	vld [tilespmem:$0x1F9C0];
	_ =	sdelay $0x4  }
0x473: {  	v1 =	vadd.f32 v44, v1;
	v2 =	vadd.f32 v24, v2;
	v24 =	vmul.f32 v17, v4;
	v4 =	vld [tilespmem:$0x1F820];
	_ =	sdelay $0x1  }
0x474: {  	v1 =	vadd.f32 v41, v1  }
0x475: {  	v21 =	vadd.f32 v21, v23  }
0x476: {  	v1 =	vadd.f32 v46, v1  }
0x477: {  	v19 =	vadd.f32 v19, v21;
	v21 =	vmul.f32 v32, v4;
	v4 =	vld [tilespmem:$0x1FC40]  }
0x478: {  	v1 =	vadd.f32 v30, v1;
	_ =	sdelay $0x1  }
0x479: {  	v1 =	vadd.f32 v27, v1;
	v27 =	vld [tilespmem:$0x1FF60];
	_ =	sdelay $0x1  }
0x47a: {  	v17 =	vmul.f32 v17, v4;
	v4 =	vld [tilespmem:$0x1F9D0];
	_ =	sdelay $0x2  }
0x47b: {  	v23 =	vmul.f32 v32, v27;
	_ =	sdelay $0x1  }
0x47c: {  	v0 =	vadd.f32 v23, v0;
	v23 =	vmul.f32 v16, v4;
	v4 =	vld [tilespmem:$0x1FC50];
	_ =	sdelay $0x4  }
0x47d: {  	v16 =	vmul.f32 v16, v4;
	v4 =	vld [tilespmem:$0x1F9E0];
	_ =	sdelay $0x4  }
0x47e: {  	v2 =	vadd.f32 v21, v2;
	v21 =	vmul.f32 v18, v4;
	v4 =	vld [tilespmem:$0x1F830];
	_ =	sdelay $0x2  }
0x47f: {  	v17 =	vadd.f32 v17, v19;
	_ =	sdelay $0x1  }
0x480: {  	v16 =	vadd.f32 v16, v17;
	v17 =	vmul.f32 v33, v4;
	v4 =	vld [tilespmem:$0x1FC60];
	_ =	sdelay $0x2  }
0x481: {  	v1 =	vadd.f32 v25, v1;
	v25 =	vld [tilespmem:$0x1FF70];
	_ =	sdelay $0x1  }
0x482: {  	v18 =	vmul.f32 v18, v4;
	v4 =	vld [tilespmem:$0x1F9F0];
	_ =	sdelay $0x2  }
0x483: {  	v19 =	vmul.f32 v33, v25;
	_ =	sdelay $0x1  }
0x484: {  	v0 =	vadd.f32 v19, v0;
	v19 =	vmul.f32 v20, v4;
	v4 =	vld [tilespmem:$0x1FC70];
	_ =	sdelay $0x3  }
0x485: {  	v1 =	vadd.f32 v24, v1  }
0x486: {  	v2 =	vadd.f32 v17, v2;
	v17 =	vmul.f32 v20, v4;
	v4 =	vld [tilespmem:$0x1FA00]  }
0x487: {  	v1 =	vadd.f32 v23, v1;
	_ =	sdelay $0x1  }
0x488: {  	v1 =	vadd.f32 v21, v1;
	_ =	sdelay $0x1  }
0x489: {  	v1 =	vadd.f32 v19, v1;
	v19 =	vmul.f32 v22, v4;
	v4 =	vld [tilespmem:$0x1F840];
	_ =	sdelay $0x2  }
0x48a: {  	v16 =	vadd.f32 v18, v16;
	_ =	sdelay $0x1  }
0x48b: {  	v16 =	vadd.f32 v17, v16;
	v17 =	vmul.f32 v31, v4;
	v4 =	vld [tilespmem:$0x1FC80];
	_ =	sdelay $0x2  }
0x48c: {  	v30 =	vld [tilespmem:$0x1FF80];
	_ =	sdelay $0x1  }
0x48d: {  	v20 =	vmul.f32 v22, v4;
	v4 =	vld [tilespmem:$0x1FA10];
	_ =	sdelay $0x2  }
0x48e: {  	v18 =	vmul.f32 v31, v30;
	_ =	sdelay $0x1  }
0x48f: {  	v0 =	vadd.f32 v18, v0;
	v18 =	vmul.f32 v26, v4;
	v4 =	vld [tilespmem:$0x1FC90];
	_ =	sdelay $0x4  }
0x490: {  	v2 =	vadd.f32 v17, v2;
	v17 =	vmul.f32 v26, v4;
	v4 =	vld [tilespmem:$0x1FA20];
	_ =	sdelay $0x2  }
0x491: {  	v1 =	vadd.f32 v19, v1;
	_ =	sdelay $0x1  }
0x492: {  	v1 =	vadd.f32 v18, v1;
	v18 =	vmul.f32 v28, v4;
	v4 =	vld [tilespmem:$0x1F850];
	_ =	sdelay $0x2  }
0x493: {  	v16 =	vadd.f32 v20, v16;
	_ =	sdelay $0x1  }
0x494: {  	v16 =	vadd.f32 v17, v16;
	v17 =	vmul.f32 v29, v4;
	v4 =	vld [tilespmem:$0x1FCA0];
	_ =	sdelay $0x4  }
0x495: {  	v20 =	vmul.f32 v28, v4;
	v4 =	vld [tilespmem:$0x1FA30];
	_ =	sdelay $0x4  }
0x496: {  	v1 =	vadd.f32 v18, v1;
	v18 =	vmul.f32 v32, v4;
	v4 =	vld [tilespmem:$0x1FCB0];
	_ =	sdelay $0x4  }
0x497: {  	v2 =	vadd.f32 v17, v2;
	v17 =	vmul.f32 v32, v4;
	v4 =	vld [tilespmem:$0x1FA40];
	_ =	sdelay $0x4  }
0x498: {  	v1 =	vadd.f32 v18, v1;
	v18 =	vmul.f32 v33, v4;
	v4 =	vld [tilespmem:$0x1F860];
	_ =	sdelay $0x2  }
0x499: {  	v16 =	vadd.f32 v20, v16;
	_ =	sdelay $0x1  }
0x49a: {  	v16 =	vadd.f32 v17, v16;
	v17 =	vmul.f32 v36, v4;
	v4 =	vld [tilespmem:$0x1FCC0];
	_ =	sdelay $0x4  }
0x49b: {  	v20 =	vmul.f32 v33, v4;
	v4 =	vld [tilespmem:$0x1FA50];
	_ =	sdelay $0x4  }
0x49c: {  	v1 =	vadd.f32 v18, v1;
	v18 =	vmul.f32 v31, v4;
	v4 =	vld [tilespmem:$0x1FCD0];
	_ =	sdelay $0x4  }
0x49d: {  	v2 =	vadd.f32 v17, v2;
	v17 =	vmul.f32 v31, v4;
	v4 =	vld [tilespmem:$0x1FA60];
	_ =	sdelay $0x4  }
0x49e: {  	v1 =	vadd.f32 v18, v1;
	v18 =	vmul.f32 v29, v4;
	v4 =	vld [tilespmem:$0x1F870];
	_ =	sdelay $0x2  }
0x49f: {  	v16 =	vadd.f32 v20, v16  }
0x4a0: {  	[tilespmem:s22+$0x8000] =	vst v48;
	v48 =	vmov v11;
	v11 =	vld [tilespmem:$0x1FD80]  }
0x4a1: {  	v16 =	vadd.f32 v17, v16;
	v17 =	vmul.f32 v42, v4;
	v4 =	vld [tilespmem:$0x1FCE0]  }
0x4a2: {  	[tilespmem:s22+$0x8080] =	vst v49;
	v49 =	vmov v10;
	v10 =	vld [tilespmem:$0x1FD70]  }
0x4a3: {  	[tilespmem:s22+$0x8100] =	vst v50;
	v50 =	vld [tilespmem:$0x1FE80]  }
0x4a4: {  	[tilespmem:s22+$0x8180] =	vst v51;
	v51 =	vld [tilespmem:$0x1FE90]  }
0x4a5: {  	[tilespmem:s22+$0x8200] =	vst v52;
	v52 =	vld [tilespmem:$0x1FEA0]  }
0x4a6: {  	v20 =	vmul.f32 v29, v4;
	v4 =	vld [tilespmem:$0x1FA70]  }
0x4a7: {  	[tilespmem:s22+$0x8280] =	vst v53;
	v53 =	vld [tilespmem:$0x1FEB0]  }
0x4a8: {  	[tilespmem:s22+$0x8300] =	vst v54;
	v54 =	vmov v9;
	v9 =	vld [tilespmem:$0x1FD60]  }
0x4a9: {  	[tilespmem:s31+$0x8000] =	vst v55;
	v55 =	vmov v8;
	v8 =	vld [tilespmem:$0x1FD50]  }
0x4aa: {  	[tilespmem:s22+$0xA000] =	vst v57;
	v57 =	vld [tilespmem:$0x1FED0]  }
0x4ab: {  	v1 =	vadd.f32 v18, v1;
	v18 =	vmul.f32 v36, v4;
	v4 =	vld [tilespmem:$0x1FCF0]  }
0x4ac: {  	[tilespmem:s22+$0xA080] =	vst v56;
	v56 =	vld [tilespmem:$0x1FEC0]  }
0x4ad: {  	[tilespmem:s22+$0xA100] =	vst v59;
	v59 =	vld [tilespmem:$0x1FFF0]  }
0x4ae: {  	v58 =	vadd.f32 v62, v58;
	v62 =	vmov v5;
	v5 =	vld [tilespmem:$0x1FE40]  }
0x4af: {  	v44 =	vld [tilespmem:$0x1FF90]  }
0x4b0: {  	v2 =	vadd.f32 v17, v2;
	v17 =	vmul.f32 v36, v4;
	v4 =	vld [tilespmem:$0x1FA80]  }
0x4b1: {  	[tilespmem:s22+$0xA180] =	vst v58;
	v58 =	vld [tilespmem:$0x1FEF0]  }
0x4b2: {  	v38 =	vld [tilespmem:$0x1FFA0]  }
0x4b3: {  	v61 =	vmov v6;
	v6 =	vld [tilespmem:$0x1FE20]  }
0x4b4: {  	v40 =	vld [tilespmem:$0x1FFB0]  }
0x4b5: {  	v19 =	vmul.f32 v29, v44;
	v1 =	vadd.f32 v18, v1;
	v18 =	vmul.f32 v42, v4;
	v4 =	vld [tilespmem:$0x1F880]  }
0x4b6: {  	v43 =	vld [tilespmem:$0x1FFC0]  }
0x4b7: {  	v60 =	vmov v7;
	v7 =	vld [tilespmem:$0x1FD30];
	v0 =	vadd.f32 v19, v0;
	v19 =	vmul.f32 v36, v38  }
0x4b8: {  	v24 =	vld [tilespmem:$0x1FE60];
	v16 =	vadd.f32 v20, v16  }
0x4b9: {  	v23 =	vld [tilespmem:$0x1FE50];
	v0 =	vadd.f32 v19, v0;
	v19 =	vmul.f32 v42, v40  }
0x4ba: {  	v16 =	vadd.f32 v17, v16;
	v17 =	vmul.f32 v45, v4;
	v4 =	vld [tilespmem:$0x1FD00]  }
0x4bb: {  	v21 =	vld [tilespmem:$0x1FEE0];
	v0 =	vadd.f32 v19, v0;
	v19 =	vmul.f32 v45, v43  }
0x4bc: {  	v22 =	vmov v13;
	v13 =	vld [tilespmem:$0x1FDB0]  }
0x4bd: {  	v0 =	vadd.f32 v19, v0;
	v19 =	vld [tilespmem:$0x1FD20]  }
0x4be: {  	v26 =	vmov v14;
	v14 =	vld [tilespmem:$0x1FDA0]  }
0x4bf: {  	v20 =	vmul.f32 v42, v4;
	v4 =	vld [tilespmem:$0x1FA90]  }
0x4c0: {  	v28 =	vld [tilespmem:$0x1FE10]  }
0x4c1: {  	v32 =	vld [tilespmem:$0x1FE30]  }
0x4c2: {  	v33 =	vmov v12;
	v12 =	vld [tilespmem:$0x1FD90]  }
0x4c3: {  	v31 =	vld [tilespmem:$0x1FE00]  }
0x4c4: {  	p0 =	sne.s32 s21, $0x3F0;
	v29 =	vld [tilespmem:$0x1FDE0];
	v1 =	vadd.f32 v18, v1;
	v18 =	vmul.f32 v45, v4  }
.Ltmp0:
0x4c5: {  	v36 =	vld [tilespmem:$0x1FE70];
	v2 =	vadd.f32 v17, v2;
	v17 =	vmul.f32 v45, v15;
	v16 =	vadd.f32 v20, v16;
	(pc) =	sbr.rel @p0 .LBB2_3-.Ltmp0, $4  }
0x4c6: {  	[tilespmem:s22+$0xA200] =	vst v0;
	v42 =	vld [tilespmem:$0x1FDF0];
	v0 =	vadd.f32 v18, v1  }
0x4c7: {  	[tilespmem:s22+$0xA280] =	vst v2;
	v20 =	vld [tilespmem:$0x1FDC0];
	v1 =	vadd.f32 v17, v16  }
0x4c8: {  	v45 =	vld [tilespmem:$0x1FDD0];
	[tilespmem:s22+$0xA300] =	vst v0  }
0x4c9: {  	s20 =	sadd.s32 $0x80, s20;
	s21 =	sadd.s32 $0x10, s21;
	v2 =	vmov v3;
	v18 =	vld [tilespmem:$0x1FD10];
	[tilespmem:s24+$0x8000] =	vst v1  }
0x4ca: {  	s19 =	sadd.s32 s9, s19;
	s18 =	sadd.s32 $0x1, s18  }
0x4cb: {  	s19 =	sshrl.u32 s19, $0x3;
	p0 =	sne.s32 s18, $0x40  }
.Ltmp1:
0x4cc: {  	s19 =	sadd.s32 s6, s19;
	(pc) =	sbr.rel @p0 .LBB2_2-.Ltmp1, $4  }
0x4cd: {  	[hbm4b:s19+s14] =	stream.strided.scatter [tilespmem:s16], [sflag:$0x1], $0x4000, s15, s14, $0x38;
	[tilespmem:$0xC880] =	vst v63  }
0x4ce: {  	_ =	swait.ge [sflag:s12], $0x4000  }
0x4cf: {  	[sflag:s12] =	ssyncset.done $0x0  }
0x4d0: {  	[sflag:s12] =	ssyncadd.s32 $0xFFFFC000  }
0x4d1: {  	s17 =	sadd.s32 $0x1, s17  }
0x4d2: {  	p0 =	sne.s32 s17, s10  }
.Ltmp2:
0x4d3: {  	_ = 	snop;
	(pc) =	sbr.rel @p0 .LBB2_1-.Ltmp2, $1  }
0x4d4: {  	_ =	sdelay $0x3  }
0x4d5: {  	_ =	sfence.sel $0x180000  }
0x4d6: {  	[bflag:$0x0] =	sbarrier.arrive $0xFFFF  }
0x4d7: {  	p0 =	sne.s32 s3, $0x0;
	_ =	strace $0x90000047  }
0x4d8: {  	s0 =	sadd.s32 @!p0 $0x100000, s0;
	[bflag:$0x2] =	sbarrier.arrive $0xFFFF  }
0x4d9: {  	[sflag:s0] =	ssyncadd.tile.s32 @!p0 $0x1;
	_ =	shalt  }
.Lfunc_end2:
_tile_overlayer_lowered:
.L_overlay_start_2:
0x4da: {  	(tag) =	ssettag $0x2  }
0x4db: {  	s0 =	rddreg [dreg:$0x0];
	s2 =	stileid.u32  }
0x4dc: {  	s1 =	rddreg [dreg:$0x1];
	p0 =	sne.s32 s2, $0x0  }
0x4dd: {  	s3 =	rddreg [dreg:$0x2];
	[bflag:$0x3] =	sbarrier.arrive $0xFFFF;
	s2 =	simm.s32 @!p0 $0x1C01  }
0x4de: {  	[timem:s3], [sflag:s2] =	dma.local @!p0 [hbm:s0], s1  }
0x4df: {  	s0 =	simm.s32 @!p0 $0x1  }
0x4e0: {  	_ =	swait.ge @!p0 [sflag:s0], s1  }
0x4e1: {  	s1 =	ssub.s32 @!p0 $0x0, s1;
	[sflag:s0] =	ssyncset.done @!p0 $0x0  }
0x4e2: {  	[sflag:s0] =	ssyncadd.s32 @!p0 s1  }
0x4e3: {  	[bflag:$0x3] =	sbarrier.arrive $0xFFFF  }
0x4e4: {  	_ =	shalt  }

// kernel: sparse-core-data-format-call.cloned.1.call-start
scs
called_computation_lowered:
.L_overlay_start_0:
0x0: {  	s2 =	sld [smem:$0x3FD9]  }
0x1: {  	s3 =	sld [smem:$0x3FFE];
	_ =	sdelay $0x1  }
0x2: {  	s1 =	srdreg.scid  }
0x3: {  	s0 =	sand.u32 $0x1, s1  }
0x4: {  	s18 =	sshll.u32 s0, $0xA;
	s2 =	sadd.s32 s3, s2  }
0x5: {  	s2 =	sadd.s32 s2, s18  }
0x6: {  	[smem:$0x3FC5] =	sst s2  }
0x7: {  	_ = 	snop  }
0x8: {  	s2 =	sld [smem:$0x3FD0];
	(tm) =	ssettm $0x1  }
0x9: {  	s19 =	sld [smem:$0x3FFB];
	_ =	sdelay $0x3  }
0xa: {  	_ =	strace s19  }
0xb: {  	s3 =	sld [smem:$0x3FFC];
	_ =	sdelay $0x3  }
0xc: {  	_ =	strace s3  }
0xd: {  	s3 =	sld [smem:$0x3FFD];
	_ =	sdelay $0x3  }
0xe: {  	_ =	strace s3  }
0xf: {  	_ =	strace $0x8FFFFFFF  }
0x10: {  	s20 =	sld [smem:$0x3FDB];
	_ =	sdelay $0x1  }
0x11: {  	s4 =	simm.s32 $_scs_section_size  }
0x12: {  	s5 =	simm.s32 $_size__tile_overlayer_lowered;
	s6 =	simm.s32 $_tile_overlayer_lowered  }
0x13: {  	s23 =	simm.s32 $0x1BFF;
	s22 =	sshll.u32 s6, $0x1;
	s3 =	sadd.s32 s4, s20  }
0x14: {  	s7 =	simm.s32 $0x0;
	s21 =	sshll.u32 s5, $0x1;
	s5 =	sadd.s32 s22, s3  }
0x15: {  	[timem:s7], [sflag:s23] =	dma.local [hbm:s5], s21  }
0x16: {  	_ =	swait.ge [sflag:s23], s21  }
0x17: {  	s4 =	ssub.s32 $0x0, s21;
	[sflag:s23] =	ssyncset.done $0x0  }
0x18: {  	[sflag:s23] =	ssyncadd.s32 s4;
	_ =	sdelay $0x1  }
0x19: {  	s24 =	simm.s32 $0x1B8B  }
0x1a: {  	_ =	swait.ge [sflag:s24], $0x1  }
0x1b: {  	[sflag:s24] =	ssyncset.done $0x0  }
0x1c: {  	s26 =	simm.s32 $0x1B8E;
	s25 =	sld [smem:$0x3FFE];
	[sflag:s24] =	ssyncadd.s32 $0xFFFFFFFF  }
0x1d: {  	s27 =	simm.s32 $execute0_lowered;
	[smem:$0x3FD2] =	sst s26  }
0x1e: {  	s5 =	sshll.u32 s27, $0x1;
	_ =	strace $0x80000049;
	[dreg:$0x1] =	wrdreg $0xFFFFFFFF  }
0x1f: {  	s28 =	simm.s32 $_size_execute0_lowered;
	s3 =	sadd.s32 s3, s5;
	[dreg:$0x0] =	wrdreg $0x0  }
0x20: {  	s5 =	sshll.u32 s28, $0x1;
	[dreg:$0x2] =	wrdreg s3  }
0x21: {  	[dreg:$0x3] =	wrdreg s5  }
0x22: {  	[dreg:$0x4] =	wrdreg $0xC0  }
0x23: {  	_ =	task [dreg:s7], $0x5FFFF  }
0x24: {  	[dreg:$0x1] =	wrdreg $0xFFFFFFFF  }
0x25: {  	[dreg:$0x0] =	wrdreg $0x60  }
0x26: {  	[dreg:$0x2] =	wrdreg s25  }
0x27: {  	[dreg:$0x3] =	wrdreg s2  }
0x28: {  	[dreg:$0x4] =	wrdreg $0x9  }
0x29: {  	_ =	task.clear_ibuf [dreg:s7], $0x5FFFF;
	_ =	strace $0x90000049  }
0x2a: {  	s29 =	simm.s32 $0x9;
	_ =	strace $0x8000004B  }
0x2b: {  	_ =	swait.ge [sflag:s29], $0x1  }
0x2c: {  	[sflag:s29] =	ssyncadd.s32 $0xFFFFFFFF  }
0x2d: {  	_ =	strace $0x9000004B  }
0x2e: {  	_ =	sfence  }
0x2f: {  	s30 =	sld [smem:$0x0];
	_ =	sdelay $0x2  }
0x30: {  	s31 =	sshll.u32 s1, $0xD;
	s1 =	sshrl.u32 s1, $0x2  }
0x31: {  	s3 =	sand.u32 $0x4000, s31;
	s1 =	sadd.s32 s1, s30  }
0x32: {  	s0 =	sor.u32 s3, s0;
	s1 =	sshll.u32 s1, $0x11  }
0x33: {  	s0 =	sor.u32 s1, s0  }
0x34: {  	s0 =	sadd.s32 $0x8F2B, s0  }
0x35: {  	[sflag:s0] =	ssyncadd.remote.s32 $0x1  }
0x36: {  	_ =	sfence.sel $0xFFFF  }
0x37: {  	[dreg:$0x0] =	wrdreg $0xFFFFFFFF;
	(pc) =	sbr.abs _section_cstart, $3  }
0x38: {  	[dreg:$0x1] =	wrdreg $0xFFFFFFFF  }
0x39: {  	_ =	task.clear_ibuf [dreg:s7], $0x2FFFF;
	_ =	strace $0x9FFFFFFF  }
0x3a: {  	(tm) =	ssettm $0x7FFFFFFF  }
0x3b: {  	_ =	shalt  }
tec
execute0_lowered:
.L_overlay_start_1:
0x0: {  	(tag) =	ssettag $0x1  }
0x1: {  	s0 =	rddreg [dreg:$0x0];
	s2 =	srdreg.scid  }
0x2: {  	s1 =	rddreg [dreg:$0x1];
	_ =	strace $0x8000004A;
	s4 =	simm.s32 $0x1  }
0x3: {  	s6 =	simm.s32 $0x2;
	s15 =	simm.s32 $0x0;
	s8 =	simm.s32 $0x40000  }
0x4: {  	s9 =	simm.s32 $0x0;
	s16 =	simm.s32 $0x0;
	s18 =	simm.s32 $0x0  }
0x5: {  	s17 =	simm.s32 $0x0;
	s10 =	simm.s32 $0x0;
	s2 =	sshll.u32 s2, $0x3  }
0x6: {  	s11 =	simm.s32 $0x0;
	s13 =	stileid.u32;
	s2 =	sand.u32 $0x8, s2  }
.Ltmp0:
0x7: {  	s14 =	simm.s32 $0x0;
	s3 =	ssub.s32 $0x200, s2;
	(pc) =	sbr.rel .LBB1_1-.Ltmp0, $4  }
0x8: {  	s24 =	simm.s32 $0x0;
	s5 =	sadd.s32 $0x800800, s0;
	s31 =	sshrl.u32 s3, $0x3  }
0x9: {  	[sflag:s4] =	ssyncpa.u1 $0x0;
	s7 =	sshrl.u32 s3, $0x4;
	s0 =	sand.u32 $0x1, s31  }
0xa: {  	[sflag:s6] =	ssyncpa.u1 $0x0;
	s12 =	smov.u32 s2;
	s0 =	sadd.s32 s7, s0  }
0xb: {  	s3 =	stileid.u32;
	s6 =	sshll.u32 s0, $0x1;
	s7 =	sshllo.u32 s0, $0x1  }
.LBB1_7:
0xc: {  	s0 =	sadd.s32 $0x100, s10  }
0xd: {  	s15 =	sadd.s32 $0x8, s11;
	s19 =	smov.u32 s11;
	p1 =	sgt.s32 s0, $0x1FF  }
0xe: {  	s19 =	smov.u32 @p1 s15  }
0xf: {  	s20 =	smov.u32 s12;
	s15 =	sadd.s32 $0x10, s12;
	p2 =	sgt.s32 s19, $0x7  }
0x10: {  	s20 =	smov.u32 @p2 s15  }
0x11: {  	s21 =	smov.u32 s13;
	s15 =	sadd.s32 $0x10, s13;
	p3 =	sgt.s32 s20, $0x1FF  }
0x12: {  	p0 =	slt.u32 s14, $0x2;
	s21 =	smov.u32 @p3 s15  }
0x13: {  	s16 =	smov.u32 s11;
	s0 =	simm.s32 @p1 $0x0;
	p1 =	sgt.s32 s21, $0xF  }
0x14: {  	s22 =	simm.s32 @!p0 $0x2;
	s21 =	smov.u32 @p1 s3;
	p1 =	sne.s32 s14, s7  }
.Ltmp1:
0x15: {  	s18 =	smov.u32 s12;
	_ =	swait.ge @!p0 [sflag:s22], $0x4000;
	(pc) =	sbr.rel @!p1 .LBB1_8-.Ltmp1, $4  }
0x16: {  	s17 =	smov.u32 s13;
	[sflag:s22] =	ssyncset.done @!p0 $0x0;
	s19 =	simm.s32 @p2 $0x0  }
0x17: {  	s9 =	sadd.s32 $0x4000, s9;
	[sflag:s22] =	ssyncadd.s32 @!p0 $0xFFFFC000;
	s11 =	smov.u32 s19  }
0x18: {  	s20 =	smov.u32 @p3 s2;
	s15 =	smov.u32 s10;
	s10 =	smov.u32 s0  }
0x19: {  	s12 =	smov.u32 s20;
	s14 =	sadd.s32 $0x1, s14;
	s13 =	smov.u32 s21  }
.LBB1_1:
0x1a: {  	p0 =	sge.u32 s14, s6  }
0x1b: {  	s31 =	sadd.s32 $0xFFFFFFFF, s14;
	s0 =	sxor.u32 @!p0 $0xFFFFFFFF, s14;
	s19 =	sshll.u32 @!p0 s10, $0x3  }
0x1c: {  	s20 =	sshll.u32 @!p0 s11, $0x7;
	s21 =	sand.u32 @!p0 $0x78, s10;
	s22 =	sshll.u32 @!p0 s13, $0x12  }
0x1d: {  	s23 =	sshll.u32 @!p0 s12, $0x9;
	s0 =	sshll.u32 @!p0 s0, $0xE;
	s20 =	sand.u32 @!p0 $0x380, s20  }
0x1e: {  	s19 =	sand.u32 @!p0 $0xC00, s19;
	s0 =	sand.u32 @!p0 $0x4000, s0;
	s20 =	sor.u32 @!p0 s21, s20  }
0x1f: {  	s21 =	sand.u32 @!p0 $0x7, s10;
	s19 =	sor.u32 @!p0 s19, s20;
	s20 =	sadd.s32 @!p0 s5, s22  }
0x20: {  	s21 =	sshll.u32 @!p0 s21, $0x12;
	s19 =	sshrl.u32 @!p0 s19, $0x3;
	s20 =	sadd.s32 @!p0 s23, s20  }
0x21: {  	s19 =	sadd.s32 @!p0 s19, s20;
	s20 =	sor.u32 @!p0 $0x800, s21;
	s21 =	simm.s32 @!p0 $0x1000  }
0x22: {  	[tilespmem:s0], [sflag:$0x1] =	stream.strided.gather @!p0 [hbm4b:s19+s20], $0x4000, s21, s20, $0x38;
	[tilespmem:$0x10000] =	vst v63  }
0x23: {  	p0 =	sge.u32 s31, s6  }
.Ltmp2:
0x24: {  	_ = 	snop;
	(pc) =	sbr.rel @p0 .LBB1_7-.Ltmp2, $1  }
0x25: {  	_ =	sdelay $0x3  }
0x26: {  	s0 =	sshll.u32 s9, $0x2;
	_ =	swait.ge [sflag:s4], $0x4000;
	s19 =	sshll.u32 s14, $0xE  }
0x27: {  	p0 =	por $0x0, $0x0;
	s25 =	simm.s32 $0x0;
	s26 =	simm.s32 $0x0  }
0x28: {  	s0 =	sand.u32 $0x10000, s0;
	[sflag:s4] =	ssyncset.done $0x0;
	s22 =	sand.u32 $0x4000, s19  }
0x29: {  	s0 =	sshrl.u32 s0, $0x2;
	[sflag:s4] =	ssyncadd.s32 $0xFFFFC000;
	s19 =	sor.u32 $0x8000, s22  }
0x2a: {  	s20 =	sor.u32 $0x40, s0;
	s21 =	sor.u32 $0x8410, s0;
	s23 =	sadd.s32 $0x8400, s0  }
.LBB1_3:
0x2b: {  	v1 =	vld [tilespmem:s20+$0xFFFFFFD0]  }
0x2c: {  	v2 =	vld [tilespmem:s20+$0x430]  }
0x2d: {  	s0 =	sshll.u32 s26, $0xB;
	v4 =	vld [tilespmem:s20+$0xFFFFFFE0]  }
0x2e: {  	v7 =	vld [tilespmem:s20+$0xFFFFFFF0];
	v0 =	vmov s0  }
0x2f: {  	v8 =	vld [tilespmem:s20+$0x0]  }
0x30: {  	v9 =	vld [tilespmem:s20+$0x10];
	s0 =	sand.u32 $0x300, s24  }
0x31: {  	s27 =	sand.u32 $0x80, s24;
	v10 =	vld [tilespmem:s20+$0x20];
	s0 =	sadd.s32 s0, s22  }
0x32: {  	v11 =	vld [tilespmem:s20+$0x30];
	s0 =	sadd.s32 s27, s0;
	s27 =	simm.s32 $0x1;
	[tilespmem:s21+$0x60] =	vst v2  }
0x33: {  	s27 =	simm.s32 @!p0 $0x0;
	[tilespmem:s21+$0xFFFFFC00] =	vst v1;
	v3 =	vld.idx.msk [tilespmem:v0+s0+$0x400 ss:$0x1], $0xffff;
	s0 =	sshll.u32 s25, $0x2  }
0x34: {  	v6 =	vld [tilespmem:s20+$0x3D0];
	s27 =	sshll.u32 s27, $0x9;
	[tilespmem:s21+$0xFFFFFC10] =	vst v4;
	s0 =	sand.u32 $0xFFFFFC00, s0  }
0x35: {  	v5 =	vld [tilespmem:s20+$0x3E0];
	[tilespmem:s21+$0xFFFFFC20] =	vst v7;
	s0 =	sor.u32 s27, s0  }
0x36: {  	[tilespmem:s21+$0xFFFFFC30] =	vst v8;
	v4 =	vld [tilespmem:s20+$0x400];
	s0 =	sshrl.u32 s0, $0x2  }
0x37: {  	[tilespmem:s21+$0xFFFFFC40] =	vst v9;
	v1 =	vld [tilespmem:s20+$0x410];
	s27 =	sadd.s32 s0, s23  }
0x38: {  	[tilespmem:s27+$0x0] =	vst v3;
	v3 =	vld [tilespmem:s20+$0x3F0]  }
0x39: {  	s31 =	simm.s32 $0x80;
	s30 =	simm.s32 $0x100;
	[tilespmem:s21+$0xFFFFFC50] =	vst v10;
	v2 =	vld [tilespmem:s20+$0x420]  }
0x3a: {  	s28 =	sadd.s32 $0x80, s20;
	s29 =	smov.u32 s21;
	v7 =	vld [tilespmem:s20+$0xFFFFFFC0];
	[tilespmem:s21+$0xFFFFFC60] =	vst v11;
	s0 =	sand.u32 $0x300, s31  }
.LBB1_4:
0x3b: {  	p1 =	sne.s32 s30, $0x380;
	v8 =	vld [tilespmem:s28+$0xFFFFFFD0];
	s31 =	sand.u32 $0x80, s31;
	s0 =	sadd.s32 s0, s22;
	[tilespmem:s29+$0x0] =	vst v6  }
0x3c: {  	s0 =	sadd.s32 s31, s0;
	v6 =	vld [tilespmem:s28+$0x430];
	[tilespmem:s29+$0x10] =	vst v5;
	s31 =	smov.u32 s30  }
0x3d: {  	v5 =	vld.idx.msk [tilespmem:v0+s0+$0x400 ss:$0x1], $0xffff;
	[tilespmem:s29+$0x20] =	vst v3  }
0x3e: {  	v3 =	vld [tilespmem:s28+$0xFFFFFFE0];
	[tilespmem:s29+$0x30] =	vst v4  }
0x3f: {  	v4 =	vld [tilespmem:s28+$0xFFFFFFF0];
	[tilespmem:s29+$0xFFFFFBF0] =	vst v7  }
0x40: {  	v7 =	vld [tilespmem:s28+$0x0];
	[tilespmem:s29+$0x40] =	vst v1  }
0x41: {  	v1 =	vld [tilespmem:s28+$0x10];
	[tilespmem:s29+$0x50] =	vst v2;
	s29 =	sadd.s32 $0x800, s29  }
0x42: {  	s27 =	sadd.s32 $0x800, s27;
	v2 =	vld [tilespmem:s28+$0x20];
	[tilespmem:s29+$0x60] =	vst v6  }
0x43: {  	v9 =	vld [tilespmem:s28+$0x30];
	[tilespmem:s27+$0x0] =	vst v5  }
0x44: {  	[tilespmem:s29+$0xFFFFFC00] =	vst v8;
	v6 =	vld [tilespmem:s28+$0x3D0]  }
0x45: {  	[tilespmem:s29+$0xFFFFFC10] =	vst v3;
	v5 =	vld [tilespmem:s28+$0x3E0]  }
.Ltmp3:
0x46: {  	[tilespmem:s29+$0xFFFFFC20] =	vst v4;
	v3 =	vld [tilespmem:s28+$0x3F0];
	(pc) =	sbr.rel @p1 .LBB1_4-.Ltmp3, $4  }
0x47: {  	[tilespmem:s29+$0xFFFFFC30] =	vst v7;
	v4 =	vld [tilespmem:s28+$0x400]  }
0x48: {  	[tilespmem:s29+$0xFFFFFC40] =	vst v1;
	v1 =	vld [tilespmem:s28+$0x410]  }
0x49: {  	[tilespmem:s29+$0xFFFFFC50] =	vst v2;
	v2 =	vld [tilespmem:s28+$0x420]  }
0x4a: {  	s30 =	sadd.s32 $0x80, s30;
	s0 =	sand.u32 $0x300, s31;
	v7 =	vld [tilespmem:s28+$0xFFFFFFC0];
	[tilespmem:s29+$0xFFFFFC60] =	vst v9;
	s28 =	sadd.s32 $0x80, s28  }
0x4b: {  	[tilespmem:s29+$0x0] =	vst v6  }
0x4c: {  	[tilespmem:s29+$0x10] =	vst v5  }
0x4d: {  	v49 =	vld [tilespmem:s28+$0x430];
	[tilespmem:s29+$0x20] =	vst v3  }
0x4e: {  	v50 =	vld [tilespmem:s28+$0xFFFFFFD0];
	[tilespmem:s29+$0x30] =	vst v4  }
0x4f: {  	v51 =	vld [tilespmem:s28+$0xFFFFFFE0];
	[tilespmem:s29+$0x40] =	vst v1  }
0x50: {  	v52 =	vld [tilespmem:s28+$0xFFFFFFF0];
	[tilespmem:s29+$0x50] =	vst v2  }
0x51: {  	s30 =	sand.u32 $0x80, s31;
	s31 =	sadd.s32 $0x800, s29;
	v53 =	vld [tilespmem:s28+$0x0];
	[tilespmem:s29+$0xFFFFFBF0] =	vst v7  }
0x52: {  	v54 =	vld [tilespmem:s28+$0x10];
	[tilespmem:s31+$0x60] =	vst v49  }
0x53: {  	v55 =	vld [tilespmem:s28+$0x20];
	[tilespmem:s31+$0xFFFFFC00] =	vst v50  }
0x54: {  	v56 =	vld [tilespmem:s28+$0x30];
	[tilespmem:s31+$0xFFFFFC10] =	vst v51  }
0x55: {  	v57 =	vld [tilespmem:s28+$0x3D0];
	[tilespmem:s31+$0xFFFFFC20] =	vst v52  }
0x56: {  	v58 =	vld [tilespmem:s28+$0x3E0];
	[tilespmem:s31+$0xFFFFFC30] =	vst v53  }
0x57: {  	v59 =	vld [tilespmem:s28+$0x3F0];
	[tilespmem:s31+$0xFFFFFC40] =	vst v54  }
0x58: {  	v60 =	vld [tilespmem:s28+$0x400];
	[tilespmem:s31+$0xFFFFFC50] =	vst v55  }
0x59: {  	v61 =	vld [tilespmem:s28+$0xFFFFFFC0];
	[tilespmem:s31+$0xFFFFFC60] =	vst v56  }
0x5a: {  	s0 =	sadd.s32 s0, s22;
	v62 =	vld [tilespmem:s28+$0x410];
	[tilespmem:s31+$0x0] =	vst v57  }
0x5b: {  	v63 =	vld [tilespmem:s28+$0x420];
	s26 =	sadd.s32 $0x1, s26;
	s0 =	sadd.s32 s30, s0;
	[tilespmem:s31+$0x10] =	vst v58  }
0x5c: {  	p1 =	sne.s32 s26, $0x8;
	v0 =	vld.idx.msk [tilespmem:v0+s0+$0x400 ss:$0x1], $0xffff;
	[tilespmem:s31+$0x20] =	vst v59  }
.Ltmp4:
0x5d: {  	[tilespmem:s31+$0x30] =	vst v60;
	(pc) =	sbr.rel @p1 .LBB1_3-.Ltmp4, $4  }
0x5e: {  	[tilespmem:s31+$0xFFFFFBF0] =	vst v61  }
0x5f: {  	[tilespmem:s31+$0x40] =	vst v62  }
0x60: {  	s27 =	sadd.s32 $0x800, s27;
	s20 =	sadd.s32 $0x800, s20;
	[tilespmem:s31+$0x50] =	vst v63  }
0x61: {  	s25 =	sadd.s32 $0x80, s25;
	p0 =	por !p0, !p0;
	s21 =	sadd.s32 $0x80, s21;
	[tilespmem:s27+$0x0] =	vst v0  }
0x62: {  	s0 =	sand.u32 $0x78, s15  }
0x63: {  	s20 =	sshll.u32 s18, $0x9;
	s21 =	sshll.u32 s15, $0x3;
	s27 =	sshll.u32 s18, $0x7  }
0x64: {  	s17 =	sshll.u32 s17, $0x12;
	s16 =	sshll.u32 s16, $0xF;
	s30 =	sand.u32 $0x7, s15  }
0x65: {  	s20 =	sand.u32 $0x3F000, s20;
	s21 =	sand.u32 $0x3FC00, s21;
	s28 =	sand.u32 $0x200, s27  }
0x66: {  	s18 =	sand.u32 $0x180, s27;
	s17 =	sadd.s32 s1, s17;
	s20 =	sadd.s32 s20, s21  }
.Ltmp5:
0x67: {  	s0 =	sor.u32 s18, s0;
	s20 =	sor.u32 s28, s20;
	(pc) =	sbr.rel .LBB1_7-.Ltmp5, $4  }
0x68: {  	s16 =	sadd.s32 s16, s17;
	s0 =	sshrl.u32 s0, $0x3;
	s29 =	sshrl.u32 s20, $0x3  }
0x69: {  	s15 =	sshll.u32 s30, $0x12;
	s0 =	sadd.s32 s0, s16;
	s31 =	sand.u32 $0x7FC0, s29  }
0x6a: {  	s15 =	sor.u32 $0x800, s15;
	s0 =	sadd.s32 s31, s0  }
0x6b: {  	[hbm4b:s0+s15] =	stream.strided.scatter [tilespmem:s19], [sflag:$0x2], $0x4000, s8, s15, $0x38;
	[tilespmem:$0x10000] =	vst v63  }
.LBB1_8:
0x6c: {  	_ =	sfence.sel $0x180000  }
0x6d: {  	s0 =	simm.s32 $0x1;
	[bflag:$0x0] =	sbarrier.arrive $0xFFFF  }
0x6e: {  	s31 =	simm.s32 $0x2;
	[sflag:s0] =	ssyncpa.u1 $0x1  }
0x6f: {  	[sflag:s31] =	ssyncpa.u1 $0x1  }
0x70: {  	_ =	strace $0x9000004A  }
0x71: {  	[bflag:$0x2] =	sbarrier.arrive $0xFFFF  }
0x72: {  	p0 =	sne.s32 s3, $0x0;
	s0 =	rddreg [dreg:$0x2]  }
0x73: {  	s0 =	sadd.s32 @!p0 $0x100000, s0  }
0x74: {  	[sflag:s0] =	ssyncadd.tile.s32 @!p0 $0x1;
	_ =	shalt  }
.Lfunc_end1:
_tile_overlayer_lowered:
.L_overlay_start_2:
0x75: {  	(tag) =	ssettag $0x2  }
0x76: {  	s0 =	rddreg [dreg:$0x0];
	s2 =	stileid.u32  }
0x77: {  	s1 =	rddreg [dreg:$0x1];
	p0 =	sne.s32 s2, $0x0  }
0x78: {  	s3 =	rddreg [dreg:$0x2];
	[bflag:$0x3] =	sbarrier.arrive $0xFFFF;
	s2 =	simm.s32 @!p0 $0x1C01  }
0x79: {  	[timem:s3], [sflag:s2] =	dma.local @!p0 [hbm:s0], s1  }
0x7a: {  	s0 =	simm.s32 @!p0 $0x1  }
0x7b: {  	_ =	swait.ge @!p0 [sflag:s0], s1  }
0x7c: {  	s1 =	ssub.s32 @!p0 $0x0, s1;
	[sflag:s0] =	ssyncset.done @!p0 $0x0  }
0x7d: {  	[sflag:s0] =	ssyncadd.s32 @!p0 s1  }
0x7e: {  	[bflag:$0x3] =	sbarrier.arrive $0xFFFF  }
0x7f: {  	_ =	shalt  }

</sc_bundles>
